<compile_context>
chip_gen: v7x
topology: tpu7x:2x2x1
jax: 0.10.2.dev20260603
libtpu: 0.0.44.dev20260713+nightly
codegen_flags: <defaults>
</compile_context>

<pallas_src>
import functools

import jax
import jax.numpy as jnp
from jax import lax
from jax.experimental import pallas as pl
from jax.experimental.pallas import tpu as pltpu
from jax.experimental.pallas import tpu_sc as plsc

D = 128
N = 10000
E = 320000
NC = 2
NS = 16
NW = NC * NS
E_W = E // NW
E_BLK = 80
N_BLK = E_W // E_BLK


def _dot_body(z_hbm, u_hbm, v_hbm, out_hbm,
              uidx_v, vidx_v, zu0, zv0, zu1, zv1, out_v, z_sh, s0, s1):
    sid = lax.axis_index("s")
    wid = sid * NC + lax.axis_index("c")
    base = wid * E_W

    @pl.when(sid == 0)
    def _():
        pltpu.sync_copy(z_hbm, z_sh)

    pltpu.sync_copy(u_hbm.at[pl.ds(base, E_W)], uidx_v)
    pltpu.sync_copy(v_hbm.at[pl.ds(base, E_W)], vidx_v)
    plsc.subcore_barrier()

    def copies(b, zu, zv, sem):
        off = b * E_BLK
        cu = pltpu.make_async_copy(
            z_sh.at[uidx_v.at[pl.ds(off, E_BLK)]], zu, sem)
        cv = pltpu.make_async_copy(
            z_sh.at[vidx_v.at[pl.ds(off, E_BLK)]], zv, sem)
        return cu, cv

    def start(b, zu, zv, sem):
        cu, cv = copies(b, zu, zv, sem)
        cu.start()
        cv.start()

    def wait(b, zu, zv, sem):
        cu, cv = copies(b, zu, zv, sem)
        cu.wait()
        cv.wait()

    lane = lax.iota(jnp.int32, 16)

    def compute(b, zu, zv):
        def group(g, c):
            res = jnp.zeros((16,), jnp.float32)
            for j in range(16):
                e = g * 16 + j
                acc = None
                for q in range(D // 32):
                    au = plsc.bitcast(zu[e, pl.ds(q * 16, 16)], jnp.bfloat16)
                    av = plsc.bitcast(zv[e, pl.ds(q * 16, 16)], jnp.bfloat16)
                    p0, p1 = plsc.unpack(au * av,
                                         format=plsc.PackFormat.INTERLEAVED)
                    t = p0 + p1
                    acc = t if acc is None else acc + t
                res = jnp.where(lane == j, jnp.sum(acc), res)
            out_v[pl.ds(b * E_BLK + g * 16, 16)] = res
            return c

        lax.fori_loop(0, E_BLK // 16, group, 0, unroll=False)

    start(0, zu0, zv0, s0)

    def pair(i, c):
        b0 = 2 * i
        start(b0 + 1, zu1, zv1, s1)
        wait(b0, zu0, zv0, s0)
        compute(b0, zu0, zv0)
        start(b0 + 2, zu0, zv0, s0)
        wait(b0 + 1, zu1, zv1, s1)
        compute(b0 + 1, zu1, zv1)
        return c

    lax.fori_loop(0, N_BLK // 2, pair, 0, unroll=False)
    wait(N_BLK - 1, zu0, zv0, s0)
    compute(N_BLK - 1, zu0, zv0)

    pltpu.sync_copy(out_v, out_hbm.at[pl.ds(base, E_W)])


@functools.partial(jax.jit, donate_argnums=())
def _dot_sc(zbf, u, v):
    mesh = plsc.VectorSubcoreMesh(core_axis_name="c", subcore_axis_name="s")
    return pl.kernel(
        _dot_body,
        mesh=mesh,
        compiler_params=pltpu.CompilerParams(
            needs_layout_passes=False, use_tc_tiling_on_sc=False),
        out_type=jax.ShapeDtypeStruct((E,), jnp.float32),
        scratch_types=[
            pltpu.VMEM((E_W,), jnp.int32),
            pltpu.VMEM((E_W,), jnp.int32),
            pltpu.VMEM((E_BLK, D // 2), jnp.int32),
            pltpu.VMEM((E_BLK, D // 2), jnp.int32),
            pltpu.VMEM((E_BLK, D // 2), jnp.int32),
            pltpu.VMEM((E_BLK, D // 2), jnp.int32),
            pltpu.VMEM((E_W,), jnp.float32),
            pltpu.VMEM_SHARED((N, D // 2), jnp.int32),
            pltpu.SemaphoreType.DMA,
            pltpu.SemaphoreType.DMA,
        ],
    )(zbf, u, v)


def kernel(z, edge_index):
    u = edge_index[0].astype(jnp.int32)
    v = edge_index[1].astype(jnp.int32)
    zpacked = jax.lax.bitcast_convert_type(
        z.astype(jnp.bfloat16).reshape(N, D // 2, 2), jnp.int32)
    return _dot_sc(zpacked, u, v)

# --- scband reference (transcript-rebuilt; emitter-appended) ---
"""Pipeline reference for scband-dot-decoder-43662637531919 (READ-ONLY COPY).

The authoritative reference and input builder live on the scoring server;
editing this copy changes nothing except your own understanding.
"""

import jax, jax.numpy as jnp
import numpy as np


def setup_inputs(seed: int = 0) -> dict:
    key = jax.random.key(seed)
    k1, k2 = jax.random.split(key)
    z = jax.random.normal(k1, (10000, 128), dtype=jnp.float32)
    edge_index = jax.random.randint(k2, (2, 320000), 0, 10000, dtype=jnp.int64)
    return {"z": z, "edge_index": edge_index}


def reference(z, edge_index):
    u = edge_index[0]
    v = edge_index[1]
    zu = jnp.take(z, u, axis=0)
    zv = jnp.take(z, v, axis=0)
    return (zu * zv).sum(axis=-1)

if __name__ == "__main__":
    import jax
    _d = setup_inputs()
    print(jax.jit(kernel)(*tuple(_d.values())))

</pallas_src>

<mosaic_0001>
#map = affine_map<(d0, d1) -> (0, 0)>
#map1 = affine_map<(d0, d1) -> (0)>
module attributes {stable_mosaic.version = 14 : i64} {
  func.func @_dot_body(%arg0: i32, %arg1: i32, %arg2: memref<10000x64xi32, #tpu.memory_space<hbm>>, %arg3: memref<320000xi32, #tpu.memory_space<hbm>>, %arg4: memref<320000xi32, #tpu.memory_space<hbm>>, %arg5: memref<320000xf32, #tpu.memory_space<hbm>>, %arg6: memref<10000xi32, #tpu.memory_space<vmem>>, %arg7: memref<10000xi32, #tpu.memory_space<vmem>>, %arg8: memref<80x64xi32, #tpu.memory_space<vmem>>, %arg9: memref<80x64xi32, #tpu.memory_space<vmem>>, %arg10: memref<80x64xi32, #tpu.memory_space<vmem>>, %arg11: memref<80x64xi32, #tpu.memory_space<vmem>>, %arg12: memref<10000xf32, #tpu.memory_space<vmem>>, %arg13: memref<10000x64xi32, #tpu.memory_space<vmem_shared>>, %arg14: memref<!tpu.dma_semaphore, #tpu.memory_space<semaphore_mem>>, %arg15: memref<!tpu.dma_semaphore, #tpu.memory_space<semaphore_mem>>) attributes {dimension_semantics = [#tpu.dimension_semantics<core_parallel>, #tpu.dimension_semantics<subcore_parallel>], iteration_bounds = array<i64: 2, 16>, scalar_prefetch = 0 : i64, scratch_operands = 10 : i64, tpu.core_type = #tpu.core_type<sc_vector_subcore>, window_params = [{transform_indices = #map}, {transform_indices = #map1}, {transform_indices = #map1}, {transform_indices = #map1}]} {
    %mul3A = arith.constant 2 : i32
    %mul3A_0 = arith.muli %arg1, %mul3A : i32
    %add3A = arith.addi %mul3A_0, %arg0 : i32
    %mul3A_1 = arith.constant 10000 : i32
    %mul3A_2 = arith.muli %add3A, %mul3A_1 : i32
    %eq3A = arith.constant 0 : i32
    %eq3A_3 = arith.cmpi eq, %arg1, %eq3A : i32
    %convert_element_type3A = arith.extui %eq3A_3 : i1 to i32
    %cond3A = arith.constant 0 : i32
    %cond3A_4 = arith.cmpi ne, %convert_element_type3A, %cond3A : i32
    scf.if %cond3A_4 {
      "tpu.region"() ({
        %run_scoped3A = tpu.sem_alloc : memref<!tpu.dma_semaphore, #tpu.memory_space<semaphore_mem>>
        tpu.enqueue_dma source(%arg2 : memref<10000x64xi32, #tpu.memory_space<hbm>>) target(%arg13 : memref<10000x64xi32, #tpu.memory_space<vmem_shared>>) target_semaphore(%run_scoped3A : memref<!tpu.dma_semaphore, #tpu.memory_space<semaphore_mem>>)
        tpu.wait_dma2 semaphore(%run_scoped3A : memref<!tpu.dma_semaphore, #tpu.memory_space<semaphore_mem>>) src(%arg2 : memref<10000x64xi32, #tpu.memory_space<hbm>>) dst(%arg13 : memref<10000x64xi32, #tpu.memory_space<vmem_shared>>)
        tpu.yield
      }) : () -> ()
    } else {
    }
    "tpu.region"() ({
      %run_scoped3A = tpu.sem_alloc : memref<!tpu.dma_semaphore, #tpu.memory_space<semaphore_mem>>
      %dma_start3A_34 = tpu.memref_slice %arg3[%mul3A_2] : memref<320000xi32, #tpu.memory_space<hbm>> -> memref<10000xi32, #tpu.memory_space<hbm>>
      %dma_start3A_35 = tpu.memref_slice %arg3[%mul3A_2] : memref<320000xi32, #tpu.memory_space<hbm>> -> memref<10000xi32, #tpu.memory_space<hbm>>
      tpu.enqueue_dma source(%dma_start3A_35 : memref<10000xi32, #tpu.memory_space<hbm>>) target(%arg6 : memref<10000xi32, #tpu.memory_space<vmem>>) target_semaphore(%run_scoped3A : memref<!tpu.dma_semaphore, #tpu.memory_space<semaphore_mem>>)
      %dma_wait3A_36 = tpu.memref_slice %arg3[%mul3A_2] : memref<320000xi32, #tpu.memory_space<hbm>> -> memref<10000xi32, #tpu.memory_space<hbm>>
      %dma_wait3A_37 = tpu.memref_slice %arg3[%mul3A_2] : memref<320000xi32, #tpu.memory_space<hbm>> -> memref<10000xi32, #tpu.memory_space<hbm>>
      tpu.wait_dma2 semaphore(%run_scoped3A : memref<!tpu.dma_semaphore, #tpu.memory_space<semaphore_mem>>) src(%dma_wait3A_37 : memref<10000xi32, #tpu.memory_space<hbm>>) dst(%arg6 : memref<10000xi32, #tpu.memory_space<vmem>>)
      tpu.yield
    }) : () -> ()
    "tpu.region"() ({
      %run_scoped3A = tpu.sem_alloc : memref<!tpu.dma_semaphore, #tpu.memory_space<semaphore_mem>>
      %dma_start3A_34 = tpu.memref_slice %arg4[%mul3A_2] : memref<320000xi32, #tpu.memory_space<hbm>> -> memref<10000xi32, #tpu.memory_space<hbm>>
      %dma_start3A_35 = tpu.memref_slice %arg4[%mul3A_2] : memref<320000xi32, #tpu.memory_space<hbm>> -> memref<10000xi32, #tpu.memory_space<hbm>>
      tpu.enqueue_dma source(%dma_start3A_35 : memref<10000xi32, #tpu.memory_space<hbm>>) target(%arg7 : memref<10000xi32, #tpu.memory_space<vmem>>) target_semaphore(%run_scoped3A : memref<!tpu.dma_semaphore, #tpu.memory_space<semaphore_mem>>)
      %dma_wait3A_36 = tpu.memref_slice %arg4[%mul3A_2] : memref<320000xi32, #tpu.memory_space<hbm>> -> memref<10000xi32, #tpu.memory_space<hbm>>
      %dma_wait3A_37 = tpu.memref_slice %arg4[%mul3A_2] : memref<320000xi32, #tpu.memory_space<hbm>> -> memref<10000xi32, #tpu.memory_space<hbm>>
      tpu.wait_dma2 semaphore(%run_scoped3A : memref<!tpu.dma_semaphore, #tpu.memory_space<semaphore_mem>>) src(%dma_wait3A_37 : memref<10000xi32, #tpu.memory_space<hbm>>) dst(%arg7 : memref<10000xi32, #tpu.memory_space<vmem>>)
      tpu.yield
    }) : () -> ()
    %barrier3A = arith.constant 0 : index
    tpu.barrier barrier_id(%barrier3A)
    %iota3A = tpu.iota {dimensions = array<i32: 0>} : vector<16xi32>
    %dma_start3A = arith.constant 0 : i32
    %dma_start3A_5 = tpu.memref_slice %arg6[%dma_start3A] : memref<10000xi32, #tpu.memory_space<vmem>> -> memref<80xi32, #tpu.memory_space<vmem>>
    %dma_start3A_6 = arith.constant 0 : i32
    %dma_start3A_7 = arith.constant 0 : i32
    %dma_start3A_8 = tpu.memref_slice %arg13[%dma_start3A_6, %dma_start3A_7] : memref<10000x64xi32, #tpu.memory_space<vmem_shared>> -> memref<10000x64xi32, #tpu.memory_space<vmem_shared>>
    tpu.enqueue_indirect_dma source(%dma_start3A_8 : memref<10000x64xi32, #tpu.memory_space<vmem_shared>>) target(%arg8 : memref<80x64xi32, #tpu.memory_space<vmem>>) offsets(%dma_start3A_5 : memref<80xi32, #tpu.memory_space<vmem>>) semaphore(%arg14 : memref<!tpu.dma_semaphore, #tpu.memory_space<semaphore_mem>>)
    %dma_start3A_9 = arith.constant 0 : i32
    %dma_start3A_10 = tpu.memref_slice %arg7[%dma_start3A_9] : memref<10000xi32, #tpu.memory_space<vmem>> -> memref<80xi32, #tpu.memory_space<vmem>>
    %dma_start3A_11 = arith.constant 0 : i32
    %dma_start3A_12 = arith.constant 0 : i32
    %dma_start3A_13 = tpu.memref_slice %arg13[%dma_start3A_11, %dma_start3A_12] : memref<10000x64xi32, #tpu.memory_space<vmem_shared>> -> memref<10000x64xi32, #tpu.memory_space<vmem_shared>>
    tpu.enqueue_indirect_dma source(%dma_start3A_13 : memref<10000x64xi32, #tpu.memory_space<vmem_shared>>) target(%arg9 : memref<80x64xi32, #tpu.memory_space<vmem>>) offsets(%dma_start3A_10 : memref<80xi32, #tpu.memory_space<vmem>>) semaphore(%arg14 : memref<!tpu.dma_semaphore, #tpu.memory_space<semaphore_mem>>)
    %scan3A = arith.constant 0 : i32
    %scan3A_14 = arith.constant 0 : i32
    %scan3A_15 = arith.constant 62 : i32
    %scan3A_16 = arith.addi %scan3A_14, %scan3A_15 : i32
    %scan3A_17 = arith.constant 1 : i32
    scf.for %scan3A_34 = %scan3A_14 to %scan3A_16 step %scan3A_17  : i32 {
      %mul3A_35 = arith.constant 2 : i32
      %mul3A_36 = arith.muli %mul3A_35, %scan3A_34 : i32
      %add3A_37 = arith.constant 1 : i32
      %add3A_38 = arith.addi %mul3A_36, %add3A_37 : i32
      %mul3A_39 = arith.constant 80 : i32
      %mul3A_40 = arith.muli %add3A_38, %mul3A_39 : i32
      %dma_start3A_41 = tpu.memref_slice %arg6[%mul3A_40] : memref<10000xi32, #tpu.memory_space<vmem>> -> memref<80xi32, #tpu.memory_space<vmem>>
      %dma_start3A_42 = arith.constant 0 : i32
      %dma_start3A_43 = arith.constant 0 : i32
      %dma_start3A_44 = tpu.memref_slice %arg13[%dma_start3A_42, %dma_start3A_43] : memref<10000x64xi32, #tpu.memory_space<vmem_shared>> -> memref<10000x64xi32, #tpu.memory_space<vmem_shared>>
      tpu.enqueue_indirect_dma source(%dma_start3A_44 : memref<10000x64xi32, #tpu.memory_space<vmem_shared>>) target(%arg10 : memref<80x64xi32, #tpu.memory_space<vmem>>) offsets(%dma_start3A_41 : memref<80xi32, #tpu.memory_space<vmem>>) semaphore(%arg15 : memref<!tpu.dma_semaphore, #tpu.memory_space<semaphore_mem>>)
      %dma_start3A_45 = tpu.memref_slice %arg7[%mul3A_40] : memref<10000xi32, #tpu.memory_space<vmem>> -> memref<80xi32, #tpu.memory_space<vmem>>
      %dma_start3A_46 = arith.constant 0 : i32
      %dma_start3A_47 = arith.constant 0 : i32
      %dma_start3A_48 = tpu.memref_slice %arg13[%dma_start3A_46, %dma_start3A_47] : memref<10000x64xi32, #tpu.memory_space<vmem_shared>> -> memref<10000x64xi32, #tpu.memory_space<vmem_shared>>
      tpu.enqueue_indirect_dma source(%dma_start3A_48 : memref<10000x64xi32, #tpu.memory_space<vmem_shared>>) target(%arg11 : memref<80x64xi32, #tpu.memory_space<vmem>>) offsets(%dma_start3A_45 : memref<80xi32, #tpu.memory_space<vmem>>) semaphore(%arg15 : memref<!tpu.dma_semaphore, #tpu.memory_space<semaphore_mem>>)
      %mul3A_49 = arith.constant 80 : i32
      %mul3A_50 = arith.muli %mul3A_36, %mul3A_49 : i32
      %dma_wait3A_51 = tpu.memref_slice %arg6[%mul3A_50] : memref<10000xi32, #tpu.memory_space<vmem>> -> memref<80xi32, #tpu.memory_space<vmem>>
      %dma_wait3A_52 = arith.constant 0 : i32
      %dma_wait3A_53 = arith.constant 0 : i32
      %dma_wait3A_54 = tpu.memref_slice %arg13[%dma_wait3A_52, %dma_wait3A_53] : memref<10000x64xi32, #tpu.memory_space<vmem_shared>> -> memref<10000x64xi32, #tpu.memory_space<vmem_shared>>
      tpu.wait_indirect_dma semaphore(%arg14 : memref<!tpu.dma_semaphore, #tpu.memory_space<semaphore_mem>>) src(%dma_wait3A_54 : memref<10000x64xi32, #tpu.memory_space<vmem_shared>>) dst(%arg8 : memref<80x64xi32, #tpu.memory_space<vmem>>)
      %dma_wait3A_55 = tpu.memref_slice %arg7[%mul3A_50] : memref<10000xi32, #tpu.memory_space<vmem>> -> memref<80xi32, #tpu.memory_space<vmem>>
      %dma_wait3A_56 = arith.constant 0 : i32
      %dma_wait3A_57 = arith.constant 0 : i32
      %dma_wait3A_58 = tpu.memref_slice %arg13[%dma_wait3A_56, %dma_wait3A_57] : memref<10000x64xi32, #tpu.memory_space<vmem_shared>> -> memref<10000x64xi32, #tpu.memory_space<vmem_shared>>
      tpu.wait_indirect_dma semaphore(%arg14 : memref<!tpu.dma_semaphore, #tpu.memory_space<semaphore_mem>>) src(%dma_wait3A_58 : memref<10000x64xi32, #tpu.memory_space<vmem_shared>>) dst(%arg9 : memref<80x64xi32, #tpu.memory_space<vmem>>)
      %scan3A_59 = arith.constant 0 : i32
      %scan3A_60 = arith.constant 0 : i32
      %scan3A_61 = arith.constant 5 : i32
      %scan3A_62 = arith.addi %scan3A_60, %scan3A_61 : i32
      %scan3A_63 = arith.constant 1 : i32
      scf.for %scan3A_97 = %scan3A_60 to %scan3A_62 step %scan3A_63  : i32 {
        %broadcast_in_dim3A = arith.constant 0.000000e+00 : f32
        %broadcast_in_dim3A_98 = vector.broadcast %broadcast_in_dim3A : f32 to vector<16xf32>
        %mul3A_99 = arith.constant 16 : i32
        %mul3A_100 = arith.muli %scan3A_97, %mul3A_99 : i32
        %add3A_101 = arith.constant 0 : i32
        %add3A_102 = arith.addi %mul3A_100, %add3A_101 : i32
        %get3A = arith.index_cast %add3A_102 : i32 to index
        %get3A_103 = arith.constant 0 : index
        %get3A_104 = tpu.vector_load %arg8[%get3A, %get3A_103] {strides = array<i32>} : memref<80x64xi32, #tpu.memory_space<vmem>>, vector<16xi32>,
        %bitcast3A = vector.bitcast %get3A_104 : vector<16xi32> to vector<32xbf16>
        %get3A_105 = arith.index_cast %add3A_102 : i32 to index
        %get3A_106 = arith.constant 0 : index
        %get3A_107 = tpu.vector_load %arg9[%get3A_105, %get3A_106] {strides = array<i32>} : memref<80x64xi32, #tpu.memory_space<vmem>>, vector<16xi32>,
        %bitcast3A_108 = vector.bitcast %get3A_107 : vector<16xi32> to vector<32xbf16>
        %mul3A_109 = arith.mulf %bitcast3A, %bitcast3A_108 : vector<32xbf16>
        %unpack3A = tpu.unpack_subelements %mul3A_109, 0 {pack_format = #tpu.pack_format<interleaved>} : vector<32xbf16> -> vector<16xf32>
        %unpack3A_110 = tpu.unpack_subelements %mul3A_109, 1 {pack_format = #tpu.pack_format<interleaved>} : vector<32xbf16> -> vector<16xf32>
        %add3A_111 = arith.addf %unpack3A, %unpack3A_110 : vector<16xf32>
        %get3A_112 = arith.index_cast %add3A_102 : i32 to index
        %get3A_113 = arith.constant 16 : index
        %get3A_114 = tpu.vector_load %arg8[%get3A_112, %get3A_113] {strides = array<i32>} : memref<80x64xi32, #tpu.memory_space<vmem>>, vector<16xi32>,
        %bitcast3A_115 = vector.bitcast %get3A_114 : vector<16xi32> to vector<32xbf16>
        %get3A_116 = arith.index_cast %add3A_102 : i32 to index
        %get3A_117 = arith.constant 16 : index
        %get3A_118 = tpu.vector_load %arg9[%get3A_116, %get3A_117] {strides = array<i32>} : memref<80x64xi32, #tpu.memory_space<vmem>>, vector<16xi32>,
        %bitcast3A_119 = vector.bitcast %get3A_118 : vector<16xi32> to vector<32xbf16>
        %mul3A_120 = arith.mulf %bitcast3A_115, %bitcast3A_119 : vector<32xbf16>
        %unpack3A_121 = tpu.unpack_subelements %mul3A_120, 0 {pack_format = #tpu.pack_format<interleaved>} : vector<32xbf16> -> vector<16xf32>
        %unpack3A_122 = tpu.unpack_subelements %mul3A_120, 1 {pack_format = #tpu.pack_format<interleaved>} : vector<32xbf16> -> vector<16xf32>
        %add3A_123 = arith.addf %unpack3A_121, %unpack3A_122 : vector<16xf32>
        %add3A_124 = arith.addf %add3A_111, %add3A_123 : vector<16xf32>
        %get3A_125 = arith.index_cast %add3A_102 : i32 to index
        %get3A_126 = arith.constant 32 : index
        %get3A_127 = tpu.vector_load %arg8[%get3A_125, %get3A_126] {strides = array<i32>} : memref<80x64xi32, #tpu.memory_space<vmem>>, vector<16xi32>,
        %bitcast3A_128 = vector.bitcast %get3A_127 : vector<16xi32> to vector<32xbf16>
        %get3A_129 = arith.index_cast %add3A_102 : i32 to index
        %get3A_130 = arith.constant 32 : index
        %get3A_131 = tpu.vector_load %arg9[%get3A_129, %get3A_130] {strides = array<i32>} : memref<80x64xi32, #tpu.memory_space<vmem>>, vector<16xi32>,
        %bitcast3A_132 = vector.bitcast %get3A_131 : vector<16xi32> to vector<32xbf16>
        %mul3A_133 = arith.mulf %bitcast3A_128, %bitcast3A_132 : vector<32xbf16>
        %unpack3A_134 = tpu.unpack_subelements %mul3A_133, 0 {pack_format = #tpu.pack_format<interleaved>} : vector<32xbf16> -> vector<16xf32>
        %unpack3A_135 = tpu.unpack_subelements %mul3A_133, 1 {pack_format = #tpu.pack_format<interleaved>} : vector<32xbf16> -> vector<16xf32>
        %add3A_136 = arith.addf %unpack3A_134, %unpack3A_135 : vector<16xf32>
        %add3A_137 = arith.addf %add3A_124, %add3A_136 : vector<16xf32>
        %get3A_138 = arith.index_cast %add3A_102 : i32 to index
        %get3A_139 = arith.constant 48 : index
        %get3A_140 = tpu.vector_load %arg8[%get3A_138, %get3A_139] {strides = array<i32>} : memref<80x64xi32, #tpu.memory_space<vmem>>, vector<16xi32>,
        %bitcast3A_141 = vector.bitcast %get3A_140 : vector<16xi32> to vector<32xbf16>
        %get3A_142 = arith.index_cast %add3A_102 : i32 to index
        %get3A_143 = arith.constant 48 : index
        %get3A_144 = tpu.vector_load %arg9[%get3A_142, %get3A_143] {strides = array<i32>} : memref<80x64xi32, #tpu.memory_space<vmem>>, vector<16xi32>,
        %bitcast3A_145 = vector.bitcast %get3A_144 : vector<16xi32> to vector<32xbf16>
        %mul3A_146 = arith.mulf %bitcast3A_141, %bitcast3A_145 : vector<32xbf16>
        %unpack3A_147 = tpu.unpack_subelements %mul3A_146, 0 {pack_format = #tpu.pack_format<interleaved>} : vector<32xbf16> -> vector<16xf32>
        %unpack3A_148 = tpu.unpack_subelements %mul3A_146, 1 {pack_format = #tpu.pack_format<interleaved>} : vector<32xbf16> -> vector<16xf32>
        %add3A_149 = arith.addf %unpack3A_147, %unpack3A_148 : vector<16xf32>
        %add3A_150 = arith.addf %add3A_137, %add3A_149 : vector<16xf32>
        %eq3A_151 = arith.constant 0 : i32
        %eq3A_152 = vector.broadcast %eq3A_151 : i32 to vector<16xi32>
        %eq3A_153 = arith.cmpi eq, %iota3A, %eq3A_152 : vector<16xi32>
        %reduce_sum3A = arith.constant true
        %reduce_sum3A_154 = vector.broadcast %reduce_sum3A : i1 to vector<16xi1>
        %reduce_sum3A_155 = tpu.scan <sum>, %add3A_150 masked %reduce_sum3A_154 : vector<16xf32>, vector<16xi1> -> vector<16xf32>
        %reduce_sum3A_156 = vector.extract %reduce_sum3A_155[15] : f32 from vector<16xf32>
        %broadcast_in_dim3A_157 = vector.broadcast %reduce_sum3A_156 : f32 to vector<16xf32>
        %select_n3A = arith.select %eq3A_153, %broadcast_in_dim3A_157, %broadcast_in_dim3A_98 : vector<16xi1>, vector<16xf32>
        %mul3A_158 = arith.constant 16 : i32
        %mul3A_159 = arith.muli %scan3A_97, %mul3A_158 : i32
        %add3A_160 = arith.constant 1 : i32
        %add3A_161 = arith.addi %mul3A_159, %add3A_160 : i32
        %get3A_162 = arith.index_cast %add3A_161 : i32 to index
        %get3A_163 = arith.constant 0 : index
        %get3A_164 = tpu.vector_load %arg8[%get3A_162, %get3A_163] {strides = array<i32>} : memref<80x64xi32, #tpu.memory_space<vmem>>, vector<16xi32>,
        %bitcast3A_165 = vector.bitcast %get3A_164 : vector<16xi32> to vector<32xbf16>
        %get3A_166 = arith.index_cast %add3A_161 : i32 to index
        %get3A_167 = arith.constant 0 : index
        %get3A_168 = tpu.vector_load %arg9[%get3A_166, %get3A_167] {strides = array<i32>} : memref<80x64xi32, #tpu.memory_space<vmem>>, vector<16xi32>,
        %bitcast3A_169 = vector.bitcast %get3A_168 : vector<16xi32> to vector<32xbf16>
        %mul3A_170 = arith.mulf %bitcast3A_165, %bitcast3A_169 : vector<32xbf16>
        %unpack3A_171 = tpu.unpack_subelements %mul3A_170, 0 {pack_format = #tpu.pack_format<interleaved>} : vector<32xbf16> -> vector<16xf32>
        %unpack3A_172 = tpu.unpack_subelements %mul3A_170, 1 {pack_format = #tpu.pack_format<interleaved>} : vector<32xbf16> -> vector<16xf32>
        %add3A_173 = arith.addf %unpack3A_171, %unpack3A_172 : vector<16xf32>
        %get3A_174 = arith.index_cast %add3A_161 : i32 to index
        %get3A_175 = arith.constant 16 : index
        %get3A_176 = tpu.vector_load %arg8[%get3A_174, %get3A_175] {strides = array<i32>} : memref<80x64xi32, #tpu.memory_space<vmem>>, vector<16xi32>,
        %bitcast3A_177 = vector.bitcast %get3A_176 : vector<16xi32> to vector<32xbf16>
        %get3A_178 = arith.index_cast %add3A_161 : i32 to index
        %get3A_179 = arith.constant 16 : index
        %get3A_180 = tpu.vector_load %arg9[%get3A_178, %get3A_179] {strides = array<i32>} : memref<80x64xi32, #tpu.memory_space<vmem>>, vector<16xi32>,
        %bitcast3A_181 = vector.bitcast %get3A_180 : vector<16xi32> to vector<32xbf16>
        %mul3A_182 = arith.mulf %bitcast3A_177, %bitcast3A_181 : vector<32xbf16>
        %unpack3A_183 = tpu.unpack_subelements %mul3A_182, 0 {pack_format = #tpu.pack_format<interleaved>} : vector<32xbf16> -> vector<16xf32>
        %unpack3A_184 = tpu.unpack_subelements %mul3A_182, 1 {pack_format = #tpu.pack_format<interleaved>} : vector<32xbf16> -> vector<16xf32>
        %add3A_185 = arith.addf %unpack3A_183, %unpack3A_184 : vector<16xf32>
        %add3A_186 = arith.addf %add3A_173, %add3A_185 : vector<16xf32>
        %get3A_187 = arith.index_cast %add3A_161 : i32 to index
        %get3A_188 = arith.constant 32 : index
        %get3A_189 = tpu.vector_load %arg8[%get3A_187, %get3A_188] {strides = array<i32>} : memref<80x64xi32, #tpu.memory_space<vmem>>, vector<16xi32>,
        %bitcast3A_190 = vector.bitcast %get3A_189 : vector<16xi32> to vector<32xbf16>
        %get3A_191 = arith.index_cast %add3A_161 : i32 to index
        %get3A_192 = arith.constant 32 : index
        %get3A_193 = tpu.vector_load %arg9[%get3A_191, %get3A_192] {strides = array<i32>} : memref<80x64xi32, #tpu.memory_space<vmem>>, vector<16xi32>,
        %bitcast3A_194 = vector.bitcast %get3A_193 : vector<16xi32> to vector<32xbf16>
        %mul3A_195 = arith.mulf %bitcast3A_190, %bitcast3A_194 : vector<32xbf16>
        %unpack3A_196 = tpu.unpack_subelements %mul3A_195, 0 {pack_format = #tpu.pack_format<interleaved>} : vector<32xbf16> -> vector<16xf32>
        %unpack3A_197 = tpu.unpack_subelements %mul3A_195, 1 {pack_format = #tpu.pack_format<interleaved>} : vector<32xbf16> -> vector<16xf32>
        %add3A_198 = arith.addf %unpack3A_196, %unpack3A_197 : vector<16xf32>
        %add3A_199 = arith.addf %add3A_186, %add3A_198 : vector<16xf32>
        %get3A_200 = arith.index_cast %add3A_161 : i32 to index
        %get3A_201 = arith.constant 48 : index
        %get3A_202 = tpu.vector_load %arg8[%get3A_200, %get3A_201] {strides = array<i32>} : memref<80x64xi32, #tpu.memory_space<vmem>>, vector<16xi32>,
        %bitcast3A_203 = vector.bitcast %get3A_202 : vector<16xi32> to vector<32xbf16>
        %get3A_204 = arith.index_cast %add3A_161 : i32 to index
        %get3A_205 = arith.constant 48 : index
        %get3A_206 = tpu.vector_load %arg9[%get3A_204, %get3A_205] {strides = array<i32>} : memref<80x64xi32, #tpu.memory_space<vmem>>, vector<16xi32>,
        %bitcast3A_207 = vector.bitcast %get3A_206 : vector<16xi32> to vector<32xbf16>
        %mul3A_208 = arith.mulf %bitcast3A_203, %bitcast3A_207 : vector<32xbf16>
        %unpack3A_209 = tpu.unpack_subelements %mul3A_208, 0 {pack_format = #tpu.pack_format<interleaved>} : vector<32xbf16> -> vector<16xf32>
        %unpack3A_210 = tpu.unpack_subelements %mul3A_208, 1 {pack_format = #tpu.pack_format<interleaved>} : vector<32xbf16> -> vector<16xf32>
        %add3A_211 = arith.addf %unpack3A_209, %unpack3A_210 : vector<16xf32>
        %add3A_212 = arith.addf %add3A_199, %add3A_211 : vector<16xf32>
        %eq3A_213 = arith.constant 1 : i32
        %eq3A_214 = vector.broadcast %eq3A_213 : i32 to vector<16xi32>
        %eq3A_215 = arith.cmpi eq, %iota3A, %eq3A_214 : vector<16xi32>
        %reduce_sum3A_216 = arith.constant true
        %reduce_sum3A_217 = vector.broadcast %reduce_sum3A_216 : i1 to vector<16xi1>
        %reduce_sum3A_218 = tpu.scan <sum>, %add3A_212 masked %reduce_sum3A_217 : vector<16xf32>, vector<16xi1> -> vector<16xf32>
        %reduce_sum3A_219 = vector.extract %reduce_sum3A_218[15] : f32 from vector<16xf32>
        %broadcast_in_dim3A_220 = vector.broadcast %reduce_sum3A_219 : f32 to vector<16xf32>
        %select_n3A_221 = arith.select %eq3A_215, %broadcast_in_dim3A_220, %select_n3A : vector<16xi1>, vector<16xf32>
        %mul3A_222 = arith.constant 16 : i32
        %mul3A_223 = arith.muli %scan3A_97, %mul3A_222 : i32
        %add3A_224 = arith.constant 2 : i32
        %add3A_225 = arith.addi %mul3A_223, %add3A_224 : i32
        %get3A_226 = arith.index_cast %add3A_225 : i32 to index
        %get3A_227 = arith.constant 0 : index
        %get3A_228 = tpu.vector_load %arg8[%get3A_226, %get3A_227] {strides = array<i32>} : memref<80x64xi32, #tpu.memory_space<vmem>>, vector<16xi32>,
        %bitcast3A_229 = vector.bitcast %get3A_228 : vector<16xi32> to vector<32xbf16>
        %get3A_230 = arith.index_cast %add3A_225 : i32 to index
        %get3A_231 = arith.constant 0 : index
        %get3A_232 = tpu.vector_load %arg9[%get3A_230, %get3A_231] {strides = array<i32>} : memref<80x64xi32, #tpu.memory_space<vmem>>, vector<16xi32>,
        %bitcast3A_233 = vector.bitcast %get3A_232 : vector<16xi32> to vector<32xbf16>
        %mul3A_234 = arith.mulf %bitcast3A_229, %bitcast3A_233 : vector<32xbf16>
        %unpack3A_235 = tpu.unpack_subelements %mul3A_234, 0 {pack_format = #tpu.pack_format<interleaved>} : vector<32xbf16> -> vector<16xf32>
        %unpack3A_236 = tpu.unpack_subelements %mul3A_234, 1 {pack_format = #tpu.pack_format<interleaved>} : vector<32xbf16> -> vector<16xf32>
        %add3A_237 = arith.addf %unpack3A_235, %unpack3A_236 : vector<16xf32>
        %get3A_238 = arith.index_cast %add3A_225 : i32 to index
        %get3A_239 = arith.constant 16 : index
        %get3A_240 = tpu.vector_load %arg8[%get3A_238, %get3A_239] {strides = array<i32>} : memref<80x64xi32, #tpu.memory_space<vmem>>, vector<16xi32>,
        %bitcast3A_241 = vector.bitcast %get3A_240 : vector<16xi32> to vector<32xbf16>
        %get3A_242 = arith.index_cast %add3A_225 : i32 to index
        %get3A_243 = arith.constant 16 : index
        %get3A_244 = tpu.vector_load %arg9[%get3A_242, %get3A_243] {strides = array<i32>} : memref<80x64xi32, #tpu.memory_space<vmem>>, vector<16xi32>,
        %bitcast3A_245 = vector.bitcast %get3A_244 : vector<16xi32> to vector<32xbf16>
        %mul3A_246 = arith.mulf %bitcast3A_241, %bitcast3A_245 : vector<32xbf16>
        %unpack3A_247 = tpu.unpack_subelements %mul3A_246, 0 {pack_format = #tpu.pack_format<interleaved>} : vector<32xbf16> -> vector<16xf32>
        %unpack3A_248 = tpu.unpack_subelements %mul3A_246, 1 {pack_format = #tpu.pack_format<interleaved>} : vector<32xbf16> -> vector<16xf32>
        %add3A_249 = arith.addf %unpack3A_247, %unpack3A_248 : vector<16xf32>
        %add3A_250 = arith.addf %add3A_237, %add3A_249 : vector<16xf32>
        %get3A_251 = arith.index_cast %add3A_225 : i32 to index
        %get3A_252 = arith.constant 32 : index
        %get3A_253 = tpu.vector_load %arg8[%get3A_251, %get3A_252] {strides = array<i32>} : memref<80x64xi32, #tpu.memory_space<vmem>>, vector<16xi32>,
        %bitcast3A_254 = vector.bitcast %get3A_253 : vector<16xi32> to vector<32xbf16>
        %get3A_255 = arith.index_cast %add3A_225 : i32 to index
        %get3A_256 = arith.constant 32 : index
        %get3A_257 = tpu.vector_load %arg9[%get3A_255, %get3A_256] {strides = array<i32>} : memref<80x64xi32, #tpu.memory_space<vmem>>, vector<16xi32>,
        %bitcast3A_258 = vector.bitcast %get3A_257 : vector<16xi32> to vector<32xbf16>
        %mul3A_259 = arith.mulf %bitcast3A_254, %bitcast3A_258 : vector<32xbf16>
        %unpack3A_260 = tpu.unpack_subelements %mul3A_259, 0 {pack_format = #tpu.pack_format<interleaved>} : vector<32xbf16> -> vector<16xf32>
        %unpack3A_261 = tpu.unpack_subelements %mul3A_259, 1 {pack_format = #tpu.pack_format<interleaved>} : vector<32xbf16> -> vector<16xf32>
        %add3A_262 = arith.addf %unpack3A_260, %unpack3A_261 : vector<16xf32>
        %add3A_263 = arith.addf %add3A_250, %add3A_262 : vector<16xf32>
        %get3A_264 = arith.index_cast %add3A_225 : i32 to index
        %get3A_265 = arith.constant 48 : index
        %get3A_266 = tpu.vector_load %arg8[%get3A_264, %get3A_265] {strides = array<i32>} : memref<80x64xi32, #tpu.memory_space<vmem>>, vector<16xi32>,
        %bitcast3A_267 = vector.bitcast %get3A_266 : vector<16xi32> to vector<32xbf16>
        %get3A_268 = arith.index_cast %add3A_225 : i32 to index
        %get3A_269 = arith.constant 48 : index
        %get3A_270 = tpu.vector_load %arg9[%get3A_268, %get3A_269] {strides = array<i32>} : memref<80x64xi32, #tpu.memory_space<vmem>>, vector<16xi32>,
        %bitcast3A_271 = vector.bitcast %get3A_270 : vector<16xi32> to vector<32xbf16>
        %mul3A_272 = arith.mulf %bitcast3A_267, %bitcast3A_271 : vector<32xbf16>
        %unpack3A_273 = tpu.unpack_subelements %mul3A_272, 0 {pack_format = #tpu.pack_format<interleaved>} : vector<32xbf16> -> vector<16xf32>
        %unpack3A_274 = tpu.unpack_subelements %mul3A_272, 1 {pack_format = #tpu.pack_format<interleaved>} : vector<32xbf16> -> vector<16xf32>
        %add3A_275 = arith.addf %unpack3A_273, %unpack3A_274 : vector<16xf32>
        %add3A_276 = arith.addf %add3A_263, %add3A_275 : vector<16xf32>
        %eq3A_277 = arith.constant 2 : i32
        %eq3A_278 = vector.broadcast %eq3A_277 : i32 to vector<16xi32>
        %eq3A_279 = arith.cmpi eq, %iota3A, %eq3A_278 : vector<16xi32>
        %reduce_sum3A_280 = arith.constant true
        %reduce_sum3A_281 = vector.broadcast %reduce_sum3A_280 : i1 to vector<16xi1>
        %reduce_sum3A_282 = tpu.scan <sum>, %add3A_276 masked %reduce_sum3A_281 : vector<16xf32>, vector<16xi1> -> vector<16xf32>
        %reduce_sum3A_283 = vector.extract %reduce_sum3A_282[15] : f32 from vector<16xf32>
        %broadcast_in_dim3A_284 = vector.broadcast %reduce_sum3A_283 : f32 to vector<16xf32>
        %select_n3A_285 = arith.select %eq3A_279, %broadcast_in_dim3A_284, %select_n3A_221 : vector<16xi1>, vector<16xf32>
        %mul3A_286 = arith.constant 16 : i32
        %mul3A_287 = arith.muli %scan3A_97, %mul3A_286 : i32
        %add3A_288 = arith.constant 3 : i32
        %add3A_289 = arith.addi %mul3A_287, %add3A_288 : i32
        %get3A_290 = arith.index_cast %add3A_289 : i32 to index
        %get3A_291 = arith.constant 0 : index
        %get3A_292 = tpu.vector_load %arg8[%get3A_290, %get3A_291] {strides = array<i32>} : memref<80x64xi32, #tpu.memory_space<vmem>>, vector<16xi32>,
        %bitcast3A_293 = vector.bitcast %get3A_292 : vector<16xi32> to vector<32xbf16>
        %get3A_294 = arith.index_cast %add3A_289 : i32 to index
        %get3A_295 = arith.constant 0 : index
        %get3A_296 = tpu.vector_load %arg9[%get3A_294, %get3A_295] {strides = array<i32>} : memref<80x64xi32, #tpu.memory_space<vmem>>, vector<16xi32>,
        %bitcast3A_297 = vector.bitcast %get3A_296 : vector<16xi32> to vector<32xbf16>
        %mul3A_298 = arith.mulf %bitcast3A_293, %bitcast3A_297 : vector<32xbf16>
        %unpack3A_299 = tpu.unpack_subelements %mul3A_298, 0 {pack_format = #tpu.pack_format<interleaved>} : vector<32xbf16> -> vector<16xf32>
        %unpack3A_300 = tpu.unpack_subelements %mul3A_298, 1 {pack_format = #tpu.pack_format<interleaved>} : vector<32xbf16> -> vector<16xf32>
        %add3A_301 = arith.addf %unpack3A_299, %unpack3A_300 : vector<16xf32>
        %get3A_302 = arith.index_cast %add3A_289 : i32 to index
        %get3A_303 = arith.constant 16 : index
        %get3A_304 = tpu.vector_load %arg8[%get3A_302, %get3A_303] {strides = array<i32>} : memref<80x64xi32, #tpu.memory_space<vmem>>, vector<16xi32>,
        %bitcast3A_305 = vector.bitcast %get3A_304 : vector<16xi32> to vector<32xbf16>
        %get3A_306 = arith.index_cast %add3A_289 : i32 to index
        %get3A_307 = arith.constant 16 : index
        %get3A_308 = tpu.vector_load %arg9[%get3A_306, %get3A_307] {strides = array<i32>} : memref<80x64xi32, #tpu.memory_space<vmem>>, vector<16xi32>,
        %bitcast3A_309 = vector.bitcast %get3A_308 : vector<16xi32> to vector<32xbf16>
        %mul3A_310 = arith.mulf %bitcast3A_305, %bitcast3A_309 : vector<32xbf16>
        %unpack3A_311 = tpu.unpack_subelements %mul3A_310, 0 {pack_format = #tpu.pack_format<interleaved>} : vector<32xbf16> -> vector<16xf32>
        %unpack3A_312 = tpu.unpack_subelements %mul3A_310, 1 {pack_format = #tpu.pack_format<interleaved>} : vector<32xbf16> -> vector<16xf32>
        %add3A_313 = arith.addf %unpack3A_311, %unpack3A_312 : vector<16xf32>
        %add3A_314 = arith.addf %add3A_301, %add3A_313 : vector<16xf32>
        %get3A_315 = arith.index_cast %add3A_289 : i32 to index
        %get3A_316 = arith.constant 32 : index
        %get3A_317 = tpu.vector_load %arg8[%get3A_315, %get3A_316] {strides = array<i32>} : memref<80x64xi32, #tpu.memory_space<vmem>>, vector<16xi32>,
        %bitcast3A_318 = vector.bitcast %get3A_317 : vector<16xi32> to vector<32xbf16>
        %get3A_319 = arith.index_cast %add3A_289 : i32 to index
        %get3A_320 = arith.constant 32 : index
        %get3A_321 = tpu.vector_load %arg9[%get3A_319, %get3A_320] {strides = array<i32>} : memref<80x64xi32, #tpu.memory_space<vmem>>, vector<16xi32>,
        %bitcast3A_322 = vector.bitcast %get3A_321 : vector<16xi32> to vector<32xbf16>
        %mul3A_323 = arith.mulf %bitcast3A_318, %bitcast3A_322 : vector<32xbf16>
        %unpack3A_324 = tpu.unpack_subelements %mul3A_323, 0 {pack_format = #tpu.pack_format<interleaved>} : vector<32xbf16> -> vector<16xf32>
        %unpack3A_325 = tpu.unpack_subelements %mul3A_323, 1 {pack_format = #tpu.pack_format<interleaved>} : vector<32xbf16> -> vector<16xf32>
        %add3A_326 = arith.addf %unpack3A_324, %unpack3A_325 : vector<16xf32>
        %add3A_327 = arith.addf %add3A_314, %add3A_326 : vector<16xf32>
        %get3A_328 = arith.index_cast %add3A_289 : i32 to index
        %get3A_329 = arith.constant 48 : index
        %get3A_330 = tpu.vector_load %arg8[%get3A_328, %get3A_329] {strides = array<i32>} : memref<80x64xi32, #tpu.memory_space<vmem>>, vector<16xi32>,
        %bitcast3A_331 = vector.bitcast %get3A_330 : vector<16xi32> to vector<32xbf16>
        %get3A_332 = arith.index_cast %add3A_289 : i32 to index
        %get3A_333 = arith.constant 48 : index
        %get3A_334 = tpu.vector_load %arg9[%get3A_332, %get3A_333] {strides = array<i32>} : memref<80x64xi32, #tpu.memory_space<vmem>>, vector<16xi32>,
        %bitcast3A_335 = vector.bitcast %get3A_334 : vector<16xi32> to vector<32xbf16>
        %mul3A_336 = arith.mulf %bitcast3A_331, %bitcast3A_335 : vector<32xbf16>
        %unpack3A_337 = tpu.unpack_subelements %mul3A_336, 0 {pack_format = #tpu.pack_format<interleaved>} : vector<32xbf16> -> vector<16xf32>
        %unpack3A_338 = tpu.unpack_subelements %mul3A_336, 1 {pack_format = #tpu.pack_format<interleaved>} : vector<32xbf16> -> vector<16xf32>
        %add3A_339 = arith.addf %unpack3A_337, %unpack3A_338 : vector<16xf32>
        %add3A_340 = arith.addf %add3A_327, %add3A_339 : vector<16xf32>
        %eq3A_341 = arith.constant 3 : i32
        %eq3A_342 = vector.broadcast %eq3A_341 : i32 to vector<16xi32>
        %eq3A_343 = arith.cmpi eq, %iota3A, %eq3A_342 : vector<16xi32>
        %reduce_sum3A_344 = arith.constant true
        %reduce_sum3A_345 = vector.broadcast %reduce_sum3A_344 : i1 to vector<16xi1>
        %reduce_sum3A_346 = tpu.scan <sum>, %add3A_340 masked %reduce_sum3A_345 : vector<16xf32>, vector<16xi1> -> vector<16xf32>
        %reduce_sum3A_347 = vector.extract %reduce_sum3A_346[15] : f32 from vector<16xf32>
        %broadcast_in_dim3A_348 = vector.broadcast %reduce_sum3A_347 : f32 to vector<16xf32>
        %select_n3A_349 = arith.select %eq3A_343, %broadcast_in_dim3A_348, %select_n3A_285 : vector<16xi1>, vector<16xf32>
        %mul3A_350 = arith.constant 16 : i32
        %mul3A_351 = arith.muli %scan3A_97, %mul3A_350 : i32
        %add3A_352 = arith.constant 4 : i32
        %add3A_353 = arith.addi %mul3A_351, %add3A_352 : i32
        %get3A_354 = arith.index_cast %add3A_353 : i32 to index
        %get3A_355 = arith.constant 0 : index
        %get3A_356 = tpu.vector_load %arg8[%get3A_354, %get3A_355] {strides = array<i32>} : memref<80x64xi32, #tpu.memory_space<vmem>>, vector<16xi32>,
        %bitcast3A_357 = vector.bitcast %get3A_356 : vector<16xi32> to vector<32xbf16>
        %get3A_358 = arith.index_cast %add3A_353 : i32 to index
        %get3A_359 = arith.constant 0 : index
        %get3A_360 = tpu.vector_load %arg9[%get3A_358, %get3A_359] {strides = array<i32>} : memref<80x64xi32, #tpu.memory_space<vmem>>, vector<16xi32>,
        %bitcast3A_361 = vector.bitcast %get3A_360 : vector<16xi32> to vector<32xbf16>
        %mul3A_362 = arith.mulf %bitcast3A_357, %bitcast3A_361 : vector<32xbf16>
        %unpack3A_363 = tpu.unpack_subelements %mul3A_362, 0 {pack_format = #tpu.pack_format<interleaved>} : vector<32xbf16> -> vector<16xf32>
        %unpack3A_364 = tpu.unpack_subelements %mul3A_362, 1 {pack_format = #tpu.pack_format<interleaved>} : vector<32xbf16> -> vector<16xf32>
        %add3A_365 = arith.addf %unpack3A_363, %unpack3A_364 : vector<16xf32>
        %get3A_366 = arith.index_cast %add3A_353 : i32 to index
        %get3A_367 = arith.constant 16 : index
        %get3A_368 = tpu.vector_load %arg8[%get3A_366, %get3A_367] {strides = array<i32>} : memref<80x64xi32, #tpu.memory_space<vmem>>, vector<16xi32>,
        %bitcast3A_369 = vector.bitcast %get3A_368 : vector<16xi32> to vector<32xbf16>
        %get3A_370 = arith.index_cast %add3A_353 : i32 to index
        %get3A_371 = arith.constant 16 : index
        %get3A_372 = tpu.vector_load %arg9[%get3A_370, %get3A_371] {strides = array<i32>} : memref<80x64xi32, #tpu.memory_space<vmem>>, vector<16xi32>,
        %bitcast3A_373 = vector.bitcast %get3A_372 : vector<16xi32> to vector<32xbf16>
        %mul3A_374 = arith.mulf %bitcast3A_369, %bitcast3A_373 : vector<32xbf16>
        %unpack3A_375 = tpu.unpack_subelements %mul3A_374, 0 {pack_format = #tpu.pack_format<interleaved>} : vector<32xbf16> -> vector<16xf32>
        %unpack3A_376 = tpu.unpack_subelements %mul3A_374, 1 {pack_format = #tpu.pack_format<interleaved>} : vector<32xbf16> -> vector<16xf32>
        %add3A_377 = arith.addf %unpack3A_375, %unpack3A_376 : vector<16xf32>
        %add3A_378 = arith.addf %add3A_365, %add3A_377 : vector<16xf32>
        %get3A_379 = arith.index_cast %add3A_353 : i32 to index
        %get3A_380 = arith.constant 32 : index
        %get3A_381 = tpu.vector_load %arg8[%get3A_379, %get3A_380] {strides = array<i32>} : memref<80x64xi32, #tpu.memory_space<vmem>>, vector<16xi32>,
        %bitcast3A_382 = vector.bitcast %get3A_381 : vector<16xi32> to vector<32xbf16>
        %get3A_383 = arith.index_cast %add3A_353 : i32 to index
        %get3A_384 = arith.constant 32 : index
        %get3A_385 = tpu.vector_load %arg9[%get3A_383, %get3A_384] {strides = array<i32>} : memref<80x64xi32, #tpu.memory_space<vmem>>, vector<16xi32>,
        %bitcast3A_386 = vector.bitcast %get3A_385 : vector<16xi32> to vector<32xbf16>
        %mul3A_387 = arith.mulf %bitcast3A_382, %bitcast3A_386 : vector<32xbf16>
        %unpack3A_388 = tpu.unpack_subelements %mul3A_387, 0 {pack_format = #tpu.pack_format<interleaved>} : vector<32xbf16> -> vector<16xf32>
        %unpack3A_389 = tpu.unpack_subelements %mul3A_387, 1 {pack_format = #tpu.pack_format<interleaved>} : vector<32xbf16> -> vector<16xf32>
        %add3A_390 = arith.addf %unpack3A_388, %unpack3A_389 : vector<16xf32>
        %add3A_391 = arith.addf %add3A_378, %add3A_390 : vector<16xf32>
        %get3A_392 = arith.index_cast %add3A_353 : i32 to index
        %get3A_393 = arith.constant 48 : index
        %get3A_394 = tpu.vector_load %arg8[%get3A_392, %get3A_393] {strides = array<i32>} : memref<80x64xi32, #tpu.memory_space<vmem>>, vector<16xi32>,
        %bitcast3A_395 = vector.bitcast %get3A_394 : vector<16xi32> to vector<32xbf16>
        %get3A_396 = arith.index_cast %add3A_353 : i32 to index
        %get3A_397 = arith.constant 48 : index
        %get3A_398 = tpu.vector_load %arg9[%get3A_396, %get3A_397] {strides = array<i32>} : memref<80x64xi32, #tpu.memory_space<vmem>>, vector<16xi32>,
        %bitcast3A_399 = vector.bitcast %get3A_398 : vector<16xi32> to vector<32xbf16>
        %mul3A_400 = arith.mulf %bitcast3A_395, %bitcast3A_399 : vector<32xbf16>
        %unpack3A_401 = tpu.unpack_subelements %mul3A_400, 0 {pack_format = #tpu.pack_format<interleaved>} : vector<32xbf16> -> vector<16xf32>
        %unpack3A_402 = tpu.unpack_subelements %mul3A_400, 1 {pack_format = #tpu.pack_format<interleaved>} : vector<32xbf16> -> vector<16xf32>
        %add3A_403 = arith.addf %unpack3A_401, %unpack3A_402 : vector<16xf32>
        %add3A_404 = arith.addf %add3A_391, %add3A_403 : vector<16xf32>
        %eq3A_405 = arith.constant 4 : i32
        %eq3A_406 = vector.broadcast %eq3A_405 : i32 to vector<16xi32>
        %eq3A_407 = arith.cmpi eq, %iota3A, %eq3A_406 : vector<16xi32>
        %reduce_sum3A_408 = arith.constant true
        %reduce_sum3A_409 = vector.broadcast %reduce_sum3A_408 : i1 to vector<16xi1>
        %reduce_sum3A_410 = tpu.scan <sum>, %add3A_404 masked %reduce_sum3A_409 : vector<16xf32>, vector<16xi1> -> vector<16xf32>
        %reduce_sum3A_411 = vector.extract %reduce_sum3A_410[15] : f32 from vector<16xf32>
        %broadcast_in_dim3A_412 = vector.broadcast %reduce_sum3A_411 : f32 to vector<16xf32>
        %select_n3A_413 = arith.select %eq3A_407, %broadcast_in_dim3A_412, %select_n3A_349 : vector<16xi1>, vector<16xf32>
        %mul3A_414 = arith.constant 16 : i32
        %mul3A_415 = arith.muli %scan3A_97, %mul3A_414 : i32
        %add3A_416 = arith.constant 5 : i32
        %add3A_417 = arith.addi %mul3A_415, %add3A_416 : i32
        %get3A_418 = arith.index_cast %add3A_417 : i32 to index
        %get3A_419 = arith.constant 0 : index
        %get3A_420 = tpu.vector_load %arg8[%get3A_418, %get3A_419] {strides = array<i32>} : memref<80x64xi32, #tpu.memory_space<vmem>>, vector<16xi32>,
        %bitcast3A_421 = vector.bitcast %get3A_420 : vector<16xi32> to vector<32xbf16>
        %get3A_422 = arith.index_cast %add3A_417 : i32 to index
        %get3A_423 = arith.constant 0 : index
        %get3A_424 = tpu.vector_load %arg9[%get3A_422, %get3A_423] {strides = array<i32>} : memref<80x64xi32, #tpu.memory_space<vmem>>, vector<16xi32>,
        %bitcast3A_425 = vector.bitcast %get3A_424 : vector<16xi32> to vector<32xbf16>
        %mul3A_426 = arith.mulf %bitcast3A_421, %bitcast3A_425 : vector<32xbf16>
        %unpack3A_427 = tpu.unpack_subelements %mul3A_426, 0 {pack_format = #tpu.pack_format<interleaved>} : vector<32xbf16> -> vector<16xf32>
        %unpack3A_428 = tpu.unpack_subelements %mul3A_426, 1 {pack_format = #tpu.pack_format<interleaved>} : vector<32xbf16> -> vector<16xf32>
        %add3A_429 = arith.addf %unpack3A_427, %unpack3A_428 : vector<16xf32>
        %get3A_430 = arith.index_cast %add3A_417 : i32 to index
        %get3A_431 = arith.constant 16 : index
        %get3A_432 = tpu.vector_load %arg8[%get3A_430, %get3A_431] {strides = array<i32>} : memref<80x64xi32, #tpu.memory_space<vmem>>, vector<16xi32>,
        %bitcast3A_433 = vector.bitcast %get3A_432 : vector<16xi32> to vector<32xbf16>
        %get3A_434 = arith.index_cast %add3A_417 : i32 to index
        %get3A_435 = arith.constant 16 : index
        %get3A_436 = tpu.vector_load %arg9[%get3A_434, %get3A_435] {strides = array<i32>} : memref<80x64xi32, #tpu.memory_space<vmem>>, vector<16xi32>,
        %bitcast3A_437 = vector.bitcast %get3A_436 : vector<16xi32> to vector<32xbf16>
        %mul3A_438 = arith.mulf %bitcast3A_433, %bitcast3A_437 : vector<32xbf16>
        %unpack3A_439 = tpu.unpack_subelements %mul3A_438, 0 {pack_format = #tpu.pack_format<interleaved>} : vector<32xbf16> -> vector<16xf32>
        %unpack3A_440 = tpu.unpack_subelements %mul3A_438, 1 {pack_format = #tpu.pack_format<interleaved>} : vector<32xbf16> -> vector<16xf32>
        %add3A_441 = arith.addf %unpack3A_439, %unpack3A_440 : vector<16xf32>
        %add3A_442 = arith.addf %add3A_429, %add3A_441 : vector<16xf32>
        %get3A_443 = arith.index_cast %add3A_417 : i32 to index
        %get3A_444 = arith.constant 32 : index
        %get3A_445 = tpu.vector_load %arg8[%get3A_443, %get3A_444] {strides = array<i32>} : memref<80x64xi32, #tpu.memory_space<vmem>>, vector<16xi32>,
        %bitcast3A_446 = vector.bitcast %get3A_445 : vector<16xi32> to vector<32xbf16>
        %get3A_447 = arith.index_cast %add3A_417 : i32 to index
        %get3A_448 = arith.constant 32 : index
        %get3A_449 = tpu.vector_load %arg9[%get3A_447, %get3A_448] {strides = array<i32>} : memref<80x64xi32, #tpu.memory_space<vmem>>, vector<16xi32>,
        %bitcast3A_450 = vector.bitcast %get3A_449 : vector<16xi32> to vector<32xbf16>
        %mul3A_451 = arith.mulf %bitcast3A_446, %bitcast3A_450 : vector<32xbf16>
        %unpack3A_452 = tpu.unpack_subelements %mul3A_451, 0 {pack_format = #tpu.pack_format<interleaved>} : vector<32xbf16> -> vector<16xf32>
        %unpack3A_453 = tpu.unpack_subelements %mul3A_451, 1 {pack_format = #tpu.pack_format<interleaved>} : vector<32xbf16> -> vector<16xf32>
        %add3A_454 = arith.addf %unpack3A_452, %unpack3A_453 : vector<16xf32>
        %add3A_455 = arith.addf %add3A_442, %add3A_454 : vector<16xf32>
        %get3A_456 = arith.index_cast %add3A_417 : i32 to index
        %get3A_457 = arith.constant 48 : index
        %get3A_458 = tpu.vector_load %arg8[%get3A_456, %get3A_457] {strides = array<i32>} : memref<80x64xi32, #tpu.memory_space<vmem>>, vector<16xi32>,
        %bitcast3A_459 = vector.bitcast %get3A_458 : vector<16xi32> to vector<32xbf16>
        %get3A_460 = arith.index_cast %add3A_417 : i32 to index
        %get3A_461 = arith.constant 48 : index
        %get3A_462 = tpu.vector_load %arg9[%get3A_460, %get3A_461] {strides = array<i32>} : memref<80x64xi32, #tpu.memory_space<vmem>>, vector<16xi32>,
        %bitcast3A_463 = vector.bitcast %get3A_462 : vector<16xi32> to vector<32xbf16>
        %mul3A_464 = arith.mulf %bitcast3A_459, %bitcast3A_463 : vector<32xbf16>
        %unpack3A_465 = tpu.unpack_subelements %mul3A_464, 0 {pack_format = #tpu.pack_format<interleaved>} : vector<32xbf16> -> vector<16xf32>
        %unpack3A_466 = tpu.unpack_subelements %mul3A_464, 1 {pack_format = #tpu.pack_format<interleaved>} : vector<32xbf16> -> vector<16xf32>
        %add3A_467 = arith.addf %unpack3A_465, %unpack3A_466 : vector<16xf32>
        %add3A_468 = arith.addf %add3A_455, %add3A_467 : vector<16xf32>
        %eq3A_469 = arith.constant 5 : i32
        %eq3A_470 = vector.broadcast %eq3A_469 : i32 to vector<16xi32>
        %eq3A_471 = arith.cmpi eq, %iota3A, %eq3A_470 : vector<16xi32>
        %reduce_sum3A_472 = arith.constant true
        %reduce_sum3A_473 = vector.broadcast %reduce_sum3A_472 : i1 to vector<16xi1>
        %reduce_sum3A_474 = tpu.scan <sum>, %add3A_468 masked %reduce_sum3A_473 : vector<16xf32>, vector<16xi1> -> vector<16xf32>
        %reduce_sum3A_475 = vector.extract %reduce_sum3A_474[15] : f32 from vector<16xf32>
        %broadcast_in_dim3A_476 = vector.broadcast %reduce_sum3A_475 : f32 to vector<16xf32>
        %select_n3A_477 = arith.select %eq3A_471, %broadcast_in_dim3A_476, %select_n3A_413 : vector<16xi1>, vector<16xf32>
        %mul3A_478 = arith.constant 16 : i32
        %mul3A_479 = arith.muli %scan3A_97, %mul3A_478 : i32
        %add3A_480 = arith.constant 6 : i32
        %add3A_481 = arith.addi %mul3A_479, %add3A_480 : i32
        %get3A_482 = arith.index_cast %add3A_481 : i32 to index
        %get3A_483 = arith.constant 0 : index
        %get3A_484 = tpu.vector_load %arg8[%get3A_482, %get3A_483] {strides = array<i32>} : memref<80x64xi32, #tpu.memory_space<vmem>>, vector<16xi32>,
        %bitcast3A_485 = vector.bitcast %get3A_484 : vector<16xi32> to vector<32xbf16>
        %get3A_486 = arith.index_cast %add3A_481 : i32 to index
        %get3A_487 = arith.constant 0 : index
        %get3A_488 = tpu.vector_load %arg9[%get3A_486, %get3A_487] {strides = array<i32>} : memref<80x64xi32, #tpu.memory_space<vmem>>, vector<16xi32>,
        %bitcast3A_489 = vector.bitcast %get3A_488 : vector<16xi32> to vector<32xbf16>
        %mul3A_490 = arith.mulf %bitcast3A_485, %bitcast3A_489 : vector<32xbf16>
        %unpack3A_491 = tpu.unpack_subelements %mul3A_490, 0 {pack_format = #tpu.pack_format<interleaved>} : vector<32xbf16> -> vector<16xf32>
        %unpack3A_492 = tpu.unpack_subelements %mul3A_490, 1 {pack_format = #tpu.pack_format<interleaved>} : vector<32xbf16> -> vector<16xf32>
        %add3A_493 = arith.addf %unpack3A_491, %unpack3A_492 : vector<16xf32>
        %get3A_494 = arith.index_cast %add3A_481 : i32 to index
        %get3A_495 = arith.constant 16 : index
        %get3A_496 = tpu.vector_load %arg8[%get3A_494, %get3A_495] {strides = array<i32>} : memref<80x64xi32, #tpu.memory_space<vmem>>, vector<16xi32>,
        %bitcast3A_497 = vector.bitcast %get3A_496 : vector<16xi32> to vector<32xbf16>
        %get3A_498 = arith.index_cast %add3A_481 : i32 to index
        %get3A_499 = arith.constant 16 : index
        %get3A_500 = tpu.vector_load %arg9[%get3A_498, %get3A_499] {strides = array<i32>} : memref<80x64xi32, #tpu.memory_space<vmem>>, vector<16xi32>,
        %bitcast3A_501 = vector.bitcast %get3A_500 : vector<16xi32> to vector<32xbf16>
        %mul3A_502 = arith.mulf %bitcast3A_497, %bitcast3A_501 : vector<32xbf16>
        %unpack3A_503 = tpu.unpack_subelements %mul3A_502, 0 {pack_format = #tpu.pack_format<interleaved>} : vector<32xbf16> -> vector<16xf32>
        %unpack3A_504 = tpu.unpack_subelements %mul3A_502, 1 {pack_format = #tpu.pack_format<interleaved>} : vector<32xbf16> -> vector<16xf32>
        %add3A_505 = arith.addf %unpack3A_503, %unpack3A_504 : vector<16xf32>
        %add3A_506 = arith.addf %add3A_493, %add3A_505 : vector<16xf32>
        %get3A_507 = arith.index_cast %add3A_481 : i32 to index
        %get3A_508 = arith.constant 32 : index
        %get3A_509 = tpu.vector_load %arg8[%get3A_507, %get3A_508] {strides = array<i32>} : memref<80x64xi32, #tpu.memory_space<vmem>>, vector<16xi32>,
        %bitcast3A_510 = vector.bitcast %get3A_509 : vector<16xi32> to vector<32xbf16>
        %get3A_511 = arith.index_cast %add3A_481 : i32 to index
        %get3A_512 = arith.constant 32 : index
        %get3A_513 = tpu.vector_load %arg9[%get3A_511, %get3A_512] {strides = array<i32>} : memref<80x64xi32, #tpu.memory_space<vmem>>, vector<16xi32>,
        %bitcast3A_514 = vector.bitcast %get3A_513 : vector<16xi32> to vector<32xbf16>
        %mul3A_515 = arith.mulf %bitcast3A_510, %bitcast3A_514 : vector<32xbf16>
        %unpack3A_516 = tpu.unpack_subelements %mul3A_515, 0 {pack_format = #tpu.pack_format<interleaved>} : vector<32xbf16> -> vector<16xf32>
        %unpack3A_517 = tpu.unpack_subelements %mul3A_515, 1 {pack_format = #tpu.pack_format<interleaved>} : vector<32xbf16> -> vector<16xf32>
        %add3A_518 = arith.addf %unpack3A_516, %unpack3A_517 : vector<16xf32>
        %add3A_519 = arith.addf %add3A_506, %add3A_518 : vector<16xf32>
        %get3A_520 = arith.index_cast %add3A_481 : i32 to index
        %get3A_521 = arith.constant 48 : index
        %get3A_522 = tpu.vector_load %arg8[%get3A_520, %get3A_521] {strides = array<i32>} : memref<80x64xi32, #tpu.memory_space<vmem>>, vector<16xi32>,
        %bitcast3A_523 = vector.bitcast %get3A_522 : vector<16xi32> to vector<32xbf16>
        %get3A_524 = arith.index_cast %add3A_481 : i32 to index
        %get3A_525 = arith.constant 48 : index
        %get3A_526 = tpu.vector_load %arg9[%get3A_524, %get3A_525] {strides = array<i32>} : memref<80x64xi32, #tpu.memory_space<vmem>>, vector<16xi32>,
        %bitcast3A_527 = vector.bitcast %get3A_526 : vector<16xi32> to vector<32xbf16>
        %mul3A_528 = arith.mulf %bitcast3A_523, %bitcast3A_527 : vector<32xbf16>
        %unpack3A_529 = tpu.unpack_subelements %mul3A_528, 0 {pack_format = #tpu.pack_format<interleaved>} : vector<32xbf16> -> vector<16xf32>
        %unpack3A_530 = tpu.unpack_subelements %mul3A_528, 1 {pack_format = #tpu.pack_format<interleaved>} : vector<32xbf16> -> vector<16xf32>
        %add3A_531 = arith.addf %unpack3A_529, %unpack3A_530 : vector<16xf32>
        %add3A_532 = arith.addf %add3A_519, %add3A_531 : vector<16xf32>
        %eq3A_533 = arith.constant 6 : i32
        %eq3A_534 = vector.broadcast %eq3A_533 : i32 to vector<16xi32>
        %eq3A_535 = arith.cmpi eq, %iota3A, %eq3A_534 : vector<16xi32>
        %reduce_sum3A_536 = arith.constant true
        %reduce_sum3A_537 = vector.broadcast %reduce_sum3A_536 : i1 to vector<16xi1>
        %reduce_sum3A_538 = tpu.scan <sum>, %add3A_532 masked %reduce_sum3A_537 : vector<16xf32>, vector<16xi1> -> vector<16xf32>
        %reduce_sum3A_539 = vector.extract %reduce_sum3A_538[15] : f32 from vector<16xf32>
        %broadcast_in_dim3A_540 = vector.broadcast %reduce_sum3A_539 : f32 to vector<16xf32>
        %select_n3A_541 = arith.select %eq3A_535, %broadcast_in_dim3A_540, %select_n3A_477 : vector<16xi1>, vector<16xf32>
        %mul3A_542 = arith.constant 16 : i32
        %mul3A_543 = arith.muli %scan3A_97, %mul3A_542 : i32
        %add3A_544 = arith.constant 7 : i32
        %add3A_545 = arith.addi %mul3A_543, %add3A_544 : i32
        %get3A_546 = arith.index_cast %add3A_545 : i32 to index
        %get3A_547 = arith.constant 0 : index
        %get3A_548 = tpu.vector_load %arg8[%get3A_546, %get3A_547] {strides = array<i32>} : memref<80x64xi32, #tpu.memory_space<vmem>>, vector<16xi32>,
        %bitcast3A_549 = vector.bitcast %get3A_548 : vector<16xi32> to vector<32xbf16>
        %get3A_550 = arith.index_cast %add3A_545 : i32 to index
        %get3A_551 = arith.constant 0 : index
        %get3A_552 = tpu.vector_load %arg9[%get3A_550, %get3A_551] {strides = array<i32>} : memref<80x64xi32, #tpu.memory_space<vmem>>, vector<16xi32>,
        %bitcast3A_553 = vector.bitcast %get3A_552 : vector<16xi32> to vector<32xbf16>
        %mul3A_554 = arith.mulf %bitcast3A_549, %bitcast3A_553 : vector<32xbf16>
        %unpack3A_555 = tpu.unpack_subelements %mul3A_554, 0 {pack_format = #tpu.pack_format<interleaved>} : vector<32xbf16> -> vector<16xf32>
        %unpack3A_556 = tpu.unpack_subelements %mul3A_554, 1 {pack_format = #tpu.pack_format<interleaved>} : vector<32xbf16> -> vector<16xf32>
        %add3A_557 = arith.addf %unpack3A_555, %unpack3A_556 : vector<16xf32>
        %get3A_558 = arith.index_cast %add3A_545 : i32 to index
        %get3A_559 = arith.constant 16 : index
        %get3A_560 = tpu.vector_load %arg8[%get3A_558, %get3A_559] {strides = array<i32>} : memref<80x64xi32, #tpu.memory_space<vmem>>, vector<16xi32>,
        %bitcast3A_561 = vector.bitcast %get3A_560 : vector<16xi32> to vector<32xbf16>
        %get3A_562 = arith.index_cast %add3A_545 : i32 to index
        %get3A_563 = arith.constant 16 : index
        %get3A_564 = tpu.vector_load %arg9[%get3A_562, %get3A_563] {strides = array<i32>} : memref<80x64xi32, #tpu.memory_space<vmem>>, vector<16xi32>,
        %bitcast3A_565 = vector.bitcast %get3A_564 : vector<16xi32> to vector<32xbf16>
        %mul3A_566 = arith.mulf %bitcast3A_561, %bitcast3A_565 : vector<32xbf16>
        %unpack3A_567 = tpu.unpack_subelements %mul3A_566, 0 {pack_format = #tpu.pack_format<interleaved>} : vector<32xbf16> -> vector<16xf32>
        %unpack3A_568 = tpu.unpack_subelements %mul3A_566, 1 {pack_format = #tpu.pack_format<interleaved>} : vector<32xbf16> -> vector<16xf32>
        %add3A_569 = arith.addf %unpack3A_567, %unpack3A_568 : vector<16xf32>
        %add3A_570 = arith.addf %add3A_557, %add3A_569 : vector<16xf32>
        %get3A_571 = arith.index_cast %add3A_545 : i32 to index
        %get3A_572 = arith.constant 32 : index
        %get3A_573 = tpu.vector_load %arg8[%get3A_571, %get3A_572] {strides = array<i32>} : memref<80x64xi32, #tpu.memory_space<vmem>>, vector<16xi32>,
        %bitcast3A_574 = vector.bitcast %get3A_573 : vector<16xi32> to vector<32xbf16>
        %get3A_575 = arith.index_cast %add3A_545 : i32 to index
        %get3A_576 = arith.constant 32 : index
        %get3A_577 = tpu.vector_load %arg9[%get3A_575, %get3A_576] {strides = array<i32>} : memref<80x64xi32, #tpu.memory_space<vmem>>, vector<16xi32>,
        %bitcast3A_578 = vector.bitcast %get3A_577 : vector<16xi32> to vector<32xbf16>
        %mul3A_579 = arith.mulf %bitcast3A_574, %bitcast3A_578 : vector<32xbf16>
        %unpack3A_580 = tpu.unpack_subelements %mul3A_579, 0 {pack_format = #tpu.pack_format<interleaved>} : vector<32xbf16> -> vector<16xf32>
        %unpack3A_581 = tpu.unpack_subelements %mul3A_579, 1 {pack_format = #tpu.pack_format<interleaved>} : vector<32xbf16> -> vector<16xf32>
        %add3A_582 = arith.addf %unpack3A_580, %unpack3A_581 : vector<16xf32>
        %add3A_583 = arith.addf %add3A_570, %add3A_582 : vector<16xf32>
        %get3A_584 = arith.index_cast %add3A_545 : i32 to index
        %get3A_585 = arith.constant 48 : index
        %get3A_586 = tpu.vector_load %arg8[%get3A_584, %get3A_585] {strides = array<i32>} : memref<80x64xi32, #tpu.memory_space<vmem>>, vector<16xi32>,
        %bitcast3A_587 = vector.bitcast %get3A_586 : vector<16xi32> to vector<32xbf16>
        %get3A_588 = arith.index_cast %add3A_545 : i32 to index
        %get3A_589 = arith.constant 48 : index
        %get3A_590 = tpu.vector_load %arg9[%get3A_588, %get3A_589] {strides = array<i32>} : memref<80x64xi32, #tpu.memory_space<vmem>>, vector<16xi32>,
        %bitcast3A_591 = vector.bitcast %get3A_590 : vector<16xi32> to vector<32xbf16>
        %mul3A_592 = arith.mulf %bitcast3A_587, %bitcast3A_591 : vector<32xbf16>
        %unpack3A_593 = tpu.unpack_subelements %mul3A_592, 0 {pack_format = #tpu.pack_format<interleaved>} : vector<32xbf16> -> vector<16xf32>
        %unpack3A_594 = tpu.unpack_subelements %mul3A_592, 1 {pack_format = #tpu.pack_format<interleaved>} : vector<32xbf16> -> vector<16xf32>
        %add3A_595 = arith.addf %unpack3A_593, %unpack3A_594 : vector<16xf32>
        %add3A_596 = arith.addf %add3A_583, %add3A_595 : vector<16xf32>
        %eq3A_597 = arith.constant 7 : i32
        %eq3A_598 = vector.broadcast %eq3A_597 : i32 to vector<16xi32>
        %eq3A_599 = arith.cmpi eq, %iota3A, %eq3A_598 : vector<16xi32>
        %reduce_sum3A_600 = arith.constant true
        %reduce_sum3A_601 = vector.broadcast %reduce_sum3A_600 : i1 to vector<16xi1>
        %reduce_sum3A_602 = tpu.scan <sum>, %add3A_596 masked %reduce_sum3A_601 : vector<16xf32>, vector<16xi1> -> vector<16xf32>
        %reduce_sum3A_603 = vector.extract %reduce_sum3A_602[15] : f32 from vector<16xf32>
        %broadcast_in_dim3A_604 = vector.broadcast %reduce_sum3A_603 : f32 to vector<16xf32>
        %select_n3A_605 = arith.select %eq3A_599, %broadcast_in_dim3A_604, %select_n3A_541 : vector<16xi1>, vector<16xf32>
        %mul3A_606 = arith.constant 16 : i32
        %mul3A_607 = arith.muli %scan3A_97, %mul3A_606 : i32
        %add3A_608 = arith.constant 8 : i32
        %add3A_609 = arith.addi %mul3A_607, %add3A_608 : i32
        %get3A_610 = arith.index_cast %add3A_609 : i32 to index
        %get3A_611 = arith.constant 0 : index
        %get3A_612 = tpu.vector_load %arg8[%get3A_610, %get3A_611] {strides = array<i32>} : memref<80x64xi32, #tpu.memory_space<vmem>>, vector<16xi32>,
        %bitcast3A_613 = vector.bitcast %get3A_612 : vector<16xi32> to vector<32xbf16>
        %get3A_614 = arith.index_cast %add3A_609 : i32 to index
        %get3A_615 = arith.constant 0 : index
        %get3A_616 = tpu.vector_load %arg9[%get3A_614, %get3A_615] {strides = array<i32>} : memref<80x64xi32, #tpu.memory_space<vmem>>, vector<16xi32>,
        %bitcast3A_617 = vector.bitcast %get3A_616 : vector<16xi32> to vector<32xbf16>
        %mul3A_618 = arith.mulf %bitcast3A_613, %bitcast3A_617 : vector<32xbf16>
        %unpack3A_619 = tpu.unpack_subelements %mul3A_618, 0 {pack_format = #tpu.pack_format<interleaved>} : vector<32xbf16> -> vector<16xf32>
        %unpack3A_620 = tpu.unpack_subelements %mul3A_618, 1 {pack_format = #tpu.pack_format<interleaved>} : vector<32xbf16> -> vector<16xf32>
        %add3A_621 = arith.addf %unpack3A_619, %unpack3A_620 : vector<16xf32>
        %get3A_622 = arith.index_cast %add3A_609 : i32 to index
        %get3A_623 = arith.constant 16 : index
        %get3A_624 = tpu.vector_load %arg8[%get3A_622, %get3A_623] {strides = array<i32>} : memref<80x64xi32, #tpu.memory_space<vmem>>, vector<16xi32>,
        %bitcast3A_625 = vector.bitcast %get3A_624 : vector<16xi32> to vector<32xbf16>
        %get3A_626 = arith.index_cast %add3A_609 : i32 to index
        %get3A_627 = arith.constant 16 : index
        %get3A_628 = tpu.vector_load %arg9[%get3A_626, %get3A_627] {strides = array<i32>} : memref<80x64xi32, #tpu.memory_space<vmem>>, vector<16xi32>,
        %bitcast3A_629 = vector.bitcast %get3A_628 : vector<16xi32> to vector<32xbf16>
        %mul3A_630 = arith.mulf %bitcast3A_625, %bitcast3A_629 : vector<32xbf16>
        %unpack3A_631 = tpu.unpack_subelements %mul3A_630, 0 {pack_format = #tpu.pack_format<interleaved>} : vector<32xbf16> -> vector<16xf32>
        %unpack3A_632 = tpu.unpack_subelements %mul3A_630, 1 {pack_format = #tpu.pack_format<interleaved>} : vector<32xbf16> -> vector<16xf32>
        %add3A_633 = arith.addf %unpack3A_631, %unpack3A_632 : vector<16xf32>
        %add3A_634 = arith.addf %add3A_621, %add3A_633 : vector<16xf32>
        %get3A_635 = arith.index_cast %add3A_609 : i32 to index
        %get3A_636 = arith.constant 32 : index
        %get3A_637 = tpu.vector_load %arg8[%get3A_635, %get3A_636] {strides = array<i32>} : memref<80x64xi32, #tpu.memory_space<vmem>>, vector<16xi32>,
        %bitcast3A_638 = vector.bitcast %get3A_637 : vector<16xi32> to vector<32xbf16>
        %get3A_639 = arith.index_cast %add3A_609 : i32 to index
        %get3A_640 = arith.constant 32 : index
        %get3A_641 = tpu.vector_load %arg9[%get3A_639, %get3A_640] {strides = array<i32>} : memref<80x64xi32, #tpu.memory_space<vmem>>, vector<16xi32>,
        %bitcast3A_642 = vector.bitcast %get3A_641 : vector<16xi32> to vector<32xbf16>
        %mul3A_643 = arith.mulf %bitcast3A_638, %bitcast3A_642 : vector<32xbf16>
        %unpack3A_644 = tpu.unpack_subelements %mul3A_643, 0 {pack_format = #tpu.pack_format<interleaved>} : vector<32xbf16> -> vector<16xf32>
        %unpack3A_645 = tpu.unpack_subelements %mul3A_643, 1 {pack_format = #tpu.pack_format<interleaved>} : vector<32xbf16> -> vector<16xf32>
        %add3A_646 = arith.addf %unpack3A_644, %unpack3A_645 : vector<16xf32>
        %add3A_647 = arith.addf %add3A_634, %add3A_646 : vector<16xf32>
        %get3A_648 = arith.index_cast %add3A_609 : i32 to index
        %get3A_649 = arith.constant 48 : index
        %get3A_650 = tpu.vector_load %arg8[%get3A_648, %get3A_649] {strides = array<i32>} : memref<80x64xi32, #tpu.memory_space<vmem>>, vector<16xi32>,
        %bitcast3A_651 = vector.bitcast %get3A_650 : vector<16xi32> to vector<32xbf16>
        %get3A_652 = arith.index_cast %add3A_609 : i32 to index
        %get3A_653 = arith.constant 48 : index
        %get3A_654 = tpu.vector_load %arg9[%get3A_652, %get3A_653] {strides = array<i32>} : memref<80x64xi32, #tpu.memory_space<vmem>>, vector<16xi32>,
        %bitcast3A_655 = vector.bitcast %get3A_654 : vector<16xi32> to vector<32xbf16>
        %mul3A_656 = arith.mulf %bitcast3A_651, %bitcast3A_655 : vector<32xbf16>
        %unpack3A_657 = tpu.unpack_subelements %mul3A_656, 0 {pack_format = #tpu.pack_format<interleaved>} : vector<32xbf16> -> vector<16xf32>
        %unpack3A_658 = tpu.unpack_subelements %mul3A_656, 1 {pack_format = #tpu.pack_format<interleaved>} : vector<32xbf16> -> vector<16xf32>
        %add3A_659 = arith.addf %unpack3A_657, %unpack3A_658 : vector<16xf32>
        %add3A_660 = arith.addf %add3A_647, %add3A_659 : vector<16xf32>
        %eq3A_661 = arith.constant 8 : i32
        %eq3A_662 = vector.broadcast %eq3A_661 : i32 to vector<16xi32>
        %eq3A_663 = arith.cmpi eq, %iota3A, %eq3A_662 : vector<16xi32>
        %reduce_sum3A_664 = arith.constant true
        %reduce_sum3A_665 = vector.broadcast %reduce_sum3A_664 : i1 to vector<16xi1>
        %reduce_sum3A_666 = tpu.scan <sum>, %add3A_660 masked %reduce_sum3A_665 : vector<16xf32>, vector<16xi1> -> vector<16xf32>
        %reduce_sum3A_667 = vector.extract %reduce_sum3A_666[15] : f32 from vector<16xf32>
        %broadcast_in_dim3A_668 = vector.broadcast %reduce_sum3A_667 : f32 to vector<16xf32>
        %select_n3A_669 = arith.select %eq3A_663, %broadcast_in_dim3A_668, %select_n3A_605 : vector<16xi1>, vector<16xf32>
        %mul3A_670 = arith.constant 16 : i32
        %mul3A_671 = arith.muli %scan3A_97, %mul3A_670 : i32
        %add3A_672 = arith.constant 9 : i32
        %add3A_673 = arith.addi %mul3A_671, %add3A_672 : i32
        %get3A_674 = arith.index_cast %add3A_673 : i32 to index
        %get3A_675 = arith.constant 0 : index
        %get3A_676 = tpu.vector_load %arg8[%get3A_674, %get3A_675] {strides = array<i32>} : memref<80x64xi32, #tpu.memory_space<vmem>>, vector<16xi32>,
        %bitcast3A_677 = vector.bitcast %get3A_676 : vector<16xi32> to vector<32xbf16>
        %get3A_678 = arith.index_cast %add3A_673 : i32 to index
        %get3A_679 = arith.constant 0 : index
        %get3A_680 = tpu.vector_load %arg9[%get3A_678, %get3A_679] {strides = array<i32>} : memref<80x64xi32, #tpu.memory_space<vmem>>, vector<16xi32>,
        %bitcast3A_681 = vector.bitcast %get3A_680 : vector<16xi32> to vector<32xbf16>
        %mul3A_682 = arith.mulf %bitcast3A_677, %bitcast3A_681 : vector<32xbf16>
        %unpack3A_683 = tpu.unpack_subelements %mul3A_682, 0 {pack_format = #tpu.pack_format<interleaved>} : vector<32xbf16> -> vector<16xf32>
        %unpack3A_684 = tpu.unpack_subelements %mul3A_682, 1 {pack_format = #tpu.pack_format<interleaved>} : vector<32xbf16> -> vector<16xf32>
        %add3A_685 = arith.addf %unpack3A_683, %unpack3A_684 : vector<16xf32>
        %get3A_686 = arith.index_cast %add3A_673 : i32 to index
        %get3A_687 = arith.constant 16 : index
        %get3A_688 = tpu.vector_load %arg8[%get3A_686, %get3A_687] {strides = array<i32>} : memref<80x64xi32, #tpu.memory_space<vmem>>, vector<16xi32>,
        %bitcast3A_689 = vector.bitcast %get3A_688 : vector<16xi32> to vector<32xbf16>
        %get3A_690 = arith.index_cast %add3A_673 : i32 to index
        %get3A_691 = arith.constant 16 : index
        %get3A_692 = tpu.vector_load %arg9[%get3A_690, %get3A_691] {strides = array<i32>} : memref<80x64xi32, #tpu.memory_space<vmem>>, vector<16xi32>,
        %bitcast3A_693 = vector.bitcast %get3A_692 : vector<16xi32> to vector<32xbf16>
        %mul3A_694 = arith.mulf %bitcast3A_689, %bitcast3A_693 : vector<32xbf16>
        %unpack3A_695 = tpu.unpack_subelements %mul3A_694, 0 {pack_format = #tpu.pack_format<interleaved>} : vector<32xbf16> -> vector<16xf32>
        %unpack3A_696 = tpu.unpack_subelements %mul3A_694, 1 {pack_format = #tpu.pack_format<interleaved>} : vector<32xbf16> -> vector<16xf32>
        %add3A_697 = arith.addf %unpack3A_695, %unpack3A_696 : vector<16xf32>
        %add3A_698 = arith.addf %add3A_685, %add3A_697 : vector<16xf32>
        %get3A_699 = arith.index_cast %add3A_673 : i32 to index
        %get3A_700 = arith.constant 32 : index
        %get3A_701 = tpu.vector_load %arg8[%get3A_699, %get3A_700] {strides = array<i32>} : memref<80x64xi32, #tpu.memory_space<vmem>>, vector<16xi32>,
        %bitcast3A_702 = vector.bitcast %get3A_701 : vector<16xi32> to vector<32xbf16>
        %get3A_703 = arith.index_cast %add3A_673 : i32 to index
        %get3A_704 = arith.constant 32 : index
        %get3A_705 = tpu.vector_load %arg9[%get3A_703, %get3A_704] {strides = array<i32>} : memref<80x64xi32, #tpu.memory_space<vmem>>, vector<16xi32>,
        %bitcast3A_706 = vector.bitcast %get3A_705 : vector<16xi32> to vector<32xbf16>
        %mul3A_707 = arith.mulf %bitcast3A_702, %bitcast3A_706 : vector<32xbf16>
        %unpack3A_708 = tpu.unpack_subelements %mul3A_707, 0 {pack_format = #tpu.pack_format<interleaved>} : vector<32xbf16> -> vector<16xf32>
        %unpack3A_709 = tpu.unpack_subelements %mul3A_707, 1 {pack_format = #tpu.pack_format<interleaved>} : vector<32xbf16> -> vector<16xf32>
        %add3A_710 = arith.addf %unpack3A_708, %unpack3A_709 : vector<16xf32>
        %add3A_711 = arith.addf %add3A_698, %add3A_710 : vector<16xf32>
        %get3A_712 = arith.index_cast %add3A_673 : i32 to index
        %get3A_713 = arith.constant 48 : index
        %get3A_714 = tpu.vector_load %arg8[%get3A_712, %get3A_713] {strides = array<i32>} : memref<80x64xi32, #tpu.memory_space<vmem>>, vector<16xi32>,
        %bitcast3A_715 = vector.bitcast %get3A_714 : vector<16xi32> to vector<32xbf16>
        %get3A_716 = arith.index_cast %add3A_673 : i32 to index
        %get3A_717 = arith.constant 48 : index
        %get3A_718 = tpu.vector_load %arg9[%get3A_716, %get3A_717] {strides = array<i32>} : memref<80x64xi32, #tpu.memory_space<vmem>>, vector<16xi32>,
        %bitcast3A_719 = vector.bitcast %get3A_718 : vector<16xi32> to vector<32xbf16>
        %mul3A_720 = arith.mulf %bitcast3A_715, %bitcast3A_719 : vector<32xbf16>
        %unpack3A_721 = tpu.unpack_subelements %mul3A_720, 0 {pack_format = #tpu.pack_format<interleaved>} : vector<32xbf16> -> vector<16xf32>
        %unpack3A_722 = tpu.unpack_subelements %mul3A_720, 1 {pack_format = #tpu.pack_format<interleaved>} : vector<32xbf16> -> vector<16xf32>
        %add3A_723 = arith.addf %unpack3A_721, %unpack3A_722 : vector<16xf32>
        %add3A_724 = arith.addf %add3A_711, %add3A_723 : vector<16xf32>
        %eq3A_725 = arith.constant 9 : i32
        %eq3A_726 = vector.broadcast %eq3A_725 : i32 to vector<16xi32>
        %eq3A_727 = arith.cmpi eq, %iota3A, %eq3A_726 : vector<16xi32>
        %reduce_sum3A_728 = arith.constant true
        %reduce_sum3A_729 = vector.broadcast %reduce_sum3A_728 : i1 to vector<16xi1>
        %reduce_sum3A_730 = tpu.scan <sum>, %add3A_724 masked %reduce_sum3A_729 : vector<16xf32>, vector<16xi1> -> vector<16xf32>
        %reduce_sum3A_731 = vector.extract %reduce_sum3A_730[15] : f32 from vector<16xf32>
        %broadcast_in_dim3A_732 = vector.broadcast %reduce_sum3A_731 : f32 to vector<16xf32>
        %select_n3A_733 = arith.select %eq3A_727, %broadcast_in_dim3A_732, %select_n3A_669 : vector<16xi1>, vector<16xf32>
        %mul3A_734 = arith.constant 16 : i32
        %mul3A_735 = arith.muli %scan3A_97, %mul3A_734 : i32
        %add3A_736 = arith.constant 10 : i32
        %add3A_737 = arith.addi %mul3A_735, %add3A_736 : i32
        %get3A_738 = arith.index_cast %add3A_737 : i32 to index
        %get3A_739 = arith.constant 0 : index
        %get3A_740 = tpu.vector_load %arg8[%get3A_738, %get3A_739] {strides = array<i32>} : memref<80x64xi32, #tpu.memory_space<vmem>>, vector<16xi32>,
        %bitcast3A_741 = vector.bitcast %get3A_740 : vector<16xi32> to vector<32xbf16>
        %get3A_742 = arith.index_cast %add3A_737 : i32 to index
        %get3A_743 = arith.constant 0 : index
        %get3A_744 = tpu.vector_load %arg9[%get3A_742, %get3A_743] {strides = array<i32>} : memref<80x64xi32, #tpu.memory_space<vmem>>, vector<16xi32>,
        %bitcast3A_745 = vector.bitcast %get3A_744 : vector<16xi32> to vector<32xbf16>
        %mul3A_746 = arith.mulf %bitcast3A_741, %bitcast3A_745 : vector<32xbf16>
        %unpack3A_747 = tpu.unpack_subelements %mul3A_746, 0 {pack_format = #tpu.pack_format<interleaved>} : vector<32xbf16> -> vector<16xf32>
        %unpack3A_748 = tpu.unpack_subelements %mul3A_746, 1 {pack_format = #tpu.pack_format<interleaved>} : vector<32xbf16> -> vector<16xf32>
        %add3A_749 = arith.addf %unpack3A_747, %unpack3A_748 : vector<16xf32>
        %get3A_750 = arith.index_cast %add3A_737 : i32 to index
        %get3A_751 = arith.constant 16 : index
        %get3A_752 = tpu.vector_load %arg8[%get3A_750, %get3A_751] {strides = array<i32>} : memref<80x64xi32, #tpu.memory_space<vmem>>, vector<16xi32>,
        %bitcast3A_753 = vector.bitcast %get3A_752 : vector<16xi32> to vector<32xbf16>
        %get3A_754 = arith.index_cast %add3A_737 : i32 to index
        %get3A_755 = arith.constant 16 : index
        %get3A_756 = tpu.vector_load %arg9[%get3A_754, %get3A_755] {strides = array<i32>} : memref<80x64xi32, #tpu.memory_space<vmem>>, vector<16xi32>,
        %bitcast3A_757 = vector.bitcast %get3A_756 : vector<16xi32> to vector<32xbf16>
        %mul3A_758 = arith.mulf %bitcast3A_753, %bitcast3A_757 : vector<32xbf16>
        %unpack3A_759 = tpu.unpack_subelements %mul3A_758, 0 {pack_format = #tpu.pack_format<interleaved>} : vector<32xbf16> -> vector<16xf32>
        %unpack3A_760 = tpu.unpack_subelements %mul3A_758, 1 {pack_format = #tpu.pack_format<interleaved>} : vector<32xbf16> -> vector<16xf32>
        %add3A_761 = arith.addf %unpack3A_759, %unpack3A_760 : vector<16xf32>
        %add3A_762 = arith.addf %add3A_749, %add3A_761 : vector<16xf32>
        %get3A_763 = arith.index_cast %add3A_737 : i32 to index
        %get3A_764 = arith.constant 32 : index
        %get3A_765 = tpu.vector_load %arg8[%get3A_763, %get3A_764] {strides = array<i32>} : memref<80x64xi32, #tpu.memory_space<vmem>>, vector<16xi32>,
        %bitcast3A_766 = vector.bitcast %get3A_765 : vector<16xi32> to vector<32xbf16>
        %get3A_767 = arith.index_cast %add3A_737 : i32 to index
        %get3A_768 = arith.constant 32 : index
        %get3A_769 = tpu.vector_load %arg9[%get3A_767, %get3A_768] {strides = array<i32>} : memref<80x64xi32, #tpu.memory_space<vmem>>, vector<16xi32>,
        %bitcast3A_770 = vector.bitcast %get3A_769 : vector<16xi32> to vector<32xbf16>
        %mul3A_771 = arith.mulf %bitcast3A_766, %bitcast3A_770 : vector<32xbf16>
        %unpack3A_772 = tpu.unpack_subelements %mul3A_771, 0 {pack_format = #tpu.pack_format<interleaved>} : vector<32xbf16> -> vector<16xf32>
        %unpack3A_773 = tpu.unpack_subelements %mul3A_771, 1 {pack_format = #tpu.pack_format<interleaved>} : vector<32xbf16> -> vector<16xf32>
        %add3A_774 = arith.addf %unpack3A_772, %unpack3A_773 : vector<16xf32>
        %add3A_775 = arith.addf %add3A_762, %add3A_774 : vector<16xf32>
        %get3A_776 = arith.index_cast %add3A_737 : i32 to index
        %get3A_777 = arith.constant 48 : index
        %get3A_778 = tpu.vector_load %arg8[%get3A_776, %get3A_777] {strides = array<i32>} : memref<80x64xi32, #tpu.memory_space<vmem>>, vector<16xi32>,
        %bitcast3A_779 = vector.bitcast %get3A_778 : vector<16xi32> to vector<32xbf16>
        %get3A_780 = arith.index_cast %add3A_737 : i32 to index
        %get3A_781 = arith.constant 48 : index
        %get3A_782 = tpu.vector_load %arg9[%get3A_780, %get3A_781] {strides = array<i32>} : memref<80x64xi32, #tpu.memory_space<vmem>>, vector<16xi32>,
        %bitcast3A_783 = vector.bitcast %get3A_782 : vector<16xi32> to vector<32xbf16>
        %mul3A_784 = arith.mulf %bitcast3A_779, %bitcast3A_783 : vector<32xbf16>
        %unpack3A_785 = tpu.unpack_subelements %mul3A_784, 0 {pack_format = #tpu.pack_format<interleaved>} : vector<32xbf16> -> vector<16xf32>
        %unpack3A_786 = tpu.unpack_subelements %mul3A_784, 1 {pack_format = #tpu.pack_format<interleaved>} : vector<32xbf16> -> vector<16xf32>
        %add3A_787 = arith.addf %unpack3A_785, %unpack3A_786 : vector<16xf32>
        %add3A_788 = arith.addf %add3A_775, %add3A_787 : vector<16xf32>
        %eq3A_789 = arith.constant 10 : i32
        %eq3A_790 = vector.broadcast %eq3A_789 : i32 to vector<16xi32>
        %eq3A_791 = arith.cmpi eq, %iota3A, %eq3A_790 : vector<16xi32>
        %reduce_sum3A_792 = arith.constant true
        %reduce_sum3A_793 = vector.broadcast %reduce_sum3A_792 : i1 to vector<16xi1>
        %reduce_sum3A_794 = tpu.scan <sum>, %add3A_788 masked %reduce_sum3A_793 : vector<16xf32>, vector<16xi1> -> vector<16xf32>
        %reduce_sum3A_795 = vector.extract %reduce_sum3A_794[15] : f32 from vector<16xf32>
        %broadcast_in_dim3A_796 = vector.broadcast %reduce_sum3A_795 : f32 to vector<16xf32>
        %select_n3A_797 = arith.select %eq3A_791, %broadcast_in_dim3A_796, %select_n3A_733 : vector<16xi1>, vector<16xf32>
        %mul3A_798 = arith.constant 16 : i32
        %mul3A_799 = arith.muli %scan3A_97, %mul3A_798 : i32
        %add3A_800 = arith.constant 11 : i32
        %add3A_801 = arith.addi %mul3A_799, %add3A_800 : i32
        %get3A_802 = arith.index_cast %add3A_801 : i32 to index
        %get3A_803 = arith.constant 0 : index
        %get3A_804 = tpu.vector_load %arg8[%get3A_802, %get3A_803] {strides = array<i32>} : memref<80x64xi32, #tpu.memory_space<vmem>>, vector<16xi32>,
        %bitcast3A_805 = vector.bitcast %get3A_804 : vector<16xi32> to vector<32xbf16>
        %get3A_806 = arith.index_cast %add3A_801 : i32 to index
        %get3A_807 = arith.constant 0 : index
        %get3A_808 = tpu.vector_load %arg9[%get3A_806, %get3A_807] {strides = array<i32>} : memref<80x64xi32, #tpu.memory_space<vmem>>, vector<16xi32>,
        %bitcast3A_809 = vector.bitcast %get3A_808 : vector<16xi32> to vector<32xbf16>
        %mul3A_810 = arith.mulf %bitcast3A_805, %bitcast3A_809 : vector<32xbf16>
        %unpack3A_811 = tpu.unpack_subelements %mul3A_810, 0 {pack_format = #tpu.pack_format<interleaved>} : vector<32xbf16> -> vector<16xf32>
        %unpack3A_812 = tpu.unpack_subelements %mul3A_810, 1 {pack_format = #tpu.pack_format<interleaved>} : vector<32xbf16> -> vector<16xf32>
        %add3A_813 = arith.addf %unpack3A_811, %unpack3A_812 : vector<16xf32>
        %get3A_814 = arith.index_cast %add3A_801 : i32 to index
        %get3A_815 = arith.constant 16 : index
        %get3A_816 = tpu.vector_load %arg8[%get3A_814, %get3A_815] {strides = array<i32>} : memref<80x64xi32, #tpu.memory_space<vmem>>, vector<16xi32>,
        %bitcast3A_817 = vector.bitcast %get3A_816 : vector<16xi32> to vector<32xbf16>
        %get3A_818 = arith.index_cast %add3A_801 : i32 to index
        %get3A_819 = arith.constant 16 : index
        %get3A_820 = tpu.vector_load %arg9[%get3A_818, %get3A_819] {strides = array<i32>} : memref<80x64xi32, #tpu.memory_space<vmem>>, vector<16xi32>,
        %bitcast3A_821 = vector.bitcast %get3A_820 : vector<16xi32> to vector<32xbf16>
        %mul3A_822 = arith.mulf %bitcast3A_817, %bitcast3A_821 : vector<32xbf16>
        %unpack3A_823 = tpu.unpack_subelements %mul3A_822, 0 {pack_format = #tpu.pack_format<interleaved>} : vector<32xbf16> -> vector<16xf32>
        %unpack3A_824 = tpu.unpack_subelements %mul3A_822, 1 {pack_format = #tpu.pack_format<interleaved>} : vector<32xbf16> -> vector<16xf32>
        %add3A_825 = arith.addf %unpack3A_823, %unpack3A_824 : vector<16xf32>
        %add3A_826 = arith.addf %add3A_813, %add3A_825 : vector<16xf32>
        %get3A_827 = arith.index_cast %add3A_801 : i32 to index
        %get3A_828 = arith.constant 32 : index
        %get3A_829 = tpu.vector_load %arg8[%get3A_827, %get3A_828] {strides = array<i32>} : memref<80x64xi32, #tpu.memory_space<vmem>>, vector<16xi32>,
        %bitcast3A_830 = vector.bitcast %get3A_829 : vector<16xi32> to vector<32xbf16>
        %get3A_831 = arith.index_cast %add3A_801 : i32 to index
        %get3A_832 = arith.constant 32 : index
        %get3A_833 = tpu.vector_load %arg9[%get3A_831, %get3A_832] {strides = array<i32>} : memref<80x64xi32, #tpu.memory_space<vmem>>, vector<16xi32>,
        %bitcast3A_834 = vector.bitcast %get3A_833 : vector<16xi32> to vector<32xbf16>
        %mul3A_835 = arith.mulf %bitcast3A_830, %bitcast3A_834 : vector<32xbf16>
        %unpack3A_836 = tpu.unpack_subelements %mul3A_835, 0 {pack_format = #tpu.pack_format<interleaved>} : vector<32xbf16> -> vector<16xf32>
        %unpack3A_837 = tpu.unpack_subelements %mul3A_835, 1 {pack_format = #tpu.pack_format<interleaved>} : vector<32xbf16> -> vector<16xf32>
        %add3A_838 = arith.addf %unpack3A_836, %unpack3A_837 : vector<16xf32>
        %add3A_839 = arith.addf %add3A_826, %add3A_838 : vector<16xf32>
        %get3A_840 = arith.index_cast %add3A_801 : i32 to index
        %get3A_841 = arith.constant 48 : index
        %get3A_842 = tpu.vector_load %arg8[%get3A_840, %get3A_841] {strides = array<i32>} : memref<80x64xi32, #tpu.memory_space<vmem>>, vector<16xi32>,
        %bitcast3A_843 = vector.bitcast %get3A_842 : vector<16xi32> to vector<32xbf16>
        %get3A_844 = arith.index_cast %add3A_801 : i32 to index
        %get3A_845 = arith.constant 48 : index
        %get3A_846 = tpu.vector_load %arg9[%get3A_844, %get3A_845] {strides = array<i32>} : memref<80x64xi32, #tpu.memory_space<vmem>>, vector<16xi32>,
        %bitcast3A_847 = vector.bitcast %get3A_846 : vector<16xi32> to vector<32xbf16>
        %mul3A_848 = arith.mulf %bitcast3A_843, %bitcast3A_847 : vector<32xbf16>
        %unpack3A_849 = tpu.unpack_subelements %mul3A_848, 0 {pack_format = #tpu.pack_format<interleaved>} : vector<32xbf16> -> vector<16xf32>
        %unpack3A_850 = tpu.unpack_subelements %mul3A_848, 1 {pack_format = #tpu.pack_format<interleaved>} : vector<32xbf16> -> vector<16xf32>
        %add3A_851 = arith.addf %unpack3A_849, %unpack3A_850 : vector<16xf32>
        %add3A_852 = arith.addf %add3A_839, %add3A_851 : vector<16xf32>
        %eq3A_853 = arith.constant 11 : i32
        %eq3A_854 = vector.broadcast %eq3A_853 : i32 to vector<16xi32>
        %eq3A_855 = arith.cmpi eq, %iota3A, %eq3A_854 : vector<16xi32>
        %reduce_sum3A_856 = arith.constant true
        %reduce_sum3A_857 = vector.broadcast %reduce_sum3A_856 : i1 to vector<16xi1>
        %reduce_sum3A_858 = tpu.scan <sum>, %add3A_852 masked %reduce_sum3A_857 : vector<16xf32>, vector<16xi1> -> vector<16xf32>
        %reduce_sum3A_859 = vector.extract %reduce_sum3A_858[15] : f32 from vector<16xf32>
        %broadcast_in_dim3A_860 = vector.broadcast %reduce_sum3A_859 : f32 to vector<16xf32>
        %select_n3A_861 = arith.select %eq3A_855, %broadcast_in_dim3A_860, %select_n3A_797 : vector<16xi1>, vector<16xf32>
        %mul3A_862 = arith.constant 16 : i32
        %mul3A_863 = arith.muli %scan3A_97, %mul3A_862 : i32
        %add3A_864 = arith.constant 12 : i32
        %add3A_865 = arith.addi %mul3A_863, %add3A_864 : i32
        %get3A_866 = arith.index_cast %add3A_865 : i32 to index
        %get3A_867 = arith.constant 0 : index
        %get3A_868 = tpu.vector_load %arg8[%get3A_866, %get3A_867] {strides = array<i32>} : memref<80x64xi32, #tpu.memory_space<vmem>>, vector<16xi32>,
        %bitcast3A_869 = vector.bitcast %get3A_868 : vector<16xi32> to vector<32xbf16>
        %get3A_870 = arith.index_cast %add3A_865 : i32 to index
        %get3A_871 = arith.constant 0 : index
        %get3A_872 = tpu.vector_load %arg9[%get3A_870, %get3A_871] {strides = array<i32>} : memref<80x64xi32, #tpu.memory_space<vmem>>, vector<16xi32>,
        %bitcast3A_873 = vector.bitcast %get3A_872 : vector<16xi32> to vector<32xbf16>
        %mul3A_874 = arith.mulf %bitcast3A_869, %bitcast3A_873 : vector<32xbf16>
        %unpack3A_875 = tpu.unpack_subelements %mul3A_874, 0 {pack_format = #tpu.pack_format<interleaved>} : vector<32xbf16> -> vector<16xf32>
        %unpack3A_876 = tpu.unpack_subelements %mul3A_874, 1 {pack_format = #tpu.pack_format<interleaved>} : vector<32xbf16> -> vector<16xf32>
        %add3A_877 = arith.addf %unpack3A_875, %unpack3A_876 : vector<16xf32>
        %get3A_878 = arith.index_cast %add3A_865 : i32 to index
        %get3A_879 = arith.constant 16 : index
        %get3A_880 = tpu.vector_load %arg8[%get3A_878, %get3A_879] {strides = array<i32>} : memref<80x64xi32, #tpu.memory_space<vmem>>, vector<16xi32>,
        %bitcast3A_881 = vector.bitcast %get3A_880 : vector<16xi32> to vector<32xbf16>
        %get3A_882 = arith.index_cast %add3A_865 : i32 to index
        %get3A_883 = arith.constant 16 : index
        %get3A_884 = tpu.vector_load %arg9[%get3A_882, %get3A_883] {strides = array<i32>} : memref<80x64xi32, #tpu.memory_space<vmem>>, vector<16xi32>,
        %bitcast3A_885 = vector.bitcast %get3A_884 : vector<16xi32> to vector<32xbf16>
        %mul3A_886 = arith.mulf %bitcast3A_881, %bitcast3A_885 : vector<32xbf16>
        %unpack3A_887 = tpu.unpack_subelements %mul3A_886, 0 {pack_format = #tpu.pack_format<interleaved>} : vector<32xbf16> -> vector<16xf32>
        %unpack3A_888 = tpu.unpack_subelements %mul3A_886, 1 {pack_format = #tpu.pack_format<interleaved>} : vector<32xbf16> -> vector<16xf32>
        %add3A_889 = arith.addf %unpack3A_887, %unpack3A_888 : vector<16xf32>
        %add3A_890 = arith.addf %add3A_877, %add3A_889 : vector<16xf32>
        %get3A_891 = arith.index_cast %add3A_865 : i32 to index
        %get3A_892 = arith.constant 32 : index
        %get3A_893 = tpu.vector_load %arg8[%get3A_891, %get3A_892] {strides = array<i32>} : memref<80x64xi32, #tpu.memory_space<vmem>>, vector<16xi32>,
        %bitcast3A_894 = vector.bitcast %get3A_893 : vector<16xi32> to vector<32xbf16>
        %get3A_895 = arith.index_cast %add3A_865 : i32 to index
        %get3A_896 = arith.constant 32 : index
        %get3A_897 = tpu.vector_load %arg9[%get3A_895, %get3A_896] {strides = array<i32>} : memref<80x64xi32, #tpu.memory_space<vmem>>, vector<16xi32>,
        %bitcast3A_898 = vector.bitcast %get3A_897 : vector<16xi32> to vector<32xbf16>
        %mul3A_899 = arith.mulf %bitcast3A_894, %bitcast3A_898 : vector<32xbf16>
        %unpack3A_900 = tpu.unpack_subelements %mul3A_899, 0 {pack_format = #tpu.pack_format<interleaved>} : vector<32xbf16> -> vector<16xf32>
        %unpack3A_901 = tpu.unpack_subelements %mul3A_899, 1 {pack_format = #tpu.pack_format<interleaved>} : vector<32xbf16> -> vector<16xf32>
        %add3A_902 = arith.addf %unpack3A_900, %unpack3A_901 : vector<16xf32>
        %add3A_903 = arith.addf %add3A_890, %add3A_902 : vector<16xf32>
        %get3A_904 = arith.index_cast %add3A_865 : i32 to index
        %get3A_905 = arith.constant 48 : index
        %get3A_906 = tpu.vector_load %arg8[%get3A_904, %get3A_905] {strides = array<i32>} : memref<80x64xi32, #tpu.memory_space<vmem>>, vector<16xi32>,
        %bitcast3A_907 = vector.bitcast %get3A_906 : vector<16xi32> to vector<32xbf16>
        %get3A_908 = arith.index_cast %add3A_865 : i32 to index
        %get3A_909 = arith.constant 48 : index
        %get3A_910 = tpu.vector_load %arg9[%get3A_908, %get3A_909] {strides = array<i32>} : memref<80x64xi32, #tpu.memory_space<vmem>>, vector<16xi32>,
        %bitcast3A_911 = vector.bitcast %get3A_910 : vector<16xi32> to vector<32xbf16>
        %mul3A_912 = arith.mulf %bitcast3A_907, %bitcast3A_911 : vector<32xbf16>
        %unpack3A_913 = tpu.unpack_subelements %mul3A_912, 0 {pack_format = #tpu.pack_format<interleaved>} : vector<32xbf16> -> vector<16xf32>
        %unpack3A_914 = tpu.unpack_subelements %mul3A_912, 1 {pack_format = #tpu.pack_format<interleaved>} : vector<32xbf16> -> vector<16xf32>
        %add3A_915 = arith.addf %unpack3A_913, %unpack3A_914 : vector<16xf32>
        %add3A_916 = arith.addf %add3A_903, %add3A_915 : vector<16xf32>
        %eq3A_917 = arith.constant 12 : i32
        %eq3A_918 = vector.broadcast %eq3A_917 : i32 to vector<16xi32>
        %eq3A_919 = arith.cmpi eq, %iota3A, %eq3A_918 : vector<16xi32>
        %reduce_sum3A_920 = arith.constant true
        %reduce_sum3A_921 = vector.broadcast %reduce_sum3A_920 : i1 to vector<16xi1>
        %reduce_sum3A_922 = tpu.scan <sum>, %add3A_916 masked %reduce_sum3A_921 : vector<16xf32>, vector<16xi1> -> vector<16xf32>
        %reduce_sum3A_923 = vector.extract %reduce_sum3A_922[15] : f32 from vector<16xf32>
        %broadcast_in_dim3A_924 = vector.broadcast %reduce_sum3A_923 : f32 to vector<16xf32>
        %select_n3A_925 = arith.select %eq3A_919, %broadcast_in_dim3A_924, %select_n3A_861 : vector<16xi1>, vector<16xf32>
        %mul3A_926 = arith.constant 16 : i32
        %mul3A_927 = arith.muli %scan3A_97, %mul3A_926 : i32
        %add3A_928 = arith.constant 13 : i32
        %add3A_929 = arith.addi %mul3A_927, %add3A_928 : i32
        %get3A_930 = arith.index_cast %add3A_929 : i32 to index
        %get3A_931 = arith.constant 0 : index
        %get3A_932 = tpu.vector_load %arg8[%get3A_930, %get3A_931] {strides = array<i32>} : memref<80x64xi32, #tpu.memory_space<vmem>>, vector<16xi32>,
        %bitcast3A_933 = vector.bitcast %get3A_932 : vector<16xi32> to vector<32xbf16>
        %get3A_934 = arith.index_cast %add3A_929 : i32 to index
        %get3A_935 = arith.constant 0 : index
        %get3A_936 = tpu.vector_load %arg9[%get3A_934, %get3A_935] {strides = array<i32>} : memref<80x64xi32, #tpu.memory_space<vmem>>, vector<16xi32>,
        %bitcast3A_937 = vector.bitcast %get3A_936 : vector<16xi32> to vector<32xbf16>
        %mul3A_938 = arith.mulf %bitcast3A_933, %bitcast3A_937 : vector<32xbf16>
        %unpack3A_939 = tpu.unpack_subelements %mul3A_938, 0 {pack_format = #tpu.pack_format<interleaved>} : vector<32xbf16> -> vector<16xf32>
        %unpack3A_940 = tpu.unpack_subelements %mul3A_938, 1 {pack_format = #tpu.pack_format<interleaved>} : vector<32xbf16> -> vector<16xf32>
        %add3A_941 = arith.addf %unpack3A_939, %unpack3A_940 : vector<16xf32>
        %get3A_942 = arith.index_cast %add3A_929 : i32 to index
        %get3A_943 = arith.constant 16 : index
        %get3A_944 = tpu.vector_load %arg8[%get3A_942, %get3A_943] {strides = array<i32>} : memref<80x64xi32, #tpu.memory_space<vmem>>, vector<16xi32>,
        %bitcast3A_945 = vector.bitcast %get3A_944 : vector<16xi32> to vector<32xbf16>
        %get3A_946 = arith.index_cast %add3A_929 : i32 to index
        %get3A_947 = arith.constant 16 : index
        %get3A_948 = tpu.vector_load %arg9[%get3A_946, %get3A_947] {strides = array<i32>} : memref<80x64xi32, #tpu.memory_space<vmem>>, vector<16xi32>,
        %bitcast3A_949 = vector.bitcast %get3A_948 : vector<16xi32> to vector<32xbf16>
        %mul3A_950 = arith.mulf %bitcast3A_945, %bitcast3A_949 : vector<32xbf16>
        %unpack3A_951 = tpu.unpack_subelements %mul3A_950, 0 {pack_format = #tpu.pack_format<interleaved>} : vector<32xbf16> -> vector<16xf32>
        %unpack3A_952 = tpu.unpack_subelements %mul3A_950, 1 {pack_format = #tpu.pack_format<interleaved>} : vector<32xbf16> -> vector<16xf32>
        %add3A_953 = arith.addf %unpack3A_951, %unpack3A_952 : vector<16xf32>
        %add3A_954 = arith.addf %add3A_941, %add3A_953 : vector<16xf32>
        %get3A_955 = arith.index_cast %add3A_929 : i32 to index
        %get3A_956 = arith.constant 32 : index
        %get3A_957 = tpu.vector_load %arg8[%get3A_955, %get3A_956] {strides = array<i32>} : memref<80x64xi32, #tpu.memory_space<vmem>>, vector<16xi32>,
        %bitcast3A_958 = vector.bitcast %get3A_957 : vector<16xi32> to vector<32xbf16>
        %get3A_959 = arith.index_cast %add3A_929 : i32 to index
        %get3A_960 = arith.constant 32 : index
        %get3A_961 = tpu.vector_load %arg9[%get3A_959, %get3A_960] {strides = array<i32>} : memref<80x64xi32, #tpu.memory_space<vmem>>, vector<16xi32>,
        %bitcast3A_962 = vector.bitcast %get3A_961 : vector<16xi32> to vector<32xbf16>
        %mul3A_963 = arith.mulf %bitcast3A_958, %bitcast3A_962 : vector<32xbf16>
        %unpack3A_964 = tpu.unpack_subelements %mul3A_963, 0 {pack_format = #tpu.pack_format<interleaved>} : vector<32xbf16> -> vector<16xf32>
        %unpack3A_965 = tpu.unpack_subelements %mul3A_963, 1 {pack_format = #tpu.pack_format<interleaved>} : vector<32xbf16> -> vector<16xf32>
        %add3A_966 = arith.addf %unpack3A_964, %unpack3A_965 : vector<16xf32>
        %add3A_967 = arith.addf %add3A_954, %add3A_966 : vector<16xf32>
        %get3A_968 = arith.index_cast %add3A_929 : i32 to index
        %get3A_969 = arith.constant 48 : index
        %get3A_970 = tpu.vector_load %arg8[%get3A_968, %get3A_969] {strides = array<i32>} : memref<80x64xi32, #tpu.memory_space<vmem>>, vector<16xi32>,
        %bitcast3A_971 = vector.bitcast %get3A_970 : vector<16xi32> to vector<32xbf16>
        %get3A_972 = arith.index_cast %add3A_929 : i32 to index
        %get3A_973 = arith.constant 48 : index
        %get3A_974 = tpu.vector_load %arg9[%get3A_972, %get3A_973] {strides = array<i32>} : memref<80x64xi32, #tpu.memory_space<vmem>>, vector<16xi32>,
        %bitcast3A_975 = vector.bitcast %get3A_974 : vector<16xi32> to vector<32xbf16>
        %mul3A_976 = arith.mulf %bitcast3A_971, %bitcast3A_975 : vector<32xbf16>
        %unpack3A_977 = tpu.unpack_subelements %mul3A_976, 0 {pack_format = #tpu.pack_format<interleaved>} : vector<32xbf16> -> vector<16xf32>
        %unpack3A_978 = tpu.unpack_subelements %mul3A_976, 1 {pack_format = #tpu.pack_format<interleaved>} : vector<32xbf16> -> vector<16xf32>
        %add3A_979 = arith.addf %unpack3A_977, %unpack3A_978 : vector<16xf32>
        %add3A_980 = arith.addf %add3A_967, %add3A_979 : vector<16xf32>
        %eq3A_981 = arith.constant 13 : i32
        %eq3A_982 = vector.broadcast %eq3A_981 : i32 to vector<16xi32>
        %eq3A_983 = arith.cmpi eq, %iota3A, %eq3A_982 : vector<16xi32>
        %reduce_sum3A_984 = arith.constant true
        %reduce_sum3A_985 = vector.broadcast %reduce_sum3A_984 : i1 to vector<16xi1>
        %reduce_sum3A_986 = tpu.scan <sum>, %add3A_980 masked %reduce_sum3A_985 : vector<16xf32>, vector<16xi1> -> vector<16xf32>
        %reduce_sum3A_987 = vector.extract %reduce_sum3A_986[15] : f32 from vector<16xf32>
        %broadcast_in_dim3A_988 = vector.broadcast %reduce_sum3A_987 : f32 to vector<16xf32>
        %select_n3A_989 = arith.select %eq3A_983, %broadcast_in_dim3A_988, %select_n3A_925 : vector<16xi1>, vector<16xf32>
        %mul3A_990 = arith.constant 16 : i32
        %mul3A_991 = arith.muli %scan3A_97, %mul3A_990 : i32
        %add3A_992 = arith.constant 14 : i32
        %add3A_993 = arith.addi %mul3A_991, %add3A_992 : i32
        %get3A_994 = arith.index_cast %add3A_993 : i32 to index
        %get3A_995 = arith.constant 0 : index
        %get3A_996 = tpu.vector_load %arg8[%get3A_994, %get3A_995] {strides = array<i32>} : memref<80x64xi32, #tpu.memory_space<vmem>>, vector<16xi32>,
        %bitcast3A_997 = vector.bitcast %get3A_996 : vector<16xi32> to vector<32xbf16>
        %get3A_998 = arith.index_cast %add3A_993 : i32 to index
        %get3A_999 = arith.constant 0 : index
        %get3A_1000 = tpu.vector_load %arg9[%get3A_998, %get3A_999] {strides = array<i32>} : memref<80x64xi32, #tpu.memory_space<vmem>>, vector<16xi32>,
        %bitcast3A_1001 = vector.bitcast %get3A_1000 : vector<16xi32> to vector<32xbf16>
        %mul3A_1002 = arith.mulf %bitcast3A_997, %bitcast3A_1001 : vector<32xbf16>
        %unpack3A_1003 = tpu.unpack_subelements %mul3A_1002, 0 {pack_format = #tpu.pack_format<interleaved>} : vector<32xbf16> -> vector<16xf32>
        %unpack3A_1004 = tpu.unpack_subelements %mul3A_1002, 1 {pack_format = #tpu.pack_format<interleaved>} : vector<32xbf16> -> vector<16xf32>
        %add3A_1005 = arith.addf %unpack3A_1003, %unpack3A_1004 : vector<16xf32>
        %get3A_1006 = arith.index_cast %add3A_993 : i32 to index
        %get3A_1007 = arith.constant 16 : index
        %get3A_1008 = tpu.vector_load %arg8[%get3A_1006, %get3A_1007] {strides = array<i32>} : memref<80x64xi32, #tpu.memory_space<vmem>>, vector<16xi32>,
        %bitcast3A_1009 = vector.bitcast %get3A_1008 : vector<16xi32> to vector<32xbf16>
        %get3A_1010 = arith.index_cast %add3A_993 : i32 to index
        %get3A_1011 = arith.constant 16 : index
        %get3A_1012 = tpu.vector_load %arg9[%get3A_1010, %get3A_1011] {strides = array<i32>} : memref<80x64xi32, #tpu.memory_space<vmem>>, vector<16xi32>,
        %bitcast3A_1013 = vector.bitcast %get3A_1012 : vector<16xi32> to vector<32xbf16>
        %mul3A_1014 = arith.mulf %bitcast3A_1009, %bitcast3A_1013 : vector<32xbf16>
        %unpack3A_1015 = tpu.unpack_subelements %mul3A_1014, 0 {pack_format = #tpu.pack_format<interleaved>} : vector<32xbf16> -> vector<16xf32>
        %unpack3A_1016 = tpu.unpack_subelements %mul3A_1014, 1 {pack_format = #tpu.pack_format<interleaved>} : vector<32xbf16> -> vector<16xf32>
        %add3A_1017 = arith.addf %unpack3A_1015, %unpack3A_1016 : vector<16xf32>
        %add3A_1018 = arith.addf %add3A_1005, %add3A_1017 : vector<16xf32>
        %get3A_1019 = arith.index_cast %add3A_993 : i32 to index
        %get3A_1020 = arith.constant 32 : index
        %get3A_1021 = tpu.vector_load %arg8[%get3A_1019, %get3A_1020] {strides = array<i32>} : memref<80x64xi32, #tpu.memory_space<vmem>>, vector<16xi32>,
        %bitcast3A_1022 = vector.bitcast %get3A_1021 : vector<16xi32> to vector<32xbf16>
        %get3A_1023 = arith.index_cast %add3A_993 : i32 to index
        %get3A_1024 = arith.constant 32 : index
        %get3A_1025 = tpu.vector_load %arg9[%get3A_1023, %get3A_1024] {strides = array<i32>} : memref<80x64xi32, #tpu.memory_space<vmem>>, vector<16xi32>,
        %bitcast3A_1026 = vector.bitcast %get3A_1025 : vector<16xi32> to vector<32xbf16>
        %mul3A_1027 = arith.mulf %bitcast3A_1022, %bitcast3A_1026 : vector<32xbf16>
        %unpack3A_1028 = tpu.unpack_subelements %mul3A_1027, 0 {pack_format = #tpu.pack_format<interleaved>} : vector<32xbf16> -> vector<16xf32>
        %unpack3A_1029 = tpu.unpack_subelements %mul3A_1027, 1 {pack_format = #tpu.pack_format<interleaved>} : vector<32xbf16> -> vector<16xf32>
        %add3A_1030 = arith.addf %unpack3A_1028, %unpack3A_1029 : vector<16xf32>
        %add3A_1031 = arith.addf %add3A_1018, %add3A_1030 : vector<16xf32>
        %get3A_1032 = arith.index_cast %add3A_993 : i32 to index
        %get3A_1033 = arith.constant 48 : index
        %get3A_1034 = tpu.vector_load %arg8[%get3A_1032, %get3A_1033] {strides = array<i32>} : memref<80x64xi32, #tpu.memory_space<vmem>>, vector<16xi32>,
        %bitcast3A_1035 = vector.bitcast %get3A_1034 : vector<16xi32> to vector<32xbf16>
        %get3A_1036 = arith.index_cast %add3A_993 : i32 to index
        %get3A_1037 = arith.constant 48 : index
        %get3A_1038 = tpu.vector_load %arg9[%get3A_1036, %get3A_1037] {strides = array<i32>} : memref<80x64xi32, #tpu.memory_space<vmem>>, vector<16xi32>,
        %bitcast3A_1039 = vector.bitcast %get3A_1038 : vector<16xi32> to vector<32xbf16>
        %mul3A_1040 = arith.mulf %bitcast3A_1035, %bitcast3A_1039 : vector<32xbf16>
        %unpack3A_1041 = tpu.unpack_subelements %mul3A_1040, 0 {pack_format = #tpu.pack_format<interleaved>} : vector<32xbf16> -> vector<16xf32>
        %unpack3A_1042 = tpu.unpack_subelements %mul3A_1040, 1 {pack_format = #tpu.pack_format<interleaved>} : vector<32xbf16> -> vector<16xf32>
        %add3A_1043 = arith.addf %unpack3A_1041, %unpack3A_1042 : vector<16xf32>
        %add3A_1044 = arith.addf %add3A_1031, %add3A_1043 : vector<16xf32>
        %eq3A_1045 = arith.constant 14 : i32
        %eq3A_1046 = vector.broadcast %eq3A_1045 : i32 to vector<16xi32>
        %eq3A_1047 = arith.cmpi eq, %iota3A, %eq3A_1046 : vector<16xi32>
        %reduce_sum3A_1048 = arith.constant true
        %reduce_sum3A_1049 = vector.broadcast %reduce_sum3A_1048 : i1 to vector<16xi1>
        %reduce_sum3A_1050 = tpu.scan <sum>, %add3A_1044 masked %reduce_sum3A_1049 : vector<16xf32>, vector<16xi1> -> vector<16xf32>
        %reduce_sum3A_1051 = vector.extract %reduce_sum3A_1050[15] : f32 from vector<16xf32>
        %broadcast_in_dim3A_1052 = vector.broadcast %reduce_sum3A_1051 : f32 to vector<16xf32>
        %select_n3A_1053 = arith.select %eq3A_1047, %broadcast_in_dim3A_1052, %select_n3A_989 : vector<16xi1>, vector<16xf32>
        %mul3A_1054 = arith.constant 16 : i32
        %mul3A_1055 = arith.muli %scan3A_97, %mul3A_1054 : i32
        %add3A_1056 = arith.constant 15 : i32
        %add3A_1057 = arith.addi %mul3A_1055, %add3A_1056 : i32
        %get3A_1058 = arith.index_cast %add3A_1057 : i32 to index
        %get3A_1059 = arith.constant 0 : index
        %get3A_1060 = tpu.vector_load %arg8[%get3A_1058, %get3A_1059] {strides = array<i32>} : memref<80x64xi32, #tpu.memory_space<vmem>>, vector<16xi32>,
        %bitcast3A_1061 = vector.bitcast %get3A_1060 : vector<16xi32> to vector<32xbf16>
        %get3A_1062 = arith.index_cast %add3A_1057 : i32 to index
        %get3A_1063 = arith.constant 0 : index
        %get3A_1064 = tpu.vector_load %arg9[%get3A_1062, %get3A_1063] {strides = array<i32>} : memref<80x64xi32, #tpu.memory_space<vmem>>, vector<16xi32>,
        %bitcast3A_1065 = vector.bitcast %get3A_1064 : vector<16xi32> to vector<32xbf16>
        %mul3A_1066 = arith.mulf %bitcast3A_1061, %bitcast3A_1065 : vector<32xbf16>
        %unpack3A_1067 = tpu.unpack_subelements %mul3A_1066, 0 {pack_format = #tpu.pack_format<interleaved>} : vector<32xbf16> -> vector<16xf32>
        %unpack3A_1068 = tpu.unpack_subelements %mul3A_1066, 1 {pack_format = #tpu.pack_format<interleaved>} : vector<32xbf16> -> vector<16xf32>
        %add3A_1069 = arith.addf %unpack3A_1067, %unpack3A_1068 : vector<16xf32>
        %get3A_1070 = arith.index_cast %add3A_1057 : i32 to index
        %get3A_1071 = arith.constant 16 : index
        %get3A_1072 = tpu.vector_load %arg8[%get3A_1070, %get3A_1071] {strides = array<i32>} : memref<80x64xi32, #tpu.memory_space<vmem>>, vector<16xi32>,
        %bitcast3A_1073 = vector.bitcast %get3A_1072 : vector<16xi32> to vector<32xbf16>
        %get3A_1074 = arith.index_cast %add3A_1057 : i32 to index
        %get3A_1075 = arith.constant 16 : index
        %get3A_1076 = tpu.vector_load %arg9[%get3A_1074, %get3A_1075] {strides = array<i32>} : memref<80x64xi32, #tpu.memory_space<vmem>>, vector<16xi32>,
        %bitcast3A_1077 = vector.bitcast %get3A_1076 : vector<16xi32> to vector<32xbf16>
        %mul3A_1078 = arith.mulf %bitcast3A_1073, %bitcast3A_1077 : vector<32xbf16>
        %unpack3A_1079 = tpu.unpack_subelements %mul3A_1078, 0 {pack_format = #tpu.pack_format<interleaved>} : vector<32xbf16> -> vector<16xf32>
        %unpack3A_1080 = tpu.unpack_subelements %mul3A_1078, 1 {pack_format = #tpu.pack_format<interleaved>} : vector<32xbf16> -> vector<16xf32>
        %add3A_1081 = arith.addf %unpack3A_1079, %unpack3A_1080 : vector<16xf32>
        %add3A_1082 = arith.addf %add3A_1069, %add3A_1081 : vector<16xf32>
        %get3A_1083 = arith.index_cast %add3A_1057 : i32 to index
        %get3A_1084 = arith.constant 32 : index
        %get3A_1085 = tpu.vector_load %arg8[%get3A_1083, %get3A_1084] {strides = array<i32>} : memref<80x64xi32, #tpu.memory_space<vmem>>, vector<16xi32>,
        %bitcast3A_1086 = vector.bitcast %get3A_1085 : vector<16xi32> to vector<32xbf16>
        %get3A_1087 = arith.index_cast %add3A_1057 : i32 to index
        %get3A_1088 = arith.constant 32 : index
        %get3A_1089 = tpu.vector_load %arg9[%get3A_1087, %get3A_1088] {strides = array<i32>} : memref<80x64xi32, #tpu.memory_space<vmem>>, vector<16xi32>,
        %bitcast3A_1090 = vector.bitcast %get3A_1089 : vector<16xi32> to vector<32xbf16>
        %mul3A_1091 = arith.mulf %bitcast3A_1086, %bitcast3A_1090 : vector<32xbf16>
        %unpack3A_1092 = tpu.unpack_subelements %mul3A_1091, 0 {pack_format = #tpu.pack_format<interleaved>} : vector<32xbf16> -> vector<16xf32>
        %unpack3A_1093 = tpu.unpack_subelements %mul3A_1091, 1 {pack_format = #tpu.pack_format<interleaved>} : vector<32xbf16> -> vector<16xf32>
        %add3A_1094 = arith.addf %unpack3A_1092, %unpack3A_1093 : vector<16xf32>
        %add3A_1095 = arith.addf %add3A_1082, %add3A_1094 : vector<16xf32>
        %get3A_1096 = arith.index_cast %add3A_1057 : i32 to index
        %get3A_1097 = arith.constant 48 : index
        %get3A_1098 = tpu.vector_load %arg8[%get3A_1096, %get3A_1097] {strides = array<i32>} : memref<80x64xi32, #tpu.memory_space<vmem>>, vector<16xi32>,
        %bitcast3A_1099 = vector.bitcast %get3A_1098 : vector<16xi32> to vector<32xbf16>
        %get3A_1100 = arith.index_cast %add3A_1057 : i32 to index
        %get3A_1101 = arith.constant 48 : index
        %get3A_1102 = tpu.vector_load %arg9[%get3A_1100, %get3A_1101] {strides = array<i32>} : memref<80x64xi32, #tpu.memory_space<vmem>>, vector<16xi32>,
        %bitcast3A_1103 = vector.bitcast %get3A_1102 : vector<16xi32> to vector<32xbf16>
        %mul3A_1104 = arith.mulf %bitcast3A_1099, %bitcast3A_1103 : vector<32xbf16>
        %unpack3A_1105 = tpu.unpack_subelements %mul3A_1104, 0 {pack_format = #tpu.pack_format<interleaved>} : vector<32xbf16> -> vector<16xf32>
        %unpack3A_1106 = tpu.unpack_subelements %mul3A_1104, 1 {pack_format = #tpu.pack_format<interleaved>} : vector<32xbf16> -> vector<16xf32>
        %add3A_1107 = arith.addf %unpack3A_1105, %unpack3A_1106 : vector<16xf32>
        %add3A_1108 = arith.addf %add3A_1095, %add3A_1107 : vector<16xf32>
        %eq3A_1109 = arith.constant 15 : i32
        %eq3A_1110 = vector.broadcast %eq3A_1109 : i32 to vector<16xi32>
        %eq3A_1111 = arith.cmpi eq, %iota3A, %eq3A_1110 : vector<16xi32>
        %reduce_sum3A_1112 = arith.constant true
        %reduce_sum3A_1113 = vector.broadcast %reduce_sum3A_1112 : i1 to vector<16xi1>
        %reduce_sum3A_1114 = tpu.scan <sum>, %add3A_1108 masked %reduce_sum3A_1113 : vector<16xf32>, vector<16xi1> -> vector<16xf32>
        %reduce_sum3A_1115 = vector.extract %reduce_sum3A_1114[15] : f32 from vector<16xf32>
        %broadcast_in_dim3A_1116 = vector.broadcast %reduce_sum3A_1115 : f32 to vector<16xf32>
        %select_n3A_1117 = arith.select %eq3A_1111, %broadcast_in_dim3A_1116, %select_n3A_1053 : vector<16xi1>, vector<16xf32>
        %mul3A_1118 = arith.constant 80 : i32
        %mul3A_1119 = arith.muli %mul3A_36, %mul3A_1118 : i32
        %mul3A_1120 = arith.constant 16 : i32
        %mul3A_1121 = arith.muli %scan3A_97, %mul3A_1120 : i32
        %add3A_1122 = arith.addi %mul3A_1119, %mul3A_1121 : i32
        %swap3A = arith.index_cast %add3A_1122 : i32 to index
        %swap3A_1123 = tpu.vector_load %arg12[%swap3A] {strides = array<i32>} : memref<10000xf32, #tpu.memory_space<vmem>>, vector<16xf32>,
        tpu.vector_store %arg12[%swap3A], %select_n3A_1117 {strides = array<i32>} : memref<10000xf32, #tpu.memory_space<vmem>>, vector<16xf32>,
      }
      %scan3A_64 = arith.constant 5 : i32
      %add3A_65 = arith.constant 2 : i32
      %add3A_66 = arith.addi %mul3A_36, %add3A_65 : i32
      %mul3A_67 = arith.constant 80 : i32
      %mul3A_68 = arith.muli %add3A_66, %mul3A_67 : i32
      %dma_start3A_69 = tpu.memref_slice %arg6[%mul3A_68] : memref<10000xi32, #tpu.memory_space<vmem>> -> memref<80xi32, #tpu.memory_space<vmem>>
      %dma_start3A_70 = arith.constant 0 : i32
      %dma_start3A_71 = arith.constant 0 : i32
      %dma_start3A_72 = tpu.memref_slice %arg13[%dma_start3A_70, %dma_start3A_71] : memref<10000x64xi32, #tpu.memory_space<vmem_shared>> -> memref<10000x64xi32, #tpu.memory_space<vmem_shared>>
      tpu.enqueue_indirect_dma source(%dma_start3A_72 : memref<10000x64xi32, #tpu.memory_space<vmem_shared>>) target(%arg8 : memref<80x64xi32, #tpu.memory_space<vmem>>) offsets(%dma_start3A_69 : memref<80xi32, #tpu.memory_space<vmem>>) semaphore(%arg14 : memref<!tpu.dma_semaphore, #tpu.memory_space<semaphore_mem>>)
      %dma_start3A_73 = tpu.memref_slice %arg7[%mul3A_68] : memref<10000xi32, #tpu.memory_space<vmem>> -> memref<80xi32, #tpu.memory_space<vmem>>
      %dma_start3A_74 = arith.constant 0 : i32
      %dma_start3A_75 = arith.constant 0 : i32
      %dma_start3A_76 = tpu.memref_slice %arg13[%dma_start3A_74, %dma_start3A_75] : memref<10000x64xi32, #tpu.memory_space<vmem_shared>> -> memref<10000x64xi32, #tpu.memory_space<vmem_shared>>
      tpu.enqueue_indirect_dma source(%dma_start3A_76 : memref<10000x64xi32, #tpu.memory_space<vmem_shared>>) target(%arg9 : memref<80x64xi32, #tpu.memory_space<vmem>>) offsets(%dma_start3A_73 : memref<80xi32, #tpu.memory_space<vmem>>) semaphore(%arg14 : memref<!tpu.dma_semaphore, #tpu.memory_space<semaphore_mem>>)
      %add3A_77 = arith.constant 1 : i32
      %add3A_78 = arith.addi %mul3A_36, %add3A_77 : i32
      %mul3A_79 = arith.constant 80 : i32
      %mul3A_80 = arith.muli %add3A_78, %mul3A_79 : i32
      %dma_wait3A_81 = tpu.memref_slice %arg6[%mul3A_80] : memref<10000xi32, #tpu.memory_space<vmem>> -> memref<80xi32, #tpu.memory_space<vmem>>
      %dma_wait3A_82 = arith.constant 0 : i32
      %dma_wait3A_83 = arith.constant 0 : i32
      %dma_wait3A_84 = tpu.memref_slice %arg13[%dma_wait3A_82, %dma_wait3A_83] : memref<10000x64xi32, #tpu.memory_space<vmem_shared>> -> memref<10000x64xi32, #tpu.memory_space<vmem_shared>>
      tpu.wait_indirect_dma semaphore(%arg15 : memref<!tpu.dma_semaphore, #tpu.memory_space<semaphore_mem>>) src(%dma_wait3A_84 : memref<10000x64xi32, #tpu.memory_space<vmem_shared>>) dst(%arg10 : memref<80x64xi32, #tpu.memory_space<vmem>>)
      %dma_wait3A_85 = tpu.memref_slice %arg7[%mul3A_80] : memref<10000xi32, #tpu.memory_space<vmem>> -> memref<80xi32, #tpu.memory_space<vmem>>
      %dma_wait3A_86 = arith.constant 0 : i32
      %dma_wait3A_87 = arith.constant 0 : i32
      %dma_wait3A_88 = tpu.memref_slice %arg13[%dma_wait3A_86, %dma_wait3A_87] : memref<10000x64xi32, #tpu.memory_space<vmem_shared>> -> memref<10000x64xi32, #tpu.memory_space<vmem_shared>>
      tpu.wait_indirect_dma semaphore(%arg15 : memref<!tpu.dma_semaphore, #tpu.memory_space<semaphore_mem>>) src(%dma_wait3A_88 : memref<10000x64xi32, #tpu.memory_space<vmem_shared>>) dst(%arg11 : memref<80x64xi32, #tpu.memory_space<vmem>>)
      %add3A_89 = arith.constant 1 : i32
      %add3A_90 = arith.addi %mul3A_36, %add3A_89 : i32
      %scan3A_91 = arith.constant 0 : i32
      %scan3A_92 = arith.constant 0 : i32
      %scan3A_93 = arith.constant 5 : i32
      %scan3A_94 = arith.addi %scan3A_92, %scan3A_93 : i32
      %scan3A_95 = arith.constant 1 : i32
      scf.for %scan3A_97 = %scan3A_92 to %scan3A_94 step %scan3A_95  : i32 {
        %broadcast_in_dim3A = arith.constant 0.000000e+00 : f32
        %broadcast_in_dim3A_98 = vector.broadcast %broadcast_in_dim3A : f32 to vector<16xf32>
        %mul3A_99 = arith.constant 16 : i32
        %mul3A_100 = arith.muli %scan3A_97, %mul3A_99 : i32
        %add3A_101 = arith.constant 0 : i32
        %add3A_102 = arith.addi %mul3A_100, %add3A_101 : i32
        %get3A = arith.index_cast %add3A_102 : i32 to index
        %get3A_103 = arith.constant 0 : index
        %get3A_104 = tpu.vector_load %arg10[%get3A, %get3A_103] {strides = array<i32>} : memref<80x64xi32, #tpu.memory_space<vmem>>, vector<16xi32>,
        %bitcast3A = vector.bitcast %get3A_104 : vector<16xi32> to vector<32xbf16>
        %get3A_105 = arith.index_cast %add3A_102 : i32 to index
        %get3A_106 = arith.constant 0 : index
        %get3A_107 = tpu.vector_load %arg11[%get3A_105, %get3A_106] {strides = array<i32>} : memref<80x64xi32, #tpu.memory_space<vmem>>, vector<16xi32>,
        %bitcast3A_108 = vector.bitcast %get3A_107 : vector<16xi32> to vector<32xbf16>
        %mul3A_109 = arith.mulf %bitcast3A, %bitcast3A_108 : vector<32xbf16>
        %unpack3A = tpu.unpack_subelements %mul3A_109, 0 {pack_format = #tpu.pack_format<interleaved>} : vector<32xbf16> -> vector<16xf32>
        %unpack3A_110 = tpu.unpack_subelements %mul3A_109, 1 {pack_format = #tpu.pack_format<interleaved>} : vector<32xbf16> -> vector<16xf32>
        %add3A_111 = arith.addf %unpack3A, %unpack3A_110 : vector<16xf32>
        %get3A_112 = arith.index_cast %add3A_102 : i32 to index
        %get3A_113 = arith.constant 16 : index
        %get3A_114 = tpu.vector_load %arg10[%get3A_112, %get3A_113] {strides = array<i32>} : memref<80x64xi32, #tpu.memory_space<vmem>>, vector<16xi32>,
        %bitcast3A_115 = vector.bitcast %get3A_114 : vector<16xi32> to vector<32xbf16>
        %get3A_116 = arith.index_cast %add3A_102 : i32 to index
        %get3A_117 = arith.constant 16 : index
        %get3A_118 = tpu.vector_load %arg11[%get3A_116, %get3A_117] {strides = array<i32>} : memref<80x64xi32, #tpu.memory_space<vmem>>, vector<16xi32>,
        %bitcast3A_119 = vector.bitcast %get3A_118 : vector<16xi32> to vector<32xbf16>
        %mul3A_120 = arith.mulf %bitcast3A_115, %bitcast3A_119 : vector<32xbf16>
        %unpack3A_121 = tpu.unpack_subelements %mul3A_120, 0 {pack_format = #tpu.pack_format<interleaved>} : vector<32xbf16> -> vector<16xf32>
        %unpack3A_122 = tpu.unpack_subelements %mul3A_120, 1 {pack_format = #tpu.pack_format<interleaved>} : vector<32xbf16> -> vector<16xf32>
        %add3A_123 = arith.addf %unpack3A_121, %unpack3A_122 : vector<16xf32>
        %add3A_124 = arith.addf %add3A_111, %add3A_123 : vector<16xf32>
        %get3A_125 = arith.index_cast %add3A_102 : i32 to index
        %get3A_126 = arith.constant 32 : index
        %get3A_127 = tpu.vector_load %arg10[%get3A_125, %get3A_126] {strides = array<i32>} : memref<80x64xi32, #tpu.memory_space<vmem>>, vector<16xi32>,
        %bitcast3A_128 = vector.bitcast %get3A_127 : vector<16xi32> to vector<32xbf16>
        %get3A_129 = arith.index_cast %add3A_102 : i32 to index
        %get3A_130 = arith.constant 32 : index
        %get3A_131 = tpu.vector_load %arg11[%get3A_129, %get3A_130] {strides = array<i32>} : memref<80x64xi32, #tpu.memory_space<vmem>>, vector<16xi32>,
        %bitcast3A_132 = vector.bitcast %get3A_131 : vector<16xi32> to vector<32xbf16>
        %mul3A_133 = arith.mulf %bitcast3A_128, %bitcast3A_132 : vector<32xbf16>
        %unpack3A_134 = tpu.unpack_subelements %mul3A_133, 0 {pack_format = #tpu.pack_format<interleaved>} : vector<32xbf16> -> vector<16xf32>
        %unpack3A_135 = tpu.unpack_subelements %mul3A_133, 1 {pack_format = #tpu.pack_format<interleaved>} : vector<32xbf16> -> vector<16xf32>
        %add3A_136 = arith.addf %unpack3A_134, %unpack3A_135 : vector<16xf32>
        %add3A_137 = arith.addf %add3A_124, %add3A_136 : vector<16xf32>
        %get3A_138 = arith.index_cast %add3A_102 : i32 to index
        %get3A_139 = arith.constant 48 : index
        %get3A_140 = tpu.vector_load %arg10[%get3A_138, %get3A_139] {strides = array<i32>} : memref<80x64xi32, #tpu.memory_space<vmem>>, vector<16xi32>,
        %bitcast3A_141 = vector.bitcast %get3A_140 : vector<16xi32> to vector<32xbf16>
        %get3A_142 = arith.index_cast %add3A_102 : i32 to index
        %get3A_143 = arith.constant 48 : index
        %get3A_144 = tpu.vector_load %arg11[%get3A_142, %get3A_143] {strides = array<i32>} : memref<80x64xi32, #tpu.memory_space<vmem>>, vector<16xi32>,
        %bitcast3A_145 = vector.bitcast %get3A_144 : vector<16xi32> to vector<32xbf16>
        %mul3A_146 = arith.mulf %bitcast3A_141, %bitcast3A_145 : vector<32xbf16>
        %unpack3A_147 = tpu.unpack_subelements %mul3A_146, 0 {pack_format = #tpu.pack_format<interleaved>} : vector<32xbf16> -> vector<16xf32>
        %unpack3A_148 = tpu.unpack_subelements %mul3A_146, 1 {pack_format = #tpu.pack_format<interleaved>} : vector<32xbf16> -> vector<16xf32>
        %add3A_149 = arith.addf %unpack3A_147, %unpack3A_148 : vector<16xf32>
        %add3A_150 = arith.addf %add3A_137, %add3A_149 : vector<16xf32>
        %eq3A_151 = arith.constant 0 : i32
        %eq3A_152 = vector.broadcast %eq3A_151 : i32 to vector<16xi32>
        %eq3A_153 = arith.cmpi eq, %iota3A, %eq3A_152 : vector<16xi32>
        %reduce_sum3A = arith.constant true
        %reduce_sum3A_154 = vector.broadcast %reduce_sum3A : i1 to vector<16xi1>
        %reduce_sum3A_155 = tpu.scan <sum>, %add3A_150 masked %reduce_sum3A_154 : vector<16xf32>, vector<16xi1> -> vector<16xf32>
        %reduce_sum3A_156 = vector.extract %reduce_sum3A_155[15] : f32 from vector<16xf32>
        %broadcast_in_dim3A_157 = vector.broadcast %reduce_sum3A_156 : f32 to vector<16xf32>
        %select_n3A = arith.select %eq3A_153, %broadcast_in_dim3A_157, %broadcast_in_dim3A_98 : vector<16xi1>, vector<16xf32>
        %mul3A_158 = arith.constant 16 : i32
        %mul3A_159 = arith.muli %scan3A_97, %mul3A_158 : i32
        %add3A_160 = arith.constant 1 : i32
        %add3A_161 = arith.addi %mul3A_159, %add3A_160 : i32
        %get3A_162 = arith.index_cast %add3A_161 : i32 to index
        %get3A_163 = arith.constant 0 : index
        %get3A_164 = tpu.vector_load %arg10[%get3A_162, %get3A_163] {strides = array<i32>} : memref<80x64xi32, #tpu.memory_space<vmem>>, vector<16xi32>,
        %bitcast3A_165 = vector.bitcast %get3A_164 : vector<16xi32> to vector<32xbf16>
        %get3A_166 = arith.index_cast %add3A_161 : i32 to index
        %get3A_167 = arith.constant 0 : index
        %get3A_168 = tpu.vector_load %arg11[%get3A_166, %get3A_167] {strides = array<i32>} : memref<80x64xi32, #tpu.memory_space<vmem>>, vector<16xi32>,
        %bitcast3A_169 = vector.bitcast %get3A_168 : vector<16xi32> to vector<32xbf16>
        %mul3A_170 = arith.mulf %bitcast3A_165, %bitcast3A_169 : vector<32xbf16>
        %unpack3A_171 = tpu.unpack_subelements %mul3A_170, 0 {pack_format = #tpu.pack_format<interleaved>} : vector<32xbf16> -> vector<16xf32>
        %unpack3A_172 = tpu.unpack_subelements %mul3A_170, 1 {pack_format = #tpu.pack_format<interleaved>} : vector<32xbf16> -> vector<16xf32>
        %add3A_173 = arith.addf %unpack3A_171, %unpack3A_172 : vector<16xf32>
        %get3A_174 = arith.index_cast %add3A_161 : i32 to index
        %get3A_175 = arith.constant 16 : index
        %get3A_176 = tpu.vector_load %arg10[%get3A_174, %get3A_175] {strides = array<i32>} : memref<80x64xi32, #tpu.memory_space<vmem>>, vector<16xi32>,
        %bitcast3A_177 = vector.bitcast %get3A_176 : vector<16xi32> to vector<32xbf16>
        %get3A_178 = arith.index_cast %add3A_161 : i32 to index
        %get3A_179 = arith.constant 16 : index
        %get3A_180 = tpu.vector_load %arg11[%get3A_178, %get3A_179] {strides = array<i32>} : memref<80x64xi32, #tpu.memory_space<vmem>>, vector<16xi32>,
        %bitcast3A_181 = vector.bitcast %get3A_180 : vector<16xi32> to vector<32xbf16>
        %mul3A_182 = arith.mulf %bitcast3A_177, %bitcast3A_181 : vector<32xbf16>
        %unpack3A_183 = tpu.unpack_subelements %mul3A_182, 0 {pack_format = #tpu.pack_format<interleaved>} : vector<32xbf16> -> vector<16xf32>
        %unpack3A_184 = tpu.unpack_subelements %mul3A_182, 1 {pack_format = #tpu.pack_format<interleaved>} : vector<32xbf16> -> vector<16xf32>
        %add3A_185 = arith.addf %unpack3A_183, %unpack3A_184 : vector<16xf32>
        %add3A_186 = arith.addf %add3A_173, %add3A_185 : vector<16xf32>
        %get3A_187 = arith.index_cast %add3A_161 : i32 to index
        %get3A_188 = arith.constant 32 : index
        %get3A_189 = tpu.vector_load %arg10[%get3A_187, %get3A_188] {strides = array<i32>} : memref<80x64xi32, #tpu.memory_space<vmem>>, vector<16xi32>,
        %bitcast3A_190 = vector.bitcast %get3A_189 : vector<16xi32> to vector<32xbf16>
        %get3A_191 = arith.index_cast %add3A_161 : i32 to index
        %get3A_192 = arith.constant 32 : index
        %get3A_193 = tpu.vector_load %arg11[%get3A_191, %get3A_192] {strides = array<i32>} : memref<80x64xi32, #tpu.memory_space<vmem>>, vector<16xi32>,
        %bitcast3A_194 = vector.bitcast %get3A_193 : vector<16xi32> to vector<32xbf16>
        %mul3A_195 = arith.mulf %bitcast3A_190, %bitcast3A_194 : vector<32xbf16>
        %unpack3A_196 = tpu.unpack_subelements %mul3A_195, 0 {pack_format = #tpu.pack_format<interleaved>} : vector<32xbf16> -> vector<16xf32>
        %unpack3A_197 = tpu.unpack_subelements %mul3A_195, 1 {pack_format = #tpu.pack_format<interleaved>} : vector<32xbf16> -> vector<16xf32>
        %add3A_198 = arith.addf %unpack3A_196, %unpack3A_197 : vector<16xf32>
        %add3A_199 = arith.addf %add3A_186, %add3A_198 : vector<16xf32>
        %get3A_200 = arith.index_cast %add3A_161 : i32 to index
        %get3A_201 = arith.constant 48 : index
        %get3A_202 = tpu.vector_load %arg10[%get3A_200, %get3A_201] {strides = array<i32>} : memref<80x64xi32, #tpu.memory_space<vmem>>, vector<16xi32>,
        %bitcast3A_203 = vector.bitcast %get3A_202 : vector<16xi32> to vector<32xbf16>
        %get3A_204 = arith.index_cast %add3A_161 : i32 to index
        %get3A_205 = arith.constant 48 : index
        %get3A_206 = tpu.vector_load %arg11[%get3A_204, %get3A_205] {strides = array<i32>} : memref<80x64xi32, #tpu.memory_space<vmem>>, vector<16xi32>,
        %bitcast3A_207 = vector.bitcast %get3A_206 : vector<16xi32> to vector<32xbf16>
        %mul3A_208 = arith.mulf %bitcast3A_203, %bitcast3A_207 : vector<32xbf16>
        %unpack3A_209 = tpu.unpack_subelements %mul3A_208, 0 {pack_format = #tpu.pack_format<interleaved>} : vector<32xbf16> -> vector<16xf32>
        %unpack3A_210 = tpu.unpack_subelements %mul3A_208, 1 {pack_format = #tpu.pack_format<interleaved>} : vector<32xbf16> -> vector<16xf32>
        %add3A_211 = arith.addf %unpack3A_209, %unpack3A_210 : vector<16xf32>
        %add3A_212 = arith.addf %add3A_199, %add3A_211 : vector<16xf32>
        %eq3A_213 = arith.constant 1 : i32
        %eq3A_214 = vector.broadcast %eq3A_213 : i32 to vector<16xi32>
        %eq3A_215 = arith.cmpi eq, %iota3A, %eq3A_214 : vector<16xi32>
        %reduce_sum3A_216 = arith.constant true
        %reduce_sum3A_217 = vector.broadcast %reduce_sum3A_216 : i1 to vector<16xi1>
        %reduce_sum3A_218 = tpu.scan <sum>, %add3A_212 masked %reduce_sum3A_217 : vector<16xf32>, vector<16xi1> -> vector<16xf32>
        %reduce_sum3A_219 = vector.extract %reduce_sum3A_218[15] : f32 from vector<16xf32>
        %broadcast_in_dim3A_220 = vector.broadcast %reduce_sum3A_219 : f32 to vector<16xf32>
        %select_n3A_221 = arith.select %eq3A_215, %broadcast_in_dim3A_220, %select_n3A : vector<16xi1>, vector<16xf32>
        %mul3A_222 = arith.constant 16 : i32
        %mul3A_223 = arith.muli %scan3A_97, %mul3A_222 : i32
        %add3A_224 = arith.constant 2 : i32
        %add3A_225 = arith.addi %mul3A_223, %add3A_224 : i32
        %get3A_226 = arith.index_cast %add3A_225 : i32 to index
        %get3A_227 = arith.constant 0 : index
        %get3A_228 = tpu.vector_load %arg10[%get3A_226, %get3A_227] {strides = array<i32>} : memref<80x64xi32, #tpu.memory_space<vmem>>, vector<16xi32>,
        %bitcast3A_229 = vector.bitcast %get3A_228 : vector<16xi32> to vector<32xbf16>
        %get3A_230 = arith.index_cast %add3A_225 : i32 to index
        %get3A_231 = arith.constant 0 : index
        %get3A_232 = tpu.vector_load %arg11[%get3A_230, %get3A_231] {strides = array<i32>} : memref<80x64xi32, #tpu.memory_space<vmem>>, vector<16xi32>,
        %bitcast3A_233 = vector.bitcast %get3A_232 : vector<16xi32> to vector<32xbf16>
        %mul3A_234 = arith.mulf %bitcast3A_229, %bitcast3A_233 : vector<32xbf16>
        %unpack3A_235 = tpu.unpack_subelements %mul3A_234, 0 {pack_format = #tpu.pack_format<interleaved>} : vector<32xbf16> -> vector<16xf32>
        %unpack3A_236 = tpu.unpack_subelements %mul3A_234, 1 {pack_format = #tpu.pack_format<interleaved>} : vector<32xbf16> -> vector<16xf32>
        %add3A_237 = arith.addf %unpack3A_235, %unpack3A_236 : vector<16xf32>
        %get3A_238 = arith.index_cast %add3A_225 : i32 to index
        %get3A_239 = arith.constant 16 : index
        %get3A_240 = tpu.vector_load %arg10[%get3A_238, %get3A_239] {strides = array<i32>} : memref<80x64xi32, #tpu.memory_space<vmem>>, vector<16xi32>,
        %bitcast3A_241 = vector.bitcast %get3A_240 : vector<16xi32> to vector<32xbf16>
        %get3A_242 = arith.index_cast %add3A_225 : i32 to index
        %get3A_243 = arith.constant 16 : index
        %get3A_244 = tpu.vector_load %arg11[%get3A_242, %get3A_243] {strides = array<i32>} : memref<80x64xi32, #tpu.memory_space<vmem>>, vector<16xi32>,
        %bitcast3A_245 = vector.bitcast %get3A_244 : vector<16xi32> to vector<32xbf16>
        %mul3A_246 = arith.mulf %bitcast3A_241, %bitcast3A_245 : vector<32xbf16>
        %unpack3A_247 = tpu.unpack_subelements %mul3A_246, 0 {pack_format = #tpu.pack_format<interleaved>} : vector<32xbf16> -> vector<16xf32>
        %unpack3A_248 = tpu.unpack_subelements %mul3A_246, 1 {pack_format = #tpu.pack_format<interleaved>} : vector<32xbf16> -> vector<16xf32>
        %add3A_249 = arith.addf %unpack3A_247, %unpack3A_248 : vector<16xf32>
        %add3A_250 = arith.addf %add3A_237, %add3A_249 : vector<16xf32>
        %get3A_251 = arith.index_cast %add3A_225 : i32 to index
        %get3A_252 = arith.constant 32 : index
        %get3A_253 = tpu.vector_load %arg10[%get3A_251, %get3A_252] {strides = array<i32>} : memref<80x64xi32, #tpu.memory_space<vmem>>, vector<16xi32>,
        %bitcast3A_254 = vector.bitcast %get3A_253 : vector<16xi32> to vector<32xbf16>
        %get3A_255 = arith.index_cast %add3A_225 : i32 to index
        %get3A_256 = arith.constant 32 : index
        %get3A_257 = tpu.vector_load %arg11[%get3A_255, %get3A_256] {strides = array<i32>} : memref<80x64xi32, #tpu.memory_space<vmem>>, vector<16xi32>,
        %bitcast3A_258 = vector.bitcast %get3A_257 : vector<16xi32> to vector<32xbf16>
        %mul3A_259 = arith.mulf %bitcast3A_254, %bitcast3A_258 : vector<32xbf16>
        %unpack3A_260 = tpu.unpack_subelements %mul3A_259, 0 {pack_format = #tpu.pack_format<interleaved>} : vector<32xbf16> -> vector<16xf32>
        %unpack3A_261 = tpu.unpack_subelements %mul3A_259, 1 {pack_format = #tpu.pack_format<interleaved>} : vector<32xbf16> -> vector<16xf32>
        %add3A_262 = arith.addf %unpack3A_260, %unpack3A_261 : vector<16xf32>
        %add3A_263 = arith.addf %add3A_250, %add3A_262 : vector<16xf32>
        %get3A_264 = arith.index_cast %add3A_225 : i32 to index
        %get3A_265 = arith.constant 48 : index
        %get3A_266 = tpu.vector_load %arg10[%get3A_264, %get3A_265] {strides = array<i32>} : memref<80x64xi32, #tpu.memory_space<vmem>>, vector<16xi32>,
        %bitcast3A_267 = vector.bitcast %get3A_266 : vector<16xi32> to vector<32xbf16>
        %get3A_268 = arith.index_cast %add3A_225 : i32 to index
        %get3A_269 = arith.constant 48 : index
        %get3A_270 = tpu.vector_load %arg11[%get3A_268, %get3A_269] {strides = array<i32>} : memref<80x64xi32, #tpu.memory_space<vmem>>, vector<16xi32>,
        %bitcast3A_271 = vector.bitcast %get3A_270 : vector<16xi32> to vector<32xbf16>
        %mul3A_272 = arith.mulf %bitcast3A_267, %bitcast3A_271 : vector<32xbf16>
        %unpack3A_273 = tpu.unpack_subelements %mul3A_272, 0 {pack_format = #tpu.pack_format<interleaved>} : vector<32xbf16> -> vector<16xf32>
        %unpack3A_274 = tpu.unpack_subelements %mul3A_272, 1 {pack_format = #tpu.pack_format<interleaved>} : vector<32xbf16> -> vector<16xf32>
        %add3A_275 = arith.addf %unpack3A_273, %unpack3A_274 : vector<16xf32>
        %add3A_276 = arith.addf %add3A_263, %add3A_275 : vector<16xf32>
        %eq3A_277 = arith.constant 2 : i32
        %eq3A_278 = vector.broadcast %eq3A_277 : i32 to vector<16xi32>
        %eq3A_279 = arith.cmpi eq, %iota3A, %eq3A_278 : vector<16xi32>
        %reduce_sum3A_280 = arith.constant true
        %reduce_sum3A_281 = vector.broadcast %reduce_sum3A_280 : i1 to vector<16xi1>
        %reduce_sum3A_282 = tpu.scan <sum>, %add3A_276 masked %reduce_sum3A_281 : vector<16xf32>, vector<16xi1> -> vector<16xf32>
        %reduce_sum3A_283 = vector.extract %reduce_sum3A_282[15] : f32 from vector<16xf32>
        %broadcast_in_dim3A_284 = vector.broadcast %reduce_sum3A_283 : f32 to vector<16xf32>
        %select_n3A_285 = arith.select %eq3A_279, %broadcast_in_dim3A_284, %select_n3A_221 : vector<16xi1>, vector<16xf32>
        %mul3A_286 = arith.constant 16 : i32
        %mul3A_287 = arith.muli %scan3A_97, %mul3A_286 : i32
        %add3A_288 = arith.constant 3 : i32
        %add3A_289 = arith.addi %mul3A_287, %add3A_288 : i32
        %get3A_290 = arith.index_cast %add3A_289 : i32 to index
        %get3A_291 = arith.constant 0 : index
        %get3A_292 = tpu.vector_load %arg10[%get3A_290, %get3A_291] {strides = array<i32>} : memref<80x64xi32, #tpu.memory_space<vmem>>, vector<16xi32>,
        %bitcast3A_293 = vector.bitcast %get3A_292 : vector<16xi32> to vector<32xbf16>
        %get3A_294 = arith.index_cast %add3A_289 : i32 to index
        %get3A_295 = arith.constant 0 : index
        %get3A_296 = tpu.vector_load %arg11[%get3A_294, %get3A_295] {strides = array<i32>} : memref<80x64xi32, #tpu.memory_space<vmem>>, vector<16xi32>,
        %bitcast3A_297 = vector.bitcast %get3A_296 : vector<16xi32> to vector<32xbf16>
        %mul3A_298 = arith.mulf %bitcast3A_293, %bitcast3A_297 : vector<32xbf16>
        %unpack3A_299 = tpu.unpack_subelements %mul3A_298, 0 {pack_format = #tpu.pack_format<interleaved>} : vector<32xbf16> -> vector<16xf32>
        %unpack3A_300 = tpu.unpack_subelements %mul3A_298, 1 {pack_format = #tpu.pack_format<interleaved>} : vector<32xbf16> -> vector<16xf32>
        %add3A_301 = arith.addf %unpack3A_299, %unpack3A_300 : vector<16xf32>
        %get3A_302 = arith.index_cast %add3A_289 : i32 to index
        %get3A_303 = arith.constant 16 : index
        %get3A_304 = tpu.vector_load %arg10[%get3A_302, %get3A_303] {strides = array<i32>} : memref<80x64xi32, #tpu.memory_space<vmem>>, vector<16xi32>,
        %bitcast3A_305 = vector.bitcast %get3A_304 : vector<16xi32> to vector<32xbf16>
        %get3A_306 = arith.index_cast %add3A_289 : i32 to index
        %get3A_307 = arith.constant 16 : index
        %get3A_308 = tpu.vector_load %arg11[%get3A_306, %get3A_307] {strides = array<i32>} : memref<80x64xi32, #tpu.memory_space<vmem>>, vector<16xi32>,
        %bitcast3A_309 = vector.bitcast %get3A_308 : vector<16xi32> to vector<32xbf16>
        %mul3A_310 = arith.mulf %bitcast3A_305, %bitcast3A_309 : vector<32xbf16>
        %unpack3A_311 = tpu.unpack_subelements %mul3A_310, 0 {pack_format = #tpu.pack_format<interleaved>} : vector<32xbf16> -> vector<16xf32>
        %unpack3A_312 = tpu.unpack_subelements %mul3A_310, 1 {pack_format = #tpu.pack_format<interleaved>} : vector<32xbf16> -> vector<16xf32>
        %add3A_313 = arith.addf %unpack3A_311, %unpack3A_312 : vector<16xf32>
        %add3A_314 = arith.addf %add3A_301, %add3A_313 : vector<16xf32>
        %get3A_315 = arith.index_cast %add3A_289 : i32 to index
        %get3A_316 = arith.constant 32 : index
        %get3A_317 = tpu.vector_load %arg10[%get3A_315, %get3A_316] {strides = array<i32>} : memref<80x64xi32, #tpu.memory_space<vmem>>, vector<16xi32>,
        %bitcast3A_318 = vector.bitcast %get3A_317 : vector<16xi32> to vector<32xbf16>
        %get3A_319 = arith.index_cast %add3A_289 : i32 to index
        %get3A_320 = arith.constant 32 : index
        %get3A_321 = tpu.vector_load %arg11[%get3A_319, %get3A_320] {strides = array<i32>} : memref<80x64xi32, #tpu.memory_space<vmem>>, vector<16xi32>,
        %bitcast3A_322 = vector.bitcast %get3A_321 : vector<16xi32> to vector<32xbf16>
        %mul3A_323 = arith.mulf %bitcast3A_318, %bitcast3A_322 : vector<32xbf16>
        %unpack3A_324 = tpu.unpack_subelements %mul3A_323, 0 {pack_format = #tpu.pack_format<interleaved>} : vector<32xbf16> -> vector<16xf32>
        %unpack3A_325 = tpu.unpack_subelements %mul3A_323, 1 {pack_format = #tpu.pack_format<interleaved>} : vector<32xbf16> -> vector<16xf32>
        %add3A_326 = arith.addf %unpack3A_324, %unpack3A_325 : vector<16xf32>
        %add3A_327 = arith.addf %add3A_314, %add3A_326 : vector<16xf32>
        %get3A_328 = arith.index_cast %add3A_289 : i32 to index
        %get3A_329 = arith.constant 48 : index
        %get3A_330 = tpu.vector_load %arg10[%get3A_328, %get3A_329] {strides = array<i32>} : memref<80x64xi32, #tpu.memory_space<vmem>>, vector<16xi32>,
        %bitcast3A_331 = vector.bitcast %get3A_330 : vector<16xi32> to vector<32xbf16>
        %get3A_332 = arith.index_cast %add3A_289 : i32 to index
        %get3A_333 = arith.constant 48 : index
        %get3A_334 = tpu.vector_load %arg11[%get3A_332, %get3A_333] {strides = array<i32>} : memref<80x64xi32, #tpu.memory_space<vmem>>, vector<16xi32>,
        %bitcast3A_335 = vector.bitcast %get3A_334 : vector<16xi32> to vector<32xbf16>
        %mul3A_336 = arith.mulf %bitcast3A_331, %bitcast3A_335 : vector<32xbf16>
        %unpack3A_337 = tpu.unpack_subelements %mul3A_336, 0 {pack_format = #tpu.pack_format<interleaved>} : vector<32xbf16> -> vector<16xf32>
        %unpack3A_338 = tpu.unpack_subelements %mul3A_336, 1 {pack_format = #tpu.pack_format<interleaved>} : vector<32xbf16> -> vector<16xf32>
        %add3A_339 = arith.addf %unpack3A_337, %unpack3A_338 : vector<16xf32>
        %add3A_340 = arith.addf %add3A_327, %add3A_339 : vector<16xf32>
        %eq3A_341 = arith.constant 3 : i32
        %eq3A_342 = vector.broadcast %eq3A_341 : i32 to vector<16xi32>
        %eq3A_343 = arith.cmpi eq, %iota3A, %eq3A_342 : vector<16xi32>
        %reduce_sum3A_344 = arith.constant true
        %reduce_sum3A_345 = vector.broadcast %reduce_sum3A_344 : i1 to vector<16xi1>
        %reduce_sum3A_346 = tpu.scan <sum>, %add3A_340 masked %reduce_sum3A_345 : vector<16xf32>, vector<16xi1> -> vector<16xf32>
        %reduce_sum3A_347 = vector.extract %reduce_sum3A_346[15] : f32 from vector<16xf32>
        %broadcast_in_dim3A_348 = vector.broadcast %reduce_sum3A_347 : f32 to vector<16xf32>
        %select_n3A_349 = arith.select %eq3A_343, %broadcast_in_dim3A_348, %select_n3A_285 : vector<16xi1>, vector<16xf32>
        %mul3A_350 = arith.constant 16 : i32
        %mul3A_351 = arith.muli %scan3A_97, %mul3A_350 : i32
        %add3A_352 = arith.constant 4 : i32
        %add3A_353 = arith.addi %mul3A_351, %add3A_352 : i32
        %get3A_354 = arith.index_cast %add3A_353 : i32 to index
        %get3A_355 = arith.constant 0 : index
        %get3A_356 = tpu.vector_load %arg10[%get3A_354, %get3A_355] {strides = array<i32>} : memref<80x64xi32, #tpu.memory_space<vmem>>, vector<16xi32>,
        %bitcast3A_357 = vector.bitcast %get3A_356 : vector<16xi32> to vector<32xbf16>
        %get3A_358 = arith.index_cast %add3A_353 : i32 to index
        %get3A_359 = arith.constant 0 : index
        %get3A_360 = tpu.vector_load %arg11[%get3A_358, %get3A_359] {strides = array<i32>} : memref<80x64xi32, #tpu.memory_space<vmem>>, vector<16xi32>,
        %bitcast3A_361 = vector.bitcast %get3A_360 : vector<16xi32> to vector<32xbf16>
        %mul3A_362 = arith.mulf %bitcast3A_357, %bitcast3A_361 : vector<32xbf16>
        %unpack3A_363 = tpu.unpack_subelements %mul3A_362, 0 {pack_format = #tpu.pack_format<interleaved>} : vector<32xbf16> -> vector<16xf32>
        %unpack3A_364 = tpu.unpack_subelements %mul3A_362, 1 {pack_format = #tpu.pack_format<interleaved>} : vector<32xbf16> -> vector<16xf32>
        %add3A_365 = arith.addf %unpack3A_363, %unpack3A_364 : vector<16xf32>
        %get3A_366 = arith.index_cast %add3A_353 : i32 to index
        %get3A_367 = arith.constant 16 : index
        %get3A_368 = tpu.vector_load %arg10[%get3A_366, %get3A_367] {strides = array<i32>} : memref<80x64xi32, #tpu.memory_space<vmem>>, vector<16xi32>,
        %bitcast3A_369 = vector.bitcast %get3A_368 : vector<16xi32> to vector<32xbf16>
        %get3A_370 = arith.index_cast %add3A_353 : i32 to index
        %get3A_371 = arith.constant 16 : index
        %get3A_372 = tpu.vector_load %arg11[%get3A_370, %get3A_371] {strides = array<i32>} : memref<80x64xi32, #tpu.memory_space<vmem>>, vector<16xi32>,
        %bitcast3A_373 = vector.bitcast %get3A_372 : vector<16xi32> to vector<32xbf16>
        %mul3A_374 = arith.mulf %bitcast3A_369, %bitcast3A_373 : vector<32xbf16>
        %unpack3A_375 = tpu.unpack_subelements %mul3A_374, 0 {pack_format = #tpu.pack_format<interleaved>} : vector<32xbf16> -> vector<16xf32>
        %unpack3A_376 = tpu.unpack_subelements %mul3A_374, 1 {pack_format = #tpu.pack_format<interleaved>} : vector<32xbf16> -> vector<16xf32>
        %add3A_377 = arith.addf %unpack3A_375, %unpack3A_376 : vector<16xf32>
        %add3A_378 = arith.addf %add3A_365, %add3A_377 : vector<16xf32>
        %get3A_379 = arith.index_cast %add3A_353 : i32 to index
        %get3A_380 = arith.constant 32 : index
        %get3A_381 = tpu.vector_load %arg10[%get3A_379, %get3A_380] {strides = array<i32>} : memref<80x64xi32, #tpu.memory_space<vmem>>, vector<16xi32>,
        %bitcast3A_382 = vector.bitcast %get3A_381 : vector<16xi32> to vector<32xbf16>
        %get3A_383 = arith.index_cast %add3A_353 : i32 to index
        %get3A_384 = arith.constant 32 : index
        %get3A_385 = tpu.vector_load %arg11[%get3A_383, %get3A_384] {strides = array<i32>} : memref<80x64xi32, #tpu.memory_space<vmem>>, vector<16xi32>,
        %bitcast3A_386 = vector.bitcast %get3A_385 : vector<16xi32> to vector<32xbf16>
        %mul3A_387 = arith.mulf %bitcast3A_382, %bitcast3A_386 : vector<32xbf16>
        %unpack3A_388 = tpu.unpack_subelements %mul3A_387, 0 {pack_format = #tpu.pack_format<interleaved>} : vector<32xbf16> -> vector<16xf32>
        %unpack3A_389 = tpu.unpack_subelements %mul3A_387, 1 {pack_format = #tpu.pack_format<interleaved>} : vector<32xbf16> -> vector<16xf32>
        %add3A_390 = arith.addf %unpack3A_388, %unpack3A_389 : vector<16xf32>
        %add3A_391 = arith.addf %add3A_378, %add3A_390 : vector<16xf32>
        %get3A_392 = arith.index_cast %add3A_353 : i32 to index
        %get3A_393 = arith.constant 48 : index
        %get3A_394 = tpu.vector_load %arg10[%get3A_392, %get3A_393] {strides = array<i32>} : memref<80x64xi32, #tpu.memory_space<vmem>>, vector<16xi32>,
        %bitcast3A_395 = vector.bitcast %get3A_394 : vector<16xi32> to vector<32xbf16>
        %get3A_396 = arith.index_cast %add3A_353 : i32 to index
        %get3A_397 = arith.constant 48 : index
        %get3A_398 = tpu.vector_load %arg11[%get3A_396, %get3A_397] {strides = array<i32>} : memref<80x64xi32, #tpu.memory_space<vmem>>, vector<16xi32>,
        %bitcast3A_399 = vector.bitcast %get3A_398 : vector<16xi32> to vector<32xbf16>
        %mul3A_400 = arith.mulf %bitcast3A_395, %bitcast3A_399 : vector<32xbf16>
        %unpack3A_401 = tpu.unpack_subelements %mul3A_400, 0 {pack_format = #tpu.pack_format<interleaved>} : vector<32xbf16> -> vector<16xf32>
        %unpack3A_402 = tpu.unpack_subelements %mul3A_400, 1 {pack_format = #tpu.pack_format<interleaved>} : vector<32xbf16> -> vector<16xf32>
        %add3A_403 = arith.addf %unpack3A_401, %unpack3A_402 : vector<16xf32>
        %add3A_404 = arith.addf %add3A_391, %add3A_403 : vector<16xf32>
        %eq3A_405 = arith.constant 4 : i32
        %eq3A_406 = vector.broadcast %eq3A_405 : i32 to vector<16xi32>
        %eq3A_407 = arith.cmpi eq, %iota3A, %eq3A_406 : vector<16xi32>
        %reduce_sum3A_408 = arith.constant true
        %reduce_sum3A_409 = vector.broadcast %reduce_sum3A_408 : i1 to vector<16xi1>
        %reduce_sum3A_410 = tpu.scan <sum>, %add3A_404 masked %reduce_sum3A_409 : vector<16xf32>, vector<16xi1> -> vector<16xf32>
        %reduce_sum3A_411 = vector.extract %reduce_sum3A_410[15] : f32 from vector<16xf32>
        %broadcast_in_dim3A_412 = vector.broadcast %reduce_sum3A_411 : f32 to vector<16xf32>
        %select_n3A_413 = arith.select %eq3A_407, %broadcast_in_dim3A_412, %select_n3A_349 : vector<16xi1>, vector<16xf32>
        %mul3A_414 = arith.constant 16 : i32
        %mul3A_415 = arith.muli %scan3A_97, %mul3A_414 : i32
        %add3A_416 = arith.constant 5 : i32
        %add3A_417 = arith.addi %mul3A_415, %add3A_416 : i32
        %get3A_418 = arith.index_cast %add3A_417 : i32 to index
        %get3A_419 = arith.constant 0 : index
        %get3A_420 = tpu.vector_load %arg10[%get3A_418, %get3A_419] {strides = array<i32>} : memref<80x64xi32, #tpu.memory_space<vmem>>, vector<16xi32>,
        %bitcast3A_421 = vector.bitcast %get3A_420 : vector<16xi32> to vector<32xbf16>
        %get3A_422 = arith.index_cast %add3A_417 : i32 to index
        %get3A_423 = arith.constant 0 : index
        %get3A_424 = tpu.vector_load %arg11[%get3A_422, %get3A_423] {strides = array<i32>} : memref<80x64xi32, #tpu.memory_space<vmem>>, vector<16xi32>,
        %bitcast3A_425 = vector.bitcast %get3A_424 : vector<16xi32> to vector<32xbf16>
        %mul3A_426 = arith.mulf %bitcast3A_421, %bitcast3A_425 : vector<32xbf16>
        %unpack3A_427 = tpu.unpack_subelements %mul3A_426, 0 {pack_format = #tpu.pack_format<interleaved>} : vector<32xbf16> -> vector<16xf32>
        %unpack3A_428 = tpu.unpack_subelements %mul3A_426, 1 {pack_format = #tpu.pack_format<interleaved>} : vector<32xbf16> -> vector<16xf32>
        %add3A_429 = arith.addf %unpack3A_427, %unpack3A_428 : vector<16xf32>
        %get3A_430 = arith.index_cast %add3A_417 : i32 to index
        %get3A_431 = arith.constant 16 : index
        %get3A_432 = tpu.vector_load %arg10[%get3A_430, %get3A_431] {strides = array<i32>} : memref<80x64xi32, #tpu.memory_space<vmem>>, vector<16xi32>,
        %bitcast3A_433 = vector.bitcast %get3A_432 : vector<16xi32> to vector<32xbf16>
        %get3A_434 = arith.index_cast %add3A_417 : i32 to index
        %get3A_435 = arith.constant 16 : index
        %get3A_436 = tpu.vector_load %arg11[%get3A_434, %get3A_435] {strides = array<i32>} : memref<80x64xi32, #tpu.memory_space<vmem>>, vector<16xi32>,
        %bitcast3A_437 = vector.bitcast %get3A_436 : vector<16xi32> to vector<32xbf16>
        %mul3A_438 = arith.mulf %bitcast3A_433, %bitcast3A_437 : vector<32xbf16>
        %unpack3A_439 = tpu.unpack_subelements %mul3A_438, 0 {pack_format = #tpu.pack_format<interleaved>} : vector<32xbf16> -> vector<16xf32>
        %unpack3A_440 = tpu.unpack_subelements %mul3A_438, 1 {pack_format = #tpu.pack_format<interleaved>} : vector<32xbf16> -> vector<16xf32>
        %add3A_441 = arith.addf %unpack3A_439, %unpack3A_440 : vector<16xf32>
        %add3A_442 = arith.addf %add3A_429, %add3A_441 : vector<16xf32>
        %get3A_443 = arith.index_cast %add3A_417 : i32 to index
        %get3A_444 = arith.constant 32 : index
        %get3A_445 = tpu.vector_load %arg10[%get3A_443, %get3A_444] {strides = array<i32>} : memref<80x64xi32, #tpu.memory_space<vmem>>, vector<16xi32>,
        %bitcast3A_446 = vector.bitcast %get3A_445 : vector<16xi32> to vector<32xbf16>
        %get3A_447 = arith.index_cast %add3A_417 : i32 to index
        %get3A_448 = arith.constant 32 : index
        %get3A_449 = tpu.vector_load %arg11[%get3A_447, %get3A_448] {strides = array<i32>} : memref<80x64xi32, #tpu.memory_space<vmem>>, vector<16xi32>,
        %bitcast3A_450 = vector.bitcast %get3A_449 : vector<16xi32> to vector<32xbf16>
        %mul3A_451 = arith.mulf %bitcast3A_446, %bitcast3A_450 : vector<32xbf16>
        %unpack3A_452 = tpu.unpack_subelements %mul3A_451, 0 {pack_format = #tpu.pack_format<interleaved>} : vector<32xbf16> -> vector<16xf32>
        %unpack3A_453 = tpu.unpack_subelements %mul3A_451, 1 {pack_format = #tpu.pack_format<interleaved>} : vector<32xbf16> -> vector<16xf32>
        %add3A_454 = arith.addf %unpack3A_452, %unpack3A_453 : vector<16xf32>
        %add3A_455 = arith.addf %add3A_442, %add3A_454 : vector<16xf32>
        %get3A_456 = arith.index_cast %add3A_417 : i32 to index
        %get3A_457 = arith.constant 48 : index
        %get3A_458 = tpu.vector_load %arg10[%get3A_456, %get3A_457] {strides = array<i32>} : memref<80x64xi32, #tpu.memory_space<vmem>>, vector<16xi32>,
        %bitcast3A_459 = vector.bitcast %get3A_458 : vector<16xi32> to vector<32xbf16>
        %get3A_460 = arith.index_cast %add3A_417 : i32 to index
        %get3A_461 = arith.constant 48 : index
        %get3A_462 = tpu.vector_load %arg11[%get3A_460, %get3A_461] {strides = array<i32>} : memref<80x64xi32, #tpu.memory_space<vmem>>, vector<16xi32>,
        %bitcast3A_463 = vector.bitcast %get3A_462 : vector<16xi32> to vector<32xbf16>
        %mul3A_464 = arith.mulf %bitcast3A_459, %bitcast3A_463 : vector<32xbf16>
        %unpack3A_465 = tpu.unpack_subelements %mul3A_464, 0 {pack_format = #tpu.pack_format<interleaved>} : vector<32xbf16> -> vector<16xf32>
        %unpack3A_466 = tpu.unpack_subelements %mul3A_464, 1 {pack_format = #tpu.pack_format<interleaved>} : vector<32xbf16> -> vector<16xf32>
        %add3A_467 = arith.addf %unpack3A_465, %unpack3A_466 : vector<16xf32>
        %add3A_468 = arith.addf %add3A_455, %add3A_467 : vector<16xf32>
        %eq3A_469 = arith.constant 5 : i32
        %eq3A_470 = vector.broadcast %eq3A_469 : i32 to vector<16xi32>
        %eq3A_471 = arith.cmpi eq, %iota3A, %eq3A_470 : vector<16xi32>
        %reduce_sum3A_472 = arith.constant true
        %reduce_sum3A_473 = vector.broadcast %reduce_sum3A_472 : i1 to vector<16xi1>
        %reduce_sum3A_474 = tpu.scan <sum>, %add3A_468 masked %reduce_sum3A_473 : vector<16xf32>, vector<16xi1> -> vector<16xf32>
        %reduce_sum3A_475 = vector.extract %reduce_sum3A_474[15] : f32 from vector<16xf32>
        %broadcast_in_dim3A_476 = vector.broadcast %reduce_sum3A_475 : f32 to vector<16xf32>
        %select_n3A_477 = arith.select %eq3A_471, %broadcast_in_dim3A_476, %select_n3A_413 : vector<16xi1>, vector<16xf32>
        %mul3A_478 = arith.constant 16 : i32
        %mul3A_479 = arith.muli %scan3A_97, %mul3A_478 : i32
        %add3A_480 = arith.constant 6 : i32
        %add3A_481 = arith.addi %mul3A_479, %add3A_480 : i32
        %get3A_482 = arith.index_cast %add3A_481 : i32 to index
        %get3A_483 = arith.constant 0 : index
        %get3A_484 = tpu.vector_load %arg10[%get3A_482, %get3A_483] {strides = array<i32>} : memref<80x64xi32, #tpu.memory_space<vmem>>, vector<16xi32>,
        %bitcast3A_485 = vector.bitcast %get3A_484 : vector<16xi32> to vector<32xbf16>
        %get3A_486 = arith.index_cast %add3A_481 : i32 to index
        %get3A_487 = arith.constant 0 : index
        %get3A_488 = tpu.vector_load %arg11[%get3A_486, %get3A_487] {strides = array<i32>} : memref<80x64xi32, #tpu.memory_space<vmem>>, vector<16xi32>,
        %bitcast3A_489 = vector.bitcast %get3A_488 : vector<16xi32> to vector<32xbf16>
        %mul3A_490 = arith.mulf %bitcast3A_485, %bitcast3A_489 : vector<32xbf16>
        %unpack3A_491 = tpu.unpack_subelements %mul3A_490, 0 {pack_format = #tpu.pack_format<interleaved>} : vector<32xbf16> -> vector<16xf32>
        %unpack3A_492 = tpu.unpack_subelements %mul3A_490, 1 {pack_format = #tpu.pack_format<interleaved>} : vector<32xbf16> -> vector<16xf32>
        %add3A_493 = arith.addf %unpack3A_491, %unpack3A_492 : vector<16xf32>
        %get3A_494 = arith.index_cast %add3A_481 : i32 to index
        %get3A_495 = arith.constant 16 : index
        %get3A_496 = tpu.vector_load %arg10[%get3A_494, %get3A_495] {strides = array<i32>} : memref<80x64xi32, #tpu.memory_space<vmem>>, vector<16xi32>,
        %bitcast3A_497 = vector.bitcast %get3A_496 : vector<16xi32> to vector<32xbf16>
        %get3A_498 = arith.index_cast %add3A_481 : i32 to index
        %get3A_499 = arith.constant 16 : index
        %get3A_500 = tpu.vector_load %arg11[%get3A_498, %get3A_499] {strides = array<i32>} : memref<80x64xi32, #tpu.memory_space<vmem>>, vector<16xi32>,
        %bitcast3A_501 = vector.bitcast %get3A_500 : vector<16xi32> to vector<32xbf16>
        %mul3A_502 = arith.mulf %bitcast3A_497, %bitcast3A_501 : vector<32xbf16>
        %unpack3A_503 = tpu.unpack_subelements %mul3A_502, 0 {pack_format = #tpu.pack_format<interleaved>} : vector<32xbf16> -> vector<16xf32>
        %unpack3A_504 = tpu.unpack_subelements %mul3A_502, 1 {pack_format = #tpu.pack_format<interleaved>} : vector<32xbf16> -> vector<16xf32>
        %add3A_505 = arith.addf %unpack3A_503, %unpack3A_504 : vector<16xf32>
        %add3A_506 = arith.addf %add3A_493, %add3A_505 : vector<16xf32>
        %get3A_507 = arith.index_cast %add3A_481 : i32 to index
        %get3A_508 = arith.constant 32 : index
        %get3A_509 = tpu.vector_load %arg10[%get3A_507, %get3A_508] {strides = array<i32>} : memref<80x64xi32, #tpu.memory_space<vmem>>, vector<16xi32>,
        %bitcast3A_510 = vector.bitcast %get3A_509 : vector<16xi32> to vector<32xbf16>
        %get3A_511 = arith.index_cast %add3A_481 : i32 to index
        %get3A_512 = arith.constant 32 : index
        %get3A_513 = tpu.vector_load %arg11[%get3A_511, %get3A_512] {strides = array<i32>} : memref<80x64xi32, #tpu.memory_space<vmem>>, vector<16xi32>,
        %bitcast3A_514 = vector.bitcast %get3A_513 : vector<16xi32> to vector<32xbf16>
        %mul3A_515 = arith.mulf %bitcast3A_510, %bitcast3A_514 : vector<32xbf16>
        %unpack3A_516 = tpu.unpack_subelements %mul3A_515, 0 {pack_format = #tpu.pack_format<interleaved>} : vector<32xbf16> -> vector<16xf32>
        %unpack3A_517 = tpu.unpack_subelements %mul3A_515, 1 {pack_format = #tpu.pack_format<interleaved>} : vector<32xbf16> -> vector<16xf32>
        %add3A_518 = arith.addf %unpack3A_516, %unpack3A_517 : vector<16xf32>
        %add3A_519 = arith.addf %add3A_506, %add3A_518 : vector<16xf32>
        %get3A_520 = arith.index_cast %add3A_481 : i32 to index
        %get3A_521 = arith.constant 48 : index
        %get3A_522 = tpu.vector_load %arg10[%get3A_520, %get3A_521] {strides = array<i32>} : memref<80x64xi32, #tpu.memory_space<vmem>>, vector<16xi32>,
        %bitcast3A_523 = vector.bitcast %get3A_522 : vector<16xi32> to vector<32xbf16>
        %get3A_524 = arith.index_cast %add3A_481 : i32 to index
        %get3A_525 = arith.constant 48 : index
        %get3A_526 = tpu.vector_load %arg11[%get3A_524, %get3A_525] {strides = array<i32>} : memref<80x64xi32, #tpu.memory_space<vmem>>, vector<16xi32>,
        %bitcast3A_527 = vector.bitcast %get3A_526 : vector<16xi32> to vector<32xbf16>
        %mul3A_528 = arith.mulf %bitcast3A_523, %bitcast3A_527 : vector<32xbf16>
        %unpack3A_529 = tpu.unpack_subelements %mul3A_528, 0 {pack_format = #tpu.pack_format<interleaved>} : vector<32xbf16> -> vector<16xf32>
        %unpack3A_530 = tpu.unpack_subelements %mul3A_528, 1 {pack_format = #tpu.pack_format<interleaved>} : vector<32xbf16> -> vector<16xf32>
        %add3A_531 = arith.addf %unpack3A_529, %unpack3A_530 : vector<16xf32>
        %add3A_532 = arith.addf %add3A_519, %add3A_531 : vector<16xf32>
        %eq3A_533 = arith.constant 6 : i32
        %eq3A_534 = vector.broadcast %eq3A_533 : i32 to vector<16xi32>
        %eq3A_535 = arith.cmpi eq, %iota3A, %eq3A_534 : vector<16xi32>
        %reduce_sum3A_536 = arith.constant true
        %reduce_sum3A_537 = vector.broadcast %reduce_sum3A_536 : i1 to vector<16xi1>
        %reduce_sum3A_538 = tpu.scan <sum>, %add3A_532 masked %reduce_sum3A_537 : vector<16xf32>, vector<16xi1> -> vector<16xf32>
        %reduce_sum3A_539 = vector.extract %reduce_sum3A_538[15] : f32 from vector<16xf32>
        %broadcast_in_dim3A_540 = vector.broadcast %reduce_sum3A_539 : f32 to vector<16xf32>
        %select_n3A_541 = arith.select %eq3A_535, %broadcast_in_dim3A_540, %select_n3A_477 : vector<16xi1>, vector<16xf32>
        %mul3A_542 = arith.constant 16 : i32
        %mul3A_543 = arith.muli %scan3A_97, %mul3A_542 : i32
        %add3A_544 = arith.constant 7 : i32
        %add3A_545 = arith.addi %mul3A_543, %add3A_544 : i32
        %get3A_546 = arith.index_cast %add3A_545 : i32 to index
        %get3A_547 = arith.constant 0 : index
        %get3A_548 = tpu.vector_load %arg10[%get3A_546, %get3A_547] {strides = array<i32>} : memref<80x64xi32, #tpu.memory_space<vmem>>, vector<16xi32>,
        %bitcast3A_549 = vector.bitcast %get3A_548 : vector<16xi32> to vector<32xbf16>
        %get3A_550 = arith.index_cast %add3A_545 : i32 to index
        %get3A_551 = arith.constant 0 : index
        %get3A_552 = tpu.vector_load %arg11[%get3A_550, %get3A_551] {strides = array<i32>} : memref<80x64xi32, #tpu.memory_space<vmem>>, vector<16xi32>,
        %bitcast3A_553 = vector.bitcast %get3A_552 : vector<16xi32> to vector<32xbf16>
        %mul3A_554 = arith.mulf %bitcast3A_549, %bitcast3A_553 : vector<32xbf16>
        %unpack3A_555 = tpu.unpack_subelements %mul3A_554, 0 {pack_format = #tpu.pack_format<interleaved>} : vector<32xbf16> -> vector<16xf32>
        %unpack3A_556 = tpu.unpack_subelements %mul3A_554, 1 {pack_format = #tpu.pack_format<interleaved>} : vector<32xbf16> -> vector<16xf32>
        %add3A_557 = arith.addf %unpack3A_555, %unpack3A_556 : vector<16xf32>
        %get3A_558 = arith.index_cast %add3A_545 : i32 to index
        %get3A_559 = arith.constant 16 : index
        %get3A_560 = tpu.vector_load %arg10[%get3A_558, %get3A_559] {strides = array<i32>} : memref<80x64xi32, #tpu.memory_space<vmem>>, vector<16xi32>,
        %bitcast3A_561 = vector.bitcast %get3A_560 : vector<16xi32> to vector<32xbf16>
        %get3A_562 = arith.index_cast %add3A_545 : i32 to index
        %get3A_563 = arith.constant 16 : index
        %get3A_564 = tpu.vector_load %arg11[%get3A_562, %get3A_563] {strides = array<i32>} : memref<80x64xi32, #tpu.memory_space<vmem>>, vector<16xi32>,
        %bitcast3A_565 = vector.bitcast %get3A_564 : vector<16xi32> to vector<32xbf16>
        %mul3A_566 = arith.mulf %bitcast3A_561, %bitcast3A_565 : vector<32xbf16>
        %unpack3A_567 = tpu.unpack_subelements %mul3A_566, 0 {pack_format = #tpu.pack_format<interleaved>} : vector<32xbf16> -> vector<16xf32>
        %unpack3A_568 = tpu.unpack_subelements %mul3A_566, 1 {pack_format = #tpu.pack_format<interleaved>} : vector<32xbf16> -> vector<16xf32>
        %add3A_569 = arith.addf %unpack3A_567, %unpack3A_568 : vector<16xf32>
        %add3A_570 = arith.addf %add3A_557, %add3A_569 : vector<16xf32>
        %get3A_571 = arith.index_cast %add3A_545 : i32 to index
        %get3A_572 = arith.constant 32 : index
        %get3A_573 = tpu.vector_load %arg10[%get3A_571, %get3A_572] {strides = array<i32>} : memref<80x64xi32, #tpu.memory_space<vmem>>, vector<16xi32>,
        %bitcast3A_574 = vector.bitcast %get3A_573 : vector<16xi32> to vector<32xbf16>
        %get3A_575 = arith.index_cast %add3A_545 : i32 to index
        %get3A_576 = arith.constant 32 : index
        %get3A_577 = tpu.vector_load %arg11[%get3A_575, %get3A_576] {strides = array<i32>} : memref<80x64xi32, #tpu.memory_space<vmem>>, vector<16xi32>,
        %bitcast3A_578 = vector.bitcast %get3A_577 : vector<16xi32> to vector<32xbf16>
        %mul3A_579 = arith.mulf %bitcast3A_574, %bitcast3A_578 : vector<32xbf16>
        %unpack3A_580 = tpu.unpack_subelements %mul3A_579, 0 {pack_format = #tpu.pack_format<interleaved>} : vector<32xbf16> -> vector<16xf32>
        %unpack3A_581 = tpu.unpack_subelements %mul3A_579, 1 {pack_format = #tpu.pack_format<interleaved>} : vector<32xbf16> -> vector<16xf32>
        %add3A_582 = arith.addf %unpack3A_580, %unpack3A_581 : vector<16xf32>
        %add3A_583 = arith.addf %add3A_570, %add3A_582 : vector<16xf32>
        %get3A_584 = arith.index_cast %add3A_545 : i32 to index
        %get3A_585 = arith.constant 48 : index
        %get3A_586 = tpu.vector_load %arg10[%get3A_584, %get3A_585] {strides = array<i32>} : memref<80x64xi32, #tpu.memory_space<vmem>>, vector<16xi32>,
        %bitcast3A_587 = vector.bitcast %get3A_586 : vector<16xi32> to vector<32xbf16>
        %get3A_588 = arith.index_cast %add3A_545 : i32 to index
        %get3A_589 = arith.constant 48 : index
        %get3A_590 = tpu.vector_load %arg11[%get3A_588, %get3A_589] {strides = array<i32>} : memref<80x64xi32, #tpu.memory_space<vmem>>, vector<16xi32>,
        %bitcast3A_591 = vector.bitcast %get3A_590 : vector<16xi32> to vector<32xbf16>
        %mul3A_592 = arith.mulf %bitcast3A_587, %bitcast3A_591 : vector<32xbf16>
        %unpack3A_593 = tpu.unpack_subelements %mul3A_592, 0 {pack_format = #tpu.pack_format<interleaved>} : vector<32xbf16> -> vector<16xf32>
        %unpack3A_594 = tpu.unpack_subelements %mul3A_592, 1 {pack_format = #tpu.pack_format<interleaved>} : vector<32xbf16> -> vector<16xf32>
        %add3A_595 = arith.addf %unpack3A_593, %unpack3A_594 : vector<16xf32>
        %add3A_596 = arith.addf %add3A_583, %add3A_595 : vector<16xf32>
        %eq3A_597 = arith.constant 7 : i32
        %eq3A_598 = vector.broadcast %eq3A_597 : i32 to vector<16xi32>
        %eq3A_599 = arith.cmpi eq, %iota3A, %eq3A_598 : vector<16xi32>
        %reduce_sum3A_600 = arith.constant true
        %reduce_sum3A_601 = vector.broadcast %reduce_sum3A_600 : i1 to vector<16xi1>
        %reduce_sum3A_602 = tpu.scan <sum>, %add3A_596 masked %reduce_sum3A_601 : vector<16xf32>, vector<16xi1> -> vector<16xf32>
        %reduce_sum3A_603 = vector.extract %reduce_sum3A_602[15] : f32 from vector<16xf32>
        %broadcast_in_dim3A_604 = vector.broadcast %reduce_sum3A_603 : f32 to vector<16xf32>
        %select_n3A_605 = arith.select %eq3A_599, %broadcast_in_dim3A_604, %select_n3A_541 : vector<16xi1>, vector<16xf32>
        %mul3A_606 = arith.constant 16 : i32
        %mul3A_607 = arith.muli %scan3A_97, %mul3A_606 : i32
        %add3A_608 = arith.constant 8 : i32
        %add3A_609 = arith.addi %mul3A_607, %add3A_608 : i32
        %get3A_610 = arith.index_cast %add3A_609 : i32 to index
        %get3A_611 = arith.constant 0 : index
        %get3A_612 = tpu.vector_load %arg10[%get3A_610, %get3A_611] {strides = array<i32>} : memref<80x64xi32, #tpu.memory_space<vmem>>, vector<16xi32>,
        %bitcast3A_613 = vector.bitcast %get3A_612 : vector<16xi32> to vector<32xbf16>
        %get3A_614 = arith.index_cast %add3A_609 : i32 to index
        %get3A_615 = arith.constant 0 : index
        %get3A_616 = tpu.vector_load %arg11[%get3A_614, %get3A_615] {strides = array<i32>} : memref<80x64xi32, #tpu.memory_space<vmem>>, vector<16xi32>,
        %bitcast3A_617 = vector.bitcast %get3A_616 : vector<16xi32> to vector<32xbf16>
        %mul3A_618 = arith.mulf %bitcast3A_613, %bitcast3A_617 : vector<32xbf16>
        %unpack3A_619 = tpu.unpack_subelements %mul3A_618, 0 {pack_format = #tpu.pack_format<interleaved>} : vector<32xbf16> -> vector<16xf32>
        %unpack3A_620 = tpu.unpack_subelements %mul3A_618, 1 {pack_format = #tpu.pack_format<interleaved>} : vector<32xbf16> -> vector<16xf32>
        %add3A_621 = arith.addf %unpack3A_619, %unpack3A_620 : vector<16xf32>
        %get3A_622 = arith.index_cast %add3A_609 : i32 to index
        %get3A_623 = arith.constant 16 : index
        %get3A_624 = tpu.vector_load %arg10[%get3A_622, %get3A_623] {strides = array<i32>} : memref<80x64xi32, #tpu.memory_space<vmem>>, vector<16xi32>,
        %bitcast3A_625 = vector.bitcast %get3A_624 : vector<16xi32> to vector<32xbf16>
        %get3A_626 = arith.index_cast %add3A_609 : i32 to index
        %get3A_627 = arith.constant 16 : index
        %get3A_628 = tpu.vector_load %arg11[%get3A_626, %get3A_627] {strides = array<i32>} : memref<80x64xi32, #tpu.memory_space<vmem>>, vector<16xi32>,
        %bitcast3A_629 = vector.bitcast %get3A_628 : vector<16xi32> to vector<32xbf16>
        %mul3A_630 = arith.mulf %bitcast3A_625, %bitcast3A_629 : vector<32xbf16>
        %unpack3A_631 = tpu.unpack_subelements %mul3A_630, 0 {pack_format = #tpu.pack_format<interleaved>} : vector<32xbf16> -> vector<16xf32>
        %unpack3A_632 = tpu.unpack_subelements %mul3A_630, 1 {pack_format = #tpu.pack_format<interleaved>} : vector<32xbf16> -> vector<16xf32>
        %add3A_633 = arith.addf %unpack3A_631, %unpack3A_632 : vector<16xf32>
        %add3A_634 = arith.addf %add3A_621, %add3A_633 : vector<16xf32>
        %get3A_635 = arith.index_cast %add3A_609 : i32 to index
        %get3A_636 = arith.constant 32 : index
        %get3A_637 = tpu.vector_load %arg10[%get3A_635, %get3A_636] {strides = array<i32>} : memref<80x64xi32, #tpu.memory_space<vmem>>, vector<16xi32>,
        %bitcast3A_638 = vector.bitcast %get3A_637 : vector<16xi32> to vector<32xbf16>
        %get3A_639 = arith.index_cast %add3A_609 : i32 to index
        %get3A_640 = arith.constant 32 : index
        %get3A_641 = tpu.vector_load %arg11[%get3A_639, %get3A_640] {strides = array<i32>} : memref<80x64xi32, #tpu.memory_space<vmem>>, vector<16xi32>,
        %bitcast3A_642 = vector.bitcast %get3A_641 : vector<16xi32> to vector<32xbf16>
        %mul3A_643 = arith.mulf %bitcast3A_638, %bitcast3A_642 : vector<32xbf16>
        %unpack3A_644 = tpu.unpack_subelements %mul3A_643, 0 {pack_format = #tpu.pack_format<interleaved>} : vector<32xbf16> -> vector<16xf32>
        %unpack3A_645 = tpu.unpack_subelements %mul3A_643, 1 {pack_format = #tpu.pack_format<interleaved>} : vector<32xbf16> -> vector<16xf32>
        %add3A_646 = arith.addf %unpack3A_644, %unpack3A_645 : vector<16xf32>
        %add3A_647 = arith.addf %add3A_634, %add3A_646 : vector<16xf32>
        %get3A_648 = arith.index_cast %add3A_609 : i32 to index
        %get3A_649 = arith.constant 48 : index
        %get3A_650 = tpu.vector_load %arg10[%get3A_648, %get3A_649] {strides = array<i32>} : memref<80x64xi32, #tpu.memory_space<vmem>>, vector<16xi32>,
        %bitcast3A_651 = vector.bitcast %get3A_650 : vector<16xi32> to vector<32xbf16>
        %get3A_652 = arith.index_cast %add3A_609 : i32 to index
        %get3A_653 = arith.constant 48 : index
        %get3A_654 = tpu.vector_load %arg11[%get3A_652, %get3A_653] {strides = array<i32>} : memref<80x64xi32, #tpu.memory_space<vmem>>, vector<16xi32>,
        %bitcast3A_655 = vector.bitcast %get3A_654 : vector<16xi32> to vector<32xbf16>
        %mul3A_656 = arith.mulf %bitcast3A_651, %bitcast3A_655 : vector<32xbf16>
        %unpack3A_657 = tpu.unpack_subelements %mul3A_656, 0 {pack_format = #tpu.pack_format<interleaved>} : vector<32xbf16> -> vector<16xf32>
        %unpack3A_658 = tpu.unpack_subelements %mul3A_656, 1 {pack_format = #tpu.pack_format<interleaved>} : vector<32xbf16> -> vector<16xf32>
        %add3A_659 = arith.addf %unpack3A_657, %unpack3A_658 : vector<16xf32>
        %add3A_660 = arith.addf %add3A_647, %add3A_659 : vector<16xf32>
        %eq3A_661 = arith.constant 8 : i32
        %eq3A_662 = vector.broadcast %eq3A_661 : i32 to vector<16xi32>
        %eq3A_663 = arith.cmpi eq, %iota3A, %eq3A_662 : vector<16xi32>
        %reduce_sum3A_664 = arith.constant true
        %reduce_sum3A_665 = vector.broadcast %reduce_sum3A_664 : i1 to vector<16xi1>
        %reduce_sum3A_666 = tpu.scan <sum>, %add3A_660 masked %reduce_sum3A_665 : vector<16xf32>, vector<16xi1> -> vector<16xf32>
        %reduce_sum3A_667 = vector.extract %reduce_sum3A_666[15] : f32 from vector<16xf32>
        %broadcast_in_dim3A_668 = vector.broadcast %reduce_sum3A_667 : f32 to vector<16xf32>
        %select_n3A_669 = arith.select %eq3A_663, %broadcast_in_dim3A_668, %select_n3A_605 : vector<16xi1>, vector<16xf32>
        %mul3A_670 = arith.constant 16 : i32
        %mul3A_671 = arith.muli %scan3A_97, %mul3A_670 : i32
        %add3A_672 = arith.constant 9 : i32
        %add3A_673 = arith.addi %mul3A_671, %add3A_672 : i32
        %get3A_674 = arith.index_cast %add3A_673 : i32 to index
        %get3A_675 = arith.constant 0 : index
        %get3A_676 = tpu.vector_load %arg10[%get3A_674, %get3A_675] {strides = array<i32>} : memref<80x64xi32, #tpu.memory_space<vmem>>, vector<16xi32>,
        %bitcast3A_677 = vector.bitcast %get3A_676 : vector<16xi32> to vector<32xbf16>
        %get3A_678 = arith.index_cast %add3A_673 : i32 to index
        %get3A_679 = arith.constant 0 : index
        %get3A_680 = tpu.vector_load %arg11[%get3A_678, %get3A_679] {strides = array<i32>} : memref<80x64xi32, #tpu.memory_space<vmem>>, vector<16xi32>,
        %bitcast3A_681 = vector.bitcast %get3A_680 : vector<16xi32> to vector<32xbf16>
        %mul3A_682 = arith.mulf %bitcast3A_677, %bitcast3A_681 : vector<32xbf16>
        %unpack3A_683 = tpu.unpack_subelements %mul3A_682, 0 {pack_format = #tpu.pack_format<interleaved>} : vector<32xbf16> -> vector<16xf32>
        %unpack3A_684 = tpu.unpack_subelements %mul3A_682, 1 {pack_format = #tpu.pack_format<interleaved>} : vector<32xbf16> -> vector<16xf32>
        %add3A_685 = arith.addf %unpack3A_683, %unpack3A_684 : vector<16xf32>
        %get3A_686 = arith.index_cast %add3A_673 : i32 to index
        %get3A_687 = arith.constant 16 : index
        %get3A_688 = tpu.vector_load %arg10[%get3A_686, %get3A_687] {strides = array<i32>} : memref<80x64xi32, #tpu.memory_space<vmem>>, vector<16xi32>,
        %bitcast3A_689 = vector.bitcast %get3A_688 : vector<16xi32> to vector<32xbf16>
        %get3A_690 = arith.index_cast %add3A_673 : i32 to index
        %get3A_691 = arith.constant 16 : index
        %get3A_692 = tpu.vector_load %arg11[%get3A_690, %get3A_691] {strides = array<i32>} : memref<80x64xi32, #tpu.memory_space<vmem>>, vector<16xi32>,
        %bitcast3A_693 = vector.bitcast %get3A_692 : vector<16xi32> to vector<32xbf16>
        %mul3A_694 = arith.mulf %bitcast3A_689, %bitcast3A_693 : vector<32xbf16>
        %unpack3A_695 = tpu.unpack_subelements %mul3A_694, 0 {pack_format = #tpu.pack_format<interleaved>} : vector<32xbf16> -> vector<16xf32>
        %unpack3A_696 = tpu.unpack_subelements %mul3A_694, 1 {pack_format = #tpu.pack_format<interleaved>} : vector<32xbf16> -> vector<16xf32>
        %add3A_697 = arith.addf %unpack3A_695, %unpack3A_696 : vector<16xf32>
        %add3A_698 = arith.addf %add3A_685, %add3A_697 : vector<16xf32>
        %get3A_699 = arith.index_cast %add3A_673 : i32 to index
        %get3A_700 = arith.constant 32 : index
        %get3A_701 = tpu.vector_load %arg10[%get3A_699, %get3A_700] {strides = array<i32>} : memref<80x64xi32, #tpu.memory_space<vmem>>, vector<16xi32>,
        %bitcast3A_702 = vector.bitcast %get3A_701 : vector<16xi32> to vector<32xbf16>
        %get3A_703 = arith.index_cast %add3A_673 : i32 to index
        %get3A_704 = arith.constant 32 : index
        %get3A_705 = tpu.vector_load %arg11[%get3A_703, %get3A_704] {strides = array<i32>} : memref<80x64xi32, #tpu.memory_space<vmem>>, vector<16xi32>,
        %bitcast3A_706 = vector.bitcast %get3A_705 : vector<16xi32> to vector<32xbf16>
        %mul3A_707 = arith.mulf %bitcast3A_702, %bitcast3A_706 : vector<32xbf16>
        %unpack3A_708 = tpu.unpack_subelements %mul3A_707, 0 {pack_format = #tpu.pack_format<interleaved>} : vector<32xbf16> -> vector<16xf32>
        %unpack3A_709 = tpu.unpack_subelements %mul3A_707, 1 {pack_format = #tpu.pack_format<interleaved>} : vector<32xbf16> -> vector<16xf32>
        %add3A_710 = arith.addf %unpack3A_708, %unpack3A_709 : vector<16xf32>
        %add3A_711 = arith.addf %add3A_698, %add3A_710 : vector<16xf32>
        %get3A_712 = arith.index_cast %add3A_673 : i32 to index
        %get3A_713 = arith.constant 48 : index
        %get3A_714 = tpu.vector_load %arg10[%get3A_712, %get3A_713] {strides = array<i32>} : memref<80x64xi32, #tpu.memory_space<vmem>>, vector<16xi32>,
        %bitcast3A_715 = vector.bitcast %get3A_714 : vector<16xi32> to vector<32xbf16>
        %get3A_716 = arith.index_cast %add3A_673 : i32 to index
        %get3A_717 = arith.constant 48 : index
        %get3A_718 = tpu.vector_load %arg11[%get3A_716, %get3A_717] {strides = array<i32>} : memref<80x64xi32, #tpu.memory_space<vmem>>, vector<16xi32>,
        %bitcast3A_719 = vector.bitcast %get3A_718 : vector<16xi32> to vector<32xbf16>
        %mul3A_720 = arith.mulf %bitcast3A_715, %bitcast3A_719 : vector<32xbf16>
        %unpack3A_721 = tpu.unpack_subelements %mul3A_720, 0 {pack_format = #tpu.pack_format<interleaved>} : vector<32xbf16> -> vector<16xf32>
        %unpack3A_722 = tpu.unpack_subelements %mul3A_720, 1 {pack_format = #tpu.pack_format<interleaved>} : vector<32xbf16> -> vector<16xf32>
        %add3A_723 = arith.addf %unpack3A_721, %unpack3A_722 : vector<16xf32>
        %add3A_724 = arith.addf %add3A_711, %add3A_723 : vector<16xf32>
        %eq3A_725 = arith.constant 9 : i32
        %eq3A_726 = vector.broadcast %eq3A_725 : i32 to vector<16xi32>
        %eq3A_727 = arith.cmpi eq, %iota3A, %eq3A_726 : vector<16xi32>
        %reduce_sum3A_728 = arith.constant true
        %reduce_sum3A_729 = vector.broadcast %reduce_sum3A_728 : i1 to vector<16xi1>
        %reduce_sum3A_730 = tpu.scan <sum>, %add3A_724 masked %reduce_sum3A_729 : vector<16xf32>, vector<16xi1> -> vector<16xf32>
        %reduce_sum3A_731 = vector.extract %reduce_sum3A_730[15] : f32 from vector<16xf32>
        %broadcast_in_dim3A_732 = vector.broadcast %reduce_sum3A_731 : f32 to vector<16xf32>
        %select_n3A_733 = arith.select %eq3A_727, %broadcast_in_dim3A_732, %select_n3A_669 : vector<16xi1>, vector<16xf32>
        %mul3A_734 = arith.constant 16 : i32
        %mul3A_735 = arith.muli %scan3A_97, %mul3A_734 : i32
        %add3A_736 = arith.constant 10 : i32
        %add3A_737 = arith.addi %mul3A_735, %add3A_736 : i32
        %get3A_738 = arith.index_cast %add3A_737 : i32 to index
        %get3A_739 = arith.constant 0 : index
        %get3A_740 = tpu.vector_load %arg10[%get3A_738, %get3A_739] {strides = array<i32>} : memref<80x64xi32, #tpu.memory_space<vmem>>, vector<16xi32>,
        %bitcast3A_741 = vector.bitcast %get3A_740 : vector<16xi32> to vector<32xbf16>
        %get3A_742 = arith.index_cast %add3A_737 : i32 to index
        %get3A_743 = arith.constant 0 : index
        %get3A_744 = tpu.vector_load %arg11[%get3A_742, %get3A_743] {strides = array<i32>} : memref<80x64xi32, #tpu.memory_space<vmem>>, vector<16xi32>,
        %bitcast3A_745 = vector.bitcast %get3A_744 : vector<16xi32> to vector<32xbf16>
        %mul3A_746 = arith.mulf %bitcast3A_741, %bitcast3A_745 : vector<32xbf16>
        %unpack3A_747 = tpu.unpack_subelements %mul3A_746, 0 {pack_format = #tpu.pack_format<interleaved>} : vector<32xbf16> -> vector<16xf32>
        %unpack3A_748 = tpu.unpack_subelements %mul3A_746, 1 {pack_format = #tpu.pack_format<interleaved>} : vector<32xbf16> -> vector<16xf32>
        %add3A_749 = arith.addf %unpack3A_747, %unpack3A_748 : vector<16xf32>
        %get3A_750 = arith.index_cast %add3A_737 : i32 to index
        %get3A_751 = arith.constant 16 : index
        %get3A_752 = tpu.vector_load %arg10[%get3A_750, %get3A_751] {strides = array<i32>} : memref<80x64xi32, #tpu.memory_space<vmem>>, vector<16xi32>,
        %bitcast3A_753 = vector.bitcast %get3A_752 : vector<16xi32> to vector<32xbf16>
        %get3A_754 = arith.index_cast %add3A_737 : i32 to index
        %get3A_755 = arith.constant 16 : index
        %get3A_756 = tpu.vector_load %arg11[%get3A_754, %get3A_755] {strides = array<i32>} : memref<80x64xi32, #tpu.memory_space<vmem>>, vector<16xi32>,
        %bitcast3A_757 = vector.bitcast %get3A_756 : vector<16xi32> to vector<32xbf16>
        %mul3A_758 = arith.mulf %bitcast3A_753, %bitcast3A_757 : vector<32xbf16>
        %unpack3A_759 = tpu.unpack_subelements %mul3A_758, 0 {pack_format = #tpu.pack_format<interleaved>} : vector<32xbf16> -> vector<16xf32>
        %unpack3A_760 = tpu.unpack_subelements %mul3A_758, 1 {pack_format = #tpu.pack_format<interleaved>} : vector<32xbf16> -> vector<16xf32>
        %add3A_761 = arith.addf %unpack3A_759, %unpack3A_760 : vector<16xf32>
        %add3A_762 = arith.addf %add3A_749, %add3A_761 : vector<16xf32>
        %get3A_763 = arith.index_cast %add3A_737 : i32 to index
        %get3A_764 = arith.constant 32 : index
        %get3A_765 = tpu.vector_load %arg10[%get3A_763, %get3A_764] {strides = array<i32>} : memref<80x64xi32, #tpu.memory_space<vmem>>, vector<16xi32>,
        %bitcast3A_766 = vector.bitcast %get3A_765 : vector<16xi32> to vector<32xbf16>
        %get3A_767 = arith.index_cast %add3A_737 : i32 to index
        %get3A_768 = arith.constant 32 : index
        %get3A_769 = tpu.vector_load %arg11[%get3A_767, %get3A_768] {strides = array<i32>} : memref<80x64xi32, #tpu.memory_space<vmem>>, vector<16xi32>,
        %bitcast3A_770 = vector.bitcast %get3A_769 : vector<16xi32> to vector<32xbf16>
        %mul3A_771 = arith.mulf %bitcast3A_766, %bitcast3A_770 : vector<32xbf16>
        %unpack3A_772 = tpu.unpack_subelements %mul3A_771, 0 {pack_format = #tpu.pack_format<interleaved>} : vector<32xbf16> -> vector<16xf32>
        %unpack3A_773 = tpu.unpack_subelements %mul3A_771, 1 {pack_format = #tpu.pack_format<interleaved>} : vector<32xbf16> -> vector<16xf32>
        %add3A_774 = arith.addf %unpack3A_772, %unpack3A_773 : vector<16xf32>
        %add3A_775 = arith.addf %add3A_762, %add3A_774 : vector<16xf32>
        %get3A_776 = arith.index_cast %add3A_737 : i32 to index
        %get3A_777 = arith.constant 48 : index
        %get3A_778 = tpu.vector_load %arg10[%get3A_776, %get3A_777] {strides = array<i32>} : memref<80x64xi32, #tpu.memory_space<vmem>>, vector<16xi32>,
        %bitcast3A_779 = vector.bitcast %get3A_778 : vector<16xi32> to vector<32xbf16>
        %get3A_780 = arith.index_cast %add3A_737 : i32 to index
        %get3A_781 = arith.constant 48 : index
        %get3A_782 = tpu.vector_load %arg11[%get3A_780, %get3A_781] {strides = array<i32>} : memref<80x64xi32, #tpu.memory_space<vmem>>, vector<16xi32>,
        %bitcast3A_783 = vector.bitcast %get3A_782 : vector<16xi32> to vector<32xbf16>
        %mul3A_784 = arith.mulf %bitcast3A_779, %bitcast3A_783 : vector<32xbf16>
        %unpack3A_785 = tpu.unpack_subelements %mul3A_784, 0 {pack_format = #tpu.pack_format<interleaved>} : vector<32xbf16> -> vector<16xf32>
        %unpack3A_786 = tpu.unpack_subelements %mul3A_784, 1 {pack_format = #tpu.pack_format<interleaved>} : vector<32xbf16> -> vector<16xf32>
        %add3A_787 = arith.addf %unpack3A_785, %unpack3A_786 : vector<16xf32>
        %add3A_788 = arith.addf %add3A_775, %add3A_787 : vector<16xf32>
        %eq3A_789 = arith.constant 10 : i32
        %eq3A_790 = vector.broadcast %eq3A_789 : i32 to vector<16xi32>
        %eq3A_791 = arith.cmpi eq, %iota3A, %eq3A_790 : vector<16xi32>
        %reduce_sum3A_792 = arith.constant true
        %reduce_sum3A_793 = vector.broadcast %reduce_sum3A_792 : i1 to vector<16xi1>
        %reduce_sum3A_794 = tpu.scan <sum>, %add3A_788 masked %reduce_sum3A_793 : vector<16xf32>, vector<16xi1> -> vector<16xf32>
        %reduce_sum3A_795 = vector.extract %reduce_sum3A_794[15] : f32 from vector<16xf32>
        %broadcast_in_dim3A_796 = vector.broadcast %reduce_sum3A_795 : f32 to vector<16xf32>
        %select_n3A_797 = arith.select %eq3A_791, %broadcast_in_dim3A_796, %select_n3A_733 : vector<16xi1>, vector<16xf32>
        %mul3A_798 = arith.constant 16 : i32
        %mul3A_799 = arith.muli %scan3A_97, %mul3A_798 : i32
        %add3A_800 = arith.constant 11 : i32
        %add3A_801 = arith.addi %mul3A_799, %add3A_800 : i32
        %get3A_802 = arith.index_cast %add3A_801 : i32 to index
        %get3A_803 = arith.constant 0 : index
        %get3A_804 = tpu.vector_load %arg10[%get3A_802, %get3A_803] {strides = array<i32>} : memref<80x64xi32, #tpu.memory_space<vmem>>, vector<16xi32>,
        %bitcast3A_805 = vector.bitcast %get3A_804 : vector<16xi32> to vector<32xbf16>
        %get3A_806 = arith.index_cast %add3A_801 : i32 to index
        %get3A_807 = arith.constant 0 : index
        %get3A_808 = tpu.vector_load %arg11[%get3A_806, %get3A_807] {strides = array<i32>} : memref<80x64xi32, #tpu.memory_space<vmem>>, vector<16xi32>,
        %bitcast3A_809 = vector.bitcast %get3A_808 : vector<16xi32> to vector<32xbf16>
        %mul3A_810 = arith.mulf %bitcast3A_805, %bitcast3A_809 : vector<32xbf16>
        %unpack3A_811 = tpu.unpack_subelements %mul3A_810, 0 {pack_format = #tpu.pack_format<interleaved>} : vector<32xbf16> -> vector<16xf32>
        %unpack3A_812 = tpu.unpack_subelements %mul3A_810, 1 {pack_format = #tpu.pack_format<interleaved>} : vector<32xbf16> -> vector<16xf32>
        %add3A_813 = arith.addf %unpack3A_811, %unpack3A_812 : vector<16xf32>
        %get3A_814 = arith.index_cast %add3A_801 : i32 to index
        %get3A_815 = arith.constant 16 : index
        %get3A_816 = tpu.vector_load %arg10[%get3A_814, %get3A_815] {strides = array<i32>} : memref<80x64xi32, #tpu.memory_space<vmem>>, vector<16xi32>,
        %bitcast3A_817 = vector.bitcast %get3A_816 : vector<16xi32> to vector<32xbf16>
        %get3A_818 = arith.index_cast %add3A_801 : i32 to index
        %get3A_819 = arith.constant 16 : index
        %get3A_820 = tpu.vector_load %arg11[%get3A_818, %get3A_819] {strides = array<i32>} : memref<80x64xi32, #tpu.memory_space<vmem>>, vector<16xi32>,
        %bitcast3A_821 = vector.bitcast %get3A_820 : vector<16xi32> to vector<32xbf16>
        %mul3A_822 = arith.mulf %bitcast3A_817, %bitcast3A_821 : vector<32xbf16>
        %unpack3A_823 = tpu.unpack_subelements %mul3A_822, 0 {pack_format = #tpu.pack_format<interleaved>} : vector<32xbf16> -> vector<16xf32>
        %unpack3A_824 = tpu.unpack_subelements %mul3A_822, 1 {pack_format = #tpu.pack_format<interleaved>} : vector<32xbf16> -> vector<16xf32>
        %add3A_825 = arith.addf %unpack3A_823, %unpack3A_824 : vector<16xf32>
        %add3A_826 = arith.addf %add3A_813, %add3A_825 : vector<16xf32>
        %get3A_827 = arith.index_cast %add3A_801 : i32 to index
        %get3A_828 = arith.constant 32 : index
        %get3A_829 = tpu.vector_load %arg10[%get3A_827, %get3A_828] {strides = array<i32>} : memref<80x64xi32, #tpu.memory_space<vmem>>, vector<16xi32>,
        %bitcast3A_830 = vector.bitcast %get3A_829 : vector<16xi32> to vector<32xbf16>
        %get3A_831 = arith.index_cast %add3A_801 : i32 to index
        %get3A_832 = arith.constant 32 : index
        %get3A_833 = tpu.vector_load %arg11[%get3A_831, %get3A_832] {strides = array<i32>} : memref<80x64xi32, #tpu.memory_space<vmem>>, vector<16xi32>,
        %bitcast3A_834 = vector.bitcast %get3A_833 : vector<16xi32> to vector<32xbf16>
        %mul3A_835 = arith.mulf %bitcast3A_830, %bitcast3A_834 : vector<32xbf16>
        %unpack3A_836 = tpu.unpack_subelements %mul3A_835, 0 {pack_format = #tpu.pack_format<interleaved>} : vector<32xbf16> -> vector<16xf32>
        %unpack3A_837 = tpu.unpack_subelements %mul3A_835, 1 {pack_format = #tpu.pack_format<interleaved>} : vector<32xbf16> -> vector<16xf32>
        %add3A_838 = arith.addf %unpack3A_836, %unpack3A_837 : vector<16xf32>
        %add3A_839 = arith.addf %add3A_826, %add3A_838 : vector<16xf32>
        %get3A_840 = arith.index_cast %add3A_801 : i32 to index
        %get3A_841 = arith.constant 48 : index
        %get3A_842 = tpu.vector_load %arg10[%get3A_840, %get3A_841] {strides = array<i32>} : memref<80x64xi32, #tpu.memory_space<vmem>>, vector<16xi32>,
        %bitcast3A_843 = vector.bitcast %get3A_842 : vector<16xi32> to vector<32xbf16>
        %get3A_844 = arith.index_cast %add3A_801 : i32 to index
        %get3A_845 = arith.constant 48 : index
        %get3A_846 = tpu.vector_load %arg11[%get3A_844, %get3A_845] {strides = array<i32>} : memref<80x64xi32, #tpu.memory_space<vmem>>, vector<16xi32>,
        %bitcast3A_847 = vector.bitcast %get3A_846 : vector<16xi32> to vector<32xbf16>
        %mul3A_848 = arith.mulf %bitcast3A_843, %bitcast3A_847 : vector<32xbf16>
        %unpack3A_849 = tpu.unpack_subelements %mul3A_848, 0 {pack_format = #tpu.pack_format<interleaved>} : vector<32xbf16> -> vector<16xf32>
        %unpack3A_850 = tpu.unpack_subelements %mul3A_848, 1 {pack_format = #tpu.pack_format<interleaved>} : vector<32xbf16> -> vector<16xf32>
        %add3A_851 = arith.addf %unpack3A_849, %unpack3A_850 : vector<16xf32>
        %add3A_852 = arith.addf %add3A_839, %add3A_851 : vector<16xf32>
        %eq3A_853 = arith.constant 11 : i32
        %eq3A_854 = vector.broadcast %eq3A_853 : i32 to vector<16xi32>
        %eq3A_855 = arith.cmpi eq, %iota3A, %eq3A_854 : vector<16xi32>
        %reduce_sum3A_856 = arith.constant true
        %reduce_sum3A_857 = vector.broadcast %reduce_sum3A_856 : i1 to vector<16xi1>
        %reduce_sum3A_858 = tpu.scan <sum>, %add3A_852 masked %reduce_sum3A_857 : vector<16xf32>, vector<16xi1> -> vector<16xf32>
        %reduce_sum3A_859 = vector.extract %reduce_sum3A_858[15] : f32 from vector<16xf32>
        %broadcast_in_dim3A_860 = vector.broadcast %reduce_sum3A_859 : f32 to vector<16xf32>
        %select_n3A_861 = arith.select %eq3A_855, %broadcast_in_dim3A_860, %select_n3A_797 : vector<16xi1>, vector<16xf32>
        %mul3A_862 = arith.constant 16 : i32
        %mul3A_863 = arith.muli %scan3A_97, %mul3A_862 : i32
        %add3A_864 = arith.constant 12 : i32
        %add3A_865 = arith.addi %mul3A_863, %add3A_864 : i32
        %get3A_866 = arith.index_cast %add3A_865 : i32 to index
        %get3A_867 = arith.constant 0 : index
        %get3A_868 = tpu.vector_load %arg10[%get3A_866, %get3A_867] {strides = array<i32>} : memref<80x64xi32, #tpu.memory_space<vmem>>, vector<16xi32>,
        %bitcast3A_869 = vector.bitcast %get3A_868 : vector<16xi32> to vector<32xbf16>
        %get3A_870 = arith.index_cast %add3A_865 : i32 to index
        %get3A_871 = arith.constant 0 : index
        %get3A_872 = tpu.vector_load %arg11[%get3A_870, %get3A_871] {strides = array<i32>} : memref<80x64xi32, #tpu.memory_space<vmem>>, vector<16xi32>,
        %bitcast3A_873 = vector.bitcast %get3A_872 : vector<16xi32> to vector<32xbf16>
        %mul3A_874 = arith.mulf %bitcast3A_869, %bitcast3A_873 : vector<32xbf16>
        %unpack3A_875 = tpu.unpack_subelements %mul3A_874, 0 {pack_format = #tpu.pack_format<interleaved>} : vector<32xbf16> -> vector<16xf32>
        %unpack3A_876 = tpu.unpack_subelements %mul3A_874, 1 {pack_format = #tpu.pack_format<interleaved>} : vector<32xbf16> -> vector<16xf32>
        %add3A_877 = arith.addf %unpack3A_875, %unpack3A_876 : vector<16xf32>
        %get3A_878 = arith.index_cast %add3A_865 : i32 to index
        %get3A_879 = arith.constant 16 : index
        %get3A_880 = tpu.vector_load %arg10[%get3A_878, %get3A_879] {strides = array<i32>} : memref<80x64xi32, #tpu.memory_space<vmem>>, vector<16xi32>,
        %bitcast3A_881 = vector.bitcast %get3A_880 : vector<16xi32> to vector<32xbf16>
        %get3A_882 = arith.index_cast %add3A_865 : i32 to index
        %get3A_883 = arith.constant 16 : index
        %get3A_884 = tpu.vector_load %arg11[%get3A_882, %get3A_883] {strides = array<i32>} : memref<80x64xi32, #tpu.memory_space<vmem>>, vector<16xi32>,
        %bitcast3A_885 = vector.bitcast %get3A_884 : vector<16xi32> to vector<32xbf16>
        %mul3A_886 = arith.mulf %bitcast3A_881, %bitcast3A_885 : vector<32xbf16>
        %unpack3A_887 = tpu.unpack_subelements %mul3A_886, 0 {pack_format = #tpu.pack_format<interleaved>} : vector<32xbf16> -> vector<16xf32>
        %unpack3A_888 = tpu.unpack_subelements %mul3A_886, 1 {pack_format = #tpu.pack_format<interleaved>} : vector<32xbf16> -> vector<16xf32>
        %add3A_889 = arith.addf %unpack3A_887, %unpack3A_888 : vector<16xf32>
        %add3A_890 = arith.addf %add3A_877, %add3A_889 : vector<16xf32>
        %get3A_891 = arith.index_cast %add3A_865 : i32 to index
        %get3A_892 = arith.constant 32 : index
        %get3A_893 = tpu.vector_load %arg10[%get3A_891, %get3A_892] {strides = array<i32>} : memref<80x64xi32, #tpu.memory_space<vmem>>, vector<16xi32>,
        %bitcast3A_894 = vector.bitcast %get3A_893 : vector<16xi32> to vector<32xbf16>
        %get3A_895 = arith.index_cast %add3A_865 : i32 to index
        %get3A_896 = arith.constant 32 : index
        %get3A_897 = tpu.vector_load %arg11[%get3A_895, %get3A_896] {strides = array<i32>} : memref<80x64xi32, #tpu.memory_space<vmem>>, vector<16xi32>,
        %bitcast3A_898 = vector.bitcast %get3A_897 : vector<16xi32> to vector<32xbf16>
        %mul3A_899 = arith.mulf %bitcast3A_894, %bitcast3A_898 : vector<32xbf16>
        %unpack3A_900 = tpu.unpack_subelements %mul3A_899, 0 {pack_format = #tpu.pack_format<interleaved>} : vector<32xbf16> -> vector<16xf32>
        %unpack3A_901 = tpu.unpack_subelements %mul3A_899, 1 {pack_format = #tpu.pack_format<interleaved>} : vector<32xbf16> -> vector<16xf32>
        %add3A_902 = arith.addf %unpack3A_900, %unpack3A_901 : vector<16xf32>
        %add3A_903 = arith.addf %add3A_890, %add3A_902 : vector<16xf32>
        %get3A_904 = arith.index_cast %add3A_865 : i32 to index
        %get3A_905 = arith.constant 48 : index
        %get3A_906 = tpu.vector_load %arg10[%get3A_904, %get3A_905] {strides = array<i32>} : memref<80x64xi32, #tpu.memory_space<vmem>>, vector<16xi32>,
        %bitcast3A_907 = vector.bitcast %get3A_906 : vector<16xi32> to vector<32xbf16>
        %get3A_908 = arith.index_cast %add3A_865 : i32 to index
        %get3A_909 = arith.constant 48 : index
        %get3A_910 = tpu.vector_load %arg11[%get3A_908, %get3A_909] {strides = array<i32>} : memref<80x64xi32, #tpu.memory_space<vmem>>, vector<16xi32>,
        %bitcast3A_911 = vector.bitcast %get3A_910 : vector<16xi32> to vector<32xbf16>
        %mul3A_912 = arith.mulf %bitcast3A_907, %bitcast3A_911 : vector<32xbf16>
        %unpack3A_913 = tpu.unpack_subelements %mul3A_912, 0 {pack_format = #tpu.pack_format<interleaved>} : vector<32xbf16> -> vector<16xf32>
        %unpack3A_914 = tpu.unpack_subelements %mul3A_912, 1 {pack_format = #tpu.pack_format<interleaved>} : vector<32xbf16> -> vector<16xf32>
        %add3A_915 = arith.addf %unpack3A_913, %unpack3A_914 : vector<16xf32>
        %add3A_916 = arith.addf %add3A_903, %add3A_915 : vector<16xf32>
        %eq3A_917 = arith.constant 12 : i32
        %eq3A_918 = vector.broadcast %eq3A_917 : i32 to vector<16xi32>
        %eq3A_919 = arith.cmpi eq, %iota3A, %eq3A_918 : vector<16xi32>
        %reduce_sum3A_920 = arith.constant true
        %reduce_sum3A_921 = vector.broadcast %reduce_sum3A_920 : i1 to vector<16xi1>
        %reduce_sum3A_922 = tpu.scan <sum>, %add3A_916 masked %reduce_sum3A_921 : vector<16xf32>, vector<16xi1> -> vector<16xf32>
        %reduce_sum3A_923 = vector.extract %reduce_sum3A_922[15] : f32 from vector<16xf32>
        %broadcast_in_dim3A_924 = vector.broadcast %reduce_sum3A_923 : f32 to vector<16xf32>
        %select_n3A_925 = arith.select %eq3A_919, %broadcast_in_dim3A_924, %select_n3A_861 : vector<16xi1>, vector<16xf32>
        %mul3A_926 = arith.constant 16 : i32
        %mul3A_927 = arith.muli %scan3A_97, %mul3A_926 : i32
        %add3A_928 = arith.constant 13 : i32
        %add3A_929 = arith.addi %mul3A_927, %add3A_928 : i32
        %get3A_930 = arith.index_cast %add3A_929 : i32 to index
        %get3A_931 = arith.constant 0 : index
        %get3A_932 = tpu.vector_load %arg10[%get3A_930, %get3A_931] {strides = array<i32>} : memref<80x64xi32, #tpu.memory_space<vmem>>, vector<16xi32>,
        %bitcast3A_933 = vector.bitcast %get3A_932 : vector<16xi32> to vector<32xbf16>
        %get3A_934 = arith.index_cast %add3A_929 : i32 to index
        %get3A_935 = arith.constant 0 : index
        %get3A_936 = tpu.vector_load %arg11[%get3A_934, %get3A_935] {strides = array<i32>} : memref<80x64xi32, #tpu.memory_space<vmem>>, vector<16xi32>,
        %bitcast3A_937 = vector.bitcast %get3A_936 : vector<16xi32> to vector<32xbf16>
        %mul3A_938 = arith.mulf %bitcast3A_933, %bitcast3A_937 : vector<32xbf16>
        %unpack3A_939 = tpu.unpack_subelements %mul3A_938, 0 {pack_format = #tpu.pack_format<interleaved>} : vector<32xbf16> -> vector<16xf32>
        %unpack3A_940 = tpu.unpack_subelements %mul3A_938, 1 {pack_format = #tpu.pack_format<interleaved>} : vector<32xbf16> -> vector<16xf32>
        %add3A_941 = arith.addf %unpack3A_939, %unpack3A_940 : vector<16xf32>
        %get3A_942 = arith.index_cast %add3A_929 : i32 to index
        %get3A_943 = arith.constant 16 : index
        %get3A_944 = tpu.vector_load %arg10[%get3A_942, %get3A_943] {strides = array<i32>} : memref<80x64xi32, #tpu.memory_space<vmem>>, vector<16xi32>,
        %bitcast3A_945 = vector.bitcast %get3A_944 : vector<16xi32> to vector<32xbf16>
        %get3A_946 = arith.index_cast %add3A_929 : i32 to index
        %get3A_947 = arith.constant 16 : index
        %get3A_948 = tpu.vector_load %arg11[%get3A_946, %get3A_947] {strides = array<i32>} : memref<80x64xi32, #tpu.memory_space<vmem>>, vector<16xi32>,
        %bitcast3A_949 = vector.bitcast %get3A_948 : vector<16xi32> to vector<32xbf16>
        %mul3A_950 = arith.mulf %bitcast3A_945, %bitcast3A_949 : vector<32xbf16>
        %unpack3A_951 = tpu.unpack_subelements %mul3A_950, 0 {pack_format = #tpu.pack_format<interleaved>} : vector<32xbf16> -> vector<16xf32>
        %unpack3A_952 = tpu.unpack_subelements %mul3A_950, 1 {pack_format = #tpu.pack_format<interleaved>} : vector<32xbf16> -> vector<16xf32>
        %add3A_953 = arith.addf %unpack3A_951, %unpack3A_952 : vector<16xf32>
        %add3A_954 = arith.addf %add3A_941, %add3A_953 : vector<16xf32>
        %get3A_955 = arith.index_cast %add3A_929 : i32 to index
        %get3A_956 = arith.constant 32 : index
        %get3A_957 = tpu.vector_load %arg10[%get3A_955, %get3A_956] {strides = array<i32>} : memref<80x64xi32, #tpu.memory_space<vmem>>, vector<16xi32>,
        %bitcast3A_958 = vector.bitcast %get3A_957 : vector<16xi32> to vector<32xbf16>
        %get3A_959 = arith.index_cast %add3A_929 : i32 to index
        %get3A_960 = arith.constant 32 : index
        %get3A_961 = tpu.vector_load %arg11[%get3A_959, %get3A_960] {strides = array<i32>} : memref<80x64xi32, #tpu.memory_space<vmem>>, vector<16xi32>,
        %bitcast3A_962 = vector.bitcast %get3A_961 : vector<16xi32> to vector<32xbf16>
        %mul3A_963 = arith.mulf %bitcast3A_958, %bitcast3A_962 : vector<32xbf16>
        %unpack3A_964 = tpu.unpack_subelements %mul3A_963, 0 {pack_format = #tpu.pack_format<interleaved>} : vector<32xbf16> -> vector<16xf32>
        %unpack3A_965 = tpu.unpack_subelements %mul3A_963, 1 {pack_format = #tpu.pack_format<interleaved>} : vector<32xbf16> -> vector<16xf32>
        %add3A_966 = arith.addf %unpack3A_964, %unpack3A_965 : vector<16xf32>
        %add3A_967 = arith.addf %add3A_954, %add3A_966 : vector<16xf32>
        %get3A_968 = arith.index_cast %add3A_929 : i32 to index
        %get3A_969 = arith.constant 48 : index
        %get3A_970 = tpu.vector_load %arg10[%get3A_968, %get3A_969] {strides = array<i32>} : memref<80x64xi32, #tpu.memory_space<vmem>>, vector<16xi32>,
        %bitcast3A_971 = vector.bitcast %get3A_970 : vector<16xi32> to vector<32xbf16>
        %get3A_972 = arith.index_cast %add3A_929 : i32 to index
        %get3A_973 = arith.constant 48 : index
        %get3A_974 = tpu.vector_load %arg11[%get3A_972, %get3A_973] {strides = array<i32>} : memref<80x64xi32, #tpu.memory_space<vmem>>, vector<16xi32>,
        %bitcast3A_975 = vector.bitcast %get3A_974 : vector<16xi32> to vector<32xbf16>
        %mul3A_976 = arith.mulf %bitcast3A_971, %bitcast3A_975 : vector<32xbf16>
        %unpack3A_977 = tpu.unpack_subelements %mul3A_976, 0 {pack_format = #tpu.pack_format<interleaved>} : vector<32xbf16> -> vector<16xf32>
        %unpack3A_978 = tpu.unpack_subelements %mul3A_976, 1 {pack_format = #tpu.pack_format<interleaved>} : vector<32xbf16> -> vector<16xf32>
        %add3A_979 = arith.addf %unpack3A_977, %unpack3A_978 : vector<16xf32>
        %add3A_980 = arith.addf %add3A_967, %add3A_979 : vector<16xf32>
        %eq3A_981 = arith.constant 13 : i32
        %eq3A_982 = vector.broadcast %eq3A_981 : i32 to vector<16xi32>
        %eq3A_983 = arith.cmpi eq, %iota3A, %eq3A_982 : vector<16xi32>
        %reduce_sum3A_984 = arith.constant true
        %reduce_sum3A_985 = vector.broadcast %reduce_sum3A_984 : i1 to vector<16xi1>
        %reduce_sum3A_986 = tpu.scan <sum>, %add3A_980 masked %reduce_sum3A_985 : vector<16xf32>, vector<16xi1> -> vector<16xf32>
        %reduce_sum3A_987 = vector.extract %reduce_sum3A_986[15] : f32 from vector<16xf32>
        %broadcast_in_dim3A_988 = vector.broadcast %reduce_sum3A_987 : f32 to vector<16xf32>
        %select_n3A_989 = arith.select %eq3A_983, %broadcast_in_dim3A_988, %select_n3A_925 : vector<16xi1>, vector<16xf32>
        %mul3A_990 = arith.constant 16 : i32
        %mul3A_991 = arith.muli %scan3A_97, %mul3A_990 : i32
        %add3A_992 = arith.constant 14 : i32
        %add3A_993 = arith.addi %mul3A_991, %add3A_992 : i32
        %get3A_994 = arith.index_cast %add3A_993 : i32 to index
        %get3A_995 = arith.constant 0 : index
        %get3A_996 = tpu.vector_load %arg10[%get3A_994, %get3A_995] {strides = array<i32>} : memref<80x64xi32, #tpu.memory_space<vmem>>, vector<16xi32>,
        %bitcast3A_997 = vector.bitcast %get3A_996 : vector<16xi32> to vector<32xbf16>
        %get3A_998 = arith.index_cast %add3A_993 : i32 to index
        %get3A_999 = arith.constant 0 : index
        %get3A_1000 = tpu.vector_load %arg11[%get3A_998, %get3A_999] {strides = array<i32>} : memref<80x64xi32, #tpu.memory_space<vmem>>, vector<16xi32>,
        %bitcast3A_1001 = vector.bitcast %get3A_1000 : vector<16xi32> to vector<32xbf16>
        %mul3A_1002 = arith.mulf %bitcast3A_997, %bitcast3A_1001 : vector<32xbf16>
        %unpack3A_1003 = tpu.unpack_subelements %mul3A_1002, 0 {pack_format = #tpu.pack_format<interleaved>} : vector<32xbf16> -> vector<16xf32>
        %unpack3A_1004 = tpu.unpack_subelements %mul3A_1002, 1 {pack_format = #tpu.pack_format<interleaved>} : vector<32xbf16> -> vector<16xf32>
        %add3A_1005 = arith.addf %unpack3A_1003, %unpack3A_1004 : vector<16xf32>
        %get3A_1006 = arith.index_cast %add3A_993 : i32 to index
        %get3A_1007 = arith.constant 16 : index
        %get3A_1008 = tpu.vector_load %arg10[%get3A_1006, %get3A_1007] {strides = array<i32>} : memref<80x64xi32, #tpu.memory_space<vmem>>, vector<16xi32>,
        %bitcast3A_1009 = vector.bitcast %get3A_1008 : vector<16xi32> to vector<32xbf16>
        %get3A_1010 = arith.index_cast %add3A_993 : i32 to index
        %get3A_1011 = arith.constant 16 : index
        %get3A_1012 = tpu.vector_load %arg11[%get3A_1010, %get3A_1011] {strides = array<i32>} : memref<80x64xi32, #tpu.memory_space<vmem>>, vector<16xi32>,
        %bitcast3A_1013 = vector.bitcast %get3A_1012 : vector<16xi32> to vector<32xbf16>
        %mul3A_1014 = arith.mulf %bitcast3A_1009, %bitcast3A_1013 : vector<32xbf16>
        %unpack3A_1015 = tpu.unpack_subelements %mul3A_1014, 0 {pack_format = #tpu.pack_format<interleaved>} : vector<32xbf16> -> vector<16xf32>
        %unpack3A_1016 = tpu.unpack_subelements %mul3A_1014, 1 {pack_format = #tpu.pack_format<interleaved>} : vector<32xbf16> -> vector<16xf32>
        %add3A_1017 = arith.addf %unpack3A_1015, %unpack3A_1016 : vector<16xf32>
        %add3A_1018 = arith.addf %add3A_1005, %add3A_1017 : vector<16xf32>
        %get3A_1019 = arith.index_cast %add3A_993 : i32 to index
        %get3A_1020 = arith.constant 32 : index
        %get3A_1021 = tpu.vector_load %arg10[%get3A_1019, %get3A_1020] {strides = array<i32>} : memref<80x64xi32, #tpu.memory_space<vmem>>, vector<16xi32>,
        %bitcast3A_1022 = vector.bitcast %get3A_1021 : vector<16xi32> to vector<32xbf16>
        %get3A_1023 = arith.index_cast %add3A_993 : i32 to index
        %get3A_1024 = arith.constant 32 : index
        %get3A_1025 = tpu.vector_load %arg11[%get3A_1023, %get3A_1024] {strides = array<i32>} : memref<80x64xi32, #tpu.memory_space<vmem>>, vector<16xi32>,
        %bitcast3A_1026 = vector.bitcast %get3A_1025 : vector<16xi32> to vector<32xbf16>
        %mul3A_1027 = arith.mulf %bitcast3A_1022, %bitcast3A_1026 : vector<32xbf16>
        %unpack3A_1028 = tpu.unpack_subelements %mul3A_1027, 0 {pack_format = #tpu.pack_format<interleaved>} : vector<32xbf16> -> vector<16xf32>
        %unpack3A_1029 = tpu.unpack_subelements %mul3A_1027, 1 {pack_format = #tpu.pack_format<interleaved>} : vector<32xbf16> -> vector<16xf32>
        %add3A_1030 = arith.addf %unpack3A_1028, %unpack3A_1029 : vector<16xf32>
        %add3A_1031 = arith.addf %add3A_1018, %add3A_1030 : vector<16xf32>
        %get3A_1032 = arith.index_cast %add3A_993 : i32 to index
        %get3A_1033 = arith.constant 48 : index
        %get3A_1034 = tpu.vector_load %arg10[%get3A_1032, %get3A_1033] {strides = array<i32>} : memref<80x64xi32, #tpu.memory_space<vmem>>, vector<16xi32>,
        %bitcast3A_1035 = vector.bitcast %get3A_1034 : vector<16xi32> to vector<32xbf16>
        %get3A_1036 = arith.index_cast %add3A_993 : i32 to index
        %get3A_1037 = arith.constant 48 : index
        %get3A_1038 = tpu.vector_load %arg11[%get3A_1036, %get3A_1037] {strides = array<i32>} : memref<80x64xi32, #tpu.memory_space<vmem>>, vector<16xi32>,
        %bitcast3A_1039 = vector.bitcast %get3A_1038 : vector<16xi32> to vector<32xbf16>
        %mul3A_1040 = arith.mulf %bitcast3A_1035, %bitcast3A_1039 : vector<32xbf16>
        %unpack3A_1041 = tpu.unpack_subelements %mul3A_1040, 0 {pack_format = #tpu.pack_format<interleaved>} : vector<32xbf16> -> vector<16xf32>
        %unpack3A_1042 = tpu.unpack_subelements %mul3A_1040, 1 {pack_format = #tpu.pack_format<interleaved>} : vector<32xbf16> -> vector<16xf32>
        %add3A_1043 = arith.addf %unpack3A_1041, %unpack3A_1042 : vector<16xf32>
        %add3A_1044 = arith.addf %add3A_1031, %add3A_1043 : vector<16xf32>
        %eq3A_1045 = arith.constant 14 : i32
        %eq3A_1046 = vector.broadcast %eq3A_1045 : i32 to vector<16xi32>
        %eq3A_1047 = arith.cmpi eq, %iota3A, %eq3A_1046 : vector<16xi32>
        %reduce_sum3A_1048 = arith.constant true
        %reduce_sum3A_1049 = vector.broadcast %reduce_sum3A_1048 : i1 to vector<16xi1>
        %reduce_sum3A_1050 = tpu.scan <sum>, %add3A_1044 masked %reduce_sum3A_1049 : vector<16xf32>, vector<16xi1> -> vector<16xf32>
        %reduce_sum3A_1051 = vector.extract %reduce_sum3A_1050[15] : f32 from vector<16xf32>
        %broadcast_in_dim3A_1052 = vector.broadcast %reduce_sum3A_1051 : f32 to vector<16xf32>
        %select_n3A_1053 = arith.select %eq3A_1047, %broadcast_in_dim3A_1052, %select_n3A_989 : vector<16xi1>, vector<16xf32>
        %mul3A_1054 = arith.constant 16 : i32
        %mul3A_1055 = arith.muli %scan3A_97, %mul3A_1054 : i32
        %add3A_1056 = arith.constant 15 : i32
        %add3A_1057 = arith.addi %mul3A_1055, %add3A_1056 : i32
        %get3A_1058 = arith.index_cast %add3A_1057 : i32 to index
        %get3A_1059 = arith.constant 0 : index
        %get3A_1060 = tpu.vector_load %arg10[%get3A_1058, %get3A_1059] {strides = array<i32>} : memref<80x64xi32, #tpu.memory_space<vmem>>, vector<16xi32>,
        %bitcast3A_1061 = vector.bitcast %get3A_1060 : vector<16xi32> to vector<32xbf16>
        %get3A_1062 = arith.index_cast %add3A_1057 : i32 to index
        %get3A_1063 = arith.constant 0 : index
        %get3A_1064 = tpu.vector_load %arg11[%get3A_1062, %get3A_1063] {strides = array<i32>} : memref<80x64xi32, #tpu.memory_space<vmem>>, vector<16xi32>,
        %bitcast3A_1065 = vector.bitcast %get3A_1064 : vector<16xi32> to vector<32xbf16>
        %mul3A_1066 = arith.mulf %bitcast3A_1061, %bitcast3A_1065 : vector<32xbf16>
        %unpack3A_1067 = tpu.unpack_subelements %mul3A_1066, 0 {pack_format = #tpu.pack_format<interleaved>} : vector<32xbf16> -> vector<16xf32>
        %unpack3A_1068 = tpu.unpack_subelements %mul3A_1066, 1 {pack_format = #tpu.pack_format<interleaved>} : vector<32xbf16> -> vector<16xf32>
        %add3A_1069 = arith.addf %unpack3A_1067, %unpack3A_1068 : vector<16xf32>
        %get3A_1070 = arith.index_cast %add3A_1057 : i32 to index
        %get3A_1071 = arith.constant 16 : index
        %get3A_1072 = tpu.vector_load %arg10[%get3A_1070, %get3A_1071] {strides = array<i32>} : memref<80x64xi32, #tpu.memory_space<vmem>>, vector<16xi32>,
        %bitcast3A_1073 = vector.bitcast %get3A_1072 : vector<16xi32> to vector<32xbf16>
        %get3A_1074 = arith.index_cast %add3A_1057 : i32 to index
        %get3A_1075 = arith.constant 16 : index
        %get3A_1076 = tpu.vector_load %arg11[%get3A_1074, %get3A_1075] {strides = array<i32>} : memref<80x64xi32, #tpu.memory_space<vmem>>, vector<16xi32>,
        %bitcast3A_1077 = vector.bitcast %get3A_1076 : vector<16xi32> to vector<32xbf16>
        %mul3A_1078 = arith.mulf %bitcast3A_1073, %bitcast3A_1077 : vector<32xbf16>
        %unpack3A_1079 = tpu.unpack_subelements %mul3A_1078, 0 {pack_format = #tpu.pack_format<interleaved>} : vector<32xbf16> -> vector<16xf32>
        %unpack3A_1080 = tpu.unpack_subelements %mul3A_1078, 1 {pack_format = #tpu.pack_format<interleaved>} : vector<32xbf16> -> vector<16xf32>
        %add3A_1081 = arith.addf %unpack3A_1079, %unpack3A_1080 : vector<16xf32>
        %add3A_1082 = arith.addf %add3A_1069, %add3A_1081 : vector<16xf32>
        %get3A_1083 = arith.index_cast %add3A_1057 : i32 to index
        %get3A_1084 = arith.constant 32 : index
        %get3A_1085 = tpu.vector_load %arg10[%get3A_1083, %get3A_1084] {strides = array<i32>} : memref<80x64xi32, #tpu.memory_space<vmem>>, vector<16xi32>,
        %bitcast3A_1086 = vector.bitcast %get3A_1085 : vector<16xi32> to vector<32xbf16>
        %get3A_1087 = arith.index_cast %add3A_1057 : i32 to index
        %get3A_1088 = arith.constant 32 : index
        %get3A_1089 = tpu.vector_load %arg11[%get3A_1087, %get3A_1088] {strides = array<i32>} : memref<80x64xi32, #tpu.memory_space<vmem>>, vector<16xi32>,
        %bitcast3A_1090 = vector.bitcast %get3A_1089 : vector<16xi32> to vector<32xbf16>
        %mul3A_1091 = arith.mulf %bitcast3A_1086, %bitcast3A_1090 : vector<32xbf16>
        %unpack3A_1092 = tpu.unpack_subelements %mul3A_1091, 0 {pack_format = #tpu.pack_format<interleaved>} : vector<32xbf16> -> vector<16xf32>
        %unpack3A_1093 = tpu.unpack_subelements %mul3A_1091, 1 {pack_format = #tpu.pack_format<interleaved>} : vector<32xbf16> -> vector<16xf32>
        %add3A_1094 = arith.addf %unpack3A_1092, %unpack3A_1093 : vector<16xf32>
        %add3A_1095 = arith.addf %add3A_1082, %add3A_1094 : vector<16xf32>
        %get3A_1096 = arith.index_cast %add3A_1057 : i32 to index
        %get3A_1097 = arith.constant 48 : index
        %get3A_1098 = tpu.vector_load %arg10[%get3A_1096, %get3A_1097] {strides = array<i32>} : memref<80x64xi32, #tpu.memory_space<vmem>>, vector<16xi32>,
        %bitcast3A_1099 = vector.bitcast %get3A_1098 : vector<16xi32> to vector<32xbf16>
        %get3A_1100 = arith.index_cast %add3A_1057 : i32 to index
        %get3A_1101 = arith.constant 48 : index
        %get3A_1102 = tpu.vector_load %arg11[%get3A_1100, %get3A_1101] {strides = array<i32>} : memref<80x64xi32, #tpu.memory_space<vmem>>, vector<16xi32>,
        %bitcast3A_1103 = vector.bitcast %get3A_1102 : vector<16xi32> to vector<32xbf16>
        %mul3A_1104 = arith.mulf %bitcast3A_1099, %bitcast3A_1103 : vector<32xbf16>
        %unpack3A_1105 = tpu.unpack_subelements %mul3A_1104, 0 {pack_format = #tpu.pack_format<interleaved>} : vector<32xbf16> -> vector<16xf32>
        %unpack3A_1106 = tpu.unpack_subelements %mul3A_1104, 1 {pack_format = #tpu.pack_format<interleaved>} : vector<32xbf16> -> vector<16xf32>
        %add3A_1107 = arith.addf %unpack3A_1105, %unpack3A_1106 : vector<16xf32>
        %add3A_1108 = arith.addf %add3A_1095, %add3A_1107 : vector<16xf32>
        %eq3A_1109 = arith.constant 15 : i32
        %eq3A_1110 = vector.broadcast %eq3A_1109 : i32 to vector<16xi32>
        %eq3A_1111 = arith.cmpi eq, %iota3A, %eq3A_1110 : vector<16xi32>
        %reduce_sum3A_1112 = arith.constant true
        %reduce_sum3A_1113 = vector.broadcast %reduce_sum3A_1112 : i1 to vector<16xi1>
        %reduce_sum3A_1114 = tpu.scan <sum>, %add3A_1108 masked %reduce_sum3A_1113 : vector<16xf32>, vector<16xi1> -> vector<16xf32>
        %reduce_sum3A_1115 = vector.extract %reduce_sum3A_1114[15] : f32 from vector<16xf32>
        %broadcast_in_dim3A_1116 = vector.broadcast %reduce_sum3A_1115 : f32 to vector<16xf32>
        %select_n3A_1117 = arith.select %eq3A_1111, %broadcast_in_dim3A_1116, %select_n3A_1053 : vector<16xi1>, vector<16xf32>
        %mul3A_1118 = arith.constant 80 : i32
        %mul3A_1119 = arith.muli %add3A_90, %mul3A_1118 : i32
        %mul3A_1120 = arith.constant 16 : i32
        %mul3A_1121 = arith.muli %scan3A_97, %mul3A_1120 : i32
        %add3A_1122 = arith.addi %mul3A_1119, %mul3A_1121 : i32
        %swap3A = arith.index_cast %add3A_1122 : i32 to index
        %swap3A_1123 = tpu.vector_load %arg12[%swap3A] {strides = array<i32>} : memref<10000xf32, #tpu.memory_space<vmem>>, vector<16xf32>,
        tpu.vector_store %arg12[%swap3A], %select_n3A_1117 {strides = array<i32>} : memref<10000xf32, #tpu.memory_space<vmem>>, vector<16xf32>,
      }
      %scan3A_96 = arith.constant 5 : i32
    }
    %scan3A_18 = arith.constant 62 : i32
    %dma_wait3A = arith.constant 9920 : i32
    %dma_wait3A_19 = tpu.memref_slice %arg6[%dma_wait3A] : memref<10000xi32, #tpu.memory_space<vmem>> -> memref<80xi32, #tpu.memory_space<vmem>>
    %dma_wait3A_20 = arith.constant 0 : i32
    %dma_wait3A_21 = arith.constant 0 : i32
    %dma_wait3A_22 = tpu.memref_slice %arg13[%dma_wait3A_20, %dma_wait3A_21] : memref<10000x64xi32, #tpu.memory_space<vmem_shared>> -> memref<10000x64xi32, #tpu.memory_space<vmem_shared>>
    tpu.wait_indirect_dma semaphore(%arg14 : memref<!tpu.dma_semaphore, #tpu.memory_space<semaphore_mem>>) src(%dma_wait3A_22 : memref<10000x64xi32, #tpu.memory_space<vmem_shared>>) dst(%arg8 : memref<80x64xi32, #tpu.memory_space<vmem>>)
    %dma_wait3A_23 = arith.constant 9920 : i32
    %dma_wait3A_24 = tpu.memref_slice %arg7[%dma_wait3A_23] : memref<10000xi32, #tpu.memory_space<vmem>> -> memref<80xi32, #tpu.memory_space<vmem>>
    %dma_wait3A_25 = arith.constant 0 : i32
    %dma_wait3A_26 = arith.constant 0 : i32
    %dma_wait3A_27 = tpu.memref_slice %arg13[%dma_wait3A_25, %dma_wait3A_26] : memref<10000x64xi32, #tpu.memory_space<vmem_shared>> -> memref<10000x64xi32, #tpu.memory_space<vmem_shared>>
    tpu.wait_indirect_dma semaphore(%arg14 : memref<!tpu.dma_semaphore, #tpu.memory_space<semaphore_mem>>) src(%dma_wait3A_27 : memref<10000x64xi32, #tpu.memory_space<vmem_shared>>) dst(%arg9 : memref<80x64xi32, #tpu.memory_space<vmem>>)
    %scan3A_28 = arith.constant 0 : i32
    %scan3A_29 = arith.constant 0 : i32
    %scan3A_30 = arith.constant 5 : i32
    %scan3A_31 = arith.addi %scan3A_29, %scan3A_30 : i32
    %scan3A_32 = arith.constant 1 : i32
    scf.for %scan3A_34 = %scan3A_29 to %scan3A_31 step %scan3A_32  : i32 {
      %broadcast_in_dim3A = arith.constant 0.000000e+00 : f32
      %broadcast_in_dim3A_35 = vector.broadcast %broadcast_in_dim3A : f32 to vector<16xf32>
      %mul3A_36 = arith.constant 16 : i32
      %mul3A_37 = arith.muli %scan3A_34, %mul3A_36 : i32
      %add3A_38 = arith.constant 0 : i32
      %add3A_39 = arith.addi %mul3A_37, %add3A_38 : i32
      %get3A = arith.index_cast %add3A_39 : i32 to index
      %get3A_40 = arith.constant 0 : index
      %get3A_41 = tpu.vector_load %arg8[%get3A, %get3A_40] {strides = array<i32>} : memref<80x64xi32, #tpu.memory_space<vmem>>, vector<16xi32>,
      %bitcast3A = vector.bitcast %get3A_41 : vector<16xi32> to vector<32xbf16>
      %get3A_42 = arith.index_cast %add3A_39 : i32 to index
      %get3A_43 = arith.constant 0 : index
      %get3A_44 = tpu.vector_load %arg9[%get3A_42, %get3A_43] {strides = array<i32>} : memref<80x64xi32, #tpu.memory_space<vmem>>, vector<16xi32>,
      %bitcast3A_45 = vector.bitcast %get3A_44 : vector<16xi32> to vector<32xbf16>
      %mul3A_46 = arith.mulf %bitcast3A, %bitcast3A_45 : vector<32xbf16>
      %unpack3A = tpu.unpack_subelements %mul3A_46, 0 {pack_format = #tpu.pack_format<interleaved>} : vector<32xbf16> -> vector<16xf32>
      %unpack3A_47 = tpu.unpack_subelements %mul3A_46, 1 {pack_format = #tpu.pack_format<interleaved>} : vector<32xbf16> -> vector<16xf32>
      %add3A_48 = arith.addf %unpack3A, %unpack3A_47 : vector<16xf32>
      %get3A_49 = arith.index_cast %add3A_39 : i32 to index
      %get3A_50 = arith.constant 16 : index
      %get3A_51 = tpu.vector_load %arg8[%get3A_49, %get3A_50] {strides = array<i32>} : memref<80x64xi32, #tpu.memory_space<vmem>>, vector<16xi32>,
      %bitcast3A_52 = vector.bitcast %get3A_51 : vector<16xi32> to vector<32xbf16>
      %get3A_53 = arith.index_cast %add3A_39 : i32 to index
      %get3A_54 = arith.constant 16 : index
      %get3A_55 = tpu.vector_load %arg9[%get3A_53, %get3A_54] {strides = array<i32>} : memref<80x64xi32, #tpu.memory_space<vmem>>, vector<16xi32>,
      %bitcast3A_56 = vector.bitcast %get3A_55 : vector<16xi32> to vector<32xbf16>
      %mul3A_57 = arith.mulf %bitcast3A_52, %bitcast3A_56 : vector<32xbf16>
      %unpack3A_58 = tpu.unpack_subelements %mul3A_57, 0 {pack_format = #tpu.pack_format<interleaved>} : vector<32xbf16> -> vector<16xf32>
      %unpack3A_59 = tpu.unpack_subelements %mul3A_57, 1 {pack_format = #tpu.pack_format<interleaved>} : vector<32xbf16> -> vector<16xf32>
      %add3A_60 = arith.addf %unpack3A_58, %unpack3A_59 : vector<16xf32>
      %add3A_61 = arith.addf %add3A_48, %add3A_60 : vector<16xf32>
      %get3A_62 = arith.index_cast %add3A_39 : i32 to index
      %get3A_63 = arith.constant 32 : index
      %get3A_64 = tpu.vector_load %arg8[%get3A_62, %get3A_63] {strides = array<i32>} : memref<80x64xi32, #tpu.memory_space<vmem>>, vector<16xi32>,
      %bitcast3A_65 = vector.bitcast %get3A_64 : vector<16xi32> to vector<32xbf16>
      %get3A_66 = arith.index_cast %add3A_39 : i32 to index
      %get3A_67 = arith.constant 32 : index
      %get3A_68 = tpu.vector_load %arg9[%get3A_66, %get3A_67] {strides = array<i32>} : memref<80x64xi32, #tpu.memory_space<vmem>>, vector<16xi32>,
      %bitcast3A_69 = vector.bitcast %get3A_68 : vector<16xi32> to vector<32xbf16>
      %mul3A_70 = arith.mulf %bitcast3A_65, %bitcast3A_69 : vector<32xbf16>
      %unpack3A_71 = tpu.unpack_subelements %mul3A_70, 0 {pack_format = #tpu.pack_format<interleaved>} : vector<32xbf16> -> vector<16xf32>
      %unpack3A_72 = tpu.unpack_subelements %mul3A_70, 1 {pack_format = #tpu.pack_format<interleaved>} : vector<32xbf16> -> vector<16xf32>
      %add3A_73 = arith.addf %unpack3A_71, %unpack3A_72 : vector<16xf32>
      %add3A_74 = arith.addf %add3A_61, %add3A_73 : vector<16xf32>
      %get3A_75 = arith.index_cast %add3A_39 : i32 to index
      %get3A_76 = arith.constant 48 : index
      %get3A_77 = tpu.vector_load %arg8[%get3A_75, %get3A_76] {strides = array<i32>} : memref<80x64xi32, #tpu.memory_space<vmem>>, vector<16xi32>,
      %bitcast3A_78 = vector.bitcast %get3A_77 : vector<16xi32> to vector<32xbf16>
      %get3A_79 = arith.index_cast %add3A_39 : i32 to index
      %get3A_80 = arith.constant 48 : index
      %get3A_81 = tpu.vector_load %arg9[%get3A_79, %get3A_80] {strides = array<i32>} : memref<80x64xi32, #tpu.memory_space<vmem>>, vector<16xi32>,
      %bitcast3A_82 = vector.bitcast %get3A_81 : vector<16xi32> to vector<32xbf16>
      %mul3A_83 = arith.mulf %bitcast3A_78, %bitcast3A_82 : vector<32xbf16>
      %unpack3A_84 = tpu.unpack_subelements %mul3A_83, 0 {pack_format = #tpu.pack_format<interleaved>} : vector<32xbf16> -> vector<16xf32>
      %unpack3A_85 = tpu.unpack_subelements %mul3A_83, 1 {pack_format = #tpu.pack_format<interleaved>} : vector<32xbf16> -> vector<16xf32>
      %add3A_86 = arith.addf %unpack3A_84, %unpack3A_85 : vector<16xf32>
      %add3A_87 = arith.addf %add3A_74, %add3A_86 : vector<16xf32>
      %eq3A_88 = arith.constant 0 : i32
      %eq3A_89 = vector.broadcast %eq3A_88 : i32 to vector<16xi32>
      %eq3A_90 = arith.cmpi eq, %iota3A, %eq3A_89 : vector<16xi32>
      %reduce_sum3A = arith.constant true
      %reduce_sum3A_91 = vector.broadcast %reduce_sum3A : i1 to vector<16xi1>
      %reduce_sum3A_92 = tpu.scan <sum>, %add3A_87 masked %reduce_sum3A_91 : vector<16xf32>, vector<16xi1> -> vector<16xf32>
      %reduce_sum3A_93 = vector.extract %reduce_sum3A_92[15] : f32 from vector<16xf32>
      %broadcast_in_dim3A_94 = vector.broadcast %reduce_sum3A_93 : f32 to vector<16xf32>
      %select_n3A = arith.select %eq3A_90, %broadcast_in_dim3A_94, %broadcast_in_dim3A_35 : vector<16xi1>, vector<16xf32>
      %mul3A_95 = arith.constant 16 : i32
      %mul3A_96 = arith.muli %scan3A_34, %mul3A_95 : i32
      %add3A_97 = arith.constant 1 : i32
      %add3A_98 = arith.addi %mul3A_96, %add3A_97 : i32
      %get3A_99 = arith.index_cast %add3A_98 : i32 to index
      %get3A_100 = arith.constant 0 : index
      %get3A_101 = tpu.vector_load %arg8[%get3A_99, %get3A_100] {strides = array<i32>} : memref<80x64xi32, #tpu.memory_space<vmem>>, vector<16xi32>,
      %bitcast3A_102 = vector.bitcast %get3A_101 : vector<16xi32> to vector<32xbf16>
      %get3A_103 = arith.index_cast %add3A_98 : i32 to index
      %get3A_104 = arith.constant 0 : index
      %get3A_105 = tpu.vector_load %arg9[%get3A_103, %get3A_104] {strides = array<i32>} : memref<80x64xi32, #tpu.memory_space<vmem>>, vector<16xi32>,
      %bitcast3A_106 = vector.bitcast %get3A_105 : vector<16xi32> to vector<32xbf16>
      %mul3A_107 = arith.mulf %bitcast3A_102, %bitcast3A_106 : vector<32xbf16>
      %unpack3A_108 = tpu.unpack_subelements %mul3A_107, 0 {pack_format = #tpu.pack_format<interleaved>} : vector<32xbf16> -> vector<16xf32>
      %unpack3A_109 = tpu.unpack_subelements %mul3A_107, 1 {pack_format = #tpu.pack_format<interleaved>} : vector<32xbf16> -> vector<16xf32>
      %add3A_110 = arith.addf %unpack3A_108, %unpack3A_109 : vector<16xf32>
      %get3A_111 = arith.index_cast %add3A_98 : i32 to index
      %get3A_112 = arith.constant 16 : index
      %get3A_113 = tpu.vector_load %arg8[%get3A_111, %get3A_112] {strides = array<i32>} : memref<80x64xi32, #tpu.memory_space<vmem>>, vector<16xi32>,
      %bitcast3A_114 = vector.bitcast %get3A_113 : vector<16xi32> to vector<32xbf16>
      %get3A_115 = arith.index_cast %add3A_98 : i32 to index
      %get3A_116 = arith.constant 16 : index
      %get3A_117 = tpu.vector_load %arg9[%get3A_115, %get3A_116] {strides = array<i32>} : memref<80x64xi32, #tpu.memory_space<vmem>>, vector<16xi32>,
      %bitcast3A_118 = vector.bitcast %get3A_117 : vector<16xi32> to vector<32xbf16>
      %mul3A_119 = arith.mulf %bitcast3A_114, %bitcast3A_118 : vector<32xbf16>
      %unpack3A_120 = tpu.unpack_subelements %mul3A_119, 0 {pack_format = #tpu.pack_format<interleaved>} : vector<32xbf16> -> vector<16xf32>
      %unpack3A_121 = tpu.unpack_subelements %mul3A_119, 1 {pack_format = #tpu.pack_format<interleaved>} : vector<32xbf16> -> vector<16xf32>
      %add3A_122 = arith.addf %unpack3A_120, %unpack3A_121 : vector<16xf32>
      %add3A_123 = arith.addf %add3A_110, %add3A_122 : vector<16xf32>
      %get3A_124 = arith.index_cast %add3A_98 : i32 to index
      %get3A_125 = arith.constant 32 : index
      %get3A_126 = tpu.vector_load %arg8[%get3A_124, %get3A_125] {strides = array<i32>} : memref<80x64xi32, #tpu.memory_space<vmem>>, vector<16xi32>,
      %bitcast3A_127 = vector.bitcast %get3A_126 : vector<16xi32> to vector<32xbf16>
      %get3A_128 = arith.index_cast %add3A_98 : i32 to index
      %get3A_129 = arith.constant 32 : index
      %get3A_130 = tpu.vector_load %arg9[%get3A_128, %get3A_129] {strides = array<i32>} : memref<80x64xi32, #tpu.memory_space<vmem>>, vector<16xi32>,
      %bitcast3A_131 = vector.bitcast %get3A_130 : vector<16xi32> to vector<32xbf16>
      %mul3A_132 = arith.mulf %bitcast3A_127, %bitcast3A_131 : vector<32xbf16>
      %unpack3A_133 = tpu.unpack_subelements %mul3A_132, 0 {pack_format = #tpu.pack_format<interleaved>} : vector<32xbf16> -> vector<16xf32>
      %unpack3A_134 = tpu.unpack_subelements %mul3A_132, 1 {pack_format = #tpu.pack_format<interleaved>} : vector<32xbf16> -> vector<16xf32>
      %add3A_135 = arith.addf %unpack3A_133, %unpack3A_134 : vector<16xf32>
      %add3A_136 = arith.addf %add3A_123, %add3A_135 : vector<16xf32>
      %get3A_137 = arith.index_cast %add3A_98 : i32 to index
      %get3A_138 = arith.constant 48 : index
      %get3A_139 = tpu.vector_load %arg8[%get3A_137, %get3A_138] {strides = array<i32>} : memref<80x64xi32, #tpu.memory_space<vmem>>, vector<16xi32>,
      %bitcast3A_140 = vector.bitcast %get3A_139 : vector<16xi32> to vector<32xbf16>
      %get3A_141 = arith.index_cast %add3A_98 : i32 to index
      %get3A_142 = arith.constant 48 : index
      %get3A_143 = tpu.vector_load %arg9[%get3A_141, %get3A_142] {strides = array<i32>} : memref<80x64xi32, #tpu.memory_space<vmem>>, vector<16xi32>,
      %bitcast3A_144 = vector.bitcast %get3A_143 : vector<16xi32> to vector<32xbf16>
      %mul3A_145 = arith.mulf %bitcast3A_140, %bitcast3A_144 : vector<32xbf16>
      %unpack3A_146 = tpu.unpack_subelements %mul3A_145, 0 {pack_format = #tpu.pack_format<interleaved>} : vector<32xbf16> -> vector<16xf32>
      %unpack3A_147 = tpu.unpack_subelements %mul3A_145, 1 {pack_format = #tpu.pack_format<interleaved>} : vector<32xbf16> -> vector<16xf32>
      %add3A_148 = arith.addf %unpack3A_146, %unpack3A_147 : vector<16xf32>
      %add3A_149 = arith.addf %add3A_136, %add3A_148 : vector<16xf32>
      %eq3A_150 = arith.constant 1 : i32
      %eq3A_151 = vector.broadcast %eq3A_150 : i32 to vector<16xi32>
      %eq3A_152 = arith.cmpi eq, %iota3A, %eq3A_151 : vector<16xi32>
      %reduce_sum3A_153 = arith.constant true
      %reduce_sum3A_154 = vector.broadcast %reduce_sum3A_153 : i1 to vector<16xi1>
      %reduce_sum3A_155 = tpu.scan <sum>, %add3A_149 masked %reduce_sum3A_154 : vector<16xf32>, vector<16xi1> -> vector<16xf32>
      %reduce_sum3A_156 = vector.extract %reduce_sum3A_155[15] : f32 from vector<16xf32>
      %broadcast_in_dim3A_157 = vector.broadcast %reduce_sum3A_156 : f32 to vector<16xf32>
      %select_n3A_158 = arith.select %eq3A_152, %broadcast_in_dim3A_157, %select_n3A : vector<16xi1>, vector<16xf32>
      %mul3A_159 = arith.constant 16 : i32
      %mul3A_160 = arith.muli %scan3A_34, %mul3A_159 : i32
      %add3A_161 = arith.constant 2 : i32
      %add3A_162 = arith.addi %mul3A_160, %add3A_161 : i32
      %get3A_163 = arith.index_cast %add3A_162 : i32 to index
      %get3A_164 = arith.constant 0 : index
      %get3A_165 = tpu.vector_load %arg8[%get3A_163, %get3A_164] {strides = array<i32>} : memref<80x64xi32, #tpu.memory_space<vmem>>, vector<16xi32>,
      %bitcast3A_166 = vector.bitcast %get3A_165 : vector<16xi32> to vector<32xbf16>
      %get3A_167 = arith.index_cast %add3A_162 : i32 to index
      %get3A_168 = arith.constant 0 : index
      %get3A_169 = tpu.vector_load %arg9[%get3A_167, %get3A_168] {strides = array<i32>} : memref<80x64xi32, #tpu.memory_space<vmem>>, vector<16xi32>,
      %bitcast3A_170 = vector.bitcast %get3A_169 : vector<16xi32> to vector<32xbf16>
      %mul3A_171 = arith.mulf %bitcast3A_166, %bitcast3A_170 : vector<32xbf16>
      %unpack3A_172 = tpu.unpack_subelements %mul3A_171, 0 {pack_format = #tpu.pack_format<interleaved>} : vector<32xbf16> -> vector<16xf32>
      %unpack3A_173 = tpu.unpack_subelements %mul3A_171, 1 {pack_format = #tpu.pack_format<interleaved>} : vector<32xbf16> -> vector<16xf32>
      %add3A_174 = arith.addf %unpack3A_172, %unpack3A_173 : vector<16xf32>
      %get3A_175 = arith.index_cast %add3A_162 : i32 to index
      %get3A_176 = arith.constant 16 : index
      %get3A_177 = tpu.vector_load %arg8[%get3A_175, %get3A_176] {strides = array<i32>} : memref<80x64xi32, #tpu.memory_space<vmem>>, vector<16xi32>,
      %bitcast3A_178 = vector.bitcast %get3A_177 : vector<16xi32> to vector<32xbf16>
      %get3A_179 = arith.index_cast %add3A_162 : i32 to index
      %get3A_180 = arith.constant 16 : index
      %get3A_181 = tpu.vector_load %arg9[%get3A_179, %get3A_180] {strides = array<i32>} : memref<80x64xi32, #tpu.memory_space<vmem>>, vector<16xi32>,
      %bitcast3A_182 = vector.bitcast %get3A_181 : vector<16xi32> to vector<32xbf16>
      %mul3A_183 = arith.mulf %bitcast3A_178, %bitcast3A_182 : vector<32xbf16>
      %unpack3A_184 = tpu.unpack_subelements %mul3A_183, 0 {pack_format = #tpu.pack_format<interleaved>} : vector<32xbf16> -> vector<16xf32>
      %unpack3A_185 = tpu.unpack_subelements %mul3A_183, 1 {pack_format = #tpu.pack_format<interleaved>} : vector<32xbf16> -> vector<16xf32>
      %add3A_186 = arith.addf %unpack3A_184, %unpack3A_185 : vector<16xf32>
      %add3A_187 = arith.addf %add3A_174, %add3A_186 : vector<16xf32>
      %get3A_188 = arith.index_cast %add3A_162 : i32 to index
      %get3A_189 = arith.constant 32 : index
      %get3A_190 = tpu.vector_load %arg8[%get3A_188, %get3A_189] {strides = array<i32>} : memref<80x64xi32, #tpu.memory_space<vmem>>, vector<16xi32>,
      %bitcast3A_191 = vector.bitcast %get3A_190 : vector<16xi32> to vector<32xbf16>
      %get3A_192 = arith.index_cast %add3A_162 : i32 to index
      %get3A_193 = arith.constant 32 : index
      %get3A_194 = tpu.vector_load %arg9[%get3A_192, %get3A_193] {strides = array<i32>} : memref<80x64xi32, #tpu.memory_space<vmem>>, vector<16xi32>,
      %bitcast3A_195 = vector.bitcast %get3A_194 : vector<16xi32> to vector<32xbf16>
      %mul3A_196 = arith.mulf %bitcast3A_191, %bitcast3A_195 : vector<32xbf16>
      %unpack3A_197 = tpu.unpack_subelements %mul3A_196, 0 {pack_format = #tpu.pack_format<interleaved>} : vector<32xbf16> -> vector<16xf32>
      %unpack3A_198 = tpu.unpack_subelements %mul3A_196, 1 {pack_format = #tpu.pack_format<interleaved>} : vector<32xbf16> -> vector<16xf32>
      %add3A_199 = arith.addf %unpack3A_197, %unpack3A_198 : vector<16xf32>
      %add3A_200 = arith.addf %add3A_187, %add3A_199 : vector<16xf32>
      %get3A_201 = arith.index_cast %add3A_162 : i32 to index
      %get3A_202 = arith.constant 48 : index
      %get3A_203 = tpu.vector_load %arg8[%get3A_201, %get3A_202] {strides = array<i32>} : memref<80x64xi32, #tpu.memory_space<vmem>>, vector<16xi32>,
      %bitcast3A_204 = vector.bitcast %get3A_203 : vector<16xi32> to vector<32xbf16>
      %get3A_205 = arith.index_cast %add3A_162 : i32 to index
      %get3A_206 = arith.constant 48 : index
      %get3A_207 = tpu.vector_load %arg9[%get3A_205, %get3A_206] {strides = array<i32>} : memref<80x64xi32, #tpu.memory_space<vmem>>, vector<16xi32>,
      %bitcast3A_208 = vector.bitcast %get3A_207 : vector<16xi32> to vector<32xbf16>
      %mul3A_209 = arith.mulf %bitcast3A_204, %bitcast3A_208 : vector<32xbf16>
      %unpack3A_210 = tpu.unpack_subelements %mul3A_209, 0 {pack_format = #tpu.pack_format<interleaved>} : vector<32xbf16> -> vector<16xf32>
      %unpack3A_211 = tpu.unpack_subelements %mul3A_209, 1 {pack_format = #tpu.pack_format<interleaved>} : vector<32xbf16> -> vector<16xf32>
      %add3A_212 = arith.addf %unpack3A_210, %unpack3A_211 : vector<16xf32>
      %add3A_213 = arith.addf %add3A_200, %add3A_212 : vector<16xf32>
      %eq3A_214 = arith.constant 2 : i32
      %eq3A_215 = vector.broadcast %eq3A_214 : i32 to vector<16xi32>
      %eq3A_216 = arith.cmpi eq, %iota3A, %eq3A_215 : vector<16xi32>
      %reduce_sum3A_217 = arith.constant true
      %reduce_sum3A_218 = vector.broadcast %reduce_sum3A_217 : i1 to vector<16xi1>
      %reduce_sum3A_219 = tpu.scan <sum>, %add3A_213 masked %reduce_sum3A_218 : vector<16xf32>, vector<16xi1> -> vector<16xf32>
      %reduce_sum3A_220 = vector.extract %reduce_sum3A_219[15] : f32 from vector<16xf32>
      %broadcast_in_dim3A_221 = vector.broadcast %reduce_sum3A_220 : f32 to vector<16xf32>
      %select_n3A_222 = arith.select %eq3A_216, %broadcast_in_dim3A_221, %select_n3A_158 : vector<16xi1>, vector<16xf32>
      %mul3A_223 = arith.constant 16 : i32
      %mul3A_224 = arith.muli %scan3A_34, %mul3A_223 : i32
      %add3A_225 = arith.constant 3 : i32
      %add3A_226 = arith.addi %mul3A_224, %add3A_225 : i32
      %get3A_227 = arith.index_cast %add3A_226 : i32 to index
      %get3A_228 = arith.constant 0 : index
      %get3A_229 = tpu.vector_load %arg8[%get3A_227, %get3A_228] {strides = array<i32>} : memref<80x64xi32, #tpu.memory_space<vmem>>, vector<16xi32>,
      %bitcast3A_230 = vector.bitcast %get3A_229 : vector<16xi32> to vector<32xbf16>
      %get3A_231 = arith.index_cast %add3A_226 : i32 to index
      %get3A_232 = arith.constant 0 : index
      %get3A_233 = tpu.vector_load %arg9[%get3A_231, %get3A_232] {strides = array<i32>} : memref<80x64xi32, #tpu.memory_space<vmem>>, vector<16xi32>,
      %bitcast3A_234 = vector.bitcast %get3A_233 : vector<16xi32> to vector<32xbf16>
      %mul3A_235 = arith.mulf %bitcast3A_230, %bitcast3A_234 : vector<32xbf16>
      %unpack3A_236 = tpu.unpack_subelements %mul3A_235, 0 {pack_format = #tpu.pack_format<interleaved>} : vector<32xbf16> -> vector<16xf32>
      %unpack3A_237 = tpu.unpack_subelements %mul3A_235, 1 {pack_format = #tpu.pack_format<interleaved>} : vector<32xbf16> -> vector<16xf32>
      %add3A_238 = arith.addf %unpack3A_236, %unpack3A_237 : vector<16xf32>
      %get3A_239 = arith.index_cast %add3A_226 : i32 to index
      %get3A_240 = arith.constant 16 : index
      %get3A_241 = tpu.vector_load %arg8[%get3A_239, %get3A_240] {strides = array<i32>} : memref<80x64xi32, #tpu.memory_space<vmem>>, vector<16xi32>,
      %bitcast3A_242 = vector.bitcast %get3A_241 : vector<16xi32> to vector<32xbf16>
      %get3A_243 = arith.index_cast %add3A_226 : i32 to index
      %get3A_244 = arith.constant 16 : index
      %get3A_245 = tpu.vector_load %arg9[%get3A_243, %get3A_244] {strides = array<i32>} : memref<80x64xi32, #tpu.memory_space<vmem>>, vector<16xi32>,
      %bitcast3A_246 = vector.bitcast %get3A_245 : vector<16xi32> to vector<32xbf16>
      %mul3A_247 = arith.mulf %bitcast3A_242, %bitcast3A_246 : vector<32xbf16>
      %unpack3A_248 = tpu.unpack_subelements %mul3A_247, 0 {pack_format = #tpu.pack_format<interleaved>} : vector<32xbf16> -> vector<16xf32>
      %unpack3A_249 = tpu.unpack_subelements %mul3A_247, 1 {pack_format = #tpu.pack_format<interleaved>} : vector<32xbf16> -> vector<16xf32>
      %add3A_250 = arith.addf %unpack3A_248, %unpack3A_249 : vector<16xf32>
      %add3A_251 = arith.addf %add3A_238, %add3A_250 : vector<16xf32>
      %get3A_252 = arith.index_cast %add3A_226 : i32 to index
      %get3A_253 = arith.constant 32 : index
      %get3A_254 = tpu.vector_load %arg8[%get3A_252, %get3A_253] {strides = array<i32>} : memref<80x64xi32, #tpu.memory_space<vmem>>, vector<16xi32>,
      %bitcast3A_255 = vector.bitcast %get3A_254 : vector<16xi32> to vector<32xbf16>
      %get3A_256 = arith.index_cast %add3A_226 : i32 to index
      %get3A_257 = arith.constant 32 : index
      %get3A_258 = tpu.vector_load %arg9[%get3A_256, %get3A_257] {strides = array<i32>} : memref<80x64xi32, #tpu.memory_space<vmem>>, vector<16xi32>,
      %bitcast3A_259 = vector.bitcast %get3A_258 : vector<16xi32> to vector<32xbf16>
      %mul3A_260 = arith.mulf %bitcast3A_255, %bitcast3A_259 : vector<32xbf16>
      %unpack3A_261 = tpu.unpack_subelements %mul3A_260, 0 {pack_format = #tpu.pack_format<interleaved>} : vector<32xbf16> -> vector<16xf32>
      %unpack3A_262 = tpu.unpack_subelements %mul3A_260, 1 {pack_format = #tpu.pack_format<interleaved>} : vector<32xbf16> -> vector<16xf32>
      %add3A_263 = arith.addf %unpack3A_261, %unpack3A_262 : vector<16xf32>
      %add3A_264 = arith.addf %add3A_251, %add3A_263 : vector<16xf32>
      %get3A_265 = arith.index_cast %add3A_226 : i32 to index
      %get3A_266 = arith.constant 48 : index
      %get3A_267 = tpu.vector_load %arg8[%get3A_265, %get3A_266] {strides = array<i32>} : memref<80x64xi32, #tpu.memory_space<vmem>>, vector<16xi32>,
      %bitcast3A_268 = vector.bitcast %get3A_267 : vector<16xi32> to vector<32xbf16>
      %get3A_269 = arith.index_cast %add3A_226 : i32 to index
      %get3A_270 = arith.constant 48 : index
      %get3A_271 = tpu.vector_load %arg9[%get3A_269, %get3A_270] {strides = array<i32>} : memref<80x64xi32, #tpu.memory_space<vmem>>, vector<16xi32>,
      %bitcast3A_272 = vector.bitcast %get3A_271 : vector<16xi32> to vector<32xbf16>
      %mul3A_273 = arith.mulf %bitcast3A_268, %bitcast3A_272 : vector<32xbf16>
      %unpack3A_274 = tpu.unpack_subelements %mul3A_273, 0 {pack_format = #tpu.pack_format<interleaved>} : vector<32xbf16> -> vector<16xf32>
      %unpack3A_275 = tpu.unpack_subelements %mul3A_273, 1 {pack_format = #tpu.pack_format<interleaved>} : vector<32xbf16> -> vector<16xf32>
      %add3A_276 = arith.addf %unpack3A_274, %unpack3A_275 : vector<16xf32>
      %add3A_277 = arith.addf %add3A_264, %add3A_276 : vector<16xf32>
      %eq3A_278 = arith.constant 3 : i32
      %eq3A_279 = vector.broadcast %eq3A_278 : i32 to vector<16xi32>
      %eq3A_280 = arith.cmpi eq, %iota3A, %eq3A_279 : vector<16xi32>
      %reduce_sum3A_281 = arith.constant true
      %reduce_sum3A_282 = vector.broadcast %reduce_sum3A_281 : i1 to vector<16xi1>
      %reduce_sum3A_283 = tpu.scan <sum>, %add3A_277 masked %reduce_sum3A_282 : vector<16xf32>, vector<16xi1> -> vector<16xf32>
      %reduce_sum3A_284 = vector.extract %reduce_sum3A_283[15] : f32 from vector<16xf32>
      %broadcast_in_dim3A_285 = vector.broadcast %reduce_sum3A_284 : f32 to vector<16xf32>
      %select_n3A_286 = arith.select %eq3A_280, %broadcast_in_dim3A_285, %select_n3A_222 : vector<16xi1>, vector<16xf32>
      %mul3A_287 = arith.constant 16 : i32
      %mul3A_288 = arith.muli %scan3A_34, %mul3A_287 : i32
      %add3A_289 = arith.constant 4 : i32
      %add3A_290 = arith.addi %mul3A_288, %add3A_289 : i32
      %get3A_291 = arith.index_cast %add3A_290 : i32 to index
      %get3A_292 = arith.constant 0 : index
      %get3A_293 = tpu.vector_load %arg8[%get3A_291, %get3A_292] {strides = array<i32>} : memref<80x64xi32, #tpu.memory_space<vmem>>, vector<16xi32>,
      %bitcast3A_294 = vector.bitcast %get3A_293 : vector<16xi32> to vector<32xbf16>
      %get3A_295 = arith.index_cast %add3A_290 : i32 to index
      %get3A_296 = arith.constant 0 : index
      %get3A_297 = tpu.vector_load %arg9[%get3A_295, %get3A_296] {strides = array<i32>} : memref<80x64xi32, #tpu.memory_space<vmem>>, vector<16xi32>,
      %bitcast3A_298 = vector.bitcast %get3A_297 : vector<16xi32> to vector<32xbf16>
      %mul3A_299 = arith.mulf %bitcast3A_294, %bitcast3A_298 : vector<32xbf16>
      %unpack3A_300 = tpu.unpack_subelements %mul3A_299, 0 {pack_format = #tpu.pack_format<interleaved>} : vector<32xbf16> -> vector<16xf32>
      %unpack3A_301 = tpu.unpack_subelements %mul3A_299, 1 {pack_format = #tpu.pack_format<interleaved>} : vector<32xbf16> -> vector<16xf32>
      %add3A_302 = arith.addf %unpack3A_300, %unpack3A_301 : vector<16xf32>
      %get3A_303 = arith.index_cast %add3A_290 : i32 to index
      %get3A_304 = arith.constant 16 : index
      %get3A_305 = tpu.vector_load %arg8[%get3A_303, %get3A_304] {strides = array<i32>} : memref<80x64xi32, #tpu.memory_space<vmem>>, vector<16xi32>,
      %bitcast3A_306 = vector.bitcast %get3A_305 : vector<16xi32> to vector<32xbf16>
      %get3A_307 = arith.index_cast %add3A_290 : i32 to index
      %get3A_308 = arith.constant 16 : index
      %get3A_309 = tpu.vector_load %arg9[%get3A_307, %get3A_308] {strides = array<i32>} : memref<80x64xi32, #tpu.memory_space<vmem>>, vector<16xi32>,
      %bitcast3A_310 = vector.bitcast %get3A_309 : vector<16xi32> to vector<32xbf16>
      %mul3A_311 = arith.mulf %bitcast3A_306, %bitcast3A_310 : vector<32xbf16>
      %unpack3A_312 = tpu.unpack_subelements %mul3A_311, 0 {pack_format = #tpu.pack_format<interleaved>} : vector<32xbf16> -> vector<16xf32>
      %unpack3A_313 = tpu.unpack_subelements %mul3A_311, 1 {pack_format = #tpu.pack_format<interleaved>} : vector<32xbf16> -> vector<16xf32>
      %add3A_314 = arith.addf %unpack3A_312, %unpack3A_313 : vector<16xf32>
      %add3A_315 = arith.addf %add3A_302, %add3A_314 : vector<16xf32>
      %get3A_316 = arith.index_cast %add3A_290 : i32 to index
      %get3A_317 = arith.constant 32 : index
      %get3A_318 = tpu.vector_load %arg8[%get3A_316, %get3A_317] {strides = array<i32>} : memref<80x64xi32, #tpu.memory_space<vmem>>, vector<16xi32>,
      %bitcast3A_319 = vector.bitcast %get3A_318 : vector<16xi32> to vector<32xbf16>
      %get3A_320 = arith.index_cast %add3A_290 : i32 to index
      %get3A_321 = arith.constant 32 : index
      %get3A_322 = tpu.vector_load %arg9[%get3A_320, %get3A_321] {strides = array<i32>} : memref<80x64xi32, #tpu.memory_space<vmem>>, vector<16xi32>,
      %bitcast3A_323 = vector.bitcast %get3A_322 : vector<16xi32> to vector<32xbf16>
      %mul3A_324 = arith.mulf %bitcast3A_319, %bitcast3A_323 : vector<32xbf16>
      %unpack3A_325 = tpu.unpack_subelements %mul3A_324, 0 {pack_format = #tpu.pack_format<interleaved>} : vector<32xbf16> -> vector<16xf32>
      %unpack3A_326 = tpu.unpack_subelements %mul3A_324, 1 {pack_format = #tpu.pack_format<interleaved>} : vector<32xbf16> -> vector<16xf32>
      %add3A_327 = arith.addf %unpack3A_325, %unpack3A_326 : vector<16xf32>
      %add3A_328 = arith.addf %add3A_315, %add3A_327 : vector<16xf32>
      %get3A_329 = arith.index_cast %add3A_290 : i32 to index
      %get3A_330 = arith.constant 48 : index
      %get3A_331 = tpu.vector_load %arg8[%get3A_329, %get3A_330] {strides = array<i32>} : memref<80x64xi32, #tpu.memory_space<vmem>>, vector<16xi32>,
      %bitcast3A_332 = vector.bitcast %get3A_331 : vector<16xi32> to vector<32xbf16>
      %get3A_333 = arith.index_cast %add3A_290 : i32 to index
      %get3A_334 = arith.constant 48 : index
      %get3A_335 = tpu.vector_load %arg9[%get3A_333, %get3A_334] {strides = array<i32>} : memref<80x64xi32, #tpu.memory_space<vmem>>, vector<16xi32>,
      %bitcast3A_336 = vector.bitcast %get3A_335 : vector<16xi32> to vector<32xbf16>
      %mul3A_337 = arith.mulf %bitcast3A_332, %bitcast3A_336 : vector<32xbf16>
      %unpack3A_338 = tpu.unpack_subelements %mul3A_337, 0 {pack_format = #tpu.pack_format<interleaved>} : vector<32xbf16> -> vector<16xf32>
      %unpack3A_339 = tpu.unpack_subelements %mul3A_337, 1 {pack_format = #tpu.pack_format<interleaved>} : vector<32xbf16> -> vector<16xf32>
      %add3A_340 = arith.addf %unpack3A_338, %unpack3A_339 : vector<16xf32>
      %add3A_341 = arith.addf %add3A_328, %add3A_340 : vector<16xf32>
      %eq3A_342 = arith.constant 4 : i32
      %eq3A_343 = vector.broadcast %eq3A_342 : i32 to vector<16xi32>
      %eq3A_344 = arith.cmpi eq, %iota3A, %eq3A_343 : vector<16xi32>
      %reduce_sum3A_345 = arith.constant true
      %reduce_sum3A_346 = vector.broadcast %reduce_sum3A_345 : i1 to vector<16xi1>
      %reduce_sum3A_347 = tpu.scan <sum>, %add3A_341 masked %reduce_sum3A_346 : vector<16xf32>, vector<16xi1> -> vector<16xf32>
      %reduce_sum3A_348 = vector.extract %reduce_sum3A_347[15] : f32 from vector<16xf32>
      %broadcast_in_dim3A_349 = vector.broadcast %reduce_sum3A_348 : f32 to vector<16xf32>
      %select_n3A_350 = arith.select %eq3A_344, %broadcast_in_dim3A_349, %select_n3A_286 : vector<16xi1>, vector<16xf32>
      %mul3A_351 = arith.constant 16 : i32
      %mul3A_352 = arith.muli %scan3A_34, %mul3A_351 : i32
      %add3A_353 = arith.constant 5 : i32
      %add3A_354 = arith.addi %mul3A_352, %add3A_353 : i32
      %get3A_355 = arith.index_cast %add3A_354 : i32 to index
      %get3A_356 = arith.constant 0 : index
      %get3A_357 = tpu.vector_load %arg8[%get3A_355, %get3A_356] {strides = array<i32>} : memref<80x64xi32, #tpu.memory_space<vmem>>, vector<16xi32>,
      %bitcast3A_358 = vector.bitcast %get3A_357 : vector<16xi32> to vector<32xbf16>
      %get3A_359 = arith.index_cast %add3A_354 : i32 to index
      %get3A_360 = arith.constant 0 : index
      %get3A_361 = tpu.vector_load %arg9[%get3A_359, %get3A_360] {strides = array<i32>} : memref<80x64xi32, #tpu.memory_space<vmem>>, vector<16xi32>,
      %bitcast3A_362 = vector.bitcast %get3A_361 : vector<16xi32> to vector<32xbf16>
      %mul3A_363 = arith.mulf %bitcast3A_358, %bitcast3A_362 : vector<32xbf16>
      %unpack3A_364 = tpu.unpack_subelements %mul3A_363, 0 {pack_format = #tpu.pack_format<interleaved>} : vector<32xbf16> -> vector<16xf32>
      %unpack3A_365 = tpu.unpack_subelements %mul3A_363, 1 {pack_format = #tpu.pack_format<interleaved>} : vector<32xbf16> -> vector<16xf32>
      %add3A_366 = arith.addf %unpack3A_364, %unpack3A_365 : vector<16xf32>
      %get3A_367 = arith.index_cast %add3A_354 : i32 to index
      %get3A_368 = arith.constant 16 : index
      %get3A_369 = tpu.vector_load %arg8[%get3A_367, %get3A_368] {strides = array<i32>} : memref<80x64xi32, #tpu.memory_space<vmem>>, vector<16xi32>,
      %bitcast3A_370 = vector.bitcast %get3A_369 : vector<16xi32> to vector<32xbf16>
      %get3A_371 = arith.index_cast %add3A_354 : i32 to index
      %get3A_372 = arith.constant 16 : index
      %get3A_373 = tpu.vector_load %arg9[%get3A_371, %get3A_372] {strides = array<i32>} : memref<80x64xi32, #tpu.memory_space<vmem>>, vector<16xi32>,
      %bitcast3A_374 = vector.bitcast %get3A_373 : vector<16xi32> to vector<32xbf16>
      %mul3A_375 = arith.mulf %bitcast3A_370, %bitcast3A_374 : vector<32xbf16>
      %unpack3A_376 = tpu.unpack_subelements %mul3A_375, 0 {pack_format = #tpu.pack_format<interleaved>} : vector<32xbf16> -> vector<16xf32>
      %unpack3A_377 = tpu.unpack_subelements %mul3A_375, 1 {pack_format = #tpu.pack_format<interleaved>} : vector<32xbf16> -> vector<16xf32>
      %add3A_378 = arith.addf %unpack3A_376, %unpack3A_377 : vector<16xf32>
      %add3A_379 = arith.addf %add3A_366, %add3A_378 : vector<16xf32>
      %get3A_380 = arith.index_cast %add3A_354 : i32 to index
      %get3A_381 = arith.constant 32 : index
      %get3A_382 = tpu.vector_load %arg8[%get3A_380, %get3A_381] {strides = array<i32>} : memref<80x64xi32, #tpu.memory_space<vmem>>, vector<16xi32>,
      %bitcast3A_383 = vector.bitcast %get3A_382 : vector<16xi32> to vector<32xbf16>
      %get3A_384 = arith.index_cast %add3A_354 : i32 to index
      %get3A_385 = arith.constant 32 : index
      %get3A_386 = tpu.vector_load %arg9[%get3A_384, %get3A_385] {strides = array<i32>} : memref<80x64xi32, #tpu.memory_space<vmem>>, vector<16xi32>,
      %bitcast3A_387 = vector.bitcast %get3A_386 : vector<16xi32> to vector<32xbf16>
      %mul3A_388 = arith.mulf %bitcast3A_383, %bitcast3A_387 : vector<32xbf16>
      %unpack3A_389 = tpu.unpack_subelements %mul3A_388, 0 {pack_format = #tpu.pack_format<interleaved>} : vector<32xbf16> -> vector<16xf32>
      %unpack3A_390 = tpu.unpack_subelements %mul3A_388, 1 {pack_format = #tpu.pack_format<interleaved>} : vector<32xbf16> -> vector<16xf32>
      %add3A_391 = arith.addf %unpack3A_389, %unpack3A_390 : vector<16xf32>
      %add3A_392 = arith.addf %add3A_379, %add3A_391 : vector<16xf32>
      %get3A_393 = arith.index_cast %add3A_354 : i32 to index
      %get3A_394 = arith.constant 48 : index
      %get3A_395 = tpu.vector_load %arg8[%get3A_393, %get3A_394] {strides = array<i32>} : memref<80x64xi32, #tpu.memory_space<vmem>>, vector<16xi32>,
      %bitcast3A_396 = vector.bitcast %get3A_395 : vector<16xi32> to vector<32xbf16>
      %get3A_397 = arith.index_cast %add3A_354 : i32 to index
      %get3A_398 = arith.constant 48 : index
      %get3A_399 = tpu.vector_load %arg9[%get3A_397, %get3A_398] {strides = array<i32>} : memref<80x64xi32, #tpu.memory_space<vmem>>, vector<16xi32>,
      %bitcast3A_400 = vector.bitcast %get3A_399 : vector<16xi32> to vector<32xbf16>
      %mul3A_401 = arith.mulf %bitcast3A_396, %bitcast3A_400 : vector<32xbf16>
      %unpack3A_402 = tpu.unpack_subelements %mul3A_401, 0 {pack_format = #tpu.pack_format<interleaved>} : vector<32xbf16> -> vector<16xf32>
      %unpack3A_403 = tpu.unpack_subelements %mul3A_401, 1 {pack_format = #tpu.pack_format<interleaved>} : vector<32xbf16> -> vector<16xf32>
      %add3A_404 = arith.addf %unpack3A_402, %unpack3A_403 : vector<16xf32>
      %add3A_405 = arith.addf %add3A_392, %add3A_404 : vector<16xf32>
      %eq3A_406 = arith.constant 5 : i32
      %eq3A_407 = vector.broadcast %eq3A_406 : i32 to vector<16xi32>
      %eq3A_408 = arith.cmpi eq, %iota3A, %eq3A_407 : vector<16xi32>
      %reduce_sum3A_409 = arith.constant true
      %reduce_sum3A_410 = vector.broadcast %reduce_sum3A_409 : i1 to vector<16xi1>
      %reduce_sum3A_411 = tpu.scan <sum>, %add3A_405 masked %reduce_sum3A_410 : vector<16xf32>, vector<16xi1> -> vector<16xf32>
      %reduce_sum3A_412 = vector.extract %reduce_sum3A_411[15] : f32 from vector<16xf32>
      %broadcast_in_dim3A_413 = vector.broadcast %reduce_sum3A_412 : f32 to vector<16xf32>
      %select_n3A_414 = arith.select %eq3A_408, %broadcast_in_dim3A_413, %select_n3A_350 : vector<16xi1>, vector<16xf32>
      %mul3A_415 = arith.constant 16 : i32
      %mul3A_416 = arith.muli %scan3A_34, %mul3A_415 : i32
      %add3A_417 = arith.constant 6 : i32
      %add3A_418 = arith.addi %mul3A_416, %add3A_417 : i32
      %get3A_419 = arith.index_cast %add3A_418 : i32 to index
      %get3A_420 = arith.constant 0 : index
      %get3A_421 = tpu.vector_load %arg8[%get3A_419, %get3A_420] {strides = array<i32>} : memref<80x64xi32, #tpu.memory_space<vmem>>, vector<16xi32>,
      %bitcast3A_422 = vector.bitcast %get3A_421 : vector<16xi32> to vector<32xbf16>
      %get3A_423 = arith.index_cast %add3A_418 : i32 to index
      %get3A_424 = arith.constant 0 : index
      %get3A_425 = tpu.vector_load %arg9[%get3A_423, %get3A_424] {strides = array<i32>} : memref<80x64xi32, #tpu.memory_space<vmem>>, vector<16xi32>,
      %bitcast3A_426 = vector.bitcast %get3A_425 : vector<16xi32> to vector<32xbf16>
      %mul3A_427 = arith.mulf %bitcast3A_422, %bitcast3A_426 : vector<32xbf16>
      %unpack3A_428 = tpu.unpack_subelements %mul3A_427, 0 {pack_format = #tpu.pack_format<interleaved>} : vector<32xbf16> -> vector<16xf32>
      %unpack3A_429 = tpu.unpack_subelements %mul3A_427, 1 {pack_format = #tpu.pack_format<interleaved>} : vector<32xbf16> -> vector<16xf32>
      %add3A_430 = arith.addf %unpack3A_428, %unpack3A_429 : vector<16xf32>
      %get3A_431 = arith.index_cast %add3A_418 : i32 to index
      %get3A_432 = arith.constant 16 : index
      %get3A_433 = tpu.vector_load %arg8[%get3A_431, %get3A_432] {strides = array<i32>} : memref<80x64xi32, #tpu.memory_space<vmem>>, vector<16xi32>,
      %bitcast3A_434 = vector.bitcast %get3A_433 : vector<16xi32> to vector<32xbf16>
      %get3A_435 = arith.index_cast %add3A_418 : i32 to index
      %get3A_436 = arith.constant 16 : index
      %get3A_437 = tpu.vector_load %arg9[%get3A_435, %get3A_436] {strides = array<i32>} : memref<80x64xi32, #tpu.memory_space<vmem>>, vector<16xi32>,
      %bitcast3A_438 = vector.bitcast %get3A_437 : vector<16xi32> to vector<32xbf16>
      %mul3A_439 = arith.mulf %bitcast3A_434, %bitcast3A_438 : vector<32xbf16>
      %unpack3A_440 = tpu.unpack_subelements %mul3A_439, 0 {pack_format = #tpu.pack_format<interleaved>} : vector<32xbf16> -> vector<16xf32>
      %unpack3A_441 = tpu.unpack_subelements %mul3A_439, 1 {pack_format = #tpu.pack_format<interleaved>} : vector<32xbf16> -> vector<16xf32>
      %add3A_442 = arith.addf %unpack3A_440, %unpack3A_441 : vector<16xf32>
      %add3A_443 = arith.addf %add3A_430, %add3A_442 : vector<16xf32>
      %get3A_444 = arith.index_cast %add3A_418 : i32 to index
      %get3A_445 = arith.constant 32 : index
      %get3A_446 = tpu.vector_load %arg8[%get3A_444, %get3A_445] {strides = array<i32>} : memref<80x64xi32, #tpu.memory_space<vmem>>, vector<16xi32>,
      %bitcast3A_447 = vector.bitcast %get3A_446 : vector<16xi32> to vector<32xbf16>
      %get3A_448 = arith.index_cast %add3A_418 : i32 to index
      %get3A_449 = arith.constant 32 : index
      %get3A_450 = tpu.vector_load %arg9[%get3A_448, %get3A_449] {strides = array<i32>} : memref<80x64xi32, #tpu.memory_space<vmem>>, vector<16xi32>,
      %bitcast3A_451 = vector.bitcast %get3A_450 : vector<16xi32> to vector<32xbf16>
      %mul3A_452 = arith.mulf %bitcast3A_447, %bitcast3A_451 : vector<32xbf16>
      %unpack3A_453 = tpu.unpack_subelements %mul3A_452, 0 {pack_format = #tpu.pack_format<interleaved>} : vector<32xbf16> -> vector<16xf32>
      %unpack3A_454 = tpu.unpack_subelements %mul3A_452, 1 {pack_format = #tpu.pack_format<interleaved>} : vector<32xbf16> -> vector<16xf32>
      %add3A_455 = arith.addf %unpack3A_453, %unpack3A_454 : vector<16xf32>
      %add3A_456 = arith.addf %add3A_443, %add3A_455 : vector<16xf32>
      %get3A_457 = arith.index_cast %add3A_418 : i32 to index
      %get3A_458 = arith.constant 48 : index
      %get3A_459 = tpu.vector_load %arg8[%get3A_457, %get3A_458] {strides = array<i32>} : memref<80x64xi32, #tpu.memory_space<vmem>>, vector<16xi32>,
      %bitcast3A_460 = vector.bitcast %get3A_459 : vector<16xi32> to vector<32xbf16>
      %get3A_461 = arith.index_cast %add3A_418 : i32 to index
      %get3A_462 = arith.constant 48 : index
      %get3A_463 = tpu.vector_load %arg9[%get3A_461, %get3A_462] {strides = array<i32>} : memref<80x64xi32, #tpu.memory_space<vmem>>, vector<16xi32>,
      %bitcast3A_464 = vector.bitcast %get3A_463 : vector<16xi32> to vector<32xbf16>
      %mul3A_465 = arith.mulf %bitcast3A_460, %bitcast3A_464 : vector<32xbf16>
      %unpack3A_466 = tpu.unpack_subelements %mul3A_465, 0 {pack_format = #tpu.pack_format<interleaved>} : vector<32xbf16> -> vector<16xf32>
      %unpack3A_467 = tpu.unpack_subelements %mul3A_465, 1 {pack_format = #tpu.pack_format<interleaved>} : vector<32xbf16> -> vector<16xf32>
      %add3A_468 = arith.addf %unpack3A_466, %unpack3A_467 : vector<16xf32>
      %add3A_469 = arith.addf %add3A_456, %add3A_468 : vector<16xf32>
      %eq3A_470 = arith.constant 6 : i32
      %eq3A_471 = vector.broadcast %eq3A_470 : i32 to vector<16xi32>
      %eq3A_472 = arith.cmpi eq, %iota3A, %eq3A_471 : vector<16xi32>
      %reduce_sum3A_473 = arith.constant true
      %reduce_sum3A_474 = vector.broadcast %reduce_sum3A_473 : i1 to vector<16xi1>
      %reduce_sum3A_475 = tpu.scan <sum>, %add3A_469 masked %reduce_sum3A_474 : vector<16xf32>, vector<16xi1> -> vector<16xf32>
      %reduce_sum3A_476 = vector.extract %reduce_sum3A_475[15] : f32 from vector<16xf32>
      %broadcast_in_dim3A_477 = vector.broadcast %reduce_sum3A_476 : f32 to vector<16xf32>
      %select_n3A_478 = arith.select %eq3A_472, %broadcast_in_dim3A_477, %select_n3A_414 : vector<16xi1>, vector<16xf32>
      %mul3A_479 = arith.constant 16 : i32
      %mul3A_480 = arith.muli %scan3A_34, %mul3A_479 : i32
      %add3A_481 = arith.constant 7 : i32
      %add3A_482 = arith.addi %mul3A_480, %add3A_481 : i32
      %get3A_483 = arith.index_cast %add3A_482 : i32 to index
      %get3A_484 = arith.constant 0 : index
      %get3A_485 = tpu.vector_load %arg8[%get3A_483, %get3A_484] {strides = array<i32>} : memref<80x64xi32, #tpu.memory_space<vmem>>, vector<16xi32>,
      %bitcast3A_486 = vector.bitcast %get3A_485 : vector<16xi32> to vector<32xbf16>
      %get3A_487 = arith.index_cast %add3A_482 : i32 to index
      %get3A_488 = arith.constant 0 : index
      %get3A_489 = tpu.vector_load %arg9[%get3A_487, %get3A_488] {strides = array<i32>} : memref<80x64xi32, #tpu.memory_space<vmem>>, vector<16xi32>,
      %bitcast3A_490 = vector.bitcast %get3A_489 : vector<16xi32> to vector<32xbf16>
      %mul3A_491 = arith.mulf %bitcast3A_486, %bitcast3A_490 : vector<32xbf16>
      %unpack3A_492 = tpu.unpack_subelements %mul3A_491, 0 {pack_format = #tpu.pack_format<interleaved>} : vector<32xbf16> -> vector<16xf32>
      %unpack3A_493 = tpu.unpack_subelements %mul3A_491, 1 {pack_format = #tpu.pack_format<interleaved>} : vector<32xbf16> -> vector<16xf32>
      %add3A_494 = arith.addf %unpack3A_492, %unpack3A_493 : vector<16xf32>
      %get3A_495 = arith.index_cast %add3A_482 : i32 to index
      %get3A_496 = arith.constant 16 : index
      %get3A_497 = tpu.vector_load %arg8[%get3A_495, %get3A_496] {strides = array<i32>} : memref<80x64xi32, #tpu.memory_space<vmem>>, vector<16xi32>,
      %bitcast3A_498 = vector.bitcast %get3A_497 : vector<16xi32> to vector<32xbf16>
      %get3A_499 = arith.index_cast %add3A_482 : i32 to index
      %get3A_500 = arith.constant 16 : index
      %get3A_501 = tpu.vector_load %arg9[%get3A_499, %get3A_500] {strides = array<i32>} : memref<80x64xi32, #tpu.memory_space<vmem>>, vector<16xi32>,
      %bitcast3A_502 = vector.bitcast %get3A_501 : vector<16xi32> to vector<32xbf16>
      %mul3A_503 = arith.mulf %bitcast3A_498, %bitcast3A_502 : vector<32xbf16>
      %unpack3A_504 = tpu.unpack_subelements %mul3A_503, 0 {pack_format = #tpu.pack_format<interleaved>} : vector<32xbf16> -> vector<16xf32>
      %unpack3A_505 = tpu.unpack_subelements %mul3A_503, 1 {pack_format = #tpu.pack_format<interleaved>} : vector<32xbf16> -> vector<16xf32>
      %add3A_506 = arith.addf %unpack3A_504, %unpack3A_505 : vector<16xf32>
      %add3A_507 = arith.addf %add3A_494, %add3A_506 : vector<16xf32>
      %get3A_508 = arith.index_cast %add3A_482 : i32 to index
      %get3A_509 = arith.constant 32 : index
      %get3A_510 = tpu.vector_load %arg8[%get3A_508, %get3A_509] {strides = array<i32>} : memref<80x64xi32, #tpu.memory_space<vmem>>, vector<16xi32>,
      %bitcast3A_511 = vector.bitcast %get3A_510 : vector<16xi32> to vector<32xbf16>
      %get3A_512 = arith.index_cast %add3A_482 : i32 to index
      %get3A_513 = arith.constant 32 : index
      %get3A_514 = tpu.vector_load %arg9[%get3A_512, %get3A_513] {strides = array<i32>} : memref<80x64xi32, #tpu.memory_space<vmem>>, vector<16xi32>,
      %bitcast3A_515 = vector.bitcast %get3A_514 : vector<16xi32> to vector<32xbf16>
      %mul3A_516 = arith.mulf %bitcast3A_511, %bitcast3A_515 : vector<32xbf16>
      %unpack3A_517 = tpu.unpack_subelements %mul3A_516, 0 {pack_format = #tpu.pack_format<interleaved>} : vector<32xbf16> -> vector<16xf32>
      %unpack3A_518 = tpu.unpack_subelements %mul3A_516, 1 {pack_format = #tpu.pack_format<interleaved>} : vector<32xbf16> -> vector<16xf32>
      %add3A_519 = arith.addf %unpack3A_517, %unpack3A_518 : vector<16xf32>
      %add3A_520 = arith.addf %add3A_507, %add3A_519 : vector<16xf32>
      %get3A_521 = arith.index_cast %add3A_482 : i32 to index
      %get3A_522 = arith.constant 48 : index
      %get3A_523 = tpu.vector_load %arg8[%get3A_521, %get3A_522] {strides = array<i32>} : memref<80x64xi32, #tpu.memory_space<vmem>>, vector<16xi32>,
      %bitcast3A_524 = vector.bitcast %get3A_523 : vector<16xi32> to vector<32xbf16>
      %get3A_525 = arith.index_cast %add3A_482 : i32 to index
      %get3A_526 = arith.constant 48 : index
      %get3A_527 = tpu.vector_load %arg9[%get3A_525, %get3A_526] {strides = array<i32>} : memref<80x64xi32, #tpu.memory_space<vmem>>, vector<16xi32>,
      %bitcast3A_528 = vector.bitcast %get3A_527 : vector<16xi32> to vector<32xbf16>
      %mul3A_529 = arith.mulf %bitcast3A_524, %bitcast3A_528 : vector<32xbf16>
      %unpack3A_530 = tpu.unpack_subelements %mul3A_529, 0 {pack_format = #tpu.pack_format<interleaved>} : vector<32xbf16> -> vector<16xf32>
      %unpack3A_531 = tpu.unpack_subelements %mul3A_529, 1 {pack_format = #tpu.pack_format<interleaved>} : vector<32xbf16> -> vector<16xf32>
      %add3A_532 = arith.addf %unpack3A_530, %unpack3A_531 : vector<16xf32>
      %add3A_533 = arith.addf %add3A_520, %add3A_532 : vector<16xf32>
      %eq3A_534 = arith.constant 7 : i32
      %eq3A_535 = vector.broadcast %eq3A_534 : i32 to vector<16xi32>
      %eq3A_536 = arith.cmpi eq, %iota3A, %eq3A_535 : vector<16xi32>
      %reduce_sum3A_537 = arith.constant true
      %reduce_sum3A_538 = vector.broadcast %reduce_sum3A_537 : i1 to vector<16xi1>
      %reduce_sum3A_539 = tpu.scan <sum>, %add3A_533 masked %reduce_sum3A_538 : vector<16xf32>, vector<16xi1> -> vector<16xf32>
      %reduce_sum3A_540 = vector.extract %reduce_sum3A_539[15] : f32 from vector<16xf32>
      %broadcast_in_dim3A_541 = vector.broadcast %reduce_sum3A_540 : f32 to vector<16xf32>
      %select_n3A_542 = arith.select %eq3A_536, %broadcast_in_dim3A_541, %select_n3A_478 : vector<16xi1>, vector<16xf32>
      %mul3A_543 = arith.constant 16 : i32
      %mul3A_544 = arith.muli %scan3A_34, %mul3A_543 : i32
      %add3A_545 = arith.constant 8 : i32
      %add3A_546 = arith.addi %mul3A_544, %add3A_545 : i32
      %get3A_547 = arith.index_cast %add3A_546 : i32 to index
      %get3A_548 = arith.constant 0 : index
      %get3A_549 = tpu.vector_load %arg8[%get3A_547, %get3A_548] {strides = array<i32>} : memref<80x64xi32, #tpu.memory_space<vmem>>, vector<16xi32>,
      %bitcast3A_550 = vector.bitcast %get3A_549 : vector<16xi32> to vector<32xbf16>
      %get3A_551 = arith.index_cast %add3A_546 : i32 to index
      %get3A_552 = arith.constant 0 : index
      %get3A_553 = tpu.vector_load %arg9[%get3A_551, %get3A_552] {strides = array<i32>} : memref<80x64xi32, #tpu.memory_space<vmem>>, vector<16xi32>,
      %bitcast3A_554 = vector.bitcast %get3A_553 : vector<16xi32> to vector<32xbf16>
      %mul3A_555 = arith.mulf %bitcast3A_550, %bitcast3A_554 : vector<32xbf16>
      %unpack3A_556 = tpu.unpack_subelements %mul3A_555, 0 {pack_format = #tpu.pack_format<interleaved>} : vector<32xbf16> -> vector<16xf32>
      %unpack3A_557 = tpu.unpack_subelements %mul3A_555, 1 {pack_format = #tpu.pack_format<interleaved>} : vector<32xbf16> -> vector<16xf32>
      %add3A_558 = arith.addf %unpack3A_556, %unpack3A_557 : vector<16xf32>
      %get3A_559 = arith.index_cast %add3A_546 : i32 to index
      %get3A_560 = arith.constant 16 : index
      %get3A_561 = tpu.vector_load %arg8[%get3A_559, %get3A_560] {strides = array<i32>} : memref<80x64xi32, #tpu.memory_space<vmem>>, vector<16xi32>,
      %bitcast3A_562 = vector.bitcast %get3A_561 : vector<16xi32> to vector<32xbf16>
      %get3A_563 = arith.index_cast %add3A_546 : i32 to index
      %get3A_564 = arith.constant 16 : index
      %get3A_565 = tpu.vector_load %arg9[%get3A_563, %get3A_564] {strides = array<i32>} : memref<80x64xi32, #tpu.memory_space<vmem>>, vector<16xi32>,
      %bitcast3A_566 = vector.bitcast %get3A_565 : vector<16xi32> to vector<32xbf16>
      %mul3A_567 = arith.mulf %bitcast3A_562, %bitcast3A_566 : vector<32xbf16>
      %unpack3A_568 = tpu.unpack_subelements %mul3A_567, 0 {pack_format = #tpu.pack_format<interleaved>} : vector<32xbf16> -> vector<16xf32>
      %unpack3A_569 = tpu.unpack_subelements %mul3A_567, 1 {pack_format = #tpu.pack_format<interleaved>} : vector<32xbf16> -> vector<16xf32>
      %add3A_570 = arith.addf %unpack3A_568, %unpack3A_569 : vector<16xf32>
      %add3A_571 = arith.addf %add3A_558, %add3A_570 : vector<16xf32>
      %get3A_572 = arith.index_cast %add3A_546 : i32 to index
      %get3A_573 = arith.constant 32 : index
      %get3A_574 = tpu.vector_load %arg8[%get3A_572, %get3A_573] {strides = array<i32>} : memref<80x64xi32, #tpu.memory_space<vmem>>, vector<16xi32>,
      %bitcast3A_575 = vector.bitcast %get3A_574 : vector<16xi32> to vector<32xbf16>
      %get3A_576 = arith.index_cast %add3A_546 : i32 to index
      %get3A_577 = arith.constant 32 : index
      %get3A_578 = tpu.vector_load %arg9[%get3A_576, %get3A_577] {strides = array<i32>} : memref<80x64xi32, #tpu.memory_space<vmem>>, vector<16xi32>,
      %bitcast3A_579 = vector.bitcast %get3A_578 : vector<16xi32> to vector<32xbf16>
      %mul3A_580 = arith.mulf %bitcast3A_575, %bitcast3A_579 : vector<32xbf16>
      %unpack3A_581 = tpu.unpack_subelements %mul3A_580, 0 {pack_format = #tpu.pack_format<interleaved>} : vector<32xbf16> -> vector<16xf32>
      %unpack3A_582 = tpu.unpack_subelements %mul3A_580, 1 {pack_format = #tpu.pack_format<interleaved>} : vector<32xbf16> -> vector<16xf32>
      %add3A_583 = arith.addf %unpack3A_581, %unpack3A_582 : vector<16xf32>
      %add3A_584 = arith.addf %add3A_571, %add3A_583 : vector<16xf32>
      %get3A_585 = arith.index_cast %add3A_546 : i32 to index
      %get3A_586 = arith.constant 48 : index
      %get3A_587 = tpu.vector_load %arg8[%get3A_585, %get3A_586] {strides = array<i32>} : memref<80x64xi32, #tpu.memory_space<vmem>>, vector<16xi32>,
      %bitcast3A_588 = vector.bitcast %get3A_587 : vector<16xi32> to vector<32xbf16>
      %get3A_589 = arith.index_cast %add3A_546 : i32 to index
      %get3A_590 = arith.constant 48 : index
      %get3A_591 = tpu.vector_load %arg9[%get3A_589, %get3A_590] {strides = array<i32>} : memref<80x64xi32, #tpu.memory_space<vmem>>, vector<16xi32>,
      %bitcast3A_592 = vector.bitcast %get3A_591 : vector<16xi32> to vector<32xbf16>
      %mul3A_593 = arith.mulf %bitcast3A_588, %bitcast3A_592 : vector<32xbf16>
      %unpack3A_594 = tpu.unpack_subelements %mul3A_593, 0 {pack_format = #tpu.pack_format<interleaved>} : vector<32xbf16> -> vector<16xf32>
      %unpack3A_595 = tpu.unpack_subelements %mul3A_593, 1 {pack_format = #tpu.pack_format<interleaved>} : vector<32xbf16> -> vector<16xf32>
      %add3A_596 = arith.addf %unpack3A_594, %unpack3A_595 : vector<16xf32>
      %add3A_597 = arith.addf %add3A_584, %add3A_596 : vector<16xf32>
      %eq3A_598 = arith.constant 8 : i32
      %eq3A_599 = vector.broadcast %eq3A_598 : i32 to vector<16xi32>
      %eq3A_600 = arith.cmpi eq, %iota3A, %eq3A_599 : vector<16xi32>
      %reduce_sum3A_601 = arith.constant true
      %reduce_sum3A_602 = vector.broadcast %reduce_sum3A_601 : i1 to vector<16xi1>
      %reduce_sum3A_603 = tpu.scan <sum>, %add3A_597 masked %reduce_sum3A_602 : vector<16xf32>, vector<16xi1> -> vector<16xf32>
      %reduce_sum3A_604 = vector.extract %reduce_sum3A_603[15] : f32 from vector<16xf32>
      %broadcast_in_dim3A_605 = vector.broadcast %reduce_sum3A_604 : f32 to vector<16xf32>
      %select_n3A_606 = arith.select %eq3A_600, %broadcast_in_dim3A_605, %select_n3A_542 : vector<16xi1>, vector<16xf32>
      %mul3A_607 = arith.constant 16 : i32
      %mul3A_608 = arith.muli %scan3A_34, %mul3A_607 : i32
      %add3A_609 = arith.constant 9 : i32
      %add3A_610 = arith.addi %mul3A_608, %add3A_609 : i32
      %get3A_611 = arith.index_cast %add3A_610 : i32 to index
      %get3A_612 = arith.constant 0 : index
      %get3A_613 = tpu.vector_load %arg8[%get3A_611, %get3A_612] {strides = array<i32>} : memref<80x64xi32, #tpu.memory_space<vmem>>, vector<16xi32>,
      %bitcast3A_614 = vector.bitcast %get3A_613 : vector<16xi32> to vector<32xbf16>
      %get3A_615 = arith.index_cast %add3A_610 : i32 to index
      %get3A_616 = arith.constant 0 : index
      %get3A_617 = tpu.vector_load %arg9[%get3A_615, %get3A_616] {strides = array<i32>} : memref<80x64xi32, #tpu.memory_space<vmem>>, vector<16xi32>,
      %bitcast3A_618 = vector.bitcast %get3A_617 : vector<16xi32> to vector<32xbf16>
      %mul3A_619 = arith.mulf %bitcast3A_614, %bitcast3A_618 : vector<32xbf16>
      %unpack3A_620 = tpu.unpack_subelements %mul3A_619, 0 {pack_format = #tpu.pack_format<interleaved>} : vector<32xbf16> -> vector<16xf32>
      %unpack3A_621 = tpu.unpack_subelements %mul3A_619, 1 {pack_format = #tpu.pack_format<interleaved>} : vector<32xbf16> -> vector<16xf32>
      %add3A_622 = arith.addf %unpack3A_620, %unpack3A_621 : vector<16xf32>
      %get3A_623 = arith.index_cast %add3A_610 : i32 to index
      %get3A_624 = arith.constant 16 : index
      %get3A_625 = tpu.vector_load %arg8[%get3A_623, %get3A_624] {strides = array<i32>} : memref<80x64xi32, #tpu.memory_space<vmem>>, vector<16xi32>,
      %bitcast3A_626 = vector.bitcast %get3A_625 : vector<16xi32> to vector<32xbf16>
      %get3A_627 = arith.index_cast %add3A_610 : i32 to index
      %get3A_628 = arith.constant 16 : index
      %get3A_629 = tpu.vector_load %arg9[%get3A_627, %get3A_628] {strides = array<i32>} : memref<80x64xi32, #tpu.memory_space<vmem>>, vector<16xi32>,
      %bitcast3A_630 = vector.bitcast %get3A_629 : vector<16xi32> to vector<32xbf16>
      %mul3A_631 = arith.mulf %bitcast3A_626, %bitcast3A_630 : vector<32xbf16>
      %unpack3A_632 = tpu.unpack_subelements %mul3A_631, 0 {pack_format = #tpu.pack_format<interleaved>} : vector<32xbf16> -> vector<16xf32>
      %unpack3A_633 = tpu.unpack_subelements %mul3A_631, 1 {pack_format = #tpu.pack_format<interleaved>} : vector<32xbf16> -> vector<16xf32>
      %add3A_634 = arith.addf %unpack3A_632, %unpack3A_633 : vector<16xf32>
      %add3A_635 = arith.addf %add3A_622, %add3A_634 : vector<16xf32>
      %get3A_636 = arith.index_cast %add3A_610 : i32 to index
      %get3A_637 = arith.constant 32 : index
      %get3A_638 = tpu.vector_load %arg8[%get3A_636, %get3A_637] {strides = array<i32>} : memref<80x64xi32, #tpu.memory_space<vmem>>, vector<16xi32>,
      %bitcast3A_639 = vector.bitcast %get3A_638 : vector<16xi32> to vector<32xbf16>
      %get3A_640 = arith.index_cast %add3A_610 : i32 to index
      %get3A_641 = arith.constant 32 : index
      %get3A_642 = tpu.vector_load %arg9[%get3A_640, %get3A_641] {strides = array<i32>} : memref<80x64xi32, #tpu.memory_space<vmem>>, vector<16xi32>,
      %bitcast3A_643 = vector.bitcast %get3A_642 : vector<16xi32> to vector<32xbf16>
      %mul3A_644 = arith.mulf %bitcast3A_639, %bitcast3A_643 : vector<32xbf16>
      %unpack3A_645 = tpu.unpack_subelements %mul3A_644, 0 {pack_format = #tpu.pack_format<interleaved>} : vector<32xbf16> -> vector<16xf32>
      %unpack3A_646 = tpu.unpack_subelements %mul3A_644, 1 {pack_format = #tpu.pack_format<interleaved>} : vector<32xbf16> -> vector<16xf32>
      %add3A_647 = arith.addf %unpack3A_645, %unpack3A_646 : vector<16xf32>
      %add3A_648 = arith.addf %add3A_635, %add3A_647 : vector<16xf32>
      %get3A_649 = arith.index_cast %add3A_610 : i32 to index
      %get3A_650 = arith.constant 48 : index
      %get3A_651 = tpu.vector_load %arg8[%get3A_649, %get3A_650] {strides = array<i32>} : memref<80x64xi32, #tpu.memory_space<vmem>>, vector<16xi32>,
      %bitcast3A_652 = vector.bitcast %get3A_651 : vector<16xi32> to vector<32xbf16>
      %get3A_653 = arith.index_cast %add3A_610 : i32 to index
      %get3A_654 = arith.constant 48 : index
      %get3A_655 = tpu.vector_load %arg9[%get3A_653, %get3A_654] {strides = array<i32>} : memref<80x64xi32, #tpu.memory_space<vmem>>, vector<16xi32>,
      %bitcast3A_656 = vector.bitcast %get3A_655 : vector<16xi32> to vector<32xbf16>
      %mul3A_657 = arith.mulf %bitcast3A_652, %bitcast3A_656 : vector<32xbf16>
      %unpack3A_658 = tpu.unpack_subelements %mul3A_657, 0 {pack_format = #tpu.pack_format<interleaved>} : vector<32xbf16> -> vector<16xf32>
      %unpack3A_659 = tpu.unpack_subelements %mul3A_657, 1 {pack_format = #tpu.pack_format<interleaved>} : vector<32xbf16> -> vector<16xf32>
      %add3A_660 = arith.addf %unpack3A_658, %unpack3A_659 : vector<16xf32>
      %add3A_661 = arith.addf %add3A_648, %add3A_660 : vector<16xf32>
      %eq3A_662 = arith.constant 9 : i32
      %eq3A_663 = vector.broadcast %eq3A_662 : i32 to vector<16xi32>
      %eq3A_664 = arith.cmpi eq, %iota3A, %eq3A_663 : vector<16xi32>
      %reduce_sum3A_665 = arith.constant true
      %reduce_sum3A_666 = vector.broadcast %reduce_sum3A_665 : i1 to vector<16xi1>
      %reduce_sum3A_667 = tpu.scan <sum>, %add3A_661 masked %reduce_sum3A_666 : vector<16xf32>, vector<16xi1> -> vector<16xf32>
      %reduce_sum3A_668 = vector.extract %reduce_sum3A_667[15] : f32 from vector<16xf32>
      %broadcast_in_dim3A_669 = vector.broadcast %reduce_sum3A_668 : f32 to vector<16xf32>
      %select_n3A_670 = arith.select %eq3A_664, %broadcast_in_dim3A_669, %select_n3A_606 : vector<16xi1>, vector<16xf32>
      %mul3A_671 = arith.constant 16 : i32
      %mul3A_672 = arith.muli %scan3A_34, %mul3A_671 : i32
      %add3A_673 = arith.constant 10 : i32
      %add3A_674 = arith.addi %mul3A_672, %add3A_673 : i32
      %get3A_675 = arith.index_cast %add3A_674 : i32 to index
      %get3A_676 = arith.constant 0 : index
      %get3A_677 = tpu.vector_load %arg8[%get3A_675, %get3A_676] {strides = array<i32>} : memref<80x64xi32, #tpu.memory_space<vmem>>, vector<16xi32>,
      %bitcast3A_678 = vector.bitcast %get3A_677 : vector<16xi32> to vector<32xbf16>
      %get3A_679 = arith.index_cast %add3A_674 : i32 to index
      %get3A_680 = arith.constant 0 : index
      %get3A_681 = tpu.vector_load %arg9[%get3A_679, %get3A_680] {strides = array<i32>} : memref<80x64xi32, #tpu.memory_space<vmem>>, vector<16xi32>,
      %bitcast3A_682 = vector.bitcast %get3A_681 : vector<16xi32> to vector<32xbf16>
      %mul3A_683 = arith.mulf %bitcast3A_678, %bitcast3A_682 : vector<32xbf16>
      %unpack3A_684 = tpu.unpack_subelements %mul3A_683, 0 {pack_format = #tpu.pack_format<interleaved>} : vector<32xbf16> -> vector<16xf32>
      %unpack3A_685 = tpu.unpack_subelements %mul3A_683, 1 {pack_format = #tpu.pack_format<interleaved>} : vector<32xbf16> -> vector<16xf32>
      %add3A_686 = arith.addf %unpack3A_684, %unpack3A_685 : vector<16xf32>
      %get3A_687 = arith.index_cast %add3A_674 : i32 to index
      %get3A_688 = arith.constant 16 : index
      %get3A_689 = tpu.vector_load %arg8[%get3A_687, %get3A_688] {strides = array<i32>} : memref<80x64xi32, #tpu.memory_space<vmem>>, vector<16xi32>,
      %bitcast3A_690 = vector.bitcast %get3A_689 : vector<16xi32> to vector<32xbf16>
      %get3A_691 = arith.index_cast %add3A_674 : i32 to index
      %get3A_692 = arith.constant 16 : index
      %get3A_693 = tpu.vector_load %arg9[%get3A_691, %get3A_692] {strides = array<i32>} : memref<80x64xi32, #tpu.memory_space<vmem>>, vector<16xi32>,
      %bitcast3A_694 = vector.bitcast %get3A_693 : vector<16xi32> to vector<32xbf16>
      %mul3A_695 = arith.mulf %bitcast3A_690, %bitcast3A_694 : vector<32xbf16>
      %unpack3A_696 = tpu.unpack_subelements %mul3A_695, 0 {pack_format = #tpu.pack_format<interleaved>} : vector<32xbf16> -> vector<16xf32>
      %unpack3A_697 = tpu.unpack_subelements %mul3A_695, 1 {pack_format = #tpu.pack_format<interleaved>} : vector<32xbf16> -> vector<16xf32>
      %add3A_698 = arith.addf %unpack3A_696, %unpack3A_697 : vector<16xf32>
      %add3A_699 = arith.addf %add3A_686, %add3A_698 : vector<16xf32>
      %get3A_700 = arith.index_cast %add3A_674 : i32 to index
      %get3A_701 = arith.constant 32 : index
      %get3A_702 = tpu.vector_load %arg8[%get3A_700, %get3A_701] {strides = array<i32>} : memref<80x64xi32, #tpu.memory_space<vmem>>, vector<16xi32>,
      %bitcast3A_703 = vector.bitcast %get3A_702 : vector<16xi32> to vector<32xbf16>
      %get3A_704 = arith.index_cast %add3A_674 : i32 to index
      %get3A_705 = arith.constant 32 : index
      %get3A_706 = tpu.vector_load %arg9[%get3A_704, %get3A_705] {strides = array<i32>} : memref<80x64xi32, #tpu.memory_space<vmem>>, vector<16xi32>,
      %bitcast3A_707 = vector.bitcast %get3A_706 : vector<16xi32> to vector<32xbf16>
      %mul3A_708 = arith.mulf %bitcast3A_703, %bitcast3A_707 : vector<32xbf16>
      %unpack3A_709 = tpu.unpack_subelements %mul3A_708, 0 {pack_format = #tpu.pack_format<interleaved>} : vector<32xbf16> -> vector<16xf32>
      %unpack3A_710 = tpu.unpack_subelements %mul3A_708, 1 {pack_format = #tpu.pack_format<interleaved>} : vector<32xbf16> -> vector<16xf32>
      %add3A_711 = arith.addf %unpack3A_709, %unpack3A_710 : vector<16xf32>
      %add3A_712 = arith.addf %add3A_699, %add3A_711 : vector<16xf32>
      %get3A_713 = arith.index_cast %add3A_674 : i32 to index
      %get3A_714 = arith.constant 48 : index
      %get3A_715 = tpu.vector_load %arg8[%get3A_713, %get3A_714] {strides = array<i32>} : memref<80x64xi32, #tpu.memory_space<vmem>>, vector<16xi32>,
      %bitcast3A_716 = vector.bitcast %get3A_715 : vector<16xi32> to vector<32xbf16>
      %get3A_717 = arith.index_cast %add3A_674 : i32 to index
      %get3A_718 = arith.constant 48 : index
      %get3A_719 = tpu.vector_load %arg9[%get3A_717, %get3A_718] {strides = array<i32>} : memref<80x64xi32, #tpu.memory_space<vmem>>, vector<16xi32>,
      %bitcast3A_720 = vector.bitcast %get3A_719 : vector<16xi32> to vector<32xbf16>
      %mul3A_721 = arith.mulf %bitcast3A_716, %bitcast3A_720 : vector<32xbf16>
      %unpack3A_722 = tpu.unpack_subelements %mul3A_721, 0 {pack_format = #tpu.pack_format<interleaved>} : vector<32xbf16> -> vector<16xf32>
      %unpack3A_723 = tpu.unpack_subelements %mul3A_721, 1 {pack_format = #tpu.pack_format<interleaved>} : vector<32xbf16> -> vector<16xf32>
      %add3A_724 = arith.addf %unpack3A_722, %unpack3A_723 : vector<16xf32>
      %add3A_725 = arith.addf %add3A_712, %add3A_724 : vector<16xf32>
      %eq3A_726 = arith.constant 10 : i32
      %eq3A_727 = vector.broadcast %eq3A_726 : i32 to vector<16xi32>
      %eq3A_728 = arith.cmpi eq, %iota3A, %eq3A_727 : vector<16xi32>
      %reduce_sum3A_729 = arith.constant true
      %reduce_sum3A_730 = vector.broadcast %reduce_sum3A_729 : i1 to vector<16xi1>
      %reduce_sum3A_731 = tpu.scan <sum>, %add3A_725 masked %reduce_sum3A_730 : vector<16xf32>, vector<16xi1> -> vector<16xf32>
      %reduce_sum3A_732 = vector.extract %reduce_sum3A_731[15] : f32 from vector<16xf32>
      %broadcast_in_dim3A_733 = vector.broadcast %reduce_sum3A_732 : f32 to vector<16xf32>
      %select_n3A_734 = arith.select %eq3A_728, %broadcast_in_dim3A_733, %select_n3A_670 : vector<16xi1>, vector<16xf32>
      %mul3A_735 = arith.constant 16 : i32
      %mul3A_736 = arith.muli %scan3A_34, %mul3A_735 : i32
      %add3A_737 = arith.constant 11 : i32
      %add3A_738 = arith.addi %mul3A_736, %add3A_737 : i32
      %get3A_739 = arith.index_cast %add3A_738 : i32 to index
      %get3A_740 = arith.constant 0 : index
      %get3A_741 = tpu.vector_load %arg8[%get3A_739, %get3A_740] {strides = array<i32>} : memref<80x64xi32, #tpu.memory_space<vmem>>, vector<16xi32>,
      %bitcast3A_742 = vector.bitcast %get3A_741 : vector<16xi32> to vector<32xbf16>
      %get3A_743 = arith.index_cast %add3A_738 : i32 to index
      %get3A_744 = arith.constant 0 : index
      %get3A_745 = tpu.vector_load %arg9[%get3A_743, %get3A_744] {strides = array<i32>} : memref<80x64xi32, #tpu.memory_space<vmem>>, vector<16xi32>,
      %bitcast3A_746 = vector.bitcast %get3A_745 : vector<16xi32> to vector<32xbf16>
      %mul3A_747 = arith.mulf %bitcast3A_742, %bitcast3A_746 : vector<32xbf16>
      %unpack3A_748 = tpu.unpack_subelements %mul3A_747, 0 {pack_format = #tpu.pack_format<interleaved>} : vector<32xbf16> -> vector<16xf32>
      %unpack3A_749 = tpu.unpack_subelements %mul3A_747, 1 {pack_format = #tpu.pack_format<interleaved>} : vector<32xbf16> -> vector<16xf32>
      %add3A_750 = arith.addf %unpack3A_748, %unpack3A_749 : vector<16xf32>
      %get3A_751 = arith.index_cast %add3A_738 : i32 to index
      %get3A_752 = arith.constant 16 : index
      %get3A_753 = tpu.vector_load %arg8[%get3A_751, %get3A_752] {strides = array<i32>} : memref<80x64xi32, #tpu.memory_space<vmem>>, vector<16xi32>,
      %bitcast3A_754 = vector.bitcast %get3A_753 : vector<16xi32> to vector<32xbf16>
      %get3A_755 = arith.index_cast %add3A_738 : i32 to index
      %get3A_756 = arith.constant 16 : index
      %get3A_757 = tpu.vector_load %arg9[%get3A_755, %get3A_756] {strides = array<i32>} : memref<80x64xi32, #tpu.memory_space<vmem>>, vector<16xi32>,
      %bitcast3A_758 = vector.bitcast %get3A_757 : vector<16xi32> to vector<32xbf16>
      %mul3A_759 = arith.mulf %bitcast3A_754, %bitcast3A_758 : vector<32xbf16>
      %unpack3A_760 = tpu.unpack_subelements %mul3A_759, 0 {pack_format = #tpu.pack_format<interleaved>} : vector<32xbf16> -> vector<16xf32>
      %unpack3A_761 = tpu.unpack_subelements %mul3A_759, 1 {pack_format = #tpu.pack_format<interleaved>} : vector<32xbf16> -> vector<16xf32>
      %add3A_762 = arith.addf %unpack3A_760, %unpack3A_761 : vector<16xf32>
      %add3A_763 = arith.addf %add3A_750, %add3A_762 : vector<16xf32>
      %get3A_764 = arith.index_cast %add3A_738 : i32 to index
      %get3A_765 = arith.constant 32 : index
      %get3A_766 = tpu.vector_load %arg8[%get3A_764, %get3A_765] {strides = array<i32>} : memref<80x64xi32, #tpu.memory_space<vmem>>, vector<16xi32>,
      %bitcast3A_767 = vector.bitcast %get3A_766 : vector<16xi32> to vector<32xbf16>
      %get3A_768 = arith.index_cast %add3A_738 : i32 to index
      %get3A_769 = arith.constant 32 : index
      %get3A_770 = tpu.vector_load %arg9[%get3A_768, %get3A_769] {strides = array<i32>} : memref<80x64xi32, #tpu.memory_space<vmem>>, vector<16xi32>,
      %bitcast3A_771 = vector.bitcast %get3A_770 : vector<16xi32> to vector<32xbf16>
      %mul3A_772 = arith.mulf %bitcast3A_767, %bitcast3A_771 : vector<32xbf16>
      %unpack3A_773 = tpu.unpack_subelements %mul3A_772, 0 {pack_format = #tpu.pack_format<interleaved>} : vector<32xbf16> -> vector<16xf32>
      %unpack3A_774 = tpu.unpack_subelements %mul3A_772, 1 {pack_format = #tpu.pack_format<interleaved>} : vector<32xbf16> -> vector<16xf32>
      %add3A_775 = arith.addf %unpack3A_773, %unpack3A_774 : vector<16xf32>
      %add3A_776 = arith.addf %add3A_763, %add3A_775 : vector<16xf32>
      %get3A_777 = arith.index_cast %add3A_738 : i32 to index
      %get3A_778 = arith.constant 48 : index
      %get3A_779 = tpu.vector_load %arg8[%get3A_777, %get3A_778] {strides = array<i32>} : memref<80x64xi32, #tpu.memory_space<vmem>>, vector<16xi32>,
      %bitcast3A_780 = vector.bitcast %get3A_779 : vector<16xi32> to vector<32xbf16>
      %get3A_781 = arith.index_cast %add3A_738 : i32 to index
      %get3A_782 = arith.constant 48 : index
      %get3A_783 = tpu.vector_load %arg9[%get3A_781, %get3A_782] {strides = array<i32>} : memref<80x64xi32, #tpu.memory_space<vmem>>, vector<16xi32>,
      %bitcast3A_784 = vector.bitcast %get3A_783 : vector<16xi32> to vector<32xbf16>
      %mul3A_785 = arith.mulf %bitcast3A_780, %bitcast3A_784 : vector<32xbf16>
      %unpack3A_786 = tpu.unpack_subelements %mul3A_785, 0 {pack_format = #tpu.pack_format<interleaved>} : vector<32xbf16> -> vector<16xf32>
      %unpack3A_787 = tpu.unpack_subelements %mul3A_785, 1 {pack_format = #tpu.pack_format<interleaved>} : vector<32xbf16> -> vector<16xf32>
      %add3A_788 = arith.addf %unpack3A_786, %unpack3A_787 : vector<16xf32>
      %add3A_789 = arith.addf %add3A_776, %add3A_788 : vector<16xf32>
      %eq3A_790 = arith.constant 11 : i32
      %eq3A_791 = vector.broadcast %eq3A_790 : i32 to vector<16xi32>
      %eq3A_792 = arith.cmpi eq, %iota3A, %eq3A_791 : vector<16xi32>
      %reduce_sum3A_793 = arith.constant true
      %reduce_sum3A_794 = vector.broadcast %reduce_sum3A_793 : i1 to vector<16xi1>
      %reduce_sum3A_795 = tpu.scan <sum>, %add3A_789 masked %reduce_sum3A_794 : vector<16xf32>, vector<16xi1> -> vector<16xf32>
      %reduce_sum3A_796 = vector.extract %reduce_sum3A_795[15] : f32 from vector<16xf32>
      %broadcast_in_dim3A_797 = vector.broadcast %reduce_sum3A_796 : f32 to vector<16xf32>
      %select_n3A_798 = arith.select %eq3A_792, %broadcast_in_dim3A_797, %select_n3A_734 : vector<16xi1>, vector<16xf32>
      %mul3A_799 = arith.constant 16 : i32
      %mul3A_800 = arith.muli %scan3A_34, %mul3A_799 : i32
      %add3A_801 = arith.constant 12 : i32
      %add3A_802 = arith.addi %mul3A_800, %add3A_801 : i32
      %get3A_803 = arith.index_cast %add3A_802 : i32 to index
      %get3A_804 = arith.constant 0 : index
      %get3A_805 = tpu.vector_load %arg8[%get3A_803, %get3A_804] {strides = array<i32>} : memref<80x64xi32, #tpu.memory_space<vmem>>, vector<16xi32>,
      %bitcast3A_806 = vector.bitcast %get3A_805 : vector<16xi32> to vector<32xbf16>
      %get3A_807 = arith.index_cast %add3A_802 : i32 to index
      %get3A_808 = arith.constant 0 : index
      %get3A_809 = tpu.vector_load %arg9[%get3A_807, %get3A_808] {strides = array<i32>} : memref<80x64xi32, #tpu.memory_space<vmem>>, vector<16xi32>,
      %bitcast3A_810 = vector.bitcast %get3A_809 : vector<16xi32> to vector<32xbf16>
      %mul3A_811 = arith.mulf %bitcast3A_806, %bitcast3A_810 : vector<32xbf16>
      %unpack3A_812 = tpu.unpack_subelements %mul3A_811, 0 {pack_format = #tpu.pack_format<interleaved>} : vector<32xbf16> -> vector<16xf32>
      %unpack3A_813 = tpu.unpack_subelements %mul3A_811, 1 {pack_format = #tpu.pack_format<interleaved>} : vector<32xbf16> -> vector<16xf32>
      %add3A_814 = arith.addf %unpack3A_812, %unpack3A_813 : vector<16xf32>
      %get3A_815 = arith.index_cast %add3A_802 : i32 to index
      %get3A_816 = arith.constant 16 : index
      %get3A_817 = tpu.vector_load %arg8[%get3A_815, %get3A_816] {strides = array<i32>} : memref<80x64xi32, #tpu.memory_space<vmem>>, vector<16xi32>,
      %bitcast3A_818 = vector.bitcast %get3A_817 : vector<16xi32> to vector<32xbf16>
      %get3A_819 = arith.index_cast %add3A_802 : i32 to index
      %get3A_820 = arith.constant 16 : index
      %get3A_821 = tpu.vector_load %arg9[%get3A_819, %get3A_820] {strides = array<i32>} : memref<80x64xi32, #tpu.memory_space<vmem>>, vector<16xi32>,
      %bitcast3A_822 = vector.bitcast %get3A_821 : vector<16xi32> to vector<32xbf16>
      %mul3A_823 = arith.mulf %bitcast3A_818, %bitcast3A_822 : vector<32xbf16>
      %unpack3A_824 = tpu.unpack_subelements %mul3A_823, 0 {pack_format = #tpu.pack_format<interleaved>} : vector<32xbf16> -> vector<16xf32>
      %unpack3A_825 = tpu.unpack_subelements %mul3A_823, 1 {pack_format = #tpu.pack_format<interleaved>} : vector<32xbf16> -> vector<16xf32>
      %add3A_826 = arith.addf %unpack3A_824, %unpack3A_825 : vector<16xf32>
      %add3A_827 = arith.addf %add3A_814, %add3A_826 : vector<16xf32>
      %get3A_828 = arith.index_cast %add3A_802 : i32 to index
      %get3A_829 = arith.constant 32 : index
      %get3A_830 = tpu.vector_load %arg8[%get3A_828, %get3A_829] {strides = array<i32>} : memref<80x64xi32, #tpu.memory_space<vmem>>, vector<16xi32>,
      %bitcast3A_831 = vector.bitcast %get3A_830 : vector<16xi32> to vector<32xbf16>
      %get3A_832 = arith.index_cast %add3A_802 : i32 to index
      %get3A_833 = arith.constant 32 : index
      %get3A_834 = tpu.vector_load %arg9[%get3A_832, %get3A_833] {strides = array<i32>} : memref<80x64xi32, #tpu.memory_space<vmem>>, vector<16xi32>,
      %bitcast3A_835 = vector.bitcast %get3A_834 : vector<16xi32> to vector<32xbf16>
      %mul3A_836 = arith.mulf %bitcast3A_831, %bitcast3A_835 : vector<32xbf16>
      %unpack3A_837 = tpu.unpack_subelements %mul3A_836, 0 {pack_format = #tpu.pack_format<interleaved>} : vector<32xbf16> -> vector<16xf32>
      %unpack3A_838 = tpu.unpack_subelements %mul3A_836, 1 {pack_format = #tpu.pack_format<interleaved>} : vector<32xbf16> -> vector<16xf32>
      %add3A_839 = arith.addf %unpack3A_837, %unpack3A_838 : vector<16xf32>
      %add3A_840 = arith.addf %add3A_827, %add3A_839 : vector<16xf32>
      %get3A_841 = arith.index_cast %add3A_802 : i32 to index
      %get3A_842 = arith.constant 48 : index
      %get3A_843 = tpu.vector_load %arg8[%get3A_841, %get3A_842] {strides = array<i32>} : memref<80x64xi32, #tpu.memory_space<vmem>>, vector<16xi32>,
      %bitcast3A_844 = vector.bitcast %get3A_843 : vector<16xi32> to vector<32xbf16>
      %get3A_845 = arith.index_cast %add3A_802 : i32 to index
      %get3A_846 = arith.constant 48 : index
      %get3A_847 = tpu.vector_load %arg9[%get3A_845, %get3A_846] {strides = array<i32>} : memref<80x64xi32, #tpu.memory_space<vmem>>, vector<16xi32>,
      %bitcast3A_848 = vector.bitcast %get3A_847 : vector<16xi32> to vector<32xbf16>
      %mul3A_849 = arith.mulf %bitcast3A_844, %bitcast3A_848 : vector<32xbf16>
      %unpack3A_850 = tpu.unpack_subelements %mul3A_849, 0 {pack_format = #tpu.pack_format<interleaved>} : vector<32xbf16> -> vector<16xf32>
      %unpack3A_851 = tpu.unpack_subelements %mul3A_849, 1 {pack_format = #tpu.pack_format<interleaved>} : vector<32xbf16> -> vector<16xf32>
      %add3A_852 = arith.addf %unpack3A_850, %unpack3A_851 : vector<16xf32>
      %add3A_853 = arith.addf %add3A_840, %add3A_852 : vector<16xf32>
      %eq3A_854 = arith.constant 12 : i32
      %eq3A_855 = vector.broadcast %eq3A_854 : i32 to vector<16xi32>
      %eq3A_856 = arith.cmpi eq, %iota3A, %eq3A_855 : vector<16xi32>
      %reduce_sum3A_857 = arith.constant true
      %reduce_sum3A_858 = vector.broadcast %reduce_sum3A_857 : i1 to vector<16xi1>
      %reduce_sum3A_859 = tpu.scan <sum>, %add3A_853 masked %reduce_sum3A_858 : vector<16xf32>, vector<16xi1> -> vector<16xf32>
      %reduce_sum3A_860 = vector.extract %reduce_sum3A_859[15] : f32 from vector<16xf32>
      %broadcast_in_dim3A_861 = vector.broadcast %reduce_sum3A_860 : f32 to vector<16xf32>
      %select_n3A_862 = arith.select %eq3A_856, %broadcast_in_dim3A_861, %select_n3A_798 : vector<16xi1>, vector<16xf32>
      %mul3A_863 = arith.constant 16 : i32
      %mul3A_864 = arith.muli %scan3A_34, %mul3A_863 : i32
      %add3A_865 = arith.constant 13 : i32
      %add3A_866 = arith.addi %mul3A_864, %add3A_865 : i32
      %get3A_867 = arith.index_cast %add3A_866 : i32 to index
      %get3A_868 = arith.constant 0 : index
      %get3A_869 = tpu.vector_load %arg8[%get3A_867, %get3A_868] {strides = array<i32>} : memref<80x64xi32, #tpu.memory_space<vmem>>, vector<16xi32>,
      %bitcast3A_870 = vector.bitcast %get3A_869 : vector<16xi32> to vector<32xbf16>
      %get3A_871 = arith.index_cast %add3A_866 : i32 to index
      %get3A_872 = arith.constant 0 : index
      %get3A_873 = tpu.vector_load %arg9[%get3A_871, %get3A_872] {strides = array<i32>} : memref<80x64xi32, #tpu.memory_space<vmem>>, vector<16xi32>,
      %bitcast3A_874 = vector.bitcast %get3A_873 : vector<16xi32> to vector<32xbf16>
      %mul3A_875 = arith.mulf %bitcast3A_870, %bitcast3A_874 : vector<32xbf16>
      %unpack3A_876 = tpu.unpack_subelements %mul3A_875, 0 {pack_format = #tpu.pack_format<interleaved>} : vector<32xbf16> -> vector<16xf32>
      %unpack3A_877 = tpu.unpack_subelements %mul3A_875, 1 {pack_format = #tpu.pack_format<interleaved>} : vector<32xbf16> -> vector<16xf32>
      %add3A_878 = arith.addf %unpack3A_876, %unpack3A_877 : vector<16xf32>
      %get3A_879 = arith.index_cast %add3A_866 : i32 to index
      %get3A_880 = arith.constant 16 : index
      %get3A_881 = tpu.vector_load %arg8[%get3A_879, %get3A_880] {strides = array<i32>} : memref<80x64xi32, #tpu.memory_space<vmem>>, vector<16xi32>,
      %bitcast3A_882 = vector.bitcast %get3A_881 : vector<16xi32> to vector<32xbf16>
      %get3A_883 = arith.index_cast %add3A_866 : i32 to index
      %get3A_884 = arith.constant 16 : index
      %get3A_885 = tpu.vector_load %arg9[%get3A_883, %get3A_884] {strides = array<i32>} : memref<80x64xi32, #tpu.memory_space<vmem>>, vector<16xi32>,
      %bitcast3A_886 = vector.bitcast %get3A_885 : vector<16xi32> to vector<32xbf16>
      %mul3A_887 = arith.mulf %bitcast3A_882, %bitcast3A_886 : vector<32xbf16>
      %unpack3A_888 = tpu.unpack_subelements %mul3A_887, 0 {pack_format = #tpu.pack_format<interleaved>} : vector<32xbf16> -> vector<16xf32>
      %unpack3A_889 = tpu.unpack_subelements %mul3A_887, 1 {pack_format = #tpu.pack_format<interleaved>} : vector<32xbf16> -> vector<16xf32>
      %add3A_890 = arith.addf %unpack3A_888, %unpack3A_889 : vector<16xf32>
      %add3A_891 = arith.addf %add3A_878, %add3A_890 : vector<16xf32>
      %get3A_892 = arith.index_cast %add3A_866 : i32 to index
      %get3A_893 = arith.constant 32 : index
      %get3A_894 = tpu.vector_load %arg8[%get3A_892, %get3A_893] {strides = array<i32>} : memref<80x64xi32, #tpu.memory_space<vmem>>, vector<16xi32>,
      %bitcast3A_895 = vector.bitcast %get3A_894 : vector<16xi32> to vector<32xbf16>
      %get3A_896 = arith.index_cast %add3A_866 : i32 to index
      %get3A_897 = arith.constant 32 : index
      %get3A_898 = tpu.vector_load %arg9[%get3A_896, %get3A_897] {strides = array<i32>} : memref<80x64xi32, #tpu.memory_space<vmem>>, vector<16xi32>,
      %bitcast3A_899 = vector.bitcast %get3A_898 : vector<16xi32> to vector<32xbf16>
      %mul3A_900 = arith.mulf %bitcast3A_895, %bitcast3A_899 : vector<32xbf16>
      %unpack3A_901 = tpu.unpack_subelements %mul3A_900, 0 {pack_format = #tpu.pack_format<interleaved>} : vector<32xbf16> -> vector<16xf32>
      %unpack3A_902 = tpu.unpack_subelements %mul3A_900, 1 {pack_format = #tpu.pack_format<interleaved>} : vector<32xbf16> -> vector<16xf32>
      %add3A_903 = arith.addf %unpack3A_901, %unpack3A_902 : vector<16xf32>
      %add3A_904 = arith.addf %add3A_891, %add3A_903 : vector<16xf32>
      %get3A_905 = arith.index_cast %add3A_866 : i32 to index
      %get3A_906 = arith.constant 48 : index
      %get3A_907 = tpu.vector_load %arg8[%get3A_905, %get3A_906] {strides = array<i32>} : memref<80x64xi32, #tpu.memory_space<vmem>>, vector<16xi32>,
      %bitcast3A_908 = vector.bitcast %get3A_907 : vector<16xi32> to vector<32xbf16>
      %get3A_909 = arith.index_cast %add3A_866 : i32 to index
      %get3A_910 = arith.constant 48 : index
      %get3A_911 = tpu.vector_load %arg9[%get3A_909, %get3A_910] {strides = array<i32>} : memref<80x64xi32, #tpu.memory_space<vmem>>, vector<16xi32>,
      %bitcast3A_912 = vector.bitcast %get3A_911 : vector<16xi32> to vector<32xbf16>
      %mul3A_913 = arith.mulf %bitcast3A_908, %bitcast3A_912 : vector<32xbf16>
      %unpack3A_914 = tpu.unpack_subelements %mul3A_913, 0 {pack_format = #tpu.pack_format<interleaved>} : vector<32xbf16> -> vector<16xf32>
      %unpack3A_915 = tpu.unpack_subelements %mul3A_913, 1 {pack_format = #tpu.pack_format<interleaved>} : vector<32xbf16> -> vector<16xf32>
      %add3A_916 = arith.addf %unpack3A_914, %unpack3A_915 : vector<16xf32>
      %add3A_917 = arith.addf %add3A_904, %add3A_916 : vector<16xf32>
      %eq3A_918 = arith.constant 13 : i32
      %eq3A_919 = vector.broadcast %eq3A_918 : i32 to vector<16xi32>
      %eq3A_920 = arith.cmpi eq, %iota3A, %eq3A_919 : vector<16xi32>
      %reduce_sum3A_921 = arith.constant true
      %reduce_sum3A_922 = vector.broadcast %reduce_sum3A_921 : i1 to vector<16xi1>
      %reduce_sum3A_923 = tpu.scan <sum>, %add3A_917 masked %reduce_sum3A_922 : vector<16xf32>, vector<16xi1> -> vector<16xf32>
      %reduce_sum3A_924 = vector.extract %reduce_sum3A_923[15] : f32 from vector<16xf32>
      %broadcast_in_dim3A_925 = vector.broadcast %reduce_sum3A_924 : f32 to vector<16xf32>
      %select_n3A_926 = arith.select %eq3A_920, %broadcast_in_dim3A_925, %select_n3A_862 : vector<16xi1>, vector<16xf32>
      %mul3A_927 = arith.constant 16 : i32
      %mul3A_928 = arith.muli %scan3A_34, %mul3A_927 : i32
      %add3A_929 = arith.constant 14 : i32
      %add3A_930 = arith.addi %mul3A_928, %add3A_929 : i32
      %get3A_931 = arith.index_cast %add3A_930 : i32 to index
      %get3A_932 = arith.constant 0 : index
      %get3A_933 = tpu.vector_load %arg8[%get3A_931, %get3A_932] {strides = array<i32>} : memref<80x64xi32, #tpu.memory_space<vmem>>, vector<16xi32>,
      %bitcast3A_934 = vector.bitcast %get3A_933 : vector<16xi32> to vector<32xbf16>
      %get3A_935 = arith.index_cast %add3A_930 : i32 to index
      %get3A_936 = arith.constant 0 : index
      %get3A_937 = tpu.vector_load %arg9[%get3A_935, %get3A_936] {strides = array<i32>} : memref<80x64xi32, #tpu.memory_space<vmem>>, vector<16xi32>,
      %bitcast3A_938 = vector.bitcast %get3A_937 : vector<16xi32> to vector<32xbf16>
      %mul3A_939 = arith.mulf %bitcast3A_934, %bitcast3A_938 : vector<32xbf16>
      %unpack3A_940 = tpu.unpack_subelements %mul3A_939, 0 {pack_format = #tpu.pack_format<interleaved>} : vector<32xbf16> -> vector<16xf32>
      %unpack3A_941 = tpu.unpack_subelements %mul3A_939, 1 {pack_format = #tpu.pack_format<interleaved>} : vector<32xbf16> -> vector<16xf32>
      %add3A_942 = arith.addf %unpack3A_940, %unpack3A_941 : vector<16xf32>
      %get3A_943 = arith.index_cast %add3A_930 : i32 to index
      %get3A_944 = arith.constant 16 : index
      %get3A_945 = tpu.vector_load %arg8[%get3A_943, %get3A_944] {strides = array<i32>} : memref<80x64xi32, #tpu.memory_space<vmem>>, vector<16xi32>,
      %bitcast3A_946 = vector.bitcast %get3A_945 : vector<16xi32> to vector<32xbf16>
      %get3A_947 = arith.index_cast %add3A_930 : i32 to index
      %get3A_948 = arith.constant 16 : index
      %get3A_949 = tpu.vector_load %arg9[%get3A_947, %get3A_948] {strides = array<i32>} : memref<80x64xi32, #tpu.memory_space<vmem>>, vector<16xi32>,
      %bitcast3A_950 = vector.bitcast %get3A_949 : vector<16xi32> to vector<32xbf16>
      %mul3A_951 = arith.mulf %bitcast3A_946, %bitcast3A_950 : vector<32xbf16>
      %unpack3A_952 = tpu.unpack_subelements %mul3A_951, 0 {pack_format = #tpu.pack_format<interleaved>} : vector<32xbf16> -> vector<16xf32>
      %unpack3A_953 = tpu.unpack_subelements %mul3A_951, 1 {pack_format = #tpu.pack_format<interleaved>} : vector<32xbf16> -> vector<16xf32>
      %add3A_954 = arith.addf %unpack3A_952, %unpack3A_953 : vector<16xf32>
      %add3A_955 = arith.addf %add3A_942, %add3A_954 : vector<16xf32>
      %get3A_956 = arith.index_cast %add3A_930 : i32 to index
      %get3A_957 = arith.constant 32 : index
      %get3A_958 = tpu.vector_load %arg8[%get3A_956, %get3A_957] {strides = array<i32>} : memref<80x64xi32, #tpu.memory_space<vmem>>, vector<16xi32>,
      %bitcast3A_959 = vector.bitcast %get3A_958 : vector<16xi32> to vector<32xbf16>
      %get3A_960 = arith.index_cast %add3A_930 : i32 to index
      %get3A_961 = arith.constant 32 : index
      %get3A_962 = tpu.vector_load %arg9[%get3A_960, %get3A_961] {strides = array<i32>} : memref<80x64xi32, #tpu.memory_space<vmem>>, vector<16xi32>,
      %bitcast3A_963 = vector.bitcast %get3A_962 : vector<16xi32> to vector<32xbf16>
      %mul3A_964 = arith.mulf %bitcast3A_959, %bitcast3A_963 : vector<32xbf16>
      %unpack3A_965 = tpu.unpack_subelements %mul3A_964, 0 {pack_format = #tpu.pack_format<interleaved>} : vector<32xbf16> -> vector<16xf32>
      %unpack3A_966 = tpu.unpack_subelements %mul3A_964, 1 {pack_format = #tpu.pack_format<interleaved>} : vector<32xbf16> -> vector<16xf32>
      %add3A_967 = arith.addf %unpack3A_965, %unpack3A_966 : vector<16xf32>
      %add3A_968 = arith.addf %add3A_955, %add3A_967 : vector<16xf32>
      %get3A_969 = arith.index_cast %add3A_930 : i32 to index
      %get3A_970 = arith.constant 48 : index
      %get3A_971 = tpu.vector_load %arg8[%get3A_969, %get3A_970] {strides = array<i32>} : memref<80x64xi32, #tpu.memory_space<vmem>>, vector<16xi32>,
      %bitcast3A_972 = vector.bitcast %get3A_971 : vector<16xi32> to vector<32xbf16>
      %get3A_973 = arith.index_cast %add3A_930 : i32 to index
      %get3A_974 = arith.constant 48 : index
      %get3A_975 = tpu.vector_load %arg9[%get3A_973, %get3A_974] {strides = array<i32>} : memref<80x64xi32, #tpu.memory_space<vmem>>, vector<16xi32>,
      %bitcast3A_976 = vector.bitcast %get3A_975 : vector<16xi32> to vector<32xbf16>
      %mul3A_977 = arith.mulf %bitcast3A_972, %bitcast3A_976 : vector<32xbf16>
      %unpack3A_978 = tpu.unpack_subelements %mul3A_977, 0 {pack_format = #tpu.pack_format<interleaved>} : vector<32xbf16> -> vector<16xf32>
      %unpack3A_979 = tpu.unpack_subelements %mul3A_977, 1 {pack_format = #tpu.pack_format<interleaved>} : vector<32xbf16> -> vector<16xf32>
      %add3A_980 = arith.addf %unpack3A_978, %unpack3A_979 : vector<16xf32>
      %add3A_981 = arith.addf %add3A_968, %add3A_980 : vector<16xf32>
      %eq3A_982 = arith.constant 14 : i32
      %eq3A_983 = vector.broadcast %eq3A_982 : i32 to vector<16xi32>
      %eq3A_984 = arith.cmpi eq, %iota3A, %eq3A_983 : vector<16xi32>
      %reduce_sum3A_985 = arith.constant true
      %reduce_sum3A_986 = vector.broadcast %reduce_sum3A_985 : i1 to vector<16xi1>
      %reduce_sum3A_987 = tpu.scan <sum>, %add3A_981 masked %reduce_sum3A_986 : vector<16xf32>, vector<16xi1> -> vector<16xf32>
      %reduce_sum3A_988 = vector.extract %reduce_sum3A_987[15] : f32 from vector<16xf32>
      %broadcast_in_dim3A_989 = vector.broadcast %reduce_sum3A_988 : f32 to vector<16xf32>
      %select_n3A_990 = arith.select %eq3A_984, %broadcast_in_dim3A_989, %select_n3A_926 : vector<16xi1>, vector<16xf32>
      %mul3A_991 = arith.constant 16 : i32
      %mul3A_992 = arith.muli %scan3A_34, %mul3A_991 : i32
      %add3A_993 = arith.constant 15 : i32
      %add3A_994 = arith.addi %mul3A_992, %add3A_993 : i32
      %get3A_995 = arith.index_cast %add3A_994 : i32 to index
      %get3A_996 = arith.constant 0 : index
      %get3A_997 = tpu.vector_load %arg8[%get3A_995, %get3A_996] {strides = array<i32>} : memref<80x64xi32, #tpu.memory_space<vmem>>, vector<16xi32>,
      %bitcast3A_998 = vector.bitcast %get3A_997 : vector<16xi32> to vector<32xbf16>
      %get3A_999 = arith.index_cast %add3A_994 : i32 to index
      %get3A_1000 = arith.constant 0 : index
      %get3A_1001 = tpu.vector_load %arg9[%get3A_999, %get3A_1000] {strides = array<i32>} : memref<80x64xi32, #tpu.memory_space<vmem>>, vector<16xi32>,
      %bitcast3A_1002 = vector.bitcast %get3A_1001 : vector<16xi32> to vector<32xbf16>
      %mul3A_1003 = arith.mulf %bitcast3A_998, %bitcast3A_1002 : vector<32xbf16>
      %unpack3A_1004 = tpu.unpack_subelements %mul3A_1003, 0 {pack_format = #tpu.pack_format<interleaved>} : vector<32xbf16> -> vector<16xf32>
      %unpack3A_1005 = tpu.unpack_subelements %mul3A_1003, 1 {pack_format = #tpu.pack_format<interleaved>} : vector<32xbf16> -> vector<16xf32>
      %add3A_1006 = arith.addf %unpack3A_1004, %unpack3A_1005 : vector<16xf32>
      %get3A_1007 = arith.index_cast %add3A_994 : i32 to index
      %get3A_1008 = arith.constant 16 : index
      %get3A_1009 = tpu.vector_load %arg8[%get3A_1007, %get3A_1008] {strides = array<i32>} : memref<80x64xi32, #tpu.memory_space<vmem>>, vector<16xi32>,
      %bitcast3A_1010 = vector.bitcast %get3A_1009 : vector<16xi32> to vector<32xbf16>
      %get3A_1011 = arith.index_cast %add3A_994 : i32 to index
      %get3A_1012 = arith.constant 16 : index
      %get3A_1013 = tpu.vector_load %arg9[%get3A_1011, %get3A_1012] {strides = array<i32>} : memref<80x64xi32, #tpu.memory_space<vmem>>, vector<16xi32>,
      %bitcast3A_1014 = vector.bitcast %get3A_1013 : vector<16xi32> to vector<32xbf16>
      %mul3A_1015 = arith.mulf %bitcast3A_1010, %bitcast3A_1014 : vector<32xbf16>
      %unpack3A_1016 = tpu.unpack_subelements %mul3A_1015, 0 {pack_format = #tpu.pack_format<interleaved>} : vector<32xbf16> -> vector<16xf32>
      %unpack3A_1017 = tpu.unpack_subelements %mul3A_1015, 1 {pack_format = #tpu.pack_format<interleaved>} : vector<32xbf16> -> vector<16xf32>
      %add3A_1018 = arith.addf %unpack3A_1016, %unpack3A_1017 : vector<16xf32>
      %add3A_1019 = arith.addf %add3A_1006, %add3A_1018 : vector<16xf32>
      %get3A_1020 = arith.index_cast %add3A_994 : i32 to index
      %get3A_1021 = arith.constant 32 : index
      %get3A_1022 = tpu.vector_load %arg8[%get3A_1020, %get3A_1021] {strides = array<i32>} : memref<80x64xi32, #tpu.memory_space<vmem>>, vector<16xi32>,
      %bitcast3A_1023 = vector.bitcast %get3A_1022 : vector<16xi32> to vector<32xbf16>
      %get3A_1024 = arith.index_cast %add3A_994 : i32 to index
      %get3A_1025 = arith.constant 32 : index
      %get3A_1026 = tpu.vector_load %arg9[%get3A_1024, %get3A_1025] {strides = array<i32>} : memref<80x64xi32, #tpu.memory_space<vmem>>, vector<16xi32>,
      %bitcast3A_1027 = vector.bitcast %get3A_1026 : vector<16xi32> to vector<32xbf16>
      %mul3A_1028 = arith.mulf %bitcast3A_1023, %bitcast3A_1027 : vector<32xbf16>
      %unpack3A_1029 = tpu.unpack_subelements %mul3A_1028, 0 {pack_format = #tpu.pack_format<interleaved>} : vector<32xbf16> -> vector<16xf32>
      %unpack3A_1030 = tpu.unpack_subelements %mul3A_1028, 1 {pack_format = #tpu.pack_format<interleaved>} : vector<32xbf16> -> vector<16xf32>
      %add3A_1031 = arith.addf %unpack3A_1029, %unpack3A_1030 : vector<16xf32>
      %add3A_1032 = arith.addf %add3A_1019, %add3A_1031 : vector<16xf32>
      %get3A_1033 = arith.index_cast %add3A_994 : i32 to index
      %get3A_1034 = arith.constant 48 : index
      %get3A_1035 = tpu.vector_load %arg8[%get3A_1033, %get3A_1034] {strides = array<i32>} : memref<80x64xi32, #tpu.memory_space<vmem>>, vector<16xi32>,
      %bitcast3A_1036 = vector.bitcast %get3A_1035 : vector<16xi32> to vector<32xbf16>
      %get3A_1037 = arith.index_cast %add3A_994 : i32 to index
      %get3A_1038 = arith.constant 48 : index
      %get3A_1039 = tpu.vector_load %arg9[%get3A_1037, %get3A_1038] {strides = array<i32>} : memref<80x64xi32, #tpu.memory_space<vmem>>, vector<16xi32>,
      %bitcast3A_1040 = vector.bitcast %get3A_1039 : vector<16xi32> to vector<32xbf16>
      %mul3A_1041 = arith.mulf %bitcast3A_1036, %bitcast3A_1040 : vector<32xbf16>
      %unpack3A_1042 = tpu.unpack_subelements %mul3A_1041, 0 {pack_format = #tpu.pack_format<interleaved>} : vector<32xbf16> -> vector<16xf32>
      %unpack3A_1043 = tpu.unpack_subelements %mul3A_1041, 1 {pack_format = #tpu.pack_format<interleaved>} : vector<32xbf16> -> vector<16xf32>
      %add3A_1044 = arith.addf %unpack3A_1042, %unpack3A_1043 : vector<16xf32>
      %add3A_1045 = arith.addf %add3A_1032, %add3A_1044 : vector<16xf32>
      %eq3A_1046 = arith.constant 15 : i32
      %eq3A_1047 = vector.broadcast %eq3A_1046 : i32 to vector<16xi32>
      %eq3A_1048 = arith.cmpi eq, %iota3A, %eq3A_1047 : vector<16xi32>
      %reduce_sum3A_1049 = arith.constant true
      %reduce_sum3A_1050 = vector.broadcast %reduce_sum3A_1049 : i1 to vector<16xi1>
      %reduce_sum3A_1051 = tpu.scan <sum>, %add3A_1045 masked %reduce_sum3A_1050 : vector<16xf32>, vector<16xi1> -> vector<16xf32>
      %reduce_sum3A_1052 = vector.extract %reduce_sum3A_1051[15] : f32 from vector<16xf32>
      %broadcast_in_dim3A_1053 = vector.broadcast %reduce_sum3A_1052 : f32 to vector<16xf32>
      %select_n3A_1054 = arith.select %eq3A_1048, %broadcast_in_dim3A_1053, %select_n3A_990 : vector<16xi1>, vector<16xf32>
      %mul3A_1055 = arith.constant 16 : i32
      %mul3A_1056 = arith.muli %scan3A_34, %mul3A_1055 : i32
      %add3A_1057 = arith.constant 9920 : i32
      %add3A_1058 = arith.addi %add3A_1057, %mul3A_1056 : i32
      %swap3A = arith.index_cast %add3A_1058 : i32 to index
      %swap3A_1059 = tpu.vector_load %arg12[%swap3A] {strides = array<i32>} : memref<10000xf32, #tpu.memory_space<vmem>>, vector<16xf32>,
      tpu.vector_store %arg12[%swap3A], %select_n3A_1054 {strides = array<i32>} : memref<10000xf32, #tpu.memory_space<vmem>>, vector<16xf32>,
    }
    %scan3A_33 = arith.constant 5 : i32
    "tpu.region"() ({
      %run_scoped3A = tpu.sem_alloc : memref<!tpu.dma_semaphore, #tpu.memory_space<semaphore_mem>>
      %dma_start3A_34 = tpu.memref_slice %arg5[%mul3A_2] : memref<320000xf32, #tpu.memory_space<hbm>> -> memref<10000xf32, #tpu.memory_space<hbm>>
      %dma_start3A_35 = tpu.memref_slice %arg5[%mul3A_2] : memref<320000xf32, #tpu.memory_space<hbm>> -> memref<10000xf32, #tpu.memory_space<hbm>>
      tpu.enqueue_dma source(%arg12 : memref<10000xf32, #tpu.memory_space<vmem>>) target(%dma_start3A_35 : memref<10000xf32, #tpu.memory_space<hbm>>) target_semaphore(%run_scoped3A : memref<!tpu.dma_semaphore, #tpu.memory_space<semaphore_mem>>)
      %dma_wait3A_36 = tpu.memref_slice %arg5[%mul3A_2] : memref<320000xf32, #tpu.memory_space<hbm>> -> memref<10000xf32, #tpu.memory_space<hbm>>
      %dma_wait3A_37 = tpu.memref_slice %arg5[%mul3A_2] : memref<320000xf32, #tpu.memory_space<hbm>> -> memref<10000xf32, #tpu.memory_space<hbm>>
      tpu.wait_dma2 semaphore(%run_scoped3A : memref<!tpu.dma_semaphore, #tpu.memory_space<semaphore_mem>>) src(%arg12 : memref<10000xf32, #tpu.memory_space<vmem>>) dst(%dma_wait3A_37 : memref<10000xf32, #tpu.memory_space<hbm>>)
      tpu.yield
    }) : () -> ()
    return
  }
}

</mosaic_0001>

<sc_bundles>
// kernel: _dot_sc.3.cloned.1.call-start
scs
__scs_entry_jumppad:
0x0: {  	(pc) =	sbr.rel $0x88, $3  }
0x1: {  	(tag) =	ssettag $0x0;
	lr =	simm.s32 $0x1  }
0x2: {  	[smem:$0x3F9E] =	sst lr;
	_ =	strace $0xD0000000  }
0x3: {  	_ = 	snop  }
0x4: {  	_ = 	snop  }
0x5: {  	_ = 	snop  }
0x6: {  	_ = 	snop  }
0x7: {  	_ = 	snop  }
__scs_overlays_trampoline_lowered:
0x8: {  	[smem:$0x3FAD] =	sst s0  }
0x9: {  	[smem:$0x3FAE] =	sst s1  }
0xa: {  	[smem:$0x3FAF] =	sst s2  }
0xb: {  	[smem:$0x3FB0] =	sst s3  }
0xc: {  	[smem:$0x3FB1] =	sst s4  }
0xd: {  	[smem:$0x3FB2] =	sst s5  }
0xe: {  	[smem:$0x3FB3] =	sst s6  }
0xf: {  	[smem:$0x3FB4] =	sst s7  }
0x10: {  	[smem:$0x3FB5] =	sst s8  }
0x11: {  	[smem:$0x3FB6] =	sst s9;
	s0 =	simm.s32 @!p0 $0x0  }
0x12: {  	s1 =	sld [smem:$0x3F9C];
	s0 =	simm.s32 @p0 $0x1  }
0x13: {  	[smem:$0x3FB7] =	sst s0;
	s0 =	simm.s32 @!p1 $0x0  }
0x14: {  	s2 =	sld [smem:$0x3F9B];
	s0 =	simm.s32 @p1 $0x1  }
0x15: {  	[smem:$0x3FB8] =	sst s0;
	s0 =	simm.s32 @!p2 $0x0  }
0x16: {  	s3 =	sld [smem:$0x3FDB];
	s0 =	simm.s32 @p2 $0x1  }
0x17: {  	s4 =	simm.s32 $0x1BF5;
	[smem:$0x3FBA] =	sst s0  }
0x18: {  	s0 =	sld [smem:$0x3F9D];
	_ =	swait.ge [sflag:s4], $0x0  }
0x19: {  	s7 =	sld [smem:$0x3F9E]  }
0x1a: {  	s8 =	sadd.s32 $0xFFFFE003, lr  }
0x1b: {  	s9 =	sadd.s32 $0xFFFFFEF7, lr;
	s5 =	simm.s32 $0xFFFFFFFF;
	p2 =	slt.u32 s8, $0xFFFFF086  }
0x1c: {  	p1 =	slt.u32 s9, $0xF7A;
	s5 =	simm.s32 @!p2 $0x0  }
0x1d: {  	s5 =	simm.s32 @p1 $0x1;
	p0 =	seq.s32 s7, s2  }
0x1e: {  	s7 =	smul.u32 @!p0 $0xF7A, s2;
	p2 =	seq.s32 @!p0 s5, $0x0  }
0x1f: {  	s9 =	smul.u32 $0xF7A, s1;
	s8 =	simm.s32 @!p0 $0x1BF5;
	p2 =	por !p2, p0  }
0x20: {  	[sflag:s8] =	ssyncset.s32 @!p0 $0xFFFFF086;
	s6 =	sadd.s32 @!p0 s3, s7;
	s7 =	simm.s32 @!p0 $0x108  }
0x21: {  	s3 =	sadd.s32 s3, s9;
	s6 =	sadd.s32 @!p0 $0x88, s6;
	s7 =	simm.s32 @p2 $0x1082  }
0x22: {  	[simem:s7], [sflag:s8] =	dma.local @!p0 [hbm:s6], $0xF7A  }
0x23: {  	s9 =	sor.u32 $0xD0000000, s2;
	s6 =	simm.s32 $0x108;
	_ =	swait.ge @!p0 [sflag:s8], $0x0  }
0x24: {  	s3 =	sadd.s32 $0x88, s3;
	s6 =	simm.s32 @!p1 $0x1082;
	[sflag:s4] =	ssyncset.s32 $0xFFFFF086  }
0x25: {  	[simem:s6], [sflag:s4] =	dma.local [hbm:s3], $0xF7A  }
0x26: {  	[smem:$0x3F9E] =	sst s1;
	(tag) =	ssettag s2;
	_ =	strace s9  }
0x27: {  	s1 =	sld [smem:$0x3FAE]  }
0x28: {  	s2 =	sld [smem:$0x3FAF]  }
0x29: {  	s4 =	sld [smem:$0x3FB1]  }
0x2a: {  	p0 =	seq.s32 s5, $0x0;
	s5 =	sld [smem:$0x3FB2]  }
0x2b: {  	s6 =	sld [smem:$0x3FB3]  }
0x2c: {  	s7 =	sld [smem:$0x3FB4]  }
0x2d: {  	s3 =	simm.s32 $0x108;
	s8 =	sld [smem:$0x3FB5]  }
0x2e: {  	s3 =	simm.s32 @!p0 $0x1082;
	s9 =	sld [smem:$0x3FB6]  }
0x2f: {  	lr =	sadd.s32 s0, s3;
	s0 =	sld [smem:$0x3FAD]  }
0x30: {  	s3 =	sld [smem:$0x3FB0]  }
0x31: {  	[smem:$0x3FB9] =	sst s10  }
0x32: {  	s10 =	sld [smem:$0x3FB7];
	_ =	sdelay $0x3  }
0x33: {  	p0 =	seq.s32 s10, $0x1;
	s10 =	sld [smem:$0x3FB9];
	_ =	sdelay $0x3  }
0x34: {  	[smem:$0x3FB9] =	sst s10  }
0x35: {  	s10 =	sld [smem:$0x3FB8];
	_ =	sdelay $0x3  }
0x36: {  	p1 =	seq.s32 s10, $0x1;
	s10 =	sld [smem:$0x3FB9];
	_ =	sdelay $0x3  }
0x37: {  	[smem:$0x3FB9] =	sst s10  }
0x38: {  	s10 =	sld [smem:$0x3FBA]  }
0x39: {  	_ = 	snop;
	(pc) =	sbr.ind lr, $3  }
0x3a: {  	_ = 	snop  }
0x3b: {  	_ = 	snop  }
0x3c: {  	p2 =	seq.s32 s10, $0x1;
	s10 =	sld [smem:$0x3FB9]  }
0x3d: {  	_ =	shalt  }
0x3e: {  	_ =	shalt  }
0x3f: {  	_ =	shalt  }
0x40: {  	_ =	shalt  }
0x41: {  	_ =	shalt  }
0x42: {  	_ =	shalt  }
0x43: {  	_ =	shalt  }
0x44: {  	_ =	shalt  }
0x45: {  	_ =	shalt  }
0x46: {  	_ =	shalt  }
0x47: {  	_ =	shalt  }
0x48: {  	_ =	shalt  }
0x49: {  	_ =	shalt  }
0x4a: {  	_ =	shalt  }
0x4b: {  	_ =	shalt  }
0x4c: {  	_ =	shalt  }
0x4d: {  	_ =	shalt  }
0x4e: {  	_ =	shalt  }
0x4f: {  	_ =	shalt  }
0x50: {  	_ =	shalt  }
0x51: {  	_ =	shalt  }
0x52: {  	_ =	shalt  }
0x53: {  	_ =	shalt  }
0x54: {  	_ =	shalt  }
0x55: {  	_ =	shalt  }
0x56: {  	_ =	shalt  }
0x57: {  	_ =	shalt  }
0x58: {  	_ =	shalt  }
0x59: {  	_ =	shalt  }
0x5a: {  	_ =	shalt  }
0x5b: {  	_ =	shalt  }
0x5c: {  	_ =	shalt  }
0x5d: {  	_ =	shalt  }
0x5e: {  	_ =	shalt  }
0x5f: {  	_ =	shalt  }
0x60: {  	_ =	shalt  }
0x61: {  	_ =	shalt  }
0x62: {  	_ =	shalt  }
0x63: {  	_ =	shalt  }
0x64: {  	_ =	shalt  }
0x65: {  	_ =	shalt  }
0x66: {  	_ =	shalt  }
0x67: {  	_ =	shalt  }
0x68: {  	_ =	shalt  }
0x69: {  	_ =	shalt  }
0x6a: {  	_ =	shalt  }
0x6b: {  	_ =	shalt  }
0x6c: {  	_ =	shalt  }
0x6d: {  	_ =	shalt  }
0x6e: {  	_ =	shalt  }
0x6f: {  	_ =	shalt  }
0x70: {  	_ =	shalt  }
0x71: {  	_ =	shalt  }
0x72: {  	_ =	shalt  }
0x73: {  	_ =	shalt  }
0x74: {  	_ =	shalt  }
0x75: {  	_ =	shalt  }
0x76: {  	_ =	shalt  }
0x77: {  	_ =	shalt  }
0x78: {  	_ =	shalt  }
0x79: {  	_ =	shalt  }
0x7a: {  	_ =	shalt  }
0x7b: {  	_ =	shalt  }
0x7c: {  	_ =	shalt  }
0x7d: {  	_ =	shalt  }
0x7e: {  	_ =	shalt  }
0x7f: {  	_ =	shalt  }
0x80: {  	_ =	shalt  }
0x81: {  	_ =	shalt  }
0x82: {  	_ =	shalt  }
0x83: {  	_ =	shalt  }
0x84: {  	_ =	shalt  }
0x85: {  	_ =	shalt  }
0x86: {  	_ =	shalt  }
0x87: {  	_ =	shalt  }
.Lfunc_end0:
.L_simem_size_0:
called_computation_lowered:
.L_overlay_start_0:
0x88: {  	s2 =	sld [smem:$0x3FD9]  }
0x89: {  	s3 =	sld [smem:$0x3FFE];
	_ =	sdelay $0x1  }
0x8a: {  	s1 =	srdreg.scid  }
0x8b: {  	s0 =	sand.u32 $0x1, s1  }
0x8c: {  	s17 =	sshll.u32 s0, $0xA;
	s2 =	sadd.s32 s3, s2  }
0x8d: {  	s2 =	sadd.s32 s2, s17  }
0x8e: {  	[smem:$0x3FC5] =	sst s2  }
0x8f: {  	_ = 	snop  }
0x90: {  	s2 =	sld [smem:$0x3FC8]  }
0x91: {  	s18 =	sld [smem:$0x3FC7]  }
0x92: {  	s4 =	sld [smem:$0x3FD0];
	(tm) =	ssettm $0x1  }
0x93: {  	s5 =	sld [smem:$0x3FFB];
	_ =	sdelay $0x3  }
0x94: {  	_ =	strace s5  }
0x95: {  	s5 =	sld [smem:$0x3FFC];
	_ =	sdelay $0x3  }
0x96: {  	_ =	strace s5  }
0x97: {  	s5 =	sld [smem:$0x3FFD];
	_ =	sdelay $0x3  }
0x98: {  	_ =	strace s5  }
0x99: {  	_ =	strace $0x8FFFFFFF  }
0x9a: {  	s19 =	sld [smem:$0x3FDB];
	_ =	sdelay $0x1  }
0x9b: {  	s6 =	simm.s32 $_scs_section_size  }
0x9c: {  	s7 =	simm.s32 $_size__tile_overlayer_lowered;
	s8 =	simm.s32 $_tile_overlayer_lowered  }
0x9d: {  	s22 =	simm.s32 $0x1BFF;
	s21 =	sshll.u32 s8, $0x1;
	s5 =	sadd.s32 s6, s19  }
0x9e: {  	s9 =	simm.s32 $0x0;
	s20 =	sshll.u32 s7, $0x1;
	s7 =	sadd.s32 s21, s5  }
0x9f: {  	[timem:s9], [sflag:s22] =	dma.local [hbm:s7], s20  }
0xa0: {  	_ =	swait.ge [sflag:s22], s20  }
0xa1: {  	s6 =	ssub.s32 $0x0, s20;
	[sflag:s22] =	ssyncset.done $0x0  }
0xa2: {  	[sflag:s22] =	ssyncadd.s32 s6;
	_ =	sdelay $0x1  }
0xa3: {  	s23 =	simm.s32 $0x1B8B  }
0xa4: {  	_ =	swait.ge [sflag:s23], $0x1  }
0xa5: {  	[sflag:s23] =	ssyncset.done $0x0  }
0xa6: {  	s25 =	simm.s32 $0x1B8E;
	s24 =	sld [smem:$0x3FFE];
	[sflag:s23] =	ssyncadd.s32 $0xFFFFFFFF  }
0xa7: {  	s26 =	simm.s32 $execute0_lowered;
	[smem:$0x3FD2] =	sst s25  }
0xa8: {  	s7 =	sshll.u32 s26, $0x1;
	_ =	strace $0x80000046;
	[dreg:$0x1] =	wrdreg $0xFFFFFFFF  }
0xa9: {  	s28 =	simm.s32 $_size_execute0_lowered;
	s5 =	sadd.s32 s5, s7;
	[dreg:$0x0] =	wrdreg $0x0  }
0xaa: {  	s7 =	sshll.u32 s28, $0x1;
	[dreg:$0x2] =	wrdreg s5  }
0xab: {  	[dreg:$0x3] =	wrdreg s7  }
0xac: {  	[dreg:$0x4] =	wrdreg $0xC0  }
0xad: {  	_ =	task [dreg:s9], $0x5FFFF  }
0xae: {  	[dreg:$0x1] =	wrdreg $0xFFFFFFFF  }
0xaf: {  	[dreg:$0x0] =	wrdreg $0x60  }
0xb0: {  	[dreg:$0x2] =	wrdreg s24  }
0xb1: {  	[dreg:$0x3] =	wrdreg s2  }
0xb2: {  	[dreg:$0x4] =	wrdreg s18  }
0xb3: {  	[dreg:$0x5] =	wrdreg s4  }
0xb4: {  	[dreg:$0x6] =	wrdreg $0xC5300  }
0xb5: {  	[dreg:$0x7] =	wrdreg $0x9  }
0xb6: {  	_ =	task.clear_ibuf [dreg:s9], $0x8FFFF;
	_ =	strace $0x90000046  }
0xb7: {  	s29 =	simm.s32 $0x9;
	_ =	strace $0x80000048  }
0xb8: {  	_ =	swait.ge [sflag:s29], $0x1  }
0xb9: {  	[sflag:s29] =	ssyncadd.s32 $0xFFFFFFFF  }
0xba: {  	_ =	strace $0x90000048  }
0xbb: {  	_ =	sfence  }
0xbc: {  	s30 =	sld [smem:$0x0];
	_ =	sdelay $0x2  }
0xbd: {  	s31 =	sshll.u32 s1, $0xD;
	s1 =	sshrl.u32 s1, $0x2  }
0xbe: {  	s3 =	sand.u32 $0x4000, s31;
	s1 =	sadd.s32 s1, s30  }
0xbf: {  	s0 =	sor.u32 s3, s0;
	s1 =	sshll.u32 s1, $0x11  }
0xc0: {  	s0 =	sor.u32 s1, s0  }
0xc1: {  	s0 =	sadd.s32 $0x8F2B, s0  }
0xc2: {  	[sflag:s0] =	ssyncadd.remote.s32 $0x1  }
0xc3: {  	_ =	sfence.sel $0xFFFF  }
0xc4: {  	[dreg:$0x0] =	wrdreg $0xFFFFFFFF;
	(pc) =	sbr.abs _section_cstart, $3  }
0xc5: {  	[dreg:$0x1] =	wrdreg $0xFFFFFFFF  }
0xc6: {  	_ =	task.clear_ibuf [dreg:s9], $0x2FFFF;
	_ =	strace $0x9FFFFFFF  }
0xc7: {  	(tm) =	ssettm $0x7FFFFFFF  }
tec
execute0_lowered:
.L_overlay_start_1:
0x0: {  	(tag) =	ssettag $0x1  }
0x1: {  	s3 =	rddreg [dreg:$0x0]  }
0x2: {  	s4 =	rddreg [dreg:$0x1]  }
0x3: {  	s5 =	rddreg [dreg:$0x2]  }
0x4: {  	s6 =	rddreg [dreg:$0x3]  }
0x5: {  	s0 =	srdreg.scid;
	s8 =	stileid.u32  }
0x6: {  	s1 =	rddreg [dreg:$0x4];
	s2 =	simm.s32 $0x0;
	s11 =	simm.s32 $0x50  }
0x7: {  	s12 =	simm.s32 $0x4E20;
	s13 =	simm.s32 $0x6220;
	s14 =	simm.s32 $0x7620  }
0x8: {  	s15 =	simm.s32 $0x8A20;
	s16 =	simm.s32 $0x1;
	s17 =	simm.s32 $0x2  }
0x9: {  	s18 =	simm.s32 $0x9E20;
	s7 =	sand.u32 $0x1, s0;
	s0 =	rddreg [dreg:$0x5]  }
0xa: {  	s19 =	simm.s32 $0x0;
	s9 =	sshll.u32 s8, $0x1;
	[smem:$0x7FF] =	sst s2  }
0xb: {  	vm0 =	vmmov $0x1;
	vm1 =	vmmov $0x3;
	vm2 =	vmmov $0x7;
	s3 =	sadd.s32 $0x400, s3;
	s9 =	sor.u32 s7, s9;
	s7 =	ssub.s32 $0x2, s7  }
0xc: {  	vm3 =	vmmov $0xf;
	vm4 =	vmmov $0x1f;
	vm5 =	vmmov $0x3f;
	p0 =	sne.s32 s8, $0x0;
	s9 =	smul.u32 $0x4E2, s9;
	s10 =	sshrl.u32 s7, $0x1  }
0xd: {  	vm6 =	vmmov $0x7f;
	vm7 =	vmmov $0xff;
	vm8 =	vmmov $0x1ff;
	_ =	strace $0x80000047;
	s8 =	sshrl.u32 @!p0 s1, $0x3;
	s7 =	ssub.s32 s7, s10  }
0xe: {  	vm9 =	vmmov $0x3ff;
	vm10 =	vmmov $0x7ff;
	vm11 =	vmmov $0xfff;
	s10 =	simm.s32 $0x2710;
	s4 =	sadd.s32 s4, s9;
	s5 =	sadd.s32 s5, s9  }
0xf: {  	vm12 =	vmmov $0x1fff;
	vm13 =	vmmov $0x3fff;
	vm14 =	vmmov $0x7fff;
	s6 =	sadd.s32 s6, s9;
	s7 =	smax.u32 s7, $0x1;
	s9 =	simm.s32 $0x3  }
.LBB2_1:
0x10: {  	s20 =	simm.s32 @!p0 $0x1C03  }
0x11: {  	[spmem:s8], [sflag:s20] =	dma.local @!p0 [hbm:s3], $0x13880  }
0x12: {  	s20 =	simm.s32 @!p0 $0x3  }
0x13: {  	_ =	swait.ge @!p0 [sflag:s20], $0x13880  }
0x14: {  	[sflag:s20] =	ssyncset.done @!p0 $0x0  }
0x15: {  	[sflag:s20] =	ssyncadd.s32 @!p0 $0xFFFEC780  }
0x16: {  	[tilespmem:s2], [sflag:$0x3] =	stream.linear.gather [hbm4b:s4+s2], $0x2710, $0x38;
	[tilespmem:$0x16170] =	vst v63  }
0x17: {  	_ =	swait.ge [sflag:s9], $0x2710  }
0x18: {  	[sflag:s9] =	ssyncset.done $0x0  }
0x19: {  	[sflag:s9] =	ssyncadd.s32 $0xFFFFD8F0  }
0x1a: {  	[tilespmem:s10], [sflag:$0x3] =	stream.linear.gather [hbm4b:s5+s2], $0x2710, $0x38;
	[tilespmem:$0x16170] =	vst v63  }
0x1b: {  	_ =	swait.ge [sflag:s9], $0x2710  }
0x1c: {  	[sflag:s9] =	ssyncset.done $0x0  }
0x1d: {  	[sflag:s9] =	ssyncadd.s32 $0xFFFFD8F0  }
0x1e: {  	[bflag:$0x0] =	sbarrier.arrive $0xFFFF  }
0x1f: {  	[tilespmem:s12], [sflag:$0x1] =	stream.indirect.gather [spmem:s1], $0x40, s2, s11, $0xb8;
	[tilespmem:$0x16170] =	vst v63  }
0x20: {  	s21 =	simm.s32 $0x9E20;
	s22 =	simm.s32 $0x0;
	s20 =	simm.s32 $0x9E70  }
0x21: {  	[tilespmem:s13], [sflag:$0x1] =	stream.indirect.gather [spmem:s1], $0x40, s10, s11, $0xb8;
	[tilespmem:$0x16170] =	vst v63  }
.LBB2_2:
0x22: {  	s23 =	smul.u32 $0xA0, s22;
	_ =	sdelay $0x1  }
0x23: {  	s24 =	sadd.s32 $0x50, s23  }
0x24: {  	[tilespmem:s14], [sflag:$0x2] =	stream.indirect.gather [spmem:s1], $0x40, s24, s11, $0xb8;
	[tilespmem:$0x16170] =	vst v63  }
0x25: {  	s30 =	sadd.s32 $0x2760, s23  }
0x26: {  	[tilespmem:s15], [sflag:$0x2] =	stream.indirect.gather [spmem:s1], $0x40, s30, s11, $0xb8;
	[tilespmem:$0x16170] =	vst v63  }
0x27: {  	_ =	swait.ge [sflag:s16], $0x1400  }
0x28: {  	[sflag:s16] =	ssyncset.done $0x0  }
0x29: {  	[sflag:s16] =	ssyncadd.s32 $0xFFFFEC00  }
0x2a: {  	_ =	swait.ge [sflag:s16], $0x1400  }
0x2b: {  	[sflag:s16] =	ssyncset.done $0x0  }
0x2c: {  	s31 =	simm.s32 $0x3F0;
	[sflag:s16] =	ssyncadd.s32 $0xFFFFEC00  }
0x2d: {  	v1 =	vld [tilespmem:s31+$0x6220]  }
0x2e: {  	v2 =	vld [tilespmem:s31+$0x4E20]  }
0x2f: {  	v3 =	vld [tilespmem:s31+$0x6210]  }
0x30: {  	v4 =	vld [tilespmem:s31+$0x4E10]  }
0x31: {  	v0 =	vld [tilespmem:s31+$0x61E0]  }
0x32: {  	v5 =	vld [tilespmem:s31+$0x4DE0]  }
0x33: {  	v6 =	vld [tilespmem:s31+$0x61F0]  }
0x34: {  	v9 =	vld [tilespmem:s31+$0x4DF0]  }
0x35: {  	v10 =	vld [tilespmem:s31+$0x6200]  }
0x36: {  	v11 =	vld [tilespmem:s31+$0x4E00]  }
0x37: {  	v20 =	vld [tilespmem:s31+$0x61A0]  }
0x38: {  	v21 =	vld [tilespmem:s31+$0x4DA0]  }
0x39: {  	v17 =	vld [tilespmem:s31+$0x61D0]  }
0x3a: {  	v18 =	vld [tilespmem:s31+$0x4DD0]  }
0x3b: {  	v19 =	vld [tilespmem:s31+$0x6160]  }
0x3c: {  	v22 =	vld [tilespmem:s31+$0x4D60]  }
0x3d: {  	v7 =	vld [tilespmem:s31+$0x6190]  }
0x3e: {  	v8 =	vld [tilespmem:s31+$0x4D90]  }
0x3f: {  	v13 =	vld [tilespmem:s31+$0x61B0]  }
0x40: {  	v15 =	vld [tilespmem:s31+$0x4DB0]  }
0x41: {  	v23 =	vld [tilespmem:s31+$0x61C0]  }
0x42: {  	v24 =	vld [tilespmem:s31+$0x4DC0]  }
0x43: {  	v25 =	vld [tilespmem:s31+$0x6120]  }
0x44: {  	v26 =	vld [tilespmem:s31+$0x4D20]  }
0x45: {  	v27 =	vld [tilespmem:s31+$0x6150]  }
0x46: {  	v28 =	vld [tilespmem:s31+$0x4D50]  }
0x47: {  	v29 =	vld [tilespmem:s31+$0x6170]  }
0x48: {  	v30 =	vld [tilespmem:s31+$0x4D70]  }
0x49: {  	v31 =	vld [tilespmem:s31+$0x6180]  }
0x4a: {  	v32 =	vld [tilespmem:s31+$0x4D80]  }
0x4b: {  	v33 =	vld [tilespmem:s31+$0x60E0]  }
0x4c: {  	v34 =	vld [tilespmem:s31+$0x4CE0]  }
0x4d: {  	v35 =	vld [tilespmem:s31+$0x6110]  }
0x4e: {  	v36 =	vld [tilespmem:s31+$0x4D10]  }
0x4f: {  	v37 =	vld [tilespmem:s31+$0x6130]  }
0x50: {  	v38 =	vld [tilespmem:s31+$0x4D30]  }
0x51: {  	v39 =	vld [tilespmem:s31+$0x6140]  }
0x52: {  	v40 =	vld [tilespmem:s31+$0x4D40]  }
0x53: {  	v41 =	vld [tilespmem:s31+$0x60A0]  }
0x54: {  	v42 =	vld [tilespmem:s31+$0x4CA0]  }
0x55: {  	v14 =	vld [tilespmem:s31+$0x60D0]  }
0x56: {  	v16 =	vld [tilespmem:s31+$0x4CD0]  }
0x57: {  	v43 =	vld [tilespmem:s31+$0x60F0]  }
0x58: {  	v44 =	vld [tilespmem:s31+$0x4CF0]  }
0x59: {  	v45 =	vld [tilespmem:s31+$0x6100]  }
0x5a: {  	v46 =	vld [tilespmem:s31+$0x4D00]  }
0x5b: {  	v47 =	vld [tilespmem:s31+$0x6060]  }
0x5c: {  	v48 =	vld [tilespmem:s31+$0x4C60]  }
0x5d: {  	v49 =	vld [tilespmem:s31+$0x6090]  }
0x5e: {  	v50 =	vld [tilespmem:s31+$0x4C90]  }
0x5f: {  	v51 =	vld [tilespmem:s31+$0x60B0];
	v0 =	vmul.bf16 v0, v5;
	v6 =	vmul.bf16 v6, v9  }
0x60: {  	v52 =	vld [tilespmem:s31+$0x4CB0];
	v9 =	vmul.bf16 v13, v15;
	v23 =	vmul.bf16 v23, v24  }
0x61: {  	v12 =	vld [tilespmem:s31+$0x60C0];
	v17 =	vmul.bf16 v17, v18;
	v10 =	vmul.bf16 v10, v11  }
0x62: {  	v53 =	vld [tilespmem:s31+$0x6050];
	v1 =	vmul.bf16 v1, v2;
	v11 =	vmul.bf16 v19, v22  }
0x63: {  	v54 =	vld [tilespmem:s31+$0x6070];
	v3 =	vmul.bf16 v3, v4;
	v4 =	vmul.bf16 v25, v26  }
0x64: {  	v55 =	vld [tilespmem:s31+$0x4C80];
	v59 =	vmul.bf16 v39, v40;
	v60 =	vmul.bf16 v43, v44  }
0x65: {  	v13 =	vld [tilespmem:s31+$0x4CC0];
	v62 =	vmul.bf16 v45, v46;
	v41 =	vmul.bf16 v41, v42  }
0x66: {  	v15 =	vld [tilespmem:s31+$0x6020];
	v7 =	vmul.bf16 v7, v8;
	v8 =	vmul.bf16 v33, v34  }
0x67: {  	v18 =	vld [tilespmem:s31+$0x4C20];
	v58 =	vmul.bf16 v47, v48;
	v14 =	vmul.bf16 v14, v16;
	v5 =	vunpack.i.u.bf16.f32 v0  }
0x68: {  	v22 =	vld [tilespmem:s31+$0x6080];
	v0 =	vunpack.i.l.bf16.f32 v0;
	v24 =	vunpack.i.u.bf16.f32 v9;
	v2 =	vunpack.i.u.bf16.f32 v10  }
0x69: {  	v25 =	vld [tilespmem:s31+$0x5FE0];
	v10 =	vunpack.i.l.bf16.f32 v10;
	v39 =	vunpack.i.u.bf16.f32 v59;
	v43 =	vunpack.i.u.bf16.f32 v60  }
0x6a: {  	v26 =	vld [tilespmem:s31+$0x4BE0];
	v63 =	vunpack.i.u.bf16.f32 v62;
	v57 =	vunpack.i.u.bf16.f32 v41;
	v33 =	vunpack.i.l.bf16.f32 v58  }
0x6b: {  	v19 =	vld [tilespmem:s31+$0x4C10];
	v5 =	vadd.f32 v0, v5;
	v0 =	vunpack.i.u.bf16.f32 v6;
	v6 =	vunpack.i.l.bf16.f32 v6  }
0x6c: {  	v40 =	vld [tilespmem:s31+$0x4BA0];
	v2 =	vadd.f32 v10, v2;
	v10 =	vunpack.i.l.bf16.f32 v11;
	v0 =	vadd.f32 v6, v0  }
0x6d: {  	v44 =	vld [tilespmem:s31+$0x4BD0];
	v6 =	vunpack.i.l.bf16.f32 v9;
	v9 =	vunpack.i.u.bf16.f32 v23;
	v23 =	vunpack.i.l.bf16.f32 v23  }
0x6e: {  	v45 =	vld [tilespmem:s31+$0x4B90];
	v6 =	vadd.f32 v6, v24;
	v9 =	vadd.f32 v23, v9;
	v24 =	vunpack.i.u.bf16.f32 v17  }
0x6f: {  	v42 =	vld [tilespmem:s31+$0x5F20];
	v17 =	vunpack.i.l.bf16.f32 v17;
	v22 =	vmul.bf16 v22, v55;
	v12 =	vmul.bf16 v12, v13  }
0x70: {  	v23 =	vld [tilespmem:s31+$0x4C50];
	v25 =	vmul.bf16 v25, v26;
	v6 =	vadd.f32 v9, v6;
	v9 =	vadd.f32 v17, v24  }
0x71: {  	v26 =	vld [tilespmem:s31+$0x5F80];
	v15 =	vmul.bf16 v15, v18;
	v55 =	vunpack.i.u.bf16.f32 v22;
	v22 =	vunpack.i.l.bf16.f32 v22  }
0x72: {  	v24 =	vld [tilespmem:s31+$0x4C70];
	v6 =	vadd.f32 v9, v6;
	v9 =	vunpack.i.u.bf16.f32 v11;
	v11 =	vmul.bf16 v27, v28  }
0x73: {  	v17 =	vld [tilespmem:s31+$0x6010];
	v22 =	vadd.f32 v22, v55;
	v28 =	vmul.bf16 v31, v32;
	v31 =	vmul.bf16 v35, v36  }
0x74: {  	v55 =	vld [tilespmem:s31+$0x4A60];
	v32 =	vunpack.i.l.bf16.f32 v59;
	v35 =	vunpack.i.l.bf16.f32 v60;
	v59 =	vunpack.i.l.bf16.f32 v41  }
0x75: {  	v36 =	vld [tilespmem:s31+$0x5FD0];
	v60 =	vmul.bf16 v49, v50;
	v10 =	vadd.f32 v10, v9;
	v32 =	vadd.f32 v32, v39  }
0x76: {  	v35 =	vadd.f32 v35, v43;
	v43 =	vld [tilespmem:s31+$0x5FF0];
	v34 =	vadd.f32 v59, v57;
	v23 =	vmul.bf16 v53, v23  }
0x77: {  	v39 =	vld [tilespmem:s31+$0x4B60];
	v59 =	vunpack.i.u.bf16.f32 v12;
	v9 =	vadd.f32 v5, v6;
	v5 =	vunpack.i.u.bf16.f32 v4  }
0x78: {  	v4 =	vunpack.i.l.bf16.f32 v4;
	v6 =	vmul.bf16 v29, v30;
	v29 =	vld [tilespmem:s31+$0x6030];
	v56 =	vunpack.i.u.bf16.f32 v31  }
0x79: {  	v31 =	vunpack.i.l.bf16.f32 v31;
	v41 =	vunpack.i.l.bf16.f32 v60;
	v24 =	vmul.bf16 v54, v24;
	v54 =	vld [tilespmem:s31+$0x4BB0]  }
0x7a: {  	v27 =	vadd.f32 v4, v5;
	v4 =	vunpack.i.u.bf16.f32 v11;
	v31 =	vadd.f32 v31, v56;
	v56 =	vld [tilespmem:s31+$0x5FC0]  }
0x7b: {  	v5 =	vunpack.i.l.bf16.f32 v11;
	v17 =	vmul.bf16 v17, v19;
	v19 =	vld [tilespmem:s31+$0x5F00];
	v11 =	vunpack.i.u.bf16.f32 v6  }
0x7c: {  	v6 =	vunpack.i.l.bf16.f32 v6;
	v30 =	vadd.f32 v5, v4;
	v4 =	vmul.bf16 v20, v21;
	v20 =	vld [tilespmem:s31+$0x4C30]  }
0x7d: {  	v21 =	vunpack.i.l.bf16.f32 v28;
	v5 =	vadd.f32 v6, v11;
	v6 =	vunpack.i.u.bf16.f32 v28;
	v28 =	vld [tilespmem:s31+$0x6040]  }
0x7e: {  	v57 =	vunpack.i.u.bf16.f32 v23;
	v11 =	vmul.bf16 v37, v38;
	v37 =	vld [tilespmem:s31+$0x5FA0];
	v38 =	vunpack.i.l.bf16.f32 v62  }
0x7f: {  	v62 =	vunpack.i.u.bf16.f32 v24;
	v24 =	vunpack.i.l.bf16.f32 v24;
	v6 =	vadd.f32 v21, v6;
	v21 =	vld [tilespmem:s31+$0x4C40]  }
0x80: {  	v36 =	vmul.bf16 v36, v44;
	v38 =	vadd.f32 v38, v63;
	v63 =	vmul.bf16 v51, v52;
	v51 =	vld [tilespmem:s31+$0x5F50]  }
0x81: {  	v24 =	vadd.f32 v24, v62;
	v62 =	vld [tilespmem:s31+$0x5F10];
	v61 =	vunpack.i.u.bf16.f32 v11;
	v11 =	vunpack.i.l.bf16.f32 v11  }
0x82: {  	v52 =	vld [tilespmem:s31+$0x5F40];
	v11 =	vadd.f32 v11, v61;
	v35 =	vadd.f32 v38, v35;
	v61 =	vunpack.i.u.bf16.f32 v58  }
0x83: {  	v22 =	vadd.f32 v22, v24;
	v24 =	vld [tilespmem:s31+$0x4B20];
	v46 =	vunpack.i.l.bf16.f32 v63;
	v33 =	vadd.f32 v33, v61  }
0x84: {  	v38 =	vld [tilespmem:s31+$0x6000];
	v20 =	vmul.bf16 v29, v20;
	v11 =	vadd.f32 v32, v11;
	v31 =	vadd.f32 v31, v35  }
0x85: {  	v29 =	vld [tilespmem:s31+$0x4BC0];
	v16 =	vmul.bf16 v37, v40;
	v21 =	vmul.bf16 v28, v21;
	v28 =	vunpack.i.u.bf16.f32 v63  }
0x86: {  	v32 =	vld [tilespmem:s31+$0x4BF0];
	v13 =	vunpack.i.u.bf16.f32 v20;
	v20 =	vunpack.i.l.bf16.f32 v20;
	v11 =	vadd.f32 v30, v11  }
0x87: {  	v35 =	vld [tilespmem:s31+$0x5F60];
	v13 =	vadd.f32 v20, v13;
	v61 =	vunpack.i.u.bf16.f32 v16;
	v16 =	vunpack.i.l.bf16.f32 v16  }
0x88: {  	v63 =	vld [tilespmem:s31+$0x4B10];
	v58 =	vunpack.i.u.bf16.f32 v21;
	v21 =	vunpack.i.l.bf16.f32 v21;
	v24 =	vmul.bf16 v42, v24  }
0x89: {  	v30 =	vld [tilespmem:s31+$0x4C00];
	v10 =	vadd.f32 v10, v11;
	v11 =	vadd.f32 v27, v31;
	v31 =	vunpack.i.u.bf16.f32 v60  }
0x8a: {  	v27 =	vld [tilespmem:s31+$0x5F90];
	v20 =	vadd.f32 v21, v58;
	v21 =	vunpack.i.l.bf16.f32 v23;
	v29 =	vmul.bf16 v56, v29  }
0x8b: {  	v23 =	vld [tilespmem:s31+$0x4B50];
	v31 =	vadd.f32 v41, v31;
	v21 =	vadd.f32 v21, v57;
	v32 =	vmul.bf16 v43, v32  }
0x8c: {  	v60 =	vld [tilespmem:s31+$0x5F70];
	v35 =	vmul.bf16 v35, v39;
	v20 =	vadd.f32 v20, v13;
	v13 =	vunpack.i.l.bf16.f32 v12  }
0x8d: {  	v41 =	vld [tilespmem:s31+$0x5FB0];
	v12 =	vadd.f32 v46, v28;
	v28 =	vunpack.i.u.bf16.f32 v25;
	v25 =	vunpack.i.l.bf16.f32 v25  }
0x8e: {  	v62 =	vmul.bf16 v62, v63;
	v22 =	vadd.f32 v31, v22;
	v31 =	vld [tilespmem:s31+$0x4B70];
	v13 =	vadd.f32 v13, v59  }
0x8f: {  	v25 =	vadd.f32 v25, v28;
	v28 =	vld [tilespmem:s31+$0x4AE0];
	v43 =	vunpack.i.u.bf16.f32 v32;
	v30 =	vmul.bf16 v38, v30  }
0x90: {  	v32 =	vunpack.i.l.bf16.f32 v32;
	v38 =	vld [tilespmem:s31+$0x5F30];
	v21 =	vadd.f32 v21, v20;
	v37 =	vunpack.i.u.bf16.f32 v62  }
0x91: {  	v59 =	vld [tilespmem:s31+$0x5EF0];
	v20 =	vadd.f32 v34, v22;
	v18 =	vunpack.i.u.bf16.f32 v30;
	v30 =	vunpack.i.l.bf16.f32 v30  }
0x92: {  	v22 =	vld [tilespmem:s31+$0x4B80];
	v27 =	vmul.bf16 v27, v45;
	v23 =	vmul.bf16 v51, v23;
	v21 =	vadd.f32 v33, v21  }
0x93: {  	v34 =	vld [tilespmem:s31+$0x5EE0];
	v33 =	vadd.f32 v16, v61;
	v16 =	vunpack.i.u.bf16.f32 v36;
	v36 =	vunpack.i.l.bf16.f32 v36  }
0x94: {  	v41 =	vmul.bf16 v41, v54;
	v18 =	vadd.f32 v30, v18;
	v30 =	vld [tilespmem:s31+$0x4B40];
	v36 =	vadd.f32 v36, v16  }
0x95: {  	v54 =	vld [tilespmem:s31+$0x5E60];
	v16 =	vadd.f32 v32, v43;
	v58 =	vunpack.i.u.bf16.f32 v27;
	v27 =	vunpack.i.l.bf16.f32 v27  }
0x96: {  	v61 =	vld [tilespmem:s31+$0x4B00];
	v31 =	vmul.bf16 v60, v31;
	v53 =	vunpack.i.u.bf16.f32 v41;
	v41 =	vunpack.i.l.bf16.f32 v41  }
0x97: {  	v32 =	vld [tilespmem:s31+$0x4B30];
	v27 =	vadd.f32 v27, v58;
	v41 =	vadd.f32 v41, v53;
	v22 =	vmul.bf16 v26, v22  }
0x98: {  	v60 =	vld [tilespmem:s31+$0x4AF0];
	v26 =	vunpack.i.u.bf16.f32 v29;
	v29 =	vunpack.i.l.bf16.f32 v29;
	v56 =	vunpack.i.u.bf16.f32 v31  }
0x99: {  	v31 =	vunpack.i.l.bf16.f32 v31;
	v28 =	vmul.bf16 v34, v28;
	v26 =	vadd.f32 v29, v26  }
0x9a: {  	v31 =	vadd.f32 v31, v56;
	v30 =	vmul.bf16 v52, v30;
	v52 =	vmul.bf16 v54, v55  }
0x9b: {  	v48 =	vld [tilespmem:s31+$0x4AD0];
	v19 =	vmul.bf16 v19, v61;
	v57 =	vunpack.i.u.bf16.f32 v22;
	v22 =	vunpack.i.l.bf16.f32 v22  }
0x9c: {  	v49 =	vld [tilespmem:s31+$0x4AB0];
	v32 =	vmul.bf16 v38, v32;
	v22 =	vadd.f32 v22, v57;
	v26 =	vadd.f32 v26, v41  }
0x9d: {  	v50 =	vld [tilespmem:s31+$0x5EC0];
	v41 =	vmul.bf16 v59, v60;
	v54 =	vunpack.i.u.bf16.f32 v30;
	v30 =	vunpack.i.l.bf16.f32 v30  }
0x9e: {  	v63 =	vld [tilespmem:s31+$0x5EB0];
	v55 =	vunpack.i.u.bf16.f32 v52;
	v58 =	vunpack.i.u.bf16.f32 v19;
	v19 =	vunpack.i.l.bf16.f32 v19  }
0x9f: {  	v43 =	vld [tilespmem:s31+$0x4A90];
	v39 =	vunpack.i.l.bf16.f32 v52;
	v51 =	vunpack.i.u.bf16.f32 v32;
	v19 =	vadd.f32 v19, v58  }
0xa0: {  	v29 =	vld [tilespmem:s31+$0x5ED0];
	v32 =	vunpack.i.l.bf16.f32 v32;
	v39 =	vadd.f32 v39, v55;
	v30 =	vadd.f32 v30, v54  }
0xa1: {  	v53 =	vld [tilespmem:s31+$0x4AC0];
	v22 =	vadd.f32 v22, v31;
	v31 =	vunpack.i.u.bf16.f32 v24;
	v26 =	vadd.f32 v36, v26  }
0xa2: {  	v61 =	vld [tilespmem:s31+$0x5E40];
	v24 =	vunpack.i.l.bf16.f32 v24;
	v36 =	vunpack.i.l.bf16.f32 v62;
	v32 =	vadd.f32 v32, v51  }
0xa3: {  	v57 =	vld [tilespmem:s31+$0x5E30];
	v56 =	vunpack.i.u.bf16.f32 v41;
	v41 =	vunpack.i.l.bf16.f32 v41;
	v24 =	vadd.f32 v24, v31  }
0xa4: {  	v59 =	vld [tilespmem:s31+$0x4A30];
	v31 =	vunpack.i.u.bf16.f32 v28;
	v28 =	vunpack.i.l.bf16.f32 v28;
	v60 =	vadd.f32 v41, v56  }
0xa5: {  	v62 =	vld [tilespmem:s31+$0x4A40];
	v29 =	vmul.bf16 v29, v48;
	v22 =	vadd.f32 v27, v22;
	v25 =	vadd.f32 v25, v26  }
0xa6: {  	v27 =	vld [tilespmem:s31+$0x5E50];
	v28 =	vadd.f32 v28, v31;
	v31 =	vadd.f32 v36, v37  }
0xa7: {  	v26 =	vld [tilespmem:s31+$0x4A50];
	v36 =	vmul.bf16 v50, v53;
	v19 =	vadd.f32 v19, v60;
	v52 =	vunpack.i.u.bf16.f32 v29  }
0xa8: {  	v51 =	vld [tilespmem:s31+$0x4A70];
	v29 =	vunpack.i.l.bf16.f32 v29;
	v22 =	vadd.f32 v33, v22;
	v33 =	vmul.bf16 v63, v49  }
0xa9: {  	(xrf2) =	vadd.scan.msk.f32 $0xffff, v9;
	v37 =	vld [tilespmem:s31+$0x5E90];
	v50 =	vunpack.i.u.bf16.f32 v36;
	v36 =	vunpack.i.l.bf16.f32 v36;
	v29 =	vadd.f32 v29, v52  }
0xaa: {  	(xrf2) =	vadd.scan.msk.f32 $0xffff, v10;
	v53 =	vld [tilespmem:s31+$0x4A80];
	v36 =	vadd.f32 v36, v50;
	v19 =	vadd.f32 v31, v19;
	v31 =	vmul.bf16 v57, v59  }
0xab: {  	(xrf2) =	vadd.scan.msk.f32 $0xffff, v11;
	v49 =	vld [tilespmem:s31+$0x5E70];
	v34 =	vmul.bf16 v61, v62;
	v63 =	vunpack.i.u.bf16.f32 v33;
	v33 =	vunpack.i.l.bf16.f32 v33  }
0xac: {  	(xrf2) =	vadd.scan.msk.f32 $0xffff, v20;
	v33 =	vadd.f32 v33, v63;
	v26 =	vmul.bf16 v27, v26;
	v27 =	vld [tilespmem:s31+$0x5E80];
	v19 =	vadd.f32 v24, v19  }
0xad: {  	(xrf2) =	vadd.scan.msk.f32 $0xffff, v21;
	v24 =	vunpack.i.u.bf16.f32 v31;
	v31 =	vunpack.i.l.bf16.f32 v31;
	v56 =	vunpack.i.u.bf16.f32 v34  }
0xae: {  	(xrf2) =	vadd.scan.msk.f32 $0xffff, v25;
	v34 =	vunpack.i.l.bf16.f32 v34;
	v59 =	vmul.bf16 v37, v43;
	v24 =	vadd.f32 v31, v24  }
0xaf: {  	v55 =	vld [tilespmem:s31+$0x5EA0];
	(xrf2) =	vadd.scan.msk.f32 $0xffff, v22;
	v31 =	vadd.f32 v34, v56;
	v33 =	vadd.f32 v36, v33;
	v54 =	vunpack.i.u.bf16.f32 v26  }
0xb0: {  	v57 =	vld [tilespmem:s31+$0x4AA0];
	v26 =	vunpack.i.l.bf16.f32 v26;
	v58 =	vmul.bf16 v49, v51;
	(xrf2) =	vadd.scan.msk.f32 $0xffff, v19;
	v19 =	vadd.f32 v30, v32  }
0xb1: {  	v26 =	vadd.f32 v26, v54;
	v29 =	vadd.f32 v29, v33;
	v27 =	vmul.bf16 v27, v53  }
0xb2: {  	v9 =	vadd.f32 v31, v24;
	v24 =	vunpack.i.u.bf16.f32 v58;
	v10 =	vunpack.i.l.bf16.f32 v58  }
0xb3: {  	v28 =	vadd.f32 v28, v29;
	v29 =	vunpack.i.u.bf16.f32 v27;
	v27 =	vunpack.i.l.bf16.f32 v27  }
0xb4: {  	v20 =	vunpack.i.u.bf16.f32 v59;
	v10 =	vadd.f32 v10, v24;
	v11 =	vadd.f32 v27, v29  }
0xb5: {  	v24 =	vmul.bf16 v55, v57;
	v9 =	vadd.f32 v26, v9;
	v26 =	vunpack.i.l.bf16.f32 v59  }
0xb6: {  	v10 =	vadd.f32 v11, v10;
	v11 =	vadd.f32 v26, v20  }
0xb7: {  	v21 =	vunpack.i.u.bf16.f32 v24;
	v24 =	vunpack.i.l.bf16.f32 v24;
	v20 =	vunpack.i.u.bf16.f32 v23  }
0xb8: {  	v10 =	vadd.f32 v11, v10;
	v11 =	vadd.f32 v24, v21;
	v21 =	vunpack.i.l.bf16.f32 v23  }
0xb9: {  	v22 =	vunpack.i.l.bf16.f32 v35;
	v9 =	vadd.f32 v39, v9;
	v20 =	vadd.f32 v21, v20  }
0xba: {  	(xrf2) =	vadd.scan.msk.f32 $0xffff, v28;
	v21 =	vunpack.i.u.bf16.f32 v17;
	v10 =	vadd.f32 v11, v10;
	v11 =	vunpack.i.u.bf16.f32 v35  }
0xbb: {  	(xrf2) =	vadd.scan.msk.f32 $0xffff, v9;
	v17 =	vunpack.i.l.bf16.f32 v17;
	v9 =	vadd.f32 v20, v19;
	v11 =	vadd.f32 v22, v11  }
0xbc: {  	v16 =	vadd.f32 v18, v16;
	v18 =	vunpack.i.u.bf16.f32 v14;
	v17 =	vadd.f32 v17, v21  }
0xbd: {  	v9 =	vadd.f32 v11, v9;
	v11 =	vunpack.i.u.bf16.f32 v15;
	v15 =	vunpack.i.l.bf16.f32 v15  }
0xbe: {  	v14 =	vunpack.i.l.bf16.f32 v14;
	v16 =	vadd.f32 v17, v16;
	v11 =	vadd.f32 v15, v11  }
0xbf: {  	v12 =	vadd.f32 v13, v12;
	v13 =	vadd.f32 v14, v18;
	v14 =	vunpack.i.u.bf16.f32 v7;
	v19, _, _ =	vpop (xrf2);
	(xrf2) =	vadd.scan.msk.f32 $0xffff, v10  }
0xc0: {  	v10, _, _ =	vpop (xrf2);
	(xrf2) =	vadd.scan.msk.f32 $0xffff, v9;
	v11 =	vadd.f32 v11, v16;
	v16 =	vunpack.i.u.bf16.f32 v8;
	v8 =	vunpack.i.l.bf16.f32 v8  }
0xc1: {  	v7 =	vunpack.i.l.bf16.f32 v7;
	v12 =	vadd.f32 v13, v12;
	v20, _, _ =	vpop (xrf2);
	v8 =	vadd.f32 v8, v16  }
0xc2: {  	v5 =	vadd.f32 v6, v5;
	v6 =	vadd.f32 v7, v14;
	v15, _, _ =	vpop (xrf2)  }
0xc3: {  	v9, _, _ =	vpop (xrf2);
	v8 =	vadd.f32 v8, v12;
	v12 =	vunpack.i.u.bf16.f32 v4;
	v4 =	vunpack.i.l.bf16.f32 v4  }
0xc4: {  	v5 =	vadd.f32 v6, v5;
	v17, _, _ =	vpop (xrf2);
	v4 =	vadd.f32 v4, v12  }
0xc5: {  	(xrf2) =	vadd.scan.msk.f32 $0xffff, v11;
	v13, _, _ =	vpop (xrf2)  }
0xc6: {  	v11, _, _ =	vpop (xrf2);
	v4 =	vadd.f32 v4, v5  }
0xc7: {  	v14, _, _ =	vpop (xrf2)  }
0xc8: {  	v0 =	vadd.f32 v2, v0;
	v7 =	vunpack.i.u.bf16.f32 v3;
	v3 =	vunpack.i.l.bf16.f32 v3;
	(xrf2) =	vadd.scan.msk.f32 $0xffff, v8;
	v6, _, _ =	vpop (xrf2)  }
0xc9: {  	v2 =	vunpack.i.u.bf16.f32 v1;
	v1 =	vunpack.i.l.bf16.f32 v1;
	v3 =	vadd.f32 v3, v7;
	v5, _, _ =	vpop (xrf2)  }
0xca: {  	v1 =	vadd.f32 v1, v2;
	v6 =	vbroadcast v6, $0xF;
	v5 =	vbroadcast v5, $0xF;
	(xrf2) =	vadd.scan.msk.f32 $0xffff, v4;
	v4, _, _ =	vpop (xrf2)  }
0xcb: {  	v0 =	vadd.f32 v3, v0;
	v7 =	vbroadcast v14, $0xF;
	v4 =	vbroadcast v4, $0xF  }
0xcc: {  	v3 =	vbroadcast v11, $0xF;
	v2 =	vsel vm0, v6, v5  }
0xcd: {  	v0 =	vadd.f32 v1, v0;
	v2 =	vsel vm1, v2, v7  }
0xce: {  	v1 =	vsel vm2, v2, v3;
	v2 =	vbroadcast v13, $0xF;
	v3 =	vbroadcast v17, $0xF  }
0xcf: {  	v1 =	vsel vm3, v1, v4;
	v4, _, _ =	vpop (xrf2)  }
0xd0: {  	(xrf2) =	vadd.scan.msk.f32 $0xffff, v0;
	v0 =	vsel vm4, v1, v2;
	v1 =	vbroadcast v4, $0xF  }
0xd1: {  	v2 =	vbroadcast v9, $0xF;
	v0 =	vsel vm5, v0, v3  }
0xd2: {  	v3, _, _ =	vpop (xrf2);
	v0 =	vsel vm6, v0, v1;
	v1 =	vbroadcast v15, $0xF  }
0xd3: {  	v0 =	vsel vm7, v0, v2;
	v2 =	vbroadcast v3, $0xF  }
0xd4: {  	v0 =	vsel vm8, v0, v1;
	v1 =	vbroadcast v20, $0xF  }
0xd5: {  	v3, _, _ =	vpop (xrf2);
	v0 =	vsel vm9, v0, v2  }
0xd6: {  	v2 =	vbroadcast v10, $0xF;
	v0 =	vsel vm10, v0, v1;
	v1 =	vbroadcast v3, $0xF;
	_ =	sdelay $0x1  }
0xd7: {  	v0 =	vsel vm11, v0, v2;
	v2 =	vbroadcast v19, $0xF  }
0xd8: {  	v0 =	vsel vm12, v0, v1  }
0xd9: {  	v0 =	vsel vm13, v0, v2;
	v1, _, _ =	vpop (xrf2)  }
0xda: {  	v0 =	vsel vm14, v0, v1  }
0xdb: {  	s24 =	simm.s32 $0x7F0;
	[tilespmem:s21+$0x0] =	vst v0  }
0xdc: {  	v1 =	vld [tilespmem:s24+$0x6220]  }
0xdd: {  	v2 =	vld [tilespmem:s24+$0x4E20]  }
0xde: {  	v3 =	vld [tilespmem:s24+$0x6210]  }
0xdf: {  	v4 =	vld [tilespmem:s24+$0x4E10]  }
0xe0: {  	v0 =	vld [tilespmem:s24+$0x61E0]  }
0xe1: {  	v5 =	vld [tilespmem:s24+$0x4DE0]  }
0xe2: {  	v6 =	vld [tilespmem:s24+$0x61F0]  }
0xe3: {  	v9 =	vld [tilespmem:s24+$0x4DF0]  }
0xe4: {  	v15 =	vld [tilespmem:s24+$0x6200]  }
0xe5: {  	v16 =	vld [tilespmem:s24+$0x4E00]  }
0xe6: {  	v18 =	vld [tilespmem:s24+$0x61A0]  }
0xe7: {  	v19 =	vld [tilespmem:s24+$0x4DA0]  }
0xe8: {  	v14 =	vld [tilespmem:s24+$0x61D0]  }
0xe9: {  	v17 =	vld [tilespmem:s24+$0x4DD0]  }
0xea: {  	v20 =	vld [tilespmem:s24+$0x6160]  }
0xeb: {  	v21 =	vld [tilespmem:s24+$0x4D60]  }
0xec: {  	v7 =	vld [tilespmem:s24+$0x6190]  }
0xed: {  	v8 =	vld [tilespmem:s24+$0x4D90]  }
0xee: {  	v10 =	vld [tilespmem:s24+$0x61B0]  }
0xef: {  	v12 =	vld [tilespmem:s24+$0x4DB0]  }
0xf0: {  	v22 =	vld [tilespmem:s24+$0x61C0]  }
0xf1: {  	v23 =	vld [tilespmem:s24+$0x4DC0]  }
0xf2: {  	v24 =	vld [tilespmem:s24+$0x6120]  }
0xf3: {  	v25 =	vld [tilespmem:s24+$0x4D20]  }
0xf4: {  	v26 =	vld [tilespmem:s24+$0x6150]  }
0xf5: {  	v27 =	vld [tilespmem:s24+$0x4D50]  }
0xf6: {  	v28 =	vld [tilespmem:s24+$0x6170]  }
0xf7: {  	v29 =	vld [tilespmem:s24+$0x4D70]  }
0xf8: {  	v30 =	vld [tilespmem:s24+$0x6180]  }
0xf9: {  	v31 =	vld [tilespmem:s24+$0x4D80]  }
0xfa: {  	v32 =	vld [tilespmem:s24+$0x60E0]  }
0xfb: {  	v33 =	vld [tilespmem:s24+$0x4CE0]  }
0xfc: {  	v34 =	vld [tilespmem:s24+$0x6110]  }
0xfd: {  	v35 =	vld [tilespmem:s24+$0x4D10]  }
0xfe: {  	v36 =	vld [tilespmem:s24+$0x6130]  }
0xff: {  	v37 =	vld [tilespmem:s24+$0x4D30]  }
0x100: {  	v38 =	vld [tilespmem:s24+$0x6140]  }
0x101: {  	v39 =	vld [tilespmem:s24+$0x4D40]  }
0x102: {  	v40 =	vld [tilespmem:s24+$0x60A0]  }
0x103: {  	v41 =	vld [tilespmem:s24+$0x4CA0]  }
0x104: {  	v11 =	vld [tilespmem:s24+$0x60D0]  }
0x105: {  	v13 =	vld [tilespmem:s24+$0x4CD0]  }
0x106: {  	v60 =	vld [tilespmem:s24+$0x60F0]  }
0x107: {  	v61 =	vld [tilespmem:s24+$0x4CF0]  }
0x108: {  	v62 =	vld [tilespmem:s24+$0x6100]  }
0x109: {  	v63 =	vld [tilespmem:s24+$0x4D00]  }
0x10a: {  	v46 =	vld [tilespmem:s24+$0x6060]  }
0x10b: {  	v57 =	vld [tilespmem:s24+$0x4C60]  }
0x10c: {  	v48 =	vld [tilespmem:s24+$0x6090];
	v0 =	vmul.bf16 v0, v5  }
0x10d: {  	v49 =	vld [tilespmem:s24+$0x4C90];
	v6 =	vmul.bf16 v6, v9;
	v58 =	vmul.bf16 v10, v12  }
0x10e: {  	v50 =	vld [tilespmem:s24+$0x60B0];
	v22 =	vmul.bf16 v22, v23;
	v17 =	vmul.bf16 v14, v17  }
0x10f: {  	v51 =	vld [tilespmem:s24+$0x4CB0];
	v15 =	vmul.bf16 v15, v16;
	v1 =	vmul.bf16 v1, v2  }
0x110: {  	v53 =	vld [tilespmem:s24+$0x6050];
	v3 =	vmul.bf16 v3, v4;
	v4 =	vmul.bf16 v24, v25  }
0x111: {  	v52 =	vld [tilespmem:s24+$0x4C50];
	v60 =	vmul.bf16 v60, v61;
	v62 =	vmul.bf16 v62, v63  }
0x112: {  	v54 =	vld [tilespmem:s24+$0x6070];
	v40 =	vmul.bf16 v40, v41;
	v7 =	vmul.bf16 v7, v8  }
0x113: {  	v55 =	vld [tilespmem:s24+$0x4C80];
	v8 =	vmul.bf16 v32, v33;
	v57 =	vmul.bf16 v46, v57  }
0x114: {  	v9 =	vld [tilespmem:s24+$0x60C0];
	v11 =	vmul.bf16 v11, v13;
	v5 =	vunpack.i.u.bf16.f32 v0;
	v0 =	vunpack.i.l.bf16.f32 v0  }
0x115: {  	v10 =	vld [tilespmem:s24+$0x4CC0];
	v23 =	vunpack.i.u.bf16.f32 v58;
	v59 =	vunpack.i.u.bf16.f32 v22;
	v22 =	vunpack.i.l.bf16.f32 v22  }
0x116: {  	v12 =	vld [tilespmem:s24+$0x6020];
	v2 =	vunpack.i.u.bf16.f32 v15;
	v15 =	vunpack.i.l.bf16.f32 v15;
	v42 =	vunpack.i.u.bf16.f32 v60  }
0x117: {  	v24 =	vld [tilespmem:s24+$0x5FE0];
	v63 =	vunpack.i.u.bf16.f32 v62;
	v56 =	vunpack.i.u.bf16.f32 v40;
	v32 =	vunpack.i.l.bf16.f32 v57  }
0x118: {  	v25 =	vld [tilespmem:s24+$0x4BE0];
	v5 =	vadd.f32 v0, v5;
	v0 =	vunpack.i.u.bf16.f32 v6;
	v6 =	vunpack.i.l.bf16.f32 v6  }
0x119: {  	v14 =	vld [tilespmem:s24+$0x4C20];
	v22 =	vadd.f32 v22, v59;
	v0 =	vadd.f32 v6, v0;
	v6 =	vunpack.i.l.bf16.f32 v58  }
0x11a: {  	v43 =	vld [tilespmem:s24+$0x4BD0];
	v2 =	vadd.f32 v15, v2;
	v59 =	vmul.bf16 v48, v49;
	v6 =	vadd.f32 v6, v23  }
0x11b: {  	v44 =	vld [tilespmem:s24+$0x4B90];
	v58 =	vunpack.i.l.bf16.f32 v40;
	v23 =	vunpack.i.u.bf16.f32 v17;
	v17 =	vunpack.i.l.bf16.f32 v17  }
0x11c: {  	v41 =	vld [tilespmem:s24+$0x4B50];
	v16 =	vadd.f32 v17, v23;
	v17 =	vmul.bf16 v20, v21;
	v6 =	vadd.f32 v22, v6  }
0x11d: {  	v48 =	vld [tilespmem:s24+$0x4AD0];
	v33 =	vadd.f32 v58, v56;
	v9 =	vmul.bf16 v9, v10;
	v24 =	vmul.bf16 v24, v25  }
0x11e: {  	v49 =	vld [tilespmem:s24+$0x4A50];
	v12 =	vmul.bf16 v12, v14;
	v15 =	vunpack.i.u.bf16.f32 v17;
	v6 =	vadd.f32 v16, v6  }
0x11f: {  	v25 =	vld [tilespmem:s24+$0x5F80];
	v16 =	vunpack.i.l.bf16.f32 v17;
	v17 =	vmul.bf16 v26, v27;
	v27 =	vmul.bf16 v30, v31  }
0x120: {  	v40 =	vunpack.i.l.bf16.f32 v59;
	v21 =	vld [tilespmem:s24+$0x6080];
	v30 =	vmul.bf16 v34, v35;
	v31 =	vmul.bf16 v38, v39  }
0x121: {  	v22 =	vld [tilespmem:s24+$0x4C70];
	v34 =	vunpack.i.l.bf16.f32 v60;
	v60 =	vunpack.i.u.bf16.f32 v57;
	v20 =	vadd.f32 v16, v15  }
0x122: {  	v39 =	vld [tilespmem:s24+$0x4BA0];
	v34 =	vadd.f32 v34, v42;
	v32 =	vadd.f32 v32, v60;
	v60 =	vunpack.i.u.bf16.f32 v9  }
0x123: {  	v35 =	vld [tilespmem:s24+$0x5FD0];
	v15 =	vadd.f32 v5, v6;
	v5 =	vunpack.i.u.bf16.f32 v4;
	v4 =	vunpack.i.l.bf16.f32 v4  }
0x124: {  	v57 =	vld [tilespmem:s24+$0x5FC0];
	v6 =	vmul.bf16 v28, v29;
	v38 =	vunpack.i.u.bf16.f32 v31;
	v31 =	vunpack.i.l.bf16.f32 v31  }
0x125: {  	v16 =	vld [tilespmem:s24+$0x6010];
	v45 =	vunpack.i.u.bf16.f32 v30;
	v30 =	vunpack.i.l.bf16.f32 v30;
	v21 =	vmul.bf16 v21, v55  }
0x126: {  	v42 =	vld [tilespmem:s24+$0x5FF0];
	v23 =	vadd.f32 v4, v5;
	v4 =	vunpack.i.u.bf16.f32 v17;
	v5 =	vunpack.i.l.bf16.f32 v17  }
0x127: {  	v28 =	vld [tilespmem:s24+$0x6030];
	v31 =	vadd.f32 v31, v38;
	v30 =	vadd.f32 v30, v45;
	v22 =	vmul.bf16 v54, v22  }
0x128: {  	v55 =	vld [tilespmem:s24+$0x4BB0];
	v54 =	vmul.bf16 v50, v51;
	v26 =	vunpack.i.u.bf16.f32 v6;
	v6 =	vunpack.i.l.bf16.f32 v6  }
0x129: {  	v17 =	vld [tilespmem:s24+$0x4C10];
	v29 =	vadd.f32 v5, v4;
	v4 =	vmul.bf16 v18, v19;
	v19 =	vmul.bf16 v36, v37  }
0x12a: {  	v45 =	vld [tilespmem:s24+$0x5F20];
	v37 =	vunpack.i.l.bf16.f32 v62;
	v56 =	vunpack.i.u.bf16.f32 v21;
	v21 =	vunpack.i.l.bf16.f32 v21  }
0x12b: {  	v18 =	vld [tilespmem:s24+$0x4C30];
	v5 =	vadd.f32 v6, v26;
	v6 =	vunpack.i.u.bf16.f32 v27;
	v26 =	vunpack.i.l.bf16.f32 v27  }
0x12c: {  	v36 =	vld [tilespmem:s24+$0x5FA0];
	v37 =	vadd.f32 v37, v63;
	v63 =	vmul.bf16 v53, v52;
	v53 =	vunpack.i.u.bf16.f32 v22  }
0x12d: {  	v27 =	vld [tilespmem:s24+$0x6040];
	v22 =	vunpack.i.l.bf16.f32 v22;
	v21 =	vadd.f32 v21, v56;
	v6 =	vadd.f32 v26, v6  }
0x12e: {  	v26 =	vld [tilespmem:s24+$0x4C40];
	v61 =	vunpack.i.u.bf16.f32 v19;
	v19 =	vunpack.i.l.bf16.f32 v19;
	v22 =	vadd.f32 v22, v53  }
0x12f: {  	v46 =	vunpack.i.l.bf16.f32 v54;
	v19 =	vadd.f32 v19, v61;
	v34 =	vadd.f32 v37, v34;
	v37 =	vld [tilespmem:s24+$0x6000]  }
0x130: {  	v35 =	vmul.bf16 v35, v43;
	v61 =	vunpack.i.u.bf16.f32 v59;
	v21 =	vadd.f32 v21, v22;
	v22 =	vld [tilespmem:s24+$0x4B20]  }
0x131: {  	v58 =	vunpack.i.u.bf16.f32 v63;
	v62 =	vadd.f32 v40, v61;
	v61 =	vld [tilespmem:s24+$0x5F70];
	v19 =	vadd.f32 v31, v19  }
0x132: {  	v17 =	vmul.bf16 v16, v17;
	v31 =	vld [tilespmem:s24+$0x4BF0];
	v30 =	vadd.f32 v30, v34;
	v18 =	vmul.bf16 v28, v18  }
0x133: {  	v28 =	vld [tilespmem:s24+$0x4BC0];
	v13 =	vmul.bf16 v36, v39;
	v21 =	vadd.f32 v62, v21;
	v19 =	vadd.f32 v29, v19  }
0x134: {  	v62 =	vld [tilespmem:s24+$0x4B70];
	v26 =	vmul.bf16 v27, v26;
	v10 =	vunpack.i.u.bf16.f32 v18;
	v18 =	vunpack.i.l.bf16.f32 v18  }
0x135: {  	v29 =	vld [tilespmem:s24+$0x4C00];
	v23 =	vadd.f32 v23, v30;
	v27 =	vunpack.i.u.bf16.f32 v54;
	v10 =	vadd.f32 v18, v10  }
0x136: {  	v30 =	vld [tilespmem:s24+$0x5F90];
	v20 =	vadd.f32 v20, v19;
	v59 =	vunpack.i.u.bf16.f32 v26;
	v26 =	vunpack.i.l.bf16.f32 v26  }
0x137: {  	v51 =	vld [tilespmem:s24+$0x5F50];
	v22 =	vmul.bf16 v45, v22;
	v18 =	vadd.f32 v26, v59;
	v26 =	vunpack.i.l.bf16.f32 v63  }
0x138: {  	v52 =	vld [tilespmem:s24+$0x5F30];
	v31 =	vmul.bf16 v42, v31;
	v28 =	vmul.bf16 v57, v28;
	v26 =	vadd.f32 v26, v58  }
0x139: {  	v40 =	vld [tilespmem:s24+$0x5FB0];
	v38 =	vmul.bf16 v61, v62;
	v18 =	vadd.f32 v18, v10;
	v10 =	vunpack.i.l.bf16.f32 v9  }
0x13a: {  	v16 =	vld [tilespmem:s24+$0x5F00];
	v9 =	vadd.f32 v46, v27;
	v27 =	vadd.f32 v33, v21;
	v42 =	vunpack.i.u.bf16.f32 v31  }
0x13b: {  	v34 =	vld [tilespmem:s24+$0x5F60];
	v31 =	vunpack.i.l.bf16.f32 v31;
	v29 =	vmul.bf16 v37, v29;
	v30 =	vmul.bf16 v30, v44  }
0x13c: {  	v21 =	vld [tilespmem:s24+$0x4B80];
	v10 =	vadd.f32 v10, v60;
	v58 =	vunpack.i.u.bf16.f32 v38;
	v18 =	vadd.f32 v26, v18  }
0x13d: {  	v19 =	vld [tilespmem:s24+$0x4B60];
	v26 =	vunpack.i.u.bf16.f32 v24;
	v24 =	vunpack.i.l.bf16.f32 v24;
	v14 =	vunpack.i.u.bf16.f32 v29  }
0x13e: {  	v63 =	vld [tilespmem:s24+$0x5EE0];
	v29 =	vunpack.i.l.bf16.f32 v29;
	v60 =	vunpack.i.u.bf16.f32 v30;
	v30 =	vunpack.i.l.bf16.f32 v30  }
0x13f: {  	v61 =	vld [tilespmem:s24+$0x5EF0];
	v36 =	vadd.f32 v32, v18;
	v18 =	vunpack.i.u.bf16.f32 v13;
	v13 =	vunpack.i.l.bf16.f32 v13  }
0x140: {  	v62 =	vld [tilespmem:s24+$0x4AF0];
	v24 =	vadd.f32 v24, v26;
	v39 =	vadd.f32 v13, v18;
	v13 =	vunpack.i.u.bf16.f32 v35  }
0x141: {  	v26 =	vld [tilespmem:s24+$0x4AE0];
	v18 =	vunpack.i.l.bf16.f32 v35;
	v21 =	vmul.bf16 v25, v21;
	v25 =	vunpack.i.u.bf16.f32 v28  }
0x142: {  	v32 =	vld [tilespmem:s24+$0x5F10];
	v28 =	vunpack.i.l.bf16.f32 v28;
	v53 =	vadd.f32 v18, v13;
	v13 =	vadd.f32 v31, v42  }
0x143: {  	v31 =	vld [tilespmem:s24+$0x4B30];
	v18 =	vmul.bf16 v40, v55;
	v25 =	vadd.f32 v28, v25;
	v28 =	vunpack.i.l.bf16.f32 v38  }
0x144: {  	v42 =	vld [tilespmem:s24+$0x5ED0];
	v59 =	vunpack.i.u.bf16.f32 v21;
	v21 =	vunpack.i.l.bf16.f32 v21;
	v28 =	vadd.f32 v28, v58  }
0x145: {  	v35 =	vld [tilespmem:s24+$0x4B10];
	v55 =	vunpack.i.u.bf16.f32 v18;
	v18 =	vunpack.i.l.bf16.f32 v18;
	v21 =	vadd.f32 v21, v59  }
0x146: {  	v14 =	vadd.f32 v29, v14;
	v26 =	vmul.bf16 v63, v26;
	v63 =	vld [tilespmem:s24+$0x4B00];
	v18 =	vadd.f32 v18, v55  }
0x147: {  	(xrf2) =	vadd.scan.msk.f32 $0xffff, v15;
	v15 =	vld [tilespmem:s24+$0x4AB0];
	v21 =	vadd.f32 v21, v28;
	v28 =	vadd.f32 v30, v60  }
0x148: {  	v56 =	vld [tilespmem:s24+$0x5E60];
	v30 =	vunpack.i.u.bf16.f32 v22;
	v25 =	vadd.f32 v25, v18;
	v18 =	vmul.bf16 v34, v19  }
0x149: {  	v43 =	vld [tilespmem:s24+$0x5E50];
	v22 =	vunpack.i.l.bf16.f32 v22;
	v31 =	vmul.bf16 v52, v31;
	v60 =	vmul.bf16 v42, v48  }
0x14a: {  	v54 =	vld [tilespmem:s24+$0x5F40];
	v21 =	vadd.f32 v28, v21;
	v28 =	vmul.bf16 v32, v35;
	v19 =	vadd.f32 v53, v25  }
0x14b: {  	v29 =	vld [tilespmem:s24+$0x4B40];
	v25 =	vadd.f32 v22, v30;
	v53 =	vmul.bf16 v61, v62;
	v16 =	vmul.bf16 v16, v63  }
0x14c: {  	v57 =	vld [tilespmem:s24+$0x4A60];
	v21 =	vadd.f32 v39, v21;
	v30 =	vunpack.i.u.bf16.f32 v28;
	v28 =	vunpack.i.l.bf16.f32 v28  }
0x14d: {  	v52 =	vld [tilespmem:s24+$0x4AC0];
	v22 =	vadd.f32 v24, v19;
	v19 =	vunpack.i.u.bf16.f32 v26;
	v24 =	vunpack.i.l.bf16.f32 v26  }
0x14e: {  	(xrf2) =	vadd.scan.msk.f32 $0xffff, v20;
	v26 =	vld [tilespmem:s24+$0x5EB0];
	v50 =	vadd.f32 v28, v30;
	v28 =	vunpack.i.u.bf16.f32 v31;
	v31 =	vunpack.i.l.bf16.f32 v31  }
0x14f: {  	v30 =	vld [tilespmem:s24+$0x5EC0];
	v37 =	vunpack.i.l.bf16.f32 v53;
	v58 =	vunpack.i.u.bf16.f32 v16;
	v16 =	vunpack.i.l.bf16.f32 v16  }
0x150: {  	v33 =	vld [tilespmem:s24+$0x4A30];
	v24 =	vadd.f32 v24, v19;
	v19 =	vmul.bf16 v51, v41;
	v41 =	vmul.bf16 v54, v29  }
0x151: {  	(xrf2) =	vadd.scan.msk.f32 $0xffff, v23;
	v23 =	vld [tilespmem:s24+$0x5E70];
	v51 =	vmul.bf16 v56, v57;
	v20 =	vadd.f32 v31, v28;
	v57 =	vunpack.i.u.bf16.f32 v53  }
0x152: {  	(xrf2) =	vadd.scan.msk.f32 $0xffff, v27;
	v27 =	vld [tilespmem:s24+$0x5E80];
	v39 =	vunpack.i.u.bf16.f32 v60;
	v16 =	vadd.f32 v16, v58;
	v37 =	vadd.f32 v37, v57  }
0x153: {  	v34 =	vld [tilespmem:s24+$0x5E40];
	v54 =	vunpack.i.u.bf16.f32 v41;
	v28 =	vunpack.i.u.bf16.f32 v51;
	v15 =	vmul.bf16 v26, v15  }
0x154: {  	v32 =	vld [tilespmem:s24+$0x5E30];
	v56 =	vunpack.i.l.bf16.f32 v51;
	v16 =	vadd.f32 v16, v37;
	v30 =	vmul.bf16 v30, v52  }
0x155: {  	v35 =	vld [tilespmem:s24+$0x4A40];
	v55 =	vunpack.i.l.bf16.f32 v41;
	v28 =	vadd.f32 v56, v28;
	v59 =	vunpack.i.u.bf16.f32 v15  }
0x156: {  	v29 =	vld [tilespmem:s24+$0x5E90];
	v61 =	vunpack.i.l.bf16.f32 v15;
	v62 =	vunpack.i.u.bf16.f32 v30;
	v63 =	vunpack.i.l.bf16.f32 v30  }
0x157: {  	v31 =	vld [tilespmem:s24+$0x4A90];
	v41 =	vunpack.i.l.bf16.f32 v60;
	v37 =	vadd.f32 v61, v59;
	v38 =	vadd.f32 v63, v62;
	v15, _, _ =	vpop (xrf2);
	(xrf2) =	vadd.scan.msk.f32 $0xffff, v36  }
0x158: {  	s26 =	simm.s32 $0x2FC0;
	s25 =	smov.u32 s21;
	v26 =	vadd.f32 v55, v54;
	v40 =	vadd.f32 v50, v16;
	v30 =	vld [tilespmem:s24+$0x4A70];
	v36 =	vmul.bf16 v43, v49;
	v16, _, _ =	vpop (xrf2)  }
.LBB2_3:
0x159: {  	p1 =	sne.s32 s26, $0x4FC0;
	v32 =	vmul.bf16 v32, v33;
	v33 =	vld [tilespmem:s24+$0x4A80];
	v37 =	vadd.f32 v38, v37;
	v38 =	vadd.f32 v41, v39  }
0x15a: {  	v34 =	vmul.bf16 v34, v35;
	v35 =	vunpack.i.u.bf16.f32 v36;
	v25 =	vadd.f32 v25, v40;
	(xrf2) =	vadd.scan.msk.f32 $0xffff, v22  }
0x15b: {  	v36 =	vunpack.i.l.bf16.f32 v36;
	v39 =	vunpack.i.u.bf16.f32 v32;
	v40 =	vld [tilespmem:s24+$0x5EA0];
	v37 =	vadd.f32 v38, v37;
	v22, _, _ =	vpop (xrf2)  }
0x15c: {  	v32 =	vunpack.i.l.bf16.f32 v32;
	v38 =	vunpack.i.u.bf16.f32 v34;
	v34 =	vunpack.i.l.bf16.f32 v34;
	v41 =	vld [tilespmem:s24+$0x4AA0]  }
0x15d: {  	v32 =	vadd.f32 v32, v39;
	v23 =	vmul.bf16 v23, v30;
	v34 =	vadd.f32 v34, v38;
	(xrf2) =	vadd.scan.msk.f32 $0xffff, v21  }
0x15e: {  	v29 =	vmul.bf16 v29, v31;
	v30 =	vadd.f32 v36, v35;
	v27 =	vmul.bf16 v27, v33;
	v21, _, _ =	vpop (xrf2)  }
0x15f: {  	v24 =	vadd.f32 v24, v37;
	v31 =	vadd.f32 v34, v32;
	v34 =	vunpack.i.u.bf16.f32 v23  }
0x160: {  	v23 =	vunpack.i.l.bf16.f32 v23;
	v33 =	vunpack.i.u.bf16.f32 v27;
	v27 =	vunpack.i.l.bf16.f32 v27;
	(xrf2) =	vadd.scan.msk.f32 $0xffff, v25  }
0x161: {  	v23 =	vadd.f32 v23, v34;
	v25 =	vadd.f32 v27, v33;
	v27 =	vmul.bf16 v40, v41;
	v32, _, _ =	vpop (xrf2)  }
0x162: {  	v33 =	vadd.f32 v30, v31;
	v31 =	vunpack.i.u.bf16.f32 v29;
	v29 =	vunpack.i.l.bf16.f32 v29  }
0x163: {  	v23 =	vadd.f32 v25, v23;
	v25 =	vadd.f32 v29, v31;
	v29 =	vunpack.i.u.bf16.f32 v19;
	(xrf2) =	vadd.scan.msk.f32 $0xffff, v24  }
0x164: {  	v24 =	vadd.f32 v28, v33;
	v28 =	vunpack.i.u.bf16.f32 v27;
	v27 =	vunpack.i.l.bf16.f32 v27;
	v30, _, _ =	vpop (xrf2)  }
0x165: {  	v19 =	vunpack.i.l.bf16.f32 v19;
	v27 =	vadd.f32 v27, v28;
	v23 =	vadd.f32 v25, v23  }
0x166: {  	v20 =	vadd.f32 v26, v20;
	v26 =	vunpack.i.u.bf16.f32 v17;
	v19 =	vadd.f32 v19, v29;
	(xrf2) =	vadd.scan.msk.f32 $0xffff, v24  }
0x167: {  	v24 =	vunpack.i.u.bf16.f32 v18;
	v18 =	vunpack.i.l.bf16.f32 v18;
	v23 =	vadd.f32 v27, v23;
	v25, _, _ =	vpop (xrf2)  }
0x168: {  	v17 =	vunpack.i.l.bf16.f32 v17;
	v19 =	vadd.f32 v19, v20;
	v18 =	vadd.f32 v18, v24  }
0x169: {  	v13 =	vadd.f32 v14, v13;
	v14 =	vadd.f32 v17, v26;
	v17 =	vunpack.i.u.bf16.f32 v11;
	(xrf2) =	vadd.scan.msk.f32 $0xffff, v23  }
0x16a: {  	v18 =	vadd.f32 v18, v19;
	v19 =	vunpack.i.u.bf16.f32 v12;
	v12 =	vunpack.i.l.bf16.f32 v12;
	v20, _, _ =	vpop (xrf2)  }
0x16b: {  	v11 =	vunpack.i.l.bf16.f32 v11;
	v13 =	vadd.f32 v14, v13;
	v12 =	vadd.f32 v12, v19  }
0x16c: {  	v9 =	vadd.f32 v10, v9;
	v10 =	vadd.f32 v11, v17;
	v11 =	vunpack.i.u.bf16.f32 v7;
	(xrf2) =	vadd.scan.msk.f32 $0xffff, v18  }
0x16d: {  	v12 =	vadd.f32 v12, v13;
	v13 =	vunpack.i.u.bf16.f32 v8;
	v8 =	vunpack.i.l.bf16.f32 v8;
	v14, _, _ =	vpop (xrf2)  }
0x16e: {  	v7 =	vunpack.i.l.bf16.f32 v7;
	v9 =	vadd.f32 v10, v9;
	v8 =	vadd.f32 v8, v13  }
0x16f: {  	v5 =	vadd.f32 v6, v5;
	v6 =	vadd.f32 v7, v11;
	v7 =	vunpack.i.u.bf16.f32 v3;
	(xrf2) =	vadd.scan.msk.f32 $0xffff, v12  }
0x170: {  	v8 =	vadd.f32 v8, v9;
	v9 =	vunpack.i.u.bf16.f32 v4;
	v4 =	vunpack.i.l.bf16.f32 v4;
	v10, _, _ =	vpop (xrf2)  }
0x171: {  	v3 =	vunpack.i.l.bf16.f32 v3;
	v6 =	vadd.f32 v6, v5;
	v4 =	vadd.f32 v4, v9  }
0x172: {  	v3 =	vadd.f32 v3, v7;
	(xrf2) =	vadd.scan.msk.f32 $0xffff, v8  }
0x173: {  	v0 =	vadd.f32 v2, v0;
	v2 =	vunpack.i.u.bf16.f32 v1;
	v8 =	vadd.f32 v4, v6;
	v5, _, _ =	vpop (xrf2)  }
0x174: {  	v1 =	vunpack.i.l.bf16.f32 v1;
	v6 =	vbroadcast v10, $0xF;
	v5 =	vbroadcast v5, $0xF  }
0x175: {  	v1 =	vadd.f32 v1, v2;
	v0 =	vadd.f32 v3, v0;
	v7 =	vbroadcast v14, $0xF;
	(xrf2) =	vadd.scan.msk.f32 $0xffff, v8  }
0x176: {  	v3 =	vbroadcast v20, $0xF;
	v2 =	vsel vm0, v6, v5;
	v4, _, _ =	vpop (xrf2)  }
0x177: {  	v0 =	vadd.f32 v1, v0;
	v2 =	vsel vm1, v2, v7;
	v5 =	vbroadcast v4, $0xF  }
0x178: {  	v1 =	vsel vm2, v2, v3;
	v2 =	vbroadcast v25, $0xF  }
0x179: {  	v1 =	vsel vm3, v1, v5;
	v5 =	vbroadcast v30, $0xF;
	v4, _, _ =	vpop (xrf2);
	(xrf2) =	vadd.scan.msk.f32 $0xffff, v0  }
0x17a: {  	v0 =	vsel vm4, v1, v2;
	v1 =	vbroadcast v4, $0xF  }
0x17b: {  	v2 =	vbroadcast v32, $0xF;
	v0 =	vsel vm5, v0, v5  }
0x17c: {  	v0 =	vsel vm6, v0, v1;
	v1 =	vbroadcast v21, $0xF;
	v3, _, _ =	vpop (xrf2)  }
0x17d: {  	v0 =	vsel vm7, v0, v2;
	v2 =	vbroadcast v3, $0xF  }
0x17e: {  	v0 =	vsel vm8, v0, v1;
	v1 =	vbroadcast v22, $0xF  }
0x17f: {  	v0 =	vsel vm9, v0, v2;
	v2 =	vbroadcast v16, $0xF;
	v3, _, _ =	vpop (xrf2)  }
0x180: {  	v0 =	vsel vm10, v0, v1;
	v3 =	vbroadcast v3, $0xF  }
0x181: {  	v0 =	vsel vm11, v0, v2;
	v2 =	vbroadcast v15, $0xF  }
0x182: {  	v0 =	vsel vm12, v0, v3  }
0x183: {  	v0 =	vsel vm13, v0, v2;
	v1, _, _ =	vpop (xrf2)  }
0x184: {  	s25 =	sadd.s32 $0x10, s25;
	v0 =	vsel vm14, v0, v1  }
0x185: {  	s24 =	sshra.s32 s26, $0x2;
	[tilespmem:s25+$0x0] =	vst v0  }
0x186: {  	v1 =	vld [tilespmem:s24+$0x6220]  }
0x187: {  	v2 =	vld [tilespmem:s24+$0x4E20]  }
0x188: {  	v3 =	vld [tilespmem:s24+$0x6210]  }
0x189: {  	v5 =	vld [tilespmem:s24+$0x4E10]  }
0x18a: {  	v0 =	vld [tilespmem:s24+$0x61E0]  }
0x18b: {  	v10 =	vld [tilespmem:s24+$0x4DE0]  }
0x18c: {  	v14 =	vld [tilespmem:s24+$0x61F0]  }
0x18d: {  	v15 =	vld [tilespmem:s24+$0x4DF0]  }
0x18e: {  	v16 =	vld [tilespmem:s24+$0x6200]  }
0x18f: {  	v18 =	vld [tilespmem:s24+$0x4E00]  }
0x190: {  	v4 =	vld [tilespmem:s24+$0x61A0]  }
0x191: {  	v6 =	vld [tilespmem:s24+$0x4DA0]  }
0x192: {  	v17 =	vld [tilespmem:s24+$0x61D0]  }
0x193: {  	v26 =	vld [tilespmem:s24+$0x4DD0]  }
0x194: {  	v27 =	vld [tilespmem:s24+$0x6160]  }
0x195: {  	v31 =	vld [tilespmem:s24+$0x4D60]  }
0x196: {  	v7 =	vld [tilespmem:s24+$0x6190]  }
0x197: {  	v8 =	vld [tilespmem:s24+$0x4D90]  }
0x198: {  	v19 =	vld [tilespmem:s24+$0x61B0]  }
0x199: {  	v30 =	vld [tilespmem:s24+$0x4DB0]  }
0x19a: {  	v32 =	vld [tilespmem:s24+$0x61C0]  }
0x19b: {  	v33 =	vld [tilespmem:s24+$0x4DC0]  }
0x19c: {  	v34 =	vld [tilespmem:s24+$0x6120]  }
0x19d: {  	v35 =	vld [tilespmem:s24+$0x4D20]  }
0x19e: {  	v36 =	vld [tilespmem:s24+$0x6150]  }
0x19f: {  	v37 =	vld [tilespmem:s24+$0x4D50]  }
0x1a0: {  	v38 =	vld [tilespmem:s24+$0x6170]  }
0x1a1: {  	v39 =	vld [tilespmem:s24+$0x4D70]  }
0x1a2: {  	v40 =	vld [tilespmem:s24+$0x6180]  }
0x1a3: {  	v41 =	vld [tilespmem:s24+$0x4D80]  }
0x1a4: {  	v9 =	vld [tilespmem:s24+$0x60E0]  }
0x1a5: {  	v13 =	vld [tilespmem:s24+$0x4CE0]  }
0x1a6: {  	v42 =	vld [tilespmem:s24+$0x6110]  }
0x1a7: {  	v43 =	vld [tilespmem:s24+$0x4D10]  }
0x1a8: {  	v44 =	vld [tilespmem:s24+$0x6130]  }
0x1a9: {  	v45 =	vld [tilespmem:s24+$0x4D30]  }
0x1aa: {  	v46 =	vld [tilespmem:s24+$0x6140]  }
0x1ab: {  	v47 =	vld [tilespmem:s24+$0x4D40]  }
0x1ac: {  	v23 =	vld [tilespmem:s24+$0x60A0]  }
0x1ad: {  	v28 =	vld [tilespmem:s24+$0x4CA0]  }
0x1ae: {  	v11 =	vld [tilespmem:s24+$0x60D0]  }
0x1af: {  	v12 =	vld [tilespmem:s24+$0x4CD0]  }
0x1b0: {  	v48 =	vld [tilespmem:s24+$0x60F0]  }
0x1b1: {  	v49 =	vld [tilespmem:s24+$0x4CF0]  }
0x1b2: {  	v50 =	vld [tilespmem:s24+$0x6100]  }
0x1b3: {  	v51 =	vld [tilespmem:s24+$0x4D00]  }
0x1b4: {  	v24 =	vld [tilespmem:s24+$0x6060]  }
0x1b5: {  	v29 =	vld [tilespmem:s24+$0x4C60]  }
0x1b6: {  	v20 =	vld [tilespmem:s24+$0x6090]  }
0x1b7: {  	v0 =	vmul.bf16 v0, v10;
	v25 =	vld [tilespmem:s24+$0x4C90]  }
0x1b8: {  	v21 =	vld [tilespmem:s24+$0x60B0]  }
0x1b9: {  	v52 =	vunpack.i.u.bf16.f32 v0;
	v0 =	vunpack.i.l.bf16.f32 v0;
	v14 =	vmul.bf16 v14, v15;
	v22 =	vld [tilespmem:s24+$0x4CB0]  }
0x1ba: {  	v52 =	vadd.f32 v0, v52;
	v15 =	vmul.bf16 v19, v30;
	v10 =	vld [tilespmem:s24+$0x60C0]  }
0x1bb: {  	v0 =	vunpack.i.u.bf16.f32 v14;
	v30 =	vmul.bf16 v32, v33;
	v32 =	vunpack.i.l.bf16.f32 v14;
	v19 =	vld [tilespmem:s24+$0x4CC0]  }
0x1bc: {  	v26 =	vmul.bf16 v17, v26;
	v33 =	vunpack.i.u.bf16.f32 v15;
	v0 =	vadd.f32 v32, v0;
	v14 =	vld [tilespmem:s24+$0x6020]  }
0x1bd: {  	v15 =	vunpack.i.l.bf16.f32 v15;
	v32 =	vunpack.i.u.bf16.f32 v30;
	v53 =	vunpack.i.l.bf16.f32 v30;
	v17 =	vld [tilespmem:s24+$0x4C20]  }
0x1be: {  	v15 =	vadd.f32 v15, v33;
	v32 =	vadd.f32 v53, v32;
	v30 =	vld [tilespmem:s24+$0x6050]  }
0x1bf: {  	v16 =	vmul.bf16 v16, v18;
	v53 =	vunpack.i.u.bf16.f32 v26;
	v26 =	vunpack.i.l.bf16.f32 v26;
	v33 =	vld [tilespmem:s24+$0x4C50]  }
0x1c0: {  	v1 =	vmul.bf16 v1, v2;
	v18 =	vadd.f32 v26, v53;
	v15 =	vadd.f32 v32, v15;
	v54 =	vld [tilespmem:s24+$0x6070]  }
0x1c1: {  	v2 =	vunpack.i.u.bf16.f32 v16;
	v16 =	vunpack.i.l.bf16.f32 v16;
	v26 =	vmul.bf16 v27, v31;
	v32 =	vld [tilespmem:s24+$0x4C70]  }
0x1c2: {  	v3 =	vmul.bf16 v3, v5;
	v2 =	vadd.f32 v16, v2;
	v15 =	vadd.f32 v18, v15;
	v31 =	vld [tilespmem:s24+$0x6080]  }
0x1c3: {  	v5 =	vmul.bf16 v34, v35;
	v16 =	vunpack.i.u.bf16.f32 v26;
	v18 =	vunpack.i.l.bf16.f32 v26;
	v53 =	vld [tilespmem:s24+$0x4C80]  }
0x1c4: {  	v34 =	vmul.bf16 v36, v37;
	v35 =	vadd.f32 v18, v16;
	v15 =	vadd.f32 v52, v15;
	v26 =	vld [tilespmem:s24+$0x5FE0]  }
0x1c5: {  	v36 =	vmul.bf16 v38, v39;
	v18 =	vunpack.i.u.bf16.f32 v5;
	v5 =	vunpack.i.l.bf16.f32 v5;
	v27 =	vld [tilespmem:s24+$0x4BE0]  }
0x1c6: {  	v37 =	vadd.f32 v5, v18;
	v5 =	vunpack.i.u.bf16.f32 v34;
	v34 =	vunpack.i.l.bf16.f32 v34;
	v16 =	vld [tilespmem:s24+$0x6010]  }
0x1c7: {  	v38 =	vunpack.i.u.bf16.f32 v36;
	v36 =	vunpack.i.l.bf16.f32 v36;
	v39 =	vmul.bf16 v40, v41;
	v18 =	vld [tilespmem:s24+$0x4C10]  }
0x1c8: {  	v4 =	vmul.bf16 v4, v6;
	v34 =	vadd.f32 v34, v5;
	v5 =	vadd.f32 v36, v38;
	v40 =	vld [tilespmem:s24+$0x6030]  }
0x1c9: {  	v6 =	vunpack.i.u.bf16.f32 v39;
	v39 =	vunpack.i.l.bf16.f32 v39;
	v38 =	vmul.bf16 v44, v45;
	v36 =	vld [tilespmem:s24+$0x4C30]  }
0x1ca: {  	v6 =	vadd.f32 v39, v6;
	v42 =	vmul.bf16 v42, v43;
	v43 =	vmul.bf16 v46, v47;
	v41 =	vld [tilespmem:s24+$0x6040]  }
0x1cb: {  	v45 =	vunpack.i.u.bf16.f32 v38;
	v38 =	vunpack.i.l.bf16.f32 v38;
	v44 =	vmul.bf16 v48, v49;
	v39 =	vld [tilespmem:s24+$0x4C40]  }
0x1cc: {  	v48 =	vunpack.i.u.bf16.f32 v43;
	v43 =	vunpack.i.l.bf16.f32 v43;
	v47 =	vmul.bf16 v50, v51;
	v46 =	vld [tilespmem:s24+$0x5FA0]  }
0x1cd: {  	v38 =	vadd.f32 v38, v45;
	v43 =	vadd.f32 v43, v48;
	v50 =	vunpack.i.u.bf16.f32 v44;
	v49 =	vld [tilespmem:s24+$0x4BA0]  }
0x1ce: {  	v44 =	vunpack.i.l.bf16.f32 v44;
	v48 =	vunpack.i.u.bf16.f32 v47;
	v47 =	vunpack.i.l.bf16.f32 v47;
	v45 =	vld [tilespmem:s24+$0x5FD0]  }
0x1cf: {  	v44 =	vadd.f32 v44, v50;
	v47 =	vadd.f32 v47, v48;
	v48 =	vunpack.i.u.bf16.f32 v42;
	v51 =	vld [tilespmem:s24+$0x4BD0]  }
0x1d0: {  	v23 =	vmul.bf16 v23, v28;
	v28 =	vunpack.i.l.bf16.f32 v42;
	v38 =	vadd.f32 v43, v38;
	v50 =	vld [tilespmem:s24+$0x5FF0]  }
0x1d1: {  	v7 =	vmul.bf16 v7, v8;
	v28 =	vadd.f32 v28, v48;
	v43 =	vadd.f32 v47, v44;
	v42 =	vld [tilespmem:s24+$0x4BF0]  }
0x1d2: {  	v8 =	vmul.bf16 v9, v13;
	v9 =	vadd.f32 v34, v38;
	v47 =	vunpack.i.u.bf16.f32 v23;
	v44 =	vld [tilespmem:s24+$0x6000]  }
0x1d3: {  	v29 =	vmul.bf16 v24, v29;
	v23 =	vunpack.i.l.bf16.f32 v23;
	v28 =	vadd.f32 v28, v43;
	v13 =	vld [tilespmem:s24+$0x4C00]  }
0x1d4: {  	v34 =	vmul.bf16 v20, v25;
	v20 =	vadd.f32 v35, v9;
	v38 =	vadd.f32 v23, v47;
	v24 =	vld [tilespmem:s24+$0x5F60]  }
0x1d5: {  	v9 =	vunpack.i.u.bf16.f32 v29;
	v29 =	vunpack.i.l.bf16.f32 v29;
	v23 =	vadd.f32 v37, v28;
	v25 =	vld [tilespmem:s24+$0x4B60]  }
0x1d6: {  	v35 =	vunpack.i.u.bf16.f32 v34;
	v34 =	vunpack.i.l.bf16.f32 v34;
	v32 =	vmul.bf16 v54, v32;
	v28 =	vld [tilespmem:s24+$0x5F90]  }
0x1d7: {  	v29 =	vadd.f32 v29, v9;
	v9 =	vmul.bf16 v31, v53;
	v31 =	vadd.f32 v34, v35;
	v37 =	vld [tilespmem:s24+$0x4B90]  }
0x1d8: {  	v21 =	vmul.bf16 v21, v22;
	v30 =	vmul.bf16 v30, v33;
	v33 =	vunpack.i.u.bf16.f32 v32;
	v34 =	vld [tilespmem:s24+$0x5FB0]  }
0x1d9: {  	v32 =	vunpack.i.l.bf16.f32 v32;
	v35 =	vunpack.i.u.bf16.f32 v9;
	v9 =	vunpack.i.l.bf16.f32 v9;
	v22 =	vld [tilespmem:s24+$0x4BB0]  }
0x1da: {  	v32 =	vadd.f32 v32, v33;
	v9 =	vadd.f32 v9, v35;
	v36 =	vmul.bf16 v40, v36;
	v43 =	vld [tilespmem:s24+$0x5FC0]  }
0x1db: {  	v10 =	vmul.bf16 v10, v19;
	v35 =	vmul.bf16 v41, v39;
	v39 =	vunpack.i.u.bf16.f32 v21;
	v33 =	vld [tilespmem:s24+$0x4BC0]  }
0x1dc: {  	v47 =	vunpack.i.u.bf16.f32 v30;
	v9 =	vadd.f32 v9, v32;
	v41 =	vunpack.i.u.bf16.f32 v36;
	v40 =	vld [tilespmem:s24+$0x5F20]  }
0x1dd: {  	v36 =	vunpack.i.l.bf16.f32 v36;
	v48 =	vunpack.i.u.bf16.f32 v35;
	v35 =	vunpack.i.l.bf16.f32 v35;
	v32 =	vld [tilespmem:s24+$0x4B20]  }
0x1de: {  	v30 =	vunpack.i.l.bf16.f32 v30;
	v36 =	vadd.f32 v36, v41;
	v35 =	vadd.f32 v35, v48;
	v19 =	vld [tilespmem:s24+$0x5F50]  }
0x1df: {  	v30 =	vadd.f32 v30, v47;
	v47 =	vunpack.i.u.bf16.f32 v10;
	v21 =	vunpack.i.l.bf16.f32 v21;
	v41 =	vld [tilespmem:s24+$0x4B50]  }
0x1e0: {  	v10 =	vunpack.i.l.bf16.f32 v10;
	v31 =	vadd.f32 v31, v9;
	v35 =	vadd.f32 v35, v36;
	v48 =	vld [tilespmem:s24+$0x5F70]  }
0x1e1: {  	v10 =	vadd.f32 v10, v47;
	v26 =	vmul.bf16 v26, v27;
	v9 =	vadd.f32 v21, v39;
	v36 =	vld [tilespmem:s24+$0x4B70]  }
0x1e2: {  	v11 =	vmul.bf16 v11, v12;
	v27 =	vadd.f32 v30, v35;
	v30 =	vadd.f32 v38, v31;
	v21 =	vld [tilespmem:s24+$0x5F80]  }
0x1e3: {  	v12 =	vmul.bf16 v46, v49;
	v35 =	vunpack.i.u.bf16.f32 v26;
	v26 =	vunpack.i.l.bf16.f32 v26;
	v31 =	vld [tilespmem:s24+$0x4B80]  }
0x1e4: {  	v39 =	vmul.bf16 v45, v51;
	v26 =	vadd.f32 v26, v35;
	v27 =	vadd.f32 v29, v27;
	v38 =	vld [tilespmem:s24+$0x5EE0]  }
0x1e5: {  	v42 =	vmul.bf16 v50, v42;
	v35 =	vunpack.i.u.bf16.f32 v12;
	v12 =	vunpack.i.l.bf16.f32 v12;
	v29 =	vld [tilespmem:s24+$0x4AE0]  }
0x1e6: {  	v35 =	vadd.f32 v12, v35;
	v12 =	vunpack.i.u.bf16.f32 v39;
	v39 =	vunpack.i.l.bf16.f32 v39;
	v45 =	vld [tilespmem:s24+$0x5F10]  }
0x1e7: {  	v47 =	vunpack.i.u.bf16.f32 v42;
	v42 =	vunpack.i.l.bf16.f32 v42;
	v44 =	vmul.bf16 v44, v13;
	v46 =	vld [tilespmem:s24+$0x4B10]  }
0x1e8: {  	v13 =	vadd.f32 v42, v47;
	v39 =	vadd.f32 v39, v12;
	v12 =	vmul.bf16 v14, v17;
	v49 =	vld [tilespmem:s24+$0x5F30]  }
0x1e9: {  	v14 =	vunpack.i.u.bf16.f32 v44;
	v17 =	vmul.bf16 v34, v22;
	v22 =	vunpack.i.l.bf16.f32 v44;
	v42 =	vld [tilespmem:s24+$0x4B30]  }
0x1ea: {  	v28 =	vmul.bf16 v28, v37;
	v14 =	vadd.f32 v22, v14;
	v33 =	vmul.bf16 v43, v33;
	v34 =	vld [tilespmem:s24+$0x5F40]  }
0x1eb: {  	v22 =	vmul.bf16 v48, v36;
	v36 =	vunpack.i.u.bf16.f32 v17;
	v17 =	vunpack.i.l.bf16.f32 v17;
	v37 =	vld [tilespmem:s24+$0x4B40]  }
0x1ec: {  	v21 =	vmul.bf16 v21, v31;
	v31 =	vunpack.i.u.bf16.f32 v33;
	v33 =	vunpack.i.l.bf16.f32 v33;
	v43 =	vld [tilespmem:s24+$0x5E60]  }
0x1ed: {  	v17 =	vadd.f32 v17, v36;
	v47 =	vunpack.i.u.bf16.f32 v22;
	v31 =	vadd.f32 v33, v31;
	v44 =	vld [tilespmem:s24+$0x4A60]  }
0x1ee: {  	v22 =	vunpack.i.l.bf16.f32 v22;
	v33 =	vunpack.i.u.bf16.f32 v21;
	v21 =	vunpack.i.l.bf16.f32 v21;
	v36 =	vld [tilespmem:s24+$0x5ED0]  }
0x1ef: {  	v22 =	vadd.f32 v22, v47;
	v21 =	vadd.f32 v21, v33;
	v33 =	vunpack.i.u.bf16.f32 v28;
	v48 =	vld [tilespmem:s24+$0x4AD0]  }
0x1f0: {  	v32 =	vmul.bf16 v40, v32;
	v28 =	vunpack.i.l.bf16.f32 v28;
	v31 =	vadd.f32 v31, v17;
	v47 =	vld [tilespmem:s24+$0x5EF0]  }
0x1f1: {  	v17 =	vmul.bf16 v16, v18;
	v21 =	vadd.f32 v21, v22;
	v22 =	vadd.f32 v28, v33;
	v40 =	vld [tilespmem:s24+$0x4AF0]  }
0x1f2: {  	v18 =	vmul.bf16 v24, v25;
	v28 =	vunpack.i.u.bf16.f32 v32;
	v24 =	vadd.f32 v39, v31;
	v16 =	vld [tilespmem:s24+$0x5F00]  }
0x1f3: {  	v29 =	vmul.bf16 v38, v29;
	v25 =	vunpack.i.l.bf16.f32 v32;
	v21 =	vadd.f32 v22, v21;
	v31 =	vld [tilespmem:s24+$0x4B00]  }
0x1f4: {  	v32 =	vmul.bf16 v45, v46;
	v25 =	vadd.f32 v25, v28;
	v22 =	vadd.f32 v26, v24;
	v50 =	vld [tilespmem:s24+$0x5E50]  }
0x1f5: {  	v24 =	vunpack.i.u.bf16.f32 v29;
	v26 =	vunpack.i.l.bf16.f32 v29;
	v21 =	vadd.f32 v35, v21;
	v45 =	vld [tilespmem:s24+$0x4A50];
	(xrf2) =	vadd.scan.msk.f32 $0xffff, v15  }
0x1f6: {  	v28 =	vunpack.i.u.bf16.f32 v32;
	v29 =	vunpack.i.l.bf16.f32 v32;
	v32 =	vmul.bf16 v49, v42;
	v15 =	vld [tilespmem:s24+$0x5EB0]  }
0x1f7: {  	v19 =	vmul.bf16 v19, v41;
	v24 =	vadd.f32 v26, v24;
	v42 =	vadd.f32 v29, v28;
	v35 =	vld [tilespmem:s24+$0x4AB0]  }
0x1f8: {  	v28 =	vunpack.i.u.bf16.f32 v32;
	v29 =	vunpack.i.l.bf16.f32 v32;
	v32 =	vmul.bf16 v34, v37;
	v26 =	vld [tilespmem:s24+$0x5EC0];
	(xrf2) =	vadd.scan.msk.f32 $0xffff, v20  }
0x1f9: {  	v33 =	vmul.bf16 v43, v44;
	v34 =	vmul.bf16 v47, v40;
	v20 =	vadd.f32 v29, v28;
	v37 =	vld [tilespmem:s24+$0x4AC0]  }
0x1fa: {  	v38 =	vunpack.i.u.bf16.f32 v32;
	v39 =	vunpack.i.l.bf16.f32 v32;
	v16 =	vmul.bf16 v16, v31;
	v29 =	vld [tilespmem:s24+$0x5E90]  }
0x1fb: {  	v40 =	vunpack.i.l.bf16.f32 v33;
	v28 =	vunpack.i.u.bf16.f32 v33;
	v41 =	vunpack.i.u.bf16.f32 v34;
	v31 =	vld [tilespmem:s24+$0x4A90];
	(xrf2) =	vadd.scan.msk.f32 $0xffff, v23  }
0x1fc: {  	v23 =	vunpack.i.l.bf16.f32 v34;
	v34 =	vunpack.i.u.bf16.f32 v16;
	v16 =	vunpack.i.l.bf16.f32 v16;
	v32 =	vld [tilespmem:s24+$0x5E30]  }
0x1fd: {  	v43 =	vmul.bf16 v15, v35;
	v23 =	vadd.f32 v23, v41;
	v16 =	vadd.f32 v16, v34;
	v33 =	vld [tilespmem:s24+$0x4A30]  }
.Ltmp0:
0x1fe: {  	v28 =	vadd.f32 v40, v28;
	v34 =	vld [tilespmem:s24+$0x5E40];
	v37 =	vmul.bf16 v26, v37;
	v26 =	vadd.f32 v39, v38;
	(xrf2) =	vadd.scan.msk.f32 $0xffff, v30;
	(pc) =	sbr.rel @p1 .LBB2_3-.Ltmp0, $4  }
0x1ff: {  	v40 =	vmul.bf16 v36, v48;
	v38 =	vunpack.i.u.bf16.f32 v43;
	v44 =	vadd.f32 v16, v23;
	v35 =	vld [tilespmem:s24+$0x4A40];
	v15, _, _ =	vpop (xrf2)  }
0x200: {  	v36 =	vunpack.i.l.bf16.f32 v43;
	v23 =	vld [tilespmem:s24+$0x5E70];
	v39 =	vunpack.i.u.bf16.f32 v37;
	v41 =	vunpack.i.l.bf16.f32 v37  }
0x201: {  	v37 =	vadd.f32 v36, v38;
	v30 =	vld [tilespmem:s24+$0x4A70];
	v38 =	vadd.f32 v41, v39;
	v39 =	vunpack.i.u.bf16.f32 v40;
	(xrf2) =	vadd.scan.msk.f32 $0xffff, v27  }
0x202: {  	s26 =	sadd.s32 $0x1000, s26;
	v36 =	vmul.bf16 v50, v45;
	v41 =	vunpack.i.l.bf16.f32 v40;
	v40 =	vadd.f32 v42, v44;
	v27 =	vld [tilespmem:s24+$0x5E80];
	v16, _, _ =	vpop (xrf2)  }
0x203: {  	v32 =	vmul.bf16 v32, v33;
	v49 =	vld [tilespmem:s24+$0x4A80];
	v37 =	vadd.f32 v38, v37;
	v50 =	vadd.f32 v41, v39  }
0x204: {  	v29 =	vmul.bf16 v29, v31;
	v20 =	vadd.f32 v26, v20;
	v34 =	vmul.bf16 v34, v35  }
0x205: {  	v54 =	vld [tilespmem:s24+$0x5EA0];
	v51 =	vunpack.i.u.bf16.f32 v36;
	v25 =	vadd.f32 v25, v40;
	v53 =	vunpack.i.l.bf16.f32 v36  }
0x206: {  	v56 =	vld [tilespmem:s24+$0x4AA0];
	v52 =	vunpack.i.u.bf16.f32 v32;
	v37 =	vadd.f32 v50, v37;
	v32 =	vunpack.i.l.bf16.f32 v32  }
0x207: {  	v55 =	vunpack.i.u.bf16.f32 v34;
	v34 =	vunpack.i.l.bf16.f32 v34;
	v23 =	vmul.bf16 v23, v30  }
0x208: {  	v32 =	vadd.f32 v32, v52;
	v34 =	vadd.f32 v34, v55;
	v27 =	vmul.bf16 v27, v49  }
0x209: {  	v30 =	vadd.f32 v53, v51;
	v57 =	vunpack.i.u.bf16.f32 v23;
	v23 =	vunpack.i.l.bf16.f32 v23  }
0x20a: {  	v31 =	vadd.f32 v34, v32;
	v33 =	vunpack.i.u.bf16.f32 v27;
	v27 =	vunpack.i.l.bf16.f32 v27  }
0x20b: {  	v58 =	vmul.bf16 v54, v56;
	v23 =	vadd.f32 v23, v57;
	v27 =	vadd.f32 v27, v33  }
0x20c: {  	v30 =	vadd.f32 v30, v31;
	v31 =	vunpack.i.u.bf16.f32 v29;
	v29 =	vunpack.i.l.bf16.f32 v29  }
0x20d: {  	v23 =	vadd.f32 v27, v23;
	v27 =	vadd.f32 v29, v31;
	v29 =	vunpack.i.u.bf16.f32 v19  }
0x20e: {  	(xrf2) =	vadd.scan.msk.f32 $0xffff, v22;
	v22 =	vadd.f32 v28, v30;
	v28 =	vunpack.i.u.bf16.f32 v58;
	v30 =	vunpack.i.l.bf16.f32 v58  }
0x20f: {  	(xrf2) =	vadd.scan.msk.f32 $0xffff, v21;
	v19 =	vunpack.i.l.bf16.f32 v19;
	v21 =	vadd.f32 v27, v23;
	v23 =	vadd.f32 v30, v28  }
0x210: {  	(xrf2) =	vadd.scan.msk.f32 $0xffff, v25;
	v25 =	vunpack.i.u.bf16.f32 v17;
	v24 =	vadd.f32 v24, v37;
	v19 =	vadd.f32 v19, v29  }
0x211: {  	v21 =	vadd.f32 v23, v21;
	v23 =	vunpack.i.u.bf16.f32 v18;
	v18 =	vunpack.i.l.bf16.f32 v18  }
0x212: {  	v17 =	vunpack.i.l.bf16.f32 v17;
	v19 =	vadd.f32 v19, v20;
	v18 =	vadd.f32 v18, v23  }
0x213: {  	v13 =	vadd.f32 v14, v13;
	v14 =	vadd.f32 v17, v25;
	v17 =	vunpack.i.u.bf16.f32 v11  }
0x214: {  	(xrf2) =	vadd.scan.msk.f32 $0xffff, v24;
	v18 =	vadd.f32 v18, v19;
	v19 =	vunpack.i.u.bf16.f32 v12;
	v12 =	vunpack.i.l.bf16.f32 v12  }
0x215: {  	v11 =	vunpack.i.l.bf16.f32 v11;
	v13 =	vadd.f32 v14, v13;
	(xrf2) =	vadd.scan.msk.f32 $0xffff, v22;
	v12 =	vadd.f32 v12, v19  }
0x216: {  	v9 =	vadd.f32 v10, v9;
	v10 =	vadd.f32 v11, v17;
	v11 =	vunpack.i.u.bf16.f32 v7;
	v20, _, _ =	vpop (xrf2);
	(xrf2) =	vadd.scan.msk.f32 $0xffff, v21  }
0x217: {  	v14, _, _ =	vpop (xrf2);
	(xrf2) =	vadd.scan.msk.f32 $0xffff, v18;
	v12 =	vadd.f32 v12, v13;
	v13 =	vunpack.i.u.bf16.f32 v8;
	v8 =	vunpack.i.l.bf16.f32 v8  }
0x218: {  	v7 =	vunpack.i.l.bf16.f32 v7;
	v9 =	vadd.f32 v10, v9;
	v8 =	vadd.f32 v8, v13  }
0x219: {  	v5 =	vadd.f32 v6, v5;
	v6 =	vadd.f32 v7, v11  }
0x21a: {  	v17, _, _ =	vpop (xrf2);
	v8 =	vadd.f32 v8, v9;
	v9 =	vunpack.i.u.bf16.f32 v4;
	v4 =	vunpack.i.l.bf16.f32 v4  }
0x21b: {  	v5 =	vadd.f32 v6, v5;
	v18, _, _ =	vpop (xrf2);
	v4 =	vadd.f32 v4, v9  }
0x21c: {  	v10, _, _ =	vpop (xrf2);
	(xrf2) =	vadd.scan.msk.f32 $0xffff, v12  }
0x21d: {  	v11, _, _ =	vpop (xrf2);
	v4 =	vadd.f32 v4, v5  }
0x21e: {  	v12, _, _ =	vpop (xrf2)  }
0x21f: {  	v0 =	vadd.f32 v2, v0;
	v7 =	vunpack.i.u.bf16.f32 v3;
	v3 =	vunpack.i.l.bf16.f32 v3;
	v6, _, _ =	vpop (xrf2);
	(xrf2) =	vadd.scan.msk.f32 $0xffff, v8  }
0x220: {  	v2 =	vunpack.i.u.bf16.f32 v1;
	v1 =	vunpack.i.l.bf16.f32 v1;
	v3 =	vadd.f32 v3, v7;
	v5, _, _ =	vpop (xrf2)  }
0x221: {  	v1 =	vadd.f32 v1, v2;
	v6 =	vbroadcast v6, $0xF;
	v5 =	vbroadcast v5, $0xF;
	(xrf2) =	vadd.scan.msk.f32 $0xffff, v4;
	v4, _, _ =	vpop (xrf2)  }
0x222: {  	v0 =	vadd.f32 v3, v0;
	v7 =	vbroadcast v12, $0xF;
	v4 =	vbroadcast v4, $0xF  }
0x223: {  	v3 =	vbroadcast v11, $0xF;
	v2 =	vsel vm0, v6, v5  }
0x224: {  	v0 =	vadd.f32 v1, v0;
	v2 =	vsel vm1, v2, v7  }
0x225: {  	v1 =	vsel vm2, v2, v3;
	v2 =	vbroadcast v10, $0xF;
	v3 =	vbroadcast v18, $0xF  }
0x226: {  	v1 =	vsel vm3, v1, v4;
	v4, _, _ =	vpop (xrf2)  }
0x227: {  	(xrf2) =	vadd.scan.msk.f32 $0xffff, v0;
	v0 =	vsel vm4, v1, v2;
	v1 =	vbroadcast v4, $0xF  }
0x228: {  	v2 =	vbroadcast v17, $0xF;
	v0 =	vsel vm5, v0, v3  }
0x229: {  	v3, _, _ =	vpop (xrf2);
	v0 =	vsel vm6, v0, v1;
	v1 =	vbroadcast v14, $0xF  }
0x22a: {  	v0 =	vsel vm7, v0, v2;
	v2 =	vbroadcast v3, $0xF  }
0x22b: {  	v0 =	vsel vm8, v0, v1;
	v1 =	vbroadcast v20, $0xF  }
0x22c: {  	v3, _, _ =	vpop (xrf2);
	v0 =	vsel vm9, v0, v2  }
0x22d: {  	v2 =	vbroadcast v16, $0xF;
	v0 =	vsel vm10, v0, v1;
	v1 =	vbroadcast v3, $0xF;
	_ =	sdelay $0x1  }
0x22e: {  	v0 =	vsel vm11, v0, v2;
	v2 =	vbroadcast v15, $0xF  }
0x22f: {  	v0 =	vsel vm12, v0, v1  }
0x230: {  	v0 =	vsel vm13, v0, v2;
	v1, _, _ =	vpop (xrf2)  }
0x231: {  	s28 =	sadd.s32 $0x10, s25;
	v0 =	vsel vm14, v0, v1  }
0x232: {  	s29 =	sadd.s32 $0xA0, s23;
	[tilespmem:s28+$0x0] =	vst v0  }
0x233: {  	[tilespmem:s12], [sflag:$0x1] =	stream.indirect.gather [spmem:s1], $0x40, s29, s11, $0xb8;
	[tilespmem:$0x16170] =	vst v63  }
0x234: {  	s30 =	sadd.s32 $0x27B0, s23  }
0x235: {  	[tilespmem:s13], [sflag:$0x1] =	stream.indirect.gather [spmem:s1], $0x40, s30, s11, $0xb8;
	[tilespmem:$0x16170] =	vst v63  }
0x236: {  	_ =	swait.ge [sflag:s17], $0x1400  }
0x237: {  	[sflag:s17] =	ssyncset.done $0x0  }
0x238: {  	[sflag:s17] =	ssyncadd.s32 $0xFFFFEC00  }
0x239: {  	_ =	swait.ge [sflag:s17], $0x1400  }
0x23a: {  	[sflag:s17] =	ssyncset.done $0x0  }
0x23b: {  	s31 =	simm.s32 $0x3F0;
	[sflag:s17] =	ssyncadd.s32 $0xFFFFEC00  }
0x23c: {  	v1 =	vld [tilespmem:s31+$0x8A20]  }
0x23d: {  	v2 =	vld [tilespmem:s31+$0x7620]  }
0x23e: {  	v3 =	vld [tilespmem:s31+$0x8A10]  }
0x23f: {  	v4 =	vld [tilespmem:s31+$0x7610]  }
0x240: {  	v0 =	vld [tilespmem:s31+$0x89E0]  }
0x241: {  	v5 =	vld [tilespmem:s31+$0x75E0]  }
0x242: {  	v6 =	vld [tilespmem:s31+$0x89F0]  }
0x243: {  	v9 =	vld [tilespmem:s31+$0x75F0]  }
0x244: {  	v10 =	vld [tilespmem:s31+$0x8A00]  }
0x245: {  	v11 =	vld [tilespmem:s31+$0x7600]  }
0x246: {  	v20 =	vld [tilespmem:s31+$0x89A0]  }
0x247: {  	v21 =	vld [tilespmem:s31+$0x75A0]  }
0x248: {  	v17 =	vld [tilespmem:s31+$0x89D0]  }
0x249: {  	v18 =	vld [tilespmem:s31+$0x75D0]  }
0x24a: {  	v19 =	vld [tilespmem:s31+$0x8960]  }
0x24b: {  	v22 =	vld [tilespmem:s31+$0x7560]  }
0x24c: {  	v7 =	vld [tilespmem:s31+$0x8990]  }
0x24d: {  	v8 =	vld [tilespmem:s31+$0x7590]  }
0x24e: {  	v13 =	vld [tilespmem:s31+$0x89B0]  }
0x24f: {  	v15 =	vld [tilespmem:s31+$0x75B0]  }
0x250: {  	v23 =	vld [tilespmem:s31+$0x89C0]  }
0x251: {  	v24 =	vld [tilespmem:s31+$0x75C0]  }
0x252: {  	v25 =	vld [tilespmem:s31+$0x8920]  }
0x253: {  	v26 =	vld [tilespmem:s31+$0x7520]  }
0x254: {  	v27 =	vld [tilespmem:s31+$0x8950]  }
0x255: {  	v28 =	vld [tilespmem:s31+$0x7550]  }
0x256: {  	v29 =	vld [tilespmem:s31+$0x8970]  }
0x257: {  	v30 =	vld [tilespmem:s31+$0x7570]  }
0x258: {  	v31 =	vld [tilespmem:s31+$0x8980]  }
0x259: {  	v32 =	vld [tilespmem:s31+$0x7580]  }
0x25a: {  	v33 =	vld [tilespmem:s31+$0x88E0]  }
0x25b: {  	v34 =	vld [tilespmem:s31+$0x74E0]  }
0x25c: {  	v59 =	vld [tilespmem:s31+$0x8910]  }
0x25d: {  	v60 =	vld [tilespmem:s31+$0x7510]  }
0x25e: {  	v61 =	vld [tilespmem:s31+$0x8930]  }
0x25f: {  	v62 =	vld [tilespmem:s31+$0x7530]  }
0x260: {  	v63 =	vld [tilespmem:s31+$0x8940]  }
0x261: {  	v57 =	vld [tilespmem:s31+$0x7540]  }
0x262: {  	v58 =	vld [tilespmem:s31+$0x88A0]  }
0x263: {  	v42 =	vld [tilespmem:s31+$0x74A0]  }
0x264: {  	v14 =	vld [tilespmem:s31+$0x88D0]  }
0x265: {  	v16 =	vld [tilespmem:s31+$0x74D0]  }
0x266: {  	v43 =	vld [tilespmem:s31+$0x88F0]  }
0x267: {  	v44 =	vld [tilespmem:s31+$0x74F0]  }
0x268: {  	v45 =	vld [tilespmem:s31+$0x8900]  }
0x269: {  	v46 =	vld [tilespmem:s31+$0x7500]  }
0x26a: {  	v47 =	vld [tilespmem:s31+$0x8860]  }
0x26b: {  	v48 =	vld [tilespmem:s31+$0x7460]  }
0x26c: {  	v49 =	vld [tilespmem:s31+$0x8890]  }
0x26d: {  	v50 =	vld [tilespmem:s31+$0x7490]  }
0x26e: {  	v51 =	vld [tilespmem:s31+$0x88B0];
	v0 =	vmul.bf16 v0, v5;
	v6 =	vmul.bf16 v6, v9  }
0x26f: {  	v37 =	vld [tilespmem:s31+$0x87A0];
	v9 =	vmul.bf16 v13, v15;
	v23 =	vmul.bf16 v23, v24  }
0x270: {  	v40 =	vld [tilespmem:s31+$0x73A0];
	v17 =	vmul.bf16 v17, v18;
	v10 =	vmul.bf16 v10, v11  }
0x271: {  	v52 =	vld [tilespmem:s31+$0x74B0];
	v1 =	vmul.bf16 v1, v2;
	v11 =	vmul.bf16 v19, v22  }
0x272: {  	v12 =	vld [tilespmem:s31+$0x88C0];
	v3 =	vmul.bf16 v3, v4;
	v4 =	vmul.bf16 v25, v26  }
0x273: {  	v55 =	vld [tilespmem:s31+$0x7480];
	v41 =	vmul.bf16 v58, v42;
	v7 =	vmul.bf16 v7, v8  }
0x274: {  	v13 =	vld [tilespmem:s31+$0x74C0];
	v8 =	vmul.bf16 v33, v34;
	v58 =	vmul.bf16 v47, v48  }
0x275: {  	v15 =	vld [tilespmem:s31+$0x8820];
	v14 =	vmul.bf16 v14, v16;
	v16 =	vmul.bf16 v37, v40  }
0x276: {  	v22 =	vld [tilespmem:s31+$0x8880];
	v5 =	vunpack.i.u.bf16.f32 v0;
	v0 =	vunpack.i.l.bf16.f32 v0;
	v24 =	vunpack.i.u.bf16.f32 v9  }
0x277: {  	v25 =	vld [tilespmem:s31+$0x87E0];
	v2 =	vunpack.i.u.bf16.f32 v10;
	v10 =	vunpack.i.l.bf16.f32 v10;
	v33 =	vunpack.i.l.bf16.f32 v58  }
0x278: {  	v26 =	vld [tilespmem:s31+$0x73E0];
	v5 =	vadd.f32 v0, v5;
	v0 =	vunpack.i.u.bf16.f32 v6;
	v6 =	vunpack.i.l.bf16.f32 v6  }
0x279: {  	v18 =	vld [tilespmem:s31+$0x7420];
	v2 =	vadd.f32 v10, v2;
	v10 =	vunpack.i.l.bf16.f32 v11;
	v0 =	vadd.f32 v6, v0  }
0x27a: {  	v53 =	vld [tilespmem:s31+$0x8850];
	v6 =	vunpack.i.l.bf16.f32 v9;
	v9 =	vunpack.i.u.bf16.f32 v23;
	v23 =	vunpack.i.l.bf16.f32 v23  }
0x27b: {  	v54 =	vld [tilespmem:s31+$0x8870];
	v6 =	vadd.f32 v6, v24;
	v9 =	vadd.f32 v23, v9;
	v24 =	vunpack.i.u.bf16.f32 v17  }
0x27c: {  	v36 =	vld [tilespmem:s31+$0x87D0];
	v17 =	vunpack.i.l.bf16.f32 v17;
	v22 =	vmul.bf16 v22, v55;
	v12 =	vmul.bf16 v12, v13  }
0x27d: {  	v23 =	vld [tilespmem:s31+$0x7450];
	v25 =	vmul.bf16 v25, v26;
	v6 =	vadd.f32 v9, v6;
	v9 =	vadd.f32 v17, v24  }
0x27e: {  	v19 =	vld [tilespmem:s31+$0x7410];
	v15 =	vmul.bf16 v15, v18;
	v55 =	vunpack.i.u.bf16.f32 v22;
	v22 =	vunpack.i.l.bf16.f32 v22  }
0x27f: {  	v42 =	vld [tilespmem:s31+$0x8720];
	v6 =	vadd.f32 v9, v6;
	v9 =	vunpack.i.u.bf16.f32 v11;
	v11 =	vmul.bf16 v27, v28  }
0x280: {  	v26 =	vld [tilespmem:s31+$0x8780];
	v22 =	vadd.f32 v22, v55;
	v28 =	vmul.bf16 v31, v32;
	v31 =	vmul.bf16 v59, v60  }
0x281: {  	v24 =	vld [tilespmem:s31+$0x7470];
	v59 =	vmul.bf16 v63, v57;
	v60 =	vmul.bf16 v43, v44;
	v57 =	vunpack.i.u.bf16.f32 v41  }
0x282: {  	v17 =	vld [tilespmem:s31+$0x8810];
	v10 =	vadd.f32 v10, v9;
	v23 =	vmul.bf16 v53, v23;
	v9 =	vadd.f32 v5, v6  }
0x283: {  	v55 =	vld [tilespmem:s31+$0x7260];
	v5 =	vunpack.i.u.bf16.f32 v4;
	v4 =	vunpack.i.l.bf16.f32 v4;
	v6 =	vmul.bf16 v29, v30  }
0x284: {  	v44 =	vld [tilespmem:s31+$0x73D0];
	v39 =	vunpack.i.u.bf16.f32 v59;
	v32 =	vunpack.i.l.bf16.f32 v59;
	v43 =	vunpack.i.u.bf16.f32 v60  }
0x285: {  	v29 =	vld [tilespmem:s31+$0x8830];
	v35 =	vunpack.i.l.bf16.f32 v60;
	v56 =	vunpack.i.u.bf16.f32 v31;
	v31 =	vunpack.i.l.bf16.f32 v31  }
0x286: {  	v59 =	vunpack.i.l.bf16.f32 v41;
	v60 =	vmul.bf16 v49, v50;
	v35 =	vadd.f32 v35, v43;
	v43 =	vld [tilespmem:s31+$0x87F0]  }
0x287: {  	v27 =	vadd.f32 v4, v5;
	v4 =	vunpack.i.u.bf16.f32 v11;
	v32 =	vadd.f32 v32, v39;
	v39 =	vld [tilespmem:s31+$0x7360]  }
0x288: {  	v5 =	vunpack.i.l.bf16.f32 v11;
	v31 =	vadd.f32 v31, v56;
	v24 =	vmul.bf16 v54, v24;
	v54 =	vld [tilespmem:s31+$0x73B0]  }
0x289: {  	v34 =	vadd.f32 v59, v57;
	v56 =	vld [tilespmem:s31+$0x87C0];
	v57 =	vunpack.i.u.bf16.f32 v23;
	v17 =	vmul.bf16 v17, v19  }
0x28a: {  	v19 =	vld [tilespmem:s31+$0x8700];
	v11 =	vunpack.i.u.bf16.f32 v6;
	v6 =	vunpack.i.l.bf16.f32 v6;
	v30 =	vadd.f32 v5, v4  }
0x28b: {  	v4 =	vmul.bf16 v20, v21;
	v20 =	vld [tilespmem:s31+$0x7430];
	v21 =	vunpack.i.l.bf16.f32 v28;
	v5 =	vadd.f32 v6, v11  }
0x28c: {  	v11 =	vmul.bf16 v61, v62;
	v6 =	vunpack.i.u.bf16.f32 v28;
	v28 =	vld [tilespmem:s31+$0x8840];
	v62 =	vmul.bf16 v45, v46  }
0x28d: {  	v59 =	vunpack.i.u.bf16.f32 v12;
	v41 =	vunpack.i.l.bf16.f32 v60;
	v45 =	vld [tilespmem:s31+$0x7390];
	v6 =	vadd.f32 v21, v6  }
0x28e: {  	v21 =	vld [tilespmem:s31+$0x7440];
	v63 =	vunpack.i.u.bf16.f32 v62;
	v38 =	vunpack.i.l.bf16.f32 v62;
	v62 =	vunpack.i.u.bf16.f32 v24  }
0x28f: {  	v24 =	vunpack.i.l.bf16.f32 v24;
	v38 =	vadd.f32 v38, v63;
	v63 =	vmul.bf16 v51, v52;
	v51 =	vld [tilespmem:s31+$0x8750]  }
0x290: {  	v61 =	vunpack.i.u.bf16.f32 v11;
	v11 =	vunpack.i.l.bf16.f32 v11;
	v24 =	vadd.f32 v24, v62;
	v62 =	vld [tilespmem:s31+$0x8710]  }
0x291: {  	v36 =	vmul.bf16 v36, v44;
	v11 =	vadd.f32 v11, v61;
	v61 =	vunpack.i.u.bf16.f32 v58;
	v52 =	vld [tilespmem:s31+$0x8740]  }
0x292: {  	v33 =	vadd.f32 v33, v61;
	v20 =	vmul.bf16 v29, v20;
	v29 =	vld [tilespmem:s31+$0x73C0];
	v61 =	vunpack.i.u.bf16.f32 v16  }
0x293: {  	v16 =	vunpack.i.l.bf16.f32 v16;
	v11 =	vadd.f32 v32, v11;
	v32 =	vld [tilespmem:s31+$0x73F0];
	v35 =	vadd.f32 v38, v35  }
0x294: {  	v38 =	vld [tilespmem:s31+$0x8800];
	v22 =	vadd.f32 v22, v24;
	v46 =	vunpack.i.l.bf16.f32 v63;
	v21 =	vmul.bf16 v28, v21  }
0x295: {  	v24 =	vld [tilespmem:s31+$0x7320];
	v13 =	vunpack.i.u.bf16.f32 v20;
	v20 =	vunpack.i.l.bf16.f32 v20;
	v11 =	vadd.f32 v30, v11  }
0x296: {  	v28 =	vunpack.i.u.bf16.f32 v63;
	v63 =	vld [tilespmem:s31+$0x7310];
	v31 =	vadd.f32 v31, v35;
	v13 =	vadd.f32 v20, v13  }
0x297: {  	v30 =	vld [tilespmem:s31+$0x7400];
	v58 =	vunpack.i.u.bf16.f32 v21;
	v21 =	vunpack.i.l.bf16.f32 v21;
	v10 =	vadd.f32 v10, v11  }
0x298: {  	v35 =	vld [tilespmem:s31+$0x8760];
	v11 =	vadd.f32 v27, v31;
	v31 =	vunpack.i.u.bf16.f32 v60;
	v20 =	vadd.f32 v21, v58  }
0x299: {  	v27 =	vld [tilespmem:s31+$0x8790];
	v21 =	vunpack.i.l.bf16.f32 v23;
	v29 =	vmul.bf16 v56, v29;
	v31 =	vadd.f32 v41, v31  }
0x29a: {  	v23 =	vld [tilespmem:s31+$0x7350];
	v21 =	vadd.f32 v21, v57;
	v32 =	vmul.bf16 v43, v32;
	v24 =	vmul.bf16 v42, v24  }
0x29b: {  	v60 =	vld [tilespmem:s31+$0x8770];
	v20 =	vadd.f32 v20, v13;
	v13 =	vunpack.i.l.bf16.f32 v12;
	v12 =	vadd.f32 v46, v28  }
0x29c: {  	v41 =	vld [tilespmem:s31+$0x87B0];
	v28 =	vunpack.i.u.bf16.f32 v25;
	v25 =	vunpack.i.l.bf16.f32 v25;
	v22 =	vadd.f32 v31, v22  }
0x29d: {  	v62 =	vmul.bf16 v62, v63;
	v31 =	vld [tilespmem:s31+$0x7370];
	v13 =	vadd.f32 v13, v59;
	v25 =	vadd.f32 v25, v28  }
0x29e: {  	v28 =	vld [tilespmem:s31+$0x72E0];
	v43 =	vunpack.i.u.bf16.f32 v32;
	v32 =	vunpack.i.l.bf16.f32 v32;
	v30 =	vmul.bf16 v38, v30  }
0x29f: {  	v38 =	vld [tilespmem:s31+$0x8730];
	v35 =	vmul.bf16 v35, v39;
	v21 =	vadd.f32 v21, v20;
	v37 =	vunpack.i.u.bf16.f32 v62  }
0x2a0: {  	v59 =	vld [tilespmem:s31+$0x86F0];
	v20 =	vadd.f32 v34, v22;
	v18 =	vunpack.i.u.bf16.f32 v30;
	v30 =	vunpack.i.l.bf16.f32 v30  }
0x2a1: {  	v22 =	vld [tilespmem:s31+$0x7380];
	v27 =	vmul.bf16 v27, v45;
	v23 =	vmul.bf16 v51, v23;
	v21 =	vadd.f32 v33, v21  }
0x2a2: {  	v34 =	vld [tilespmem:s31+$0x86E0];
	v33 =	vadd.f32 v16, v61;
	v16 =	vunpack.i.u.bf16.f32 v36;
	v36 =	vunpack.i.l.bf16.f32 v36  }
0x2a3: {  	v41 =	vmul.bf16 v41, v54;
	v18 =	vadd.f32 v30, v18;
	v30 =	vld [tilespmem:s31+$0x7340];
	v36 =	vadd.f32 v36, v16  }
0x2a4: {  	v54 =	vld [tilespmem:s31+$0x8660];
	v16 =	vadd.f32 v32, v43;
	v58 =	vunpack.i.u.bf16.f32 v27;
	v27 =	vunpack.i.l.bf16.f32 v27  }
0x2a5: {  	v61 =	vld [tilespmem:s31+$0x7300];
	v31 =	vmul.bf16 v60, v31;
	v53 =	vunpack.i.u.bf16.f32 v41;
	v41 =	vunpack.i.l.bf16.f32 v41  }
0x2a6: {  	v32 =	vld [tilespmem:s31+$0x7330];
	v27 =	vadd.f32 v27, v58;
	v41 =	vadd.f32 v41, v53;
	v22 =	vmul.bf16 v26, v22  }
0x2a7: {  	v60 =	vld [tilespmem:s31+$0x72F0];
	v26 =	vunpack.i.u.bf16.f32 v29;
	v29 =	vunpack.i.l.bf16.f32 v29;
	v56 =	vunpack.i.u.bf16.f32 v31  }
0x2a8: {  	v31 =	vunpack.i.l.bf16.f32 v31;
	v28 =	vmul.bf16 v34, v28;
	v26 =	vadd.f32 v29, v26  }
0x2a9: {  	v31 =	vadd.f32 v31, v56;
	v30 =	vmul.bf16 v52, v30;
	v52 =	vmul.bf16 v54, v55  }
0x2aa: {  	v48 =	vld [tilespmem:s31+$0x72D0];
	v19 =	vmul.bf16 v19, v61;
	v57 =	vunpack.i.u.bf16.f32 v22;
	v22 =	vunpack.i.l.bf16.f32 v22  }
0x2ab: {  	v49 =	vld [tilespmem:s31+$0x72B0];
	v32 =	vmul.bf16 v38, v32;
	v22 =	vadd.f32 v22, v57;
	v26 =	vadd.f32 v26, v41  }
0x2ac: {  	v50 =	vld [tilespmem:s31+$0x86C0];
	v41 =	vmul.bf16 v59, v60;
	v54 =	vunpack.i.u.bf16.f32 v30;
	v30 =	vunpack.i.l.bf16.f32 v30  }
0x2ad: {  	v63 =	vld [tilespmem:s31+$0x86B0];
	v55 =	vunpack.i.u.bf16.f32 v52;
	v58 =	vunpack.i.u.bf16.f32 v19;
	v19 =	vunpack.i.l.bf16.f32 v19  }
0x2ae: {  	v43 =	vld [tilespmem:s31+$0x7290];
	v39 =	vunpack.i.l.bf16.f32 v52;
	v51 =	vunpack.i.u.bf16.f32 v32;
	v19 =	vadd.f32 v19, v58  }
0x2af: {  	v29 =	vld [tilespmem:s31+$0x86D0];
	v32 =	vunpack.i.l.bf16.f32 v32;
	v39 =	vadd.f32 v39, v55;
	v30 =	vadd.f32 v30, v54  }
0x2b0: {  	v53 =	vld [tilespmem:s31+$0x72C0];
	v22 =	vadd.f32 v22, v31;
	v31 =	vunpack.i.u.bf16.f32 v24;
	v26 =	vadd.f32 v36, v26  }
0x2b1: {  	v61 =	vld [tilespmem:s31+$0x8640];
	v24 =	vunpack.i.l.bf16.f32 v24;
	v36 =	vunpack.i.l.bf16.f32 v62;
	v32 =	vadd.f32 v32, v51  }
0x2b2: {  	v57 =	vld [tilespmem:s31+$0x8630];
	v56 =	vunpack.i.u.bf16.f32 v41;
	v41 =	vunpack.i.l.bf16.f32 v41;
	v24 =	vadd.f32 v24, v31  }
0x2b3: {  	v59 =	vld [tilespmem:s31+$0x7230];
	v31 =	vunpack.i.u.bf16.f32 v28;
	v28 =	vunpack.i.l.bf16.f32 v28;
	v60 =	vadd.f32 v41, v56  }
0x2b4: {  	v62 =	vld [tilespmem:s31+$0x7240];
	v29 =	vmul.bf16 v29, v48;
	v22 =	vadd.f32 v27, v22;
	v25 =	vadd.f32 v25, v26  }
0x2b5: {  	v27 =	vld [tilespmem:s31+$0x8650];
	v28 =	vadd.f32 v28, v31;
	v31 =	vadd.f32 v36, v37  }
0x2b6: {  	v26 =	vld [tilespmem:s31+$0x7250];
	v36 =	vmul.bf16 v50, v53;
	v19 =	vadd.f32 v19, v60;
	v52 =	vunpack.i.u.bf16.f32 v29  }
0x2b7: {  	v51 =	vld [tilespmem:s31+$0x7270];
	v29 =	vunpack.i.l.bf16.f32 v29;
	v22 =	vadd.f32 v33, v22;
	v33 =	vmul.bf16 v63, v49  }
0x2b8: {  	(xrf2) =	vadd.scan.msk.f32 $0xffff, v9;
	v37 =	vld [tilespmem:s31+$0x8690];
	v50 =	vunpack.i.u.bf16.f32 v36;
	v36 =	vunpack.i.l.bf16.f32 v36;
	v29 =	vadd.f32 v29, v52  }
0x2b9: {  	(xrf2) =	vadd.scan.msk.f32 $0xffff, v10;
	v53 =	vld [tilespmem:s31+$0x7280];
	v36 =	vadd.f32 v36, v50;
	v19 =	vadd.f32 v31, v19;
	v31 =	vmul.bf16 v57, v59  }
0x2ba: {  	(xrf2) =	vadd.scan.msk.f32 $0xffff, v11;
	v49 =	vld [tilespmem:s31+$0x8670];
	v34 =	vmul.bf16 v61, v62;
	v63 =	vunpack.i.u.bf16.f32 v33;
	v33 =	vunpack.i.l.bf16.f32 v33  }
0x2bb: {  	(xrf2) =	vadd.scan.msk.f32 $0xffff, v20;
	v33 =	vadd.f32 v33, v63;
	v26 =	vmul.bf16 v27, v26;
	v27 =	vld [tilespmem:s31+$0x8680];
	v19 =	vadd.f32 v24, v19  }
0x2bc: {  	(xrf2) =	vadd.scan.msk.f32 $0xffff, v21;
	v24 =	vunpack.i.u.bf16.f32 v31;
	v31 =	vunpack.i.l.bf16.f32 v31;
	v56 =	vunpack.i.u.bf16.f32 v34  }
0x2bd: {  	(xrf2) =	vadd.scan.msk.f32 $0xffff, v25;
	v34 =	vunpack.i.l.bf16.f32 v34;
	v59 =	vmul.bf16 v37, v43;
	v24 =	vadd.f32 v31, v24  }
0x2be: {  	v55 =	vld [tilespmem:s31+$0x86A0];
	(xrf2) =	vadd.scan.msk.f32 $0xffff, v22;
	v31 =	vadd.f32 v34, v56;
	v33 =	vadd.f32 v36, v33;
	v54 =	vunpack.i.u.bf16.f32 v26  }
0x2bf: {  	v57 =	vld [tilespmem:s31+$0x72A0];
	v26 =	vunpack.i.l.bf16.f32 v26;
	v58 =	vmul.bf16 v49, v51;
	(xrf2) =	vadd.scan.msk.f32 $0xffff, v19;
	v19 =	vadd.f32 v30, v32  }
0x2c0: {  	v26 =	vadd.f32 v26, v54;
	v29 =	vadd.f32 v29, v33;
	v27 =	vmul.bf16 v27, v53  }
0x2c1: {  	v9 =	vadd.f32 v31, v24;
	v24 =	vunpack.i.u.bf16.f32 v58;
	v10 =	vunpack.i.l.bf16.f32 v58  }
0x2c2: {  	v28 =	vadd.f32 v28, v29;
	v29 =	vunpack.i.u.bf16.f32 v27;
	v27 =	vunpack.i.l.bf16.f32 v27  }
0x2c3: {  	v20 =	vunpack.i.u.bf16.f32 v59;
	v10 =	vadd.f32 v10, v24;
	v11 =	vadd.f32 v27, v29  }
0x2c4: {  	v24 =	vmul.bf16 v55, v57;
	v9 =	vadd.f32 v26, v9;
	v26 =	vunpack.i.l.bf16.f32 v59  }
0x2c5: {  	v10 =	vadd.f32 v11, v10;
	v11 =	vadd.f32 v26, v20  }
0x2c6: {  	v21 =	vunpack.i.u.bf16.f32 v24;
	v24 =	vunpack.i.l.bf16.f32 v24;
	v20 =	vunpack.i.u.bf16.f32 v23  }
0x2c7: {  	v10 =	vadd.f32 v11, v10;
	v11 =	vadd.f32 v24, v21;
	v21 =	vunpack.i.l.bf16.f32 v23  }
0x2c8: {  	v22 =	vunpack.i.l.bf16.f32 v35;
	v9 =	vadd.f32 v39, v9;
	v20 =	vadd.f32 v21, v20  }
0x2c9: {  	(xrf2) =	vadd.scan.msk.f32 $0xffff, v28;
	v21 =	vunpack.i.u.bf16.f32 v17;
	v10 =	vadd.f32 v11, v10;
	v11 =	vunpack.i.u.bf16.f32 v35  }
0x2ca: {  	(xrf2) =	vadd.scan.msk.f32 $0xffff, v9;
	v17 =	vunpack.i.l.bf16.f32 v17;
	v9 =	vadd.f32 v20, v19;
	v11 =	vadd.f32 v22, v11  }
0x2cb: {  	v16 =	vadd.f32 v18, v16;
	v18 =	vunpack.i.u.bf16.f32 v14;
	v17 =	vadd.f32 v17, v21  }
0x2cc: {  	v9 =	vadd.f32 v11, v9;
	v11 =	vunpack.i.u.bf16.f32 v15;
	v15 =	vunpack.i.l.bf16.f32 v15  }
0x2cd: {  	v14 =	vunpack.i.l.bf16.f32 v14;
	v16 =	vadd.f32 v17, v16;
	v11 =	vadd.f32 v15, v11  }
0x2ce: {  	v12 =	vadd.f32 v13, v12;
	v13 =	vadd.f32 v14, v18;
	v14 =	vunpack.i.u.bf16.f32 v7;
	v19, _, _ =	vpop (xrf2);
	(xrf2) =	vadd.scan.msk.f32 $0xffff, v10  }
0x2cf: {  	v10, _, _ =	vpop (xrf2);
	(xrf2) =	vadd.scan.msk.f32 $0xffff, v9;
	v11 =	vadd.f32 v11, v16;
	v16 =	vunpack.i.u.bf16.f32 v8;
	v8 =	vunpack.i.l.bf16.f32 v8  }
0x2d0: {  	v7 =	vunpack.i.l.bf16.f32 v7;
	v12 =	vadd.f32 v13, v12;
	v20, _, _ =	vpop (xrf2);
	v8 =	vadd.f32 v8, v16  }
0x2d1: {  	v5 =	vadd.f32 v6, v5;
	v6 =	vadd.f32 v7, v14;
	v15, _, _ =	vpop (xrf2)  }
0x2d2: {  	v9, _, _ =	vpop (xrf2);
	v8 =	vadd.f32 v8, v12;
	v12 =	vunpack.i.u.bf16.f32 v4;
	v4 =	vunpack.i.l.bf16.f32 v4  }
0x2d3: {  	v5 =	vadd.f32 v6, v5;
	v17, _, _ =	vpop (xrf2);
	v4 =	vadd.f32 v4, v12  }
0x2d4: {  	(xrf2) =	vadd.scan.msk.f32 $0xffff, v11;
	v13, _, _ =	vpop (xrf2)  }
0x2d5: {  	v11, _, _ =	vpop (xrf2);
	v4 =	vadd.f32 v4, v5  }
0x2d6: {  	v14, _, _ =	vpop (xrf2)  }
0x2d7: {  	v0 =	vadd.f32 v2, v0;
	v7 =	vunpack.i.u.bf16.f32 v3;
	v3 =	vunpack.i.l.bf16.f32 v3;
	(xrf2) =	vadd.scan.msk.f32 $0xffff, v8;
	v6, _, _ =	vpop (xrf2)  }
0x2d8: {  	v2 =	vunpack.i.u.bf16.f32 v1;
	v1 =	vunpack.i.l.bf16.f32 v1;
	v3 =	vadd.f32 v3, v7;
	v5, _, _ =	vpop (xrf2)  }
0x2d9: {  	v1 =	vadd.f32 v1, v2;
	v6 =	vbroadcast v6, $0xF;
	v5 =	vbroadcast v5, $0xF;
	(xrf2) =	vadd.scan.msk.f32 $0xffff, v4;
	v4, _, _ =	vpop (xrf2)  }
0x2da: {  	v0 =	vadd.f32 v3, v0;
	v7 =	vbroadcast v14, $0xF;
	v4 =	vbroadcast v4, $0xF  }
0x2db: {  	v3 =	vbroadcast v11, $0xF;
	v2 =	vsel vm0, v6, v5  }
0x2dc: {  	v0 =	vadd.f32 v1, v0;
	v2 =	vsel vm1, v2, v7  }
0x2dd: {  	v1 =	vsel vm2, v2, v3;
	v2 =	vbroadcast v13, $0xF;
	v3 =	vbroadcast v17, $0xF  }
0x2de: {  	v1 =	vsel vm3, v1, v4;
	v4, _, _ =	vpop (xrf2)  }
0x2df: {  	(xrf2) =	vadd.scan.msk.f32 $0xffff, v0;
	v0 =	vsel vm4, v1, v2;
	v1 =	vbroadcast v4, $0xF  }
0x2e0: {  	v2 =	vbroadcast v9, $0xF;
	v0 =	vsel vm5, v0, v3  }
0x2e1: {  	v3, _, _ =	vpop (xrf2);
	v0 =	vsel vm6, v0, v1;
	v1 =	vbroadcast v15, $0xF  }
0x2e2: {  	v0 =	vsel vm7, v0, v2;
	v2 =	vbroadcast v3, $0xF  }
0x2e3: {  	v0 =	vsel vm8, v0, v1;
	v1 =	vbroadcast v20, $0xF  }
0x2e4: {  	v3, _, _ =	vpop (xrf2);
	v0 =	vsel vm9, v0, v2  }
0x2e5: {  	v2 =	vbroadcast v10, $0xF;
	v0 =	vsel vm10, v0, v1;
	v1 =	vbroadcast v3, $0xF;
	_ =	sdelay $0x1  }
0x2e6: {  	v0 =	vsel vm11, v0, v2;
	v2 =	vbroadcast v19, $0xF  }
0x2e7: {  	v0 =	vsel vm12, v0, v1  }
0x2e8: {  	v0 =	vsel vm13, v0, v2;
	v1, _, _ =	vpop (xrf2)  }
0x2e9: {  	v0 =	vsel vm14, v0, v1  }
0x2ea: {  	s23 =	simm.s32 $0x7F0;
	[tilespmem:s20+$0x0] =	vst v0  }
0x2eb: {  	v1 =	vld [tilespmem:s23+$0x8A20]  }
0x2ec: {  	v2 =	vld [tilespmem:s23+$0x7620]  }
0x2ed: {  	v3 =	vld [tilespmem:s23+$0x8A10]  }
0x2ee: {  	v4 =	vld [tilespmem:s23+$0x7610]  }
0x2ef: {  	v0 =	vld [tilespmem:s23+$0x89E0]  }
0x2f0: {  	v5 =	vld [tilespmem:s23+$0x75E0]  }
0x2f1: {  	v6 =	vld [tilespmem:s23+$0x89F0]  }
0x2f2: {  	v9 =	vld [tilespmem:s23+$0x75F0]  }
0x2f3: {  	v15 =	vld [tilespmem:s23+$0x8A00]  }
0x2f4: {  	v16 =	vld [tilespmem:s23+$0x7600]  }
0x2f5: {  	v18 =	vld [tilespmem:s23+$0x89A0]  }
0x2f6: {  	v19 =	vld [tilespmem:s23+$0x75A0]  }
0x2f7: {  	v14 =	vld [tilespmem:s23+$0x89D0]  }
0x2f8: {  	v17 =	vld [tilespmem:s23+$0x75D0]  }
0x2f9: {  	v20 =	vld [tilespmem:s23+$0x8960]  }
0x2fa: {  	v21 =	vld [tilespmem:s23+$0x7560]  }
0x2fb: {  	v7 =	vld [tilespmem:s23+$0x8990]  }
0x2fc: {  	v8 =	vld [tilespmem:s23+$0x7590]  }
0x2fd: {  	v10 =	vld [tilespmem:s23+$0x89B0]  }
0x2fe: {  	v12 =	vld [tilespmem:s23+$0x75B0]  }
0x2ff: {  	v22 =	vld [tilespmem:s23+$0x89C0]  }
0x300: {  	v23 =	vld [tilespmem:s23+$0x75C0]  }
0x301: {  	v24 =	vld [tilespmem:s23+$0x8920]  }
0x302: {  	v25 =	vld [tilespmem:s23+$0x7520]  }
0x303: {  	v26 =	vld [tilespmem:s23+$0x8950]  }
0x304: {  	v27 =	vld [tilespmem:s23+$0x7550]  }
0x305: {  	v28 =	vld [tilespmem:s23+$0x8970]  }
0x306: {  	v29 =	vld [tilespmem:s23+$0x7570]  }
0x307: {  	v30 =	vld [tilespmem:s23+$0x8980]  }
0x308: {  	v31 =	vld [tilespmem:s23+$0x7580]  }
0x309: {  	v32 =	vld [tilespmem:s23+$0x88E0]  }
0x30a: {  	v33 =	vld [tilespmem:s23+$0x74E0]  }
0x30b: {  	v34 =	vld [tilespmem:s23+$0x8910]  }
0x30c: {  	v35 =	vld [tilespmem:s23+$0x7510]  }
0x30d: {  	v36 =	vld [tilespmem:s23+$0x8930]  }
0x30e: {  	v37 =	vld [tilespmem:s23+$0x7530]  }
0x30f: {  	v38 =	vld [tilespmem:s23+$0x8940]  }
0x310: {  	v39 =	vld [tilespmem:s23+$0x7540]  }
0x311: {  	v40 =	vld [tilespmem:s23+$0x88A0]  }
0x312: {  	v41 =	vld [tilespmem:s23+$0x74A0]  }
0x313: {  	v11 =	vld [tilespmem:s23+$0x88D0]  }
0x314: {  	v13 =	vld [tilespmem:s23+$0x74D0]  }
0x315: {  	v60 =	vld [tilespmem:s23+$0x88F0]  }
0x316: {  	v61 =	vld [tilespmem:s23+$0x74F0]  }
0x317: {  	v62 =	vld [tilespmem:s23+$0x8900]  }
0x318: {  	v63 =	vld [tilespmem:s23+$0x7500]  }
0x319: {  	v46 =	vld [tilespmem:s23+$0x8860]  }
0x31a: {  	v57 =	vld [tilespmem:s23+$0x7460]  }
0x31b: {  	v48 =	vld [tilespmem:s23+$0x8890];
	v0 =	vmul.bf16 v0, v5  }
0x31c: {  	v49 =	vld [tilespmem:s23+$0x7490];
	v6 =	vmul.bf16 v6, v9;
	v58 =	vmul.bf16 v10, v12  }
0x31d: {  	v50 =	vld [tilespmem:s23+$0x88B0];
	v22 =	vmul.bf16 v22, v23;
	v17 =	vmul.bf16 v14, v17  }
0x31e: {  	v51 =	vld [tilespmem:s23+$0x74B0];
	v15 =	vmul.bf16 v15, v16;
	v1 =	vmul.bf16 v1, v2  }
0x31f: {  	v53 =	vld [tilespmem:s23+$0x8850];
	v3 =	vmul.bf16 v3, v4;
	v4 =	vmul.bf16 v24, v25  }
0x320: {  	v52 =	vld [tilespmem:s23+$0x7450];
	v60 =	vmul.bf16 v60, v61;
	v62 =	vmul.bf16 v62, v63  }
0x321: {  	v54 =	vld [tilespmem:s23+$0x8870];
	v40 =	vmul.bf16 v40, v41;
	v7 =	vmul.bf16 v7, v8  }
0x322: {  	v55 =	vld [tilespmem:s23+$0x7480];
	v8 =	vmul.bf16 v32, v33;
	v57 =	vmul.bf16 v46, v57  }
0x323: {  	v9 =	vld [tilespmem:s23+$0x88C0];
	v11 =	vmul.bf16 v11, v13;
	v5 =	vunpack.i.u.bf16.f32 v0;
	v0 =	vunpack.i.l.bf16.f32 v0  }
0x324: {  	v10 =	vld [tilespmem:s23+$0x74C0];
	v23 =	vunpack.i.u.bf16.f32 v58;
	v59 =	vunpack.i.u.bf16.f32 v22;
	v22 =	vunpack.i.l.bf16.f32 v22  }
0x325: {  	v12 =	vld [tilespmem:s23+$0x8820];
	v2 =	vunpack.i.u.bf16.f32 v15;
	v15 =	vunpack.i.l.bf16.f32 v15;
	v42 =	vunpack.i.u.bf16.f32 v60  }
0x326: {  	v24 =	vld [tilespmem:s23+$0x87E0];
	v63 =	vunpack.i.u.bf16.f32 v62;
	v56 =	vunpack.i.u.bf16.f32 v40;
	v32 =	vunpack.i.l.bf16.f32 v57  }
0x327: {  	v25 =	vld [tilespmem:s23+$0x73E0];
	v5 =	vadd.f32 v0, v5;
	v0 =	vunpack.i.u.bf16.f32 v6;
	v6 =	vunpack.i.l.bf16.f32 v6  }
0x328: {  	v14 =	vld [tilespmem:s23+$0x7420];
	v22 =	vadd.f32 v22, v59;
	v0 =	vadd.f32 v6, v0;
	v6 =	vunpack.i.l.bf16.f32 v58  }
0x329: {  	v43 =	vld [tilespmem:s23+$0x73D0];
	v2 =	vadd.f32 v15, v2;
	v59 =	vmul.bf16 v48, v49;
	v6 =	vadd.f32 v6, v23  }
0x32a: {  	v44 =	vld [tilespmem:s23+$0x7390];
	v58 =	vunpack.i.l.bf16.f32 v40;
	v23 =	vunpack.i.u.bf16.f32 v17;
	v17 =	vunpack.i.l.bf16.f32 v17  }
0x32b: {  	v41 =	vld [tilespmem:s23+$0x7350];
	v16 =	vadd.f32 v17, v23;
	v17 =	vmul.bf16 v20, v21;
	v6 =	vadd.f32 v22, v6  }
0x32c: {  	v48 =	vld [tilespmem:s23+$0x72D0];
	v33 =	vadd.f32 v58, v56;
	v9 =	vmul.bf16 v9, v10;
	v24 =	vmul.bf16 v24, v25  }
0x32d: {  	v49 =	vld [tilespmem:s23+$0x7250];
	v12 =	vmul.bf16 v12, v14;
	v15 =	vunpack.i.u.bf16.f32 v17;
	v6 =	vadd.f32 v16, v6  }
0x32e: {  	v25 =	vld [tilespmem:s23+$0x8780];
	v16 =	vunpack.i.l.bf16.f32 v17;
	v17 =	vmul.bf16 v26, v27;
	v27 =	vmul.bf16 v30, v31  }
0x32f: {  	v40 =	vunpack.i.l.bf16.f32 v59;
	v21 =	vld [tilespmem:s23+$0x8880];
	v30 =	vmul.bf16 v34, v35;
	v31 =	vmul.bf16 v38, v39  }
0x330: {  	v22 =	vld [tilespmem:s23+$0x7470];
	v34 =	vunpack.i.l.bf16.f32 v60;
	v60 =	vunpack.i.u.bf16.f32 v57;
	v20 =	vadd.f32 v16, v15  }
0x331: {  	v39 =	vld [tilespmem:s23+$0x73A0];
	v34 =	vadd.f32 v34, v42;
	v32 =	vadd.f32 v32, v60;
	v60 =	vunpack.i.u.bf16.f32 v9  }
0x332: {  	v35 =	vld [tilespmem:s23+$0x87D0];
	v15 =	vadd.f32 v5, v6;
	v5 =	vunpack.i.u.bf16.f32 v4;
	v4 =	vunpack.i.l.bf16.f32 v4  }
0x333: {  	v57 =	vld [tilespmem:s23+$0x87C0];
	v6 =	vmul.bf16 v28, v29;
	v38 =	vunpack.i.u.bf16.f32 v31;
	v31 =	vunpack.i.l.bf16.f32 v31  }
0x334: {  	v16 =	vld [tilespmem:s23+$0x8810];
	v45 =	vunpack.i.u.bf16.f32 v30;
	v30 =	vunpack.i.l.bf16.f32 v30;
	v21 =	vmul.bf16 v21, v55  }
0x335: {  	v42 =	vld [tilespmem:s23+$0x87F0];
	v23 =	vadd.f32 v4, v5;
	v4 =	vunpack.i.u.bf16.f32 v17;
	v5 =	vunpack.i.l.bf16.f32 v17  }
0x336: {  	v28 =	vld [tilespmem:s23+$0x8830];
	v31 =	vadd.f32 v31, v38;
	v30 =	vadd.f32 v30, v45;
	v22 =	vmul.bf16 v54, v22  }
0x337: {  	v55 =	vld [tilespmem:s23+$0x73B0];
	v54 =	vmul.bf16 v50, v51;
	v26 =	vunpack.i.u.bf16.f32 v6;
	v6 =	vunpack.i.l.bf16.f32 v6  }
0x338: {  	v17 =	vld [tilespmem:s23+$0x7410];
	v29 =	vadd.f32 v5, v4;
	v4 =	vmul.bf16 v18, v19;
	v19 =	vmul.bf16 v36, v37  }
0x339: {  	v45 =	vld [tilespmem:s23+$0x8720];
	v37 =	vunpack.i.l.bf16.f32 v62;
	v56 =	vunpack.i.u.bf16.f32 v21;
	v21 =	vunpack.i.l.bf16.f32 v21  }
0x33a: {  	v18 =	vld [tilespmem:s23+$0x7430];
	v5 =	vadd.f32 v6, v26;
	v6 =	vunpack.i.u.bf16.f32 v27;
	v26 =	vunpack.i.l.bf16.f32 v27  }
0x33b: {  	v36 =	vld [tilespmem:s23+$0x87A0];
	v37 =	vadd.f32 v37, v63;
	v63 =	vmul.bf16 v53, v52;
	v53 =	vunpack.i.u.bf16.f32 v22  }
0x33c: {  	v27 =	vld [tilespmem:s23+$0x8840];
	v22 =	vunpack.i.l.bf16.f32 v22;
	v21 =	vadd.f32 v21, v56;
	v6 =	vadd.f32 v26, v6  }
0x33d: {  	v26 =	vld [tilespmem:s23+$0x7440];
	v61 =	vunpack.i.u.bf16.f32 v19;
	v19 =	vunpack.i.l.bf16.f32 v19;
	v22 =	vadd.f32 v22, v53  }
0x33e: {  	v46 =	vunpack.i.l.bf16.f32 v54;
	v19 =	vadd.f32 v19, v61;
	v34 =	vadd.f32 v37, v34;
	v37 =	vld [tilespmem:s23+$0x8800]  }
0x33f: {  	v35 =	vmul.bf16 v35, v43;
	v61 =	vunpack.i.u.bf16.f32 v59;
	v21 =	vadd.f32 v21, v22;
	v22 =	vld [tilespmem:s23+$0x7320]  }
0x340: {  	v58 =	vunpack.i.u.bf16.f32 v63;
	v62 =	vadd.f32 v40, v61;
	v61 =	vld [tilespmem:s23+$0x8770];
	v19 =	vadd.f32 v31, v19  }
0x341: {  	v17 =	vmul.bf16 v16, v17;
	v31 =	vld [tilespmem:s23+$0x73F0];
	v30 =	vadd.f32 v30, v34;
	v18 =	vmul.bf16 v28, v18  }
0x342: {  	v28 =	vld [tilespmem:s23+$0x73C0];
	v13 =	vmul.bf16 v36, v39;
	v21 =	vadd.f32 v62, v21;
	v19 =	vadd.f32 v29, v19  }
0x343: {  	v62 =	vld [tilespmem:s23+$0x7370];
	v26 =	vmul.bf16 v27, v26;
	v10 =	vunpack.i.u.bf16.f32 v18;
	v18 =	vunpack.i.l.bf16.f32 v18  }
0x344: {  	v29 =	vld [tilespmem:s23+$0x7400];
	v23 =	vadd.f32 v23, v30;
	v27 =	vunpack.i.u.bf16.f32 v54;
	v10 =	vadd.f32 v18, v10  }
0x345: {  	v30 =	vld [tilespmem:s23+$0x8790];
	v20 =	vadd.f32 v20, v19;
	v59 =	vunpack.i.u.bf16.f32 v26;
	v26 =	vunpack.i.l.bf16.f32 v26  }
0x346: {  	v51 =	vld [tilespmem:s23+$0x8750];
	v22 =	vmul.bf16 v45, v22;
	v18 =	vadd.f32 v26, v59;
	v26 =	vunpack.i.l.bf16.f32 v63  }
0x347: {  	v52 =	vld [tilespmem:s23+$0x8730];
	v31 =	vmul.bf16 v42, v31;
	v28 =	vmul.bf16 v57, v28;
	v26 =	vadd.f32 v26, v58  }
0x348: {  	v40 =	vld [tilespmem:s23+$0x87B0];
	v38 =	vmul.bf16 v61, v62;
	v18 =	vadd.f32 v18, v10;
	v10 =	vunpack.i.l.bf16.f32 v9  }
0x349: {  	v16 =	vld [tilespmem:s23+$0x8700];
	v9 =	vadd.f32 v46, v27;
	v27 =	vadd.f32 v33, v21;
	v42 =	vunpack.i.u.bf16.f32 v31  }
0x34a: {  	v34 =	vld [tilespmem:s23+$0x8760];
	v31 =	vunpack.i.l.bf16.f32 v31;
	v29 =	vmul.bf16 v37, v29;
	v30 =	vmul.bf16 v30, v44  }
0x34b: {  	v21 =	vld [tilespmem:s23+$0x7380];
	v10 =	vadd.f32 v10, v60;
	v58 =	vunpack.i.u.bf16.f32 v38;
	v18 =	vadd.f32 v26, v18  }
0x34c: {  	v19 =	vld [tilespmem:s23+$0x7360];
	v26 =	vunpack.i.u.bf16.f32 v24;
	v24 =	vunpack.i.l.bf16.f32 v24;
	v14 =	vunpack.i.u.bf16.f32 v29  }
0x34d: {  	v63 =	vld [tilespmem:s23+$0x86E0];
	v29 =	vunpack.i.l.bf16.f32 v29;
	v60 =	vunpack.i.u.bf16.f32 v30;
	v30 =	vunpack.i.l.bf16.f32 v30  }
0x34e: {  	v61 =	vld [tilespmem:s23+$0x86F0];
	v36 =	vadd.f32 v32, v18;
	v18 =	vunpack.i.u.bf16.f32 v13;
	v13 =	vunpack.i.l.bf16.f32 v13  }
0x34f: {  	v62 =	vld [tilespmem:s23+$0x72F0];
	v24 =	vadd.f32 v24, v26;
	v39 =	vadd.f32 v13, v18;
	v13 =	vunpack.i.u.bf16.f32 v35  }
0x350: {  	v26 =	vld [tilespmem:s23+$0x72E0];
	v18 =	vunpack.i.l.bf16.f32 v35;
	v21 =	vmul.bf16 v25, v21;
	v25 =	vunpack.i.u.bf16.f32 v28  }
0x351: {  	v32 =	vld [tilespmem:s23+$0x8710];
	v28 =	vunpack.i.l.bf16.f32 v28;
	v53 =	vadd.f32 v18, v13;
	v13 =	vadd.f32 v31, v42  }
0x352: {  	v31 =	vld [tilespmem:s23+$0x7330];
	v18 =	vmul.bf16 v40, v55;
	v25 =	vadd.f32 v28, v25;
	v28 =	vunpack.i.l.bf16.f32 v38  }
0x353: {  	v42 =	vld [tilespmem:s23+$0x86D0];
	v59 =	vunpack.i.u.bf16.f32 v21;
	v21 =	vunpack.i.l.bf16.f32 v21;
	v28 =	vadd.f32 v28, v58  }
0x354: {  	v35 =	vld [tilespmem:s23+$0x7310];
	v55 =	vunpack.i.u.bf16.f32 v18;
	v18 =	vunpack.i.l.bf16.f32 v18;
	v21 =	vadd.f32 v21, v59  }
0x355: {  	v14 =	vadd.f32 v29, v14;
	v26 =	vmul.bf16 v63, v26;
	v63 =	vld [tilespmem:s23+$0x7300];
	v18 =	vadd.f32 v18, v55  }
0x356: {  	(xrf2) =	vadd.scan.msk.f32 $0xffff, v15;
	v15 =	vld [tilespmem:s23+$0x72B0];
	v21 =	vadd.f32 v21, v28;
	v28 =	vadd.f32 v30, v60  }
0x357: {  	v56 =	vld [tilespmem:s23+$0x8660];
	v30 =	vunpack.i.u.bf16.f32 v22;
	v25 =	vadd.f32 v25, v18;
	v18 =	vmul.bf16 v34, v19  }
0x358: {  	v43 =	vld [tilespmem:s23+$0x8650];
	v22 =	vunpack.i.l.bf16.f32 v22;
	v31 =	vmul.bf16 v52, v31;
	v60 =	vmul.bf16 v42, v48  }
0x359: {  	v54 =	vld [tilespmem:s23+$0x8740];
	v21 =	vadd.f32 v28, v21;
	v28 =	vmul.bf16 v32, v35;
	v19 =	vadd.f32 v53, v25  }
0x35a: {  	v29 =	vld [tilespmem:s23+$0x7340];
	v25 =	vadd.f32 v22, v30;
	v53 =	vmul.bf16 v61, v62;
	v16 =	vmul.bf16 v16, v63  }
0x35b: {  	v57 =	vld [tilespmem:s23+$0x7260];
	v21 =	vadd.f32 v39, v21;
	v30 =	vunpack.i.u.bf16.f32 v28;
	v28 =	vunpack.i.l.bf16.f32 v28  }
0x35c: {  	v52 =	vld [tilespmem:s23+$0x72C0];
	v22 =	vadd.f32 v24, v19;
	v19 =	vunpack.i.u.bf16.f32 v26;
	v24 =	vunpack.i.l.bf16.f32 v26  }
0x35d: {  	(xrf2) =	vadd.scan.msk.f32 $0xffff, v20;
	v26 =	vld [tilespmem:s23+$0x86B0];
	v50 =	vadd.f32 v28, v30;
	v28 =	vunpack.i.u.bf16.f32 v31;
	v31 =	vunpack.i.l.bf16.f32 v31  }
0x35e: {  	v30 =	vld [tilespmem:s23+$0x86C0];
	v37 =	vunpack.i.l.bf16.f32 v53;
	v58 =	vunpack.i.u.bf16.f32 v16;
	v16 =	vunpack.i.l.bf16.f32 v16  }
0x35f: {  	v33 =	vld [tilespmem:s23+$0x7230];
	v24 =	vadd.f32 v24, v19;
	v19 =	vmul.bf16 v51, v41;
	v41 =	vmul.bf16 v54, v29  }
0x360: {  	(xrf2) =	vadd.scan.msk.f32 $0xffff, v23;
	v23 =	vld [tilespmem:s23+$0x8670];
	v51 =	vmul.bf16 v56, v57;
	v20 =	vadd.f32 v31, v28;
	v57 =	vunpack.i.u.bf16.f32 v53  }
0x361: {  	(xrf2) =	vadd.scan.msk.f32 $0xffff, v27;
	v27 =	vld [tilespmem:s23+$0x8680];
	v39 =	vunpack.i.u.bf16.f32 v60;
	v16 =	vadd.f32 v16, v58;
	v37 =	vadd.f32 v37, v57  }
0x362: {  	v34 =	vld [tilespmem:s23+$0x8640];
	v54 =	vunpack.i.u.bf16.f32 v41;
	v28 =	vunpack.i.u.bf16.f32 v51;
	v15 =	vmul.bf16 v26, v15  }
0x363: {  	v32 =	vld [tilespmem:s23+$0x8630];
	v56 =	vunpack.i.l.bf16.f32 v51;
	v16 =	vadd.f32 v16, v37;
	v30 =	vmul.bf16 v30, v52  }
0x364: {  	v35 =	vld [tilespmem:s23+$0x7240];
	v55 =	vunpack.i.l.bf16.f32 v41;
	v28 =	vadd.f32 v56, v28;
	v59 =	vunpack.i.u.bf16.f32 v15  }
0x365: {  	v29 =	vld [tilespmem:s23+$0x8690];
	v61 =	vunpack.i.l.bf16.f32 v15;
	v62 =	vunpack.i.u.bf16.f32 v30;
	v63 =	vunpack.i.l.bf16.f32 v30  }
0x366: {  	v31 =	vld [tilespmem:s23+$0x7290];
	v41 =	vunpack.i.l.bf16.f32 v60;
	v37 =	vadd.f32 v61, v59;
	v38 =	vadd.f32 v63, v62;
	v15, _, _ =	vpop (xrf2);
	(xrf2) =	vadd.scan.msk.f32 $0xffff, v36  }
0x367: {  	s25 =	simm.s32 $0x2FC0;
	s24 =	smov.u32 s20;
	v26 =	vadd.f32 v55, v54;
	v40 =	vadd.f32 v50, v16;
	v30 =	vld [tilespmem:s23+$0x7270];
	v36 =	vmul.bf16 v43, v49;
	v16, _, _ =	vpop (xrf2)  }
.LBB2_5:
0x368: {  	p1 =	sne.s32 s25, $0x4FC0;
	v32 =	vmul.bf16 v32, v33;
	v33 =	vld [tilespmem:s23+$0x7280];
	v37 =	vadd.f32 v38, v37;
	v38 =	vadd.f32 v41, v39  }
0x369: {  	v34 =	vmul.bf16 v34, v35;
	v35 =	vunpack.i.u.bf16.f32 v36;
	v25 =	vadd.f32 v25, v40;
	(xrf2) =	vadd.scan.msk.f32 $0xffff, v22  }
0x36a: {  	v36 =	vunpack.i.l.bf16.f32 v36;
	v39 =	vunpack.i.u.bf16.f32 v32;
	v40 =	vld [tilespmem:s23+$0x86A0];
	v37 =	vadd.f32 v38, v37;
	v22, _, _ =	vpop (xrf2)  }
0x36b: {  	v32 =	vunpack.i.l.bf16.f32 v32;
	v38 =	vunpack.i.u.bf16.f32 v34;
	v34 =	vunpack.i.l.bf16.f32 v34;
	v41 =	vld [tilespmem:s23+$0x72A0]  }
0x36c: {  	v32 =	vadd.f32 v32, v39;
	v23 =	vmul.bf16 v23, v30;
	v34 =	vadd.f32 v34, v38;
	(xrf2) =	vadd.scan.msk.f32 $0xffff, v21  }
0x36d: {  	v29 =	vmul.bf16 v29, v31;
	v30 =	vadd.f32 v36, v35;
	v27 =	vmul.bf16 v27, v33;
	v21, _, _ =	vpop (xrf2)  }
0x36e: {  	v24 =	vadd.f32 v24, v37;
	v31 =	vadd.f32 v34, v32;
	v34 =	vunpack.i.u.bf16.f32 v23  }
0x36f: {  	v23 =	vunpack.i.l.bf16.f32 v23;
	v33 =	vunpack.i.u.bf16.f32 v27;
	v27 =	vunpack.i.l.bf16.f32 v27;
	(xrf2) =	vadd.scan.msk.f32 $0xffff, v25  }
0x370: {  	v23 =	vadd.f32 v23, v34;
	v25 =	vadd.f32 v27, v33;
	v27 =	vmul.bf16 v40, v41;
	v32, _, _ =	vpop (xrf2)  }
0x371: {  	v33 =	vadd.f32 v30, v31;
	v31 =	vunpack.i.u.bf16.f32 v29;
	v29 =	vunpack.i.l.bf16.f32 v29  }
0x372: {  	v23 =	vadd.f32 v25, v23;
	v25 =	vadd.f32 v29, v31;
	v29 =	vunpack.i.u.bf16.f32 v19;
	(xrf2) =	vadd.scan.msk.f32 $0xffff, v24  }
0x373: {  	v24 =	vadd.f32 v28, v33;
	v28 =	vunpack.i.u.bf16.f32 v27;
	v27 =	vunpack.i.l.bf16.f32 v27;
	v30, _, _ =	vpop (xrf2)  }
0x374: {  	v19 =	vunpack.i.l.bf16.f32 v19;
	v27 =	vadd.f32 v27, v28;
	v23 =	vadd.f32 v25, v23  }
0x375: {  	v20 =	vadd.f32 v26, v20;
	v26 =	vunpack.i.u.bf16.f32 v17;
	v19 =	vadd.f32 v19, v29;
	(xrf2) =	vadd.scan.msk.f32 $0xffff, v24  }
0x376: {  	v24 =	vunpack.i.u.bf16.f32 v18;
	v18 =	vunpack.i.l.bf16.f32 v18;
	v23 =	vadd.f32 v27, v23;
	v25, _, _ =	vpop (xrf2)  }
0x377: {  	v17 =	vunpack.i.l.bf16.f32 v17;
	v19 =	vadd.f32 v19, v20;
	v18 =	vadd.f32 v18, v24  }
0x378: {  	v13 =	vadd.f32 v14, v13;
	v14 =	vadd.f32 v17, v26;
	v17 =	vunpack.i.u.bf16.f32 v11;
	(xrf2) =	vadd.scan.msk.f32 $0xffff, v23  }
0x379: {  	v18 =	vadd.f32 v18, v19;
	v19 =	vunpack.i.u.bf16.f32 v12;
	v12 =	vunpack.i.l.bf16.f32 v12;
	v20, _, _ =	vpop (xrf2)  }
0x37a: {  	v11 =	vunpack.i.l.bf16.f32 v11;
	v13 =	vadd.f32 v14, v13;
	v12 =	vadd.f32 v12, v19  }
0x37b: {  	v9 =	vadd.f32 v10, v9;
	v10 =	vadd.f32 v11, v17;
	v11 =	vunpack.i.u.bf16.f32 v7;
	(xrf2) =	vadd.scan.msk.f32 $0xffff, v18  }
0x37c: {  	v12 =	vadd.f32 v12, v13;
	v13 =	vunpack.i.u.bf16.f32 v8;
	v8 =	vunpack.i.l.bf16.f32 v8;
	v14, _, _ =	vpop (xrf2)  }
0x37d: {  	v7 =	vunpack.i.l.bf16.f32 v7;
	v9 =	vadd.f32 v10, v9;
	v8 =	vadd.f32 v8, v13  }
0x37e: {  	v5 =	vadd.f32 v6, v5;
	v6 =	vadd.f32 v7, v11;
	v7 =	vunpack.i.u.bf16.f32 v3;
	(xrf2) =	vadd.scan.msk.f32 $0xffff, v12  }
0x37f: {  	v8 =	vadd.f32 v8, v9;
	v9 =	vunpack.i.u.bf16.f32 v4;
	v4 =	vunpack.i.l.bf16.f32 v4;
	v10, _, _ =	vpop (xrf2)  }
0x380: {  	v3 =	vunpack.i.l.bf16.f32 v3;
	v6 =	vadd.f32 v6, v5;
	v4 =	vadd.f32 v4, v9  }
0x381: {  	v3 =	vadd.f32 v3, v7;
	(xrf2) =	vadd.scan.msk.f32 $0xffff, v8  }
0x382: {  	v0 =	vadd.f32 v2, v0;
	v2 =	vunpack.i.u.bf16.f32 v1;
	v8 =	vadd.f32 v4, v6;
	v5, _, _ =	vpop (xrf2)  }
0x383: {  	v1 =	vunpack.i.l.bf16.f32 v1;
	v6 =	vbroadcast v10, $0xF;
	v5 =	vbroadcast v5, $0xF  }
0x384: {  	v1 =	vadd.f32 v1, v2;
	v0 =	vadd.f32 v3, v0;
	v7 =	vbroadcast v14, $0xF;
	(xrf2) =	vadd.scan.msk.f32 $0xffff, v8  }
0x385: {  	v3 =	vbroadcast v20, $0xF;
	v2 =	vsel vm0, v6, v5;
	v4, _, _ =	vpop (xrf2)  }
0x386: {  	v0 =	vadd.f32 v1, v0;
	v2 =	vsel vm1, v2, v7;
	v5 =	vbroadcast v4, $0xF  }
0x387: {  	v1 =	vsel vm2, v2, v3;
	v2 =	vbroadcast v25, $0xF  }
0x388: {  	v1 =	vsel vm3, v1, v5;
	v5 =	vbroadcast v30, $0xF;
	v4, _, _ =	vpop (xrf2);
	(xrf2) =	vadd.scan.msk.f32 $0xffff, v0  }
0x389: {  	v0 =	vsel vm4, v1, v2;
	v1 =	vbroadcast v4, $0xF  }
0x38a: {  	v2 =	vbroadcast v32, $0xF;
	v0 =	vsel vm5, v0, v5  }
0x38b: {  	v0 =	vsel vm6, v0, v1;
	v1 =	vbroadcast v21, $0xF;
	v3, _, _ =	vpop (xrf2)  }
0x38c: {  	v0 =	vsel vm7, v0, v2;
	v2 =	vbroadcast v3, $0xF  }
0x38d: {  	v0 =	vsel vm8, v0, v1;
	v1 =	vbroadcast v22, $0xF  }
0x38e: {  	v0 =	vsel vm9, v0, v2;
	v2 =	vbroadcast v16, $0xF;
	v3, _, _ =	vpop (xrf2)  }
0x38f: {  	v0 =	vsel vm10, v0, v1;
	v3 =	vbroadcast v3, $0xF  }
0x390: {  	v0 =	vsel vm11, v0, v2;
	v2 =	vbroadcast v15, $0xF  }
0x391: {  	v0 =	vsel vm12, v0, v3  }
0x392: {  	v0 =	vsel vm13, v0, v2;
	v1, _, _ =	vpop (xrf2)  }
0x393: {  	s24 =	sadd.s32 $0x10, s24;
	v0 =	vsel vm14, v0, v1  }
0x394: {  	s23 =	sshra.s32 s25, $0x2;
	[tilespmem:s24+$0x0] =	vst v0  }
0x395: {  	v1 =	vld [tilespmem:s23+$0x8A20]  }
0x396: {  	v2 =	vld [tilespmem:s23+$0x7620]  }
0x397: {  	v3 =	vld [tilespmem:s23+$0x8A10]  }
0x398: {  	v5 =	vld [tilespmem:s23+$0x7610]  }
0x399: {  	v0 =	vld [tilespmem:s23+$0x89E0]  }
0x39a: {  	v10 =	vld [tilespmem:s23+$0x75E0]  }
0x39b: {  	v14 =	vld [tilespmem:s23+$0x89F0]  }
0x39c: {  	v15 =	vld [tilespmem:s23+$0x75F0]  }
0x39d: {  	v16 =	vld [tilespmem:s23+$0x8A00]  }
0x39e: {  	v18 =	vld [tilespmem:s23+$0x7600]  }
0x39f: {  	v4 =	vld [tilespmem:s23+$0x89A0]  }
0x3a0: {  	v6 =	vld [tilespmem:s23+$0x75A0]  }
0x3a1: {  	v17 =	vld [tilespmem:s23+$0x89D0]  }
0x3a2: {  	v26 =	vld [tilespmem:s23+$0x75D0]  }
0x3a3: {  	v27 =	vld [tilespmem:s23+$0x8960]  }
0x3a4: {  	v31 =	vld [tilespmem:s23+$0x7560]  }
0x3a5: {  	v7 =	vld [tilespmem:s23+$0x8990]  }
0x3a6: {  	v8 =	vld [tilespmem:s23+$0x7590]  }
0x3a7: {  	v19 =	vld [tilespmem:s23+$0x89B0]  }
0x3a8: {  	v30 =	vld [tilespmem:s23+$0x75B0]  }
0x3a9: {  	v32 =	vld [tilespmem:s23+$0x89C0]  }
0x3aa: {  	v33 =	vld [tilespmem:s23+$0x75C0]  }
0x3ab: {  	v34 =	vld [tilespmem:s23+$0x8920]  }
0x3ac: {  	v35 =	vld [tilespmem:s23+$0x7520]  }
0x3ad: {  	v36 =	vld [tilespmem:s23+$0x8950]  }
0x3ae: {  	v37 =	vld [tilespmem:s23+$0x7550]  }
0x3af: {  	v38 =	vld [tilespmem:s23+$0x8970]  }
0x3b0: {  	v39 =	vld [tilespmem:s23+$0x7570]  }
0x3b1: {  	v40 =	vld [tilespmem:s23+$0x8980]  }
0x3b2: {  	v41 =	vld [tilespmem:s23+$0x7580]  }
0x3b3: {  	v9 =	vld [tilespmem:s23+$0x88E0]  }
0x3b4: {  	v13 =	vld [tilespmem:s23+$0x74E0]  }
0x3b5: {  	v42 =	vld [tilespmem:s23+$0x8910]  }
0x3b6: {  	v43 =	vld [tilespmem:s23+$0x7510]  }
0x3b7: {  	v44 =	vld [tilespmem:s23+$0x8930]  }
0x3b8: {  	v45 =	vld [tilespmem:s23+$0x7530]  }
0x3b9: {  	v46 =	vld [tilespmem:s23+$0x8940]  }
0x3ba: {  	v47 =	vld [tilespmem:s23+$0x7540]  }
0x3bb: {  	v23 =	vld [tilespmem:s23+$0x88A0]  }
0x3bc: {  	v28 =	vld [tilespmem:s23+$0x74A0]  }
0x3bd: {  	v11 =	vld [tilespmem:s23+$0x88D0]  }
0x3be: {  	v12 =	vld [tilespmem:s23+$0x74D0]  }
0x3bf: {  	v48 =	vld [tilespmem:s23+$0x88F0]  }
0x3c0: {  	v49 =	vld [tilespmem:s23+$0x74F0]  }
0x3c1: {  	v50 =	vld [tilespmem:s23+$0x8900]  }
0x3c2: {  	v51 =	vld [tilespmem:s23+$0x7500]  }
0x3c3: {  	v24 =	vld [tilespmem:s23+$0x8860]  }
0x3c4: {  	v29 =	vld [tilespmem:s23+$0x7460]  }
0x3c5: {  	v20 =	vld [tilespmem:s23+$0x8890]  }
0x3c6: {  	v0 =	vmul.bf16 v0, v10;
	v25 =	vld [tilespmem:s23+$0x7490]  }
0x3c7: {  	v21 =	vld [tilespmem:s23+$0x88B0]  }
0x3c8: {  	v52 =	vunpack.i.u.bf16.f32 v0;
	v0 =	vunpack.i.l.bf16.f32 v0;
	v14 =	vmul.bf16 v14, v15;
	v22 =	vld [tilespmem:s23+$0x74B0]  }
0x3c9: {  	v52 =	vadd.f32 v0, v52;
	v15 =	vmul.bf16 v19, v30;
	v10 =	vld [tilespmem:s23+$0x88C0]  }
0x3ca: {  	v0 =	vunpack.i.u.bf16.f32 v14;
	v30 =	vmul.bf16 v32, v33;
	v32 =	vunpack.i.l.bf16.f32 v14;
	v19 =	vld [tilespmem:s23+$0x74C0]  }
0x3cb: {  	v26 =	vmul.bf16 v17, v26;
	v33 =	vunpack.i.u.bf16.f32 v15;
	v0 =	vadd.f32 v32, v0;
	v14 =	vld [tilespmem:s23+$0x8820]  }
0x3cc: {  	v15 =	vunpack.i.l.bf16.f32 v15;
	v32 =	vunpack.i.u.bf16.f32 v30;
	v53 =	vunpack.i.l.bf16.f32 v30;
	v17 =	vld [tilespmem:s23+$0x7420]  }
0x3cd: {  	v15 =	vadd.f32 v15, v33;
	v32 =	vadd.f32 v53, v32;
	v30 =	vld [tilespmem:s23+$0x8850]  }
0x3ce: {  	v16 =	vmul.bf16 v16, v18;
	v53 =	vunpack.i.u.bf16.f32 v26;
	v26 =	vunpack.i.l.bf16.f32 v26;
	v33 =	vld [tilespmem:s23+$0x7450]  }
0x3cf: {  	v1 =	vmul.bf16 v1, v2;
	v18 =	vadd.f32 v26, v53;
	v15 =	vadd.f32 v32, v15;
	v54 =	vld [tilespmem:s23+$0x8870]  }
0x3d0: {  	v2 =	vunpack.i.u.bf16.f32 v16;
	v16 =	vunpack.i.l.bf16.f32 v16;
	v26 =	vmul.bf16 v27, v31;
	v32 =	vld [tilespmem:s23+$0x7470]  }
0x3d1: {  	v3 =	vmul.bf16 v3, v5;
	v2 =	vadd.f32 v16, v2;
	v15 =	vadd.f32 v18, v15;
	v31 =	vld [tilespmem:s23+$0x8880]  }
0x3d2: {  	v5 =	vmul.bf16 v34, v35;
	v16 =	vunpack.i.u.bf16.f32 v26;
	v18 =	vunpack.i.l.bf16.f32 v26;
	v53 =	vld [tilespmem:s23+$0x7480]  }
0x3d3: {  	v34 =	vmul.bf16 v36, v37;
	v35 =	vadd.f32 v18, v16;
	v15 =	vadd.f32 v52, v15;
	v26 =	vld [tilespmem:s23+$0x87E0]  }
0x3d4: {  	v36 =	vmul.bf16 v38, v39;
	v18 =	vunpack.i.u.bf16.f32 v5;
	v5 =	vunpack.i.l.bf16.f32 v5;
	v27 =	vld [tilespmem:s23+$0x73E0]  }
0x3d5: {  	v37 =	vadd.f32 v5, v18;
	v5 =	vunpack.i.u.bf16.f32 v34;
	v34 =	vunpack.i.l.bf16.f32 v34;
	v16 =	vld [tilespmem:s23+$0x8810]  }
0x3d6: {  	v38 =	vunpack.i.u.bf16.f32 v36;
	v36 =	vunpack.i.l.bf16.f32 v36;
	v39 =	vmul.bf16 v40, v41;
	v18 =	vld [tilespmem:s23+$0x7410]  }
0x3d7: {  	v4 =	vmul.bf16 v4, v6;
	v34 =	vadd.f32 v34, v5;
	v5 =	vadd.f32 v36, v38;
	v40 =	vld [tilespmem:s23+$0x8830]  }
0x3d8: {  	v6 =	vunpack.i.u.bf16.f32 v39;
	v39 =	vunpack.i.l.bf16.f32 v39;
	v38 =	vmul.bf16 v44, v45;
	v36 =	vld [tilespmem:s23+$0x7430]  }
0x3d9: {  	v6 =	vadd.f32 v39, v6;
	v42 =	vmul.bf16 v42, v43;
	v43 =	vmul.bf16 v46, v47;
	v41 =	vld [tilespmem:s23+$0x8840]  }
0x3da: {  	v45 =	vunpack.i.u.bf16.f32 v38;
	v38 =	vunpack.i.l.bf16.f32 v38;
	v44 =	vmul.bf16 v48, v49;
	v39 =	vld [tilespmem:s23+$0x7440]  }
0x3db: {  	v48 =	vunpack.i.u.bf16.f32 v43;
	v43 =	vunpack.i.l.bf16.f32 v43;
	v47 =	vmul.bf16 v50, v51;
	v46 =	vld [tilespmem:s23+$0x87A0]  }
0x3dc: {  	v38 =	vadd.f32 v38, v45;
	v43 =	vadd.f32 v43, v48;
	v50 =	vunpack.i.u.bf16.f32 v44;
	v49 =	vld [tilespmem:s23+$0x73A0]  }
0x3dd: {  	v44 =	vunpack.i.l.bf16.f32 v44;
	v48 =	vunpack.i.u.bf16.f32 v47;
	v47 =	vunpack.i.l.bf16.f32 v47;
	v45 =	vld [tilespmem:s23+$0x87D0]  }
0x3de: {  	v44 =	vadd.f32 v44, v50;
	v47 =	vadd.f32 v47, v48;
	v48 =	vunpack.i.u.bf16.f32 v42;
	v51 =	vld [tilespmem:s23+$0x73D0]  }
0x3df: {  	v23 =	vmul.bf16 v23, v28;
	v28 =	vunpack.i.l.bf16.f32 v42;
	v38 =	vadd.f32 v43, v38;
	v50 =	vld [tilespmem:s23+$0x87F0]  }
0x3e0: {  	v7 =	vmul.bf16 v7, v8;
	v28 =	vadd.f32 v28, v48;
	v43 =	vadd.f32 v47, v44;
	v42 =	vld [tilespmem:s23+$0x73F0]  }
0x3e1: {  	v8 =	vmul.bf16 v9, v13;
	v9 =	vadd.f32 v34, v38;
	v47 =	vunpack.i.u.bf16.f32 v23;
	v44 =	vld [tilespmem:s23+$0x8800]  }
0x3e2: {  	v29 =	vmul.bf16 v24, v29;
	v23 =	vunpack.i.l.bf16.f32 v23;
	v28 =	vadd.f32 v28, v43;
	v13 =	vld [tilespmem:s23+$0x7400]  }
0x3e3: {  	v34 =	vmul.bf16 v20, v25;
	v20 =	vadd.f32 v35, v9;
	v38 =	vadd.f32 v23, v47;
	v24 =	vld [tilespmem:s23+$0x8760]  }
0x3e4: {  	v9 =	vunpack.i.u.bf16.f32 v29;
	v29 =	vunpack.i.l.bf16.f32 v29;
	v23 =	vadd.f32 v37, v28;
	v25 =	vld [tilespmem:s23+$0x7360]  }
0x3e5: {  	v35 =	vunpack.i.u.bf16.f32 v34;
	v34 =	vunpack.i.l.bf16.f32 v34;
	v32 =	vmul.bf16 v54, v32;
	v28 =	vld [tilespmem:s23+$0x8790]  }
0x3e6: {  	v29 =	vadd.f32 v29, v9;
	v9 =	vmul.bf16 v31, v53;
	v31 =	vadd.f32 v34, v35;
	v37 =	vld [tilespmem:s23+$0x7390]  }
0x3e7: {  	v21 =	vmul.bf16 v21, v22;
	v30 =	vmul.bf16 v30, v33;
	v33 =	vunpack.i.u.bf16.f32 v32;
	v34 =	vld [tilespmem:s23+$0x87B0]  }
0x3e8: {  	v32 =	vunpack.i.l.bf16.f32 v32;
	v35 =	vunpack.i.u.bf16.f32 v9;
	v9 =	vunpack.i.l.bf16.f32 v9;
	v22 =	vld [tilespmem:s23+$0x73B0]  }
0x3e9: {  	v32 =	vadd.f32 v32, v33;
	v9 =	vadd.f32 v9, v35;
	v36 =	vmul.bf16 v40, v36;
	v43 =	vld [tilespmem:s23+$0x87C0]  }
0x3ea: {  	v10 =	vmul.bf16 v10, v19;
	v35 =	vmul.bf16 v41, v39;
	v39 =	vunpack.i.u.bf16.f32 v21;
	v33 =	vld [tilespmem:s23+$0x73C0]  }
0x3eb: {  	v47 =	vunpack.i.u.bf16.f32 v30;
	v9 =	vadd.f32 v9, v32;
	v41 =	vunpack.i.u.bf16.f32 v36;
	v40 =	vld [tilespmem:s23+$0x8720]  }
0x3ec: {  	v36 =	vunpack.i.l.bf16.f32 v36;
	v48 =	vunpack.i.u.bf16.f32 v35;
	v35 =	vunpack.i.l.bf16.f32 v35;
	v32 =	vld [tilespmem:s23+$0x7320]  }
0x3ed: {  	v30 =	vunpack.i.l.bf16.f32 v30;
	v36 =	vadd.f32 v36, v41;
	v35 =	vadd.f32 v35, v48;
	v19 =	vld [tilespmem:s23+$0x8750]  }
0x3ee: {  	v30 =	vadd.f32 v30, v47;
	v47 =	vunpack.i.u.bf16.f32 v10;
	v21 =	vunpack.i.l.bf16.f32 v21;
	v41 =	vld [tilespmem:s23+$0x7350]  }
0x3ef: {  	v10 =	vunpack.i.l.bf16.f32 v10;
	v31 =	vadd.f32 v31, v9;
	v35 =	vadd.f32 v35, v36;
	v48 =	vld [tilespmem:s23+$0x8770]  }
0x3f0: {  	v10 =	vadd.f32 v10, v47;
	v26 =	vmul.bf16 v26, v27;
	v9 =	vadd.f32 v21, v39;
	v36 =	vld [tilespmem:s23+$0x7370]  }
0x3f1: {  	v11 =	vmul.bf16 v11, v12;
	v27 =	vadd.f32 v30, v35;
	v30 =	vadd.f32 v38, v31;
	v21 =	vld [tilespmem:s23+$0x8780]  }
0x3f2: {  	v12 =	vmul.bf16 v46, v49;
	v35 =	vunpack.i.u.bf16.f32 v26;
	v26 =	vunpack.i.l.bf16.f32 v26;
	v31 =	vld [tilespmem:s23+$0x7380]  }
0x3f3: {  	v39 =	vmul.bf16 v45, v51;
	v26 =	vadd.f32 v26, v35;
	v27 =	vadd.f32 v29, v27;
	v38 =	vld [tilespmem:s23+$0x86E0]  }
0x3f4: {  	v42 =	vmul.bf16 v50, v42;
	v35 =	vunpack.i.u.bf16.f32 v12;
	v12 =	vunpack.i.l.bf16.f32 v12;
	v29 =	vld [tilespmem:s23+$0x72E0]  }
0x3f5: {  	v35 =	vadd.f32 v12, v35;
	v12 =	vunpack.i.u.bf16.f32 v39;
	v39 =	vunpack.i.l.bf16.f32 v39;
	v45 =	vld [tilespmem:s23+$0x8710]  }
0x3f6: {  	v47 =	vunpack.i.u.bf16.f32 v42;
	v42 =	vunpack.i.l.bf16.f32 v42;
	v44 =	vmul.bf16 v44, v13;
	v46 =	vld [tilespmem:s23+$0x7310]  }
0x3f7: {  	v13 =	vadd.f32 v42, v47;
	v39 =	vadd.f32 v39, v12;
	v12 =	vmul.bf16 v14, v17;
	v49 =	vld [tilespmem:s23+$0x8730]  }
0x3f8: {  	v14 =	vunpack.i.u.bf16.f32 v44;
	v17 =	vmul.bf16 v34, v22;
	v22 =	vunpack.i.l.bf16.f32 v44;
	v42 =	vld [tilespmem:s23+$0x7330]  }
0x3f9: {  	v28 =	vmul.bf16 v28, v37;
	v14 =	vadd.f32 v22, v14;
	v33 =	vmul.bf16 v43, v33;
	v34 =	vld [tilespmem:s23+$0x8740]  }
0x3fa: {  	v22 =	vmul.bf16 v48, v36;
	v36 =	vunpack.i.u.bf16.f32 v17;
	v17 =	vunpack.i.l.bf16.f32 v17;
	v37 =	vld [tilespmem:s23+$0x7340]  }
0x3fb: {  	v21 =	vmul.bf16 v21, v31;
	v31 =	vunpack.i.u.bf16.f32 v33;
	v33 =	vunpack.i.l.bf16.f32 v33;
	v43 =	vld [tilespmem:s23+$0x8660]  }
0x3fc: {  	v17 =	vadd.f32 v17, v36;
	v47 =	vunpack.i.u.bf16.f32 v22;
	v31 =	vadd.f32 v33, v31;
	v44 =	vld [tilespmem:s23+$0x7260]  }
0x3fd: {  	v22 =	vunpack.i.l.bf16.f32 v22;
	v33 =	vunpack.i.u.bf16.f32 v21;
	v21 =	vunpack.i.l.bf16.f32 v21;
	v36 =	vld [tilespmem:s23+$0x86D0]  }
0x3fe: {  	v22 =	vadd.f32 v22, v47;
	v21 =	vadd.f32 v21, v33;
	v33 =	vunpack.i.u.bf16.f32 v28;
	v48 =	vld [tilespmem:s23+$0x72D0]  }
0x3ff: {  	v32 =	vmul.bf16 v40, v32;
	v28 =	vunpack.i.l.bf16.f32 v28;
	v31 =	vadd.f32 v31, v17;
	v47 =	vld [tilespmem:s23+$0x86F0]  }
0x400: {  	v17 =	vmul.bf16 v16, v18;
	v21 =	vadd.f32 v21, v22;
	v22 =	vadd.f32 v28, v33;
	v40 =	vld [tilespmem:s23+$0x72F0]  }
0x401: {  	v18 =	vmul.bf16 v24, v25;
	v28 =	vunpack.i.u.bf16.f32 v32;
	v24 =	vadd.f32 v39, v31;
	v16 =	vld [tilespmem:s23+$0x8700]  }
0x402: {  	v29 =	vmul.bf16 v38, v29;
	v25 =	vunpack.i.l.bf16.f32 v32;
	v21 =	vadd.f32 v22, v21;
	v31 =	vld [tilespmem:s23+$0x7300]  }
0x403: {  	v32 =	vmul.bf16 v45, v46;
	v25 =	vadd.f32 v25, v28;
	v22 =	vadd.f32 v26, v24;
	v50 =	vld [tilespmem:s23+$0x8650]  }
0x404: {  	v24 =	vunpack.i.u.bf16.f32 v29;
	v26 =	vunpack.i.l.bf16.f32 v29;
	v21 =	vadd.f32 v35, v21;
	v45 =	vld [tilespmem:s23+$0x7250];
	(xrf2) =	vadd.scan.msk.f32 $0xffff, v15  }
0x405: {  	v28 =	vunpack.i.u.bf16.f32 v32;
	v29 =	vunpack.i.l.bf16.f32 v32;
	v32 =	vmul.bf16 v49, v42;
	v15 =	vld [tilespmem:s23+$0x86B0]  }
0x406: {  	v19 =	vmul.bf16 v19, v41;
	v24 =	vadd.f32 v26, v24;
	v42 =	vadd.f32 v29, v28;
	v35 =	vld [tilespmem:s23+$0x72B0]  }
0x407: {  	v28 =	vunpack.i.u.bf16.f32 v32;
	v29 =	vunpack.i.l.bf16.f32 v32;
	v32 =	vmul.bf16 v34, v37;
	v26 =	vld [tilespmem:s23+$0x86C0];
	(xrf2) =	vadd.scan.msk.f32 $0xffff, v20  }
0x408: {  	v33 =	vmul.bf16 v43, v44;
	v34 =	vmul.bf16 v47, v40;
	v20 =	vadd.f32 v29, v28;
	v37 =	vld [tilespmem:s23+$0x72C0]  }
0x409: {  	v38 =	vunpack.i.u.bf16.f32 v32;
	v39 =	vunpack.i.l.bf16.f32 v32;
	v16 =	vmul.bf16 v16, v31;
	v29 =	vld [tilespmem:s23+$0x8690]  }
0x40a: {  	v40 =	vunpack.i.l.bf16.f32 v33;
	v28 =	vunpack.i.u.bf16.f32 v33;
	v41 =	vunpack.i.u.bf16.f32 v34;
	v31 =	vld [tilespmem:s23+$0x7290];
	(xrf2) =	vadd.scan.msk.f32 $0xffff, v23  }
0x40b: {  	v23 =	vunpack.i.l.bf16.f32 v34;
	v34 =	vunpack.i.u.bf16.f32 v16;
	v16 =	vunpack.i.l.bf16.f32 v16;
	v32 =	vld [tilespmem:s23+$0x8630]  }
0x40c: {  	v43 =	vmul.bf16 v15, v35;
	v23 =	vadd.f32 v23, v41;
	v16 =	vadd.f32 v16, v34;
	v33 =	vld [tilespmem:s23+$0x7230]  }
.Ltmp1:
0x40d: {  	v28 =	vadd.f32 v40, v28;
	v34 =	vld [tilespmem:s23+$0x8640];
	v37 =	vmul.bf16 v26, v37;
	v26 =	vadd.f32 v39, v38;
	(xrf2) =	vadd.scan.msk.f32 $0xffff, v30;
	(pc) =	sbr.rel @p1 .LBB2_5-.Ltmp1, $4  }
0x40e: {  	v40 =	vmul.bf16 v36, v48;
	v38 =	vunpack.i.u.bf16.f32 v43;
	v44 =	vadd.f32 v16, v23;
	v35 =	vld [tilespmem:s23+$0x7240];
	v15, _, _ =	vpop (xrf2)  }
0x40f: {  	v36 =	vunpack.i.l.bf16.f32 v43;
	v23 =	vld [tilespmem:s23+$0x8670];
	v39 =	vunpack.i.u.bf16.f32 v37;
	v41 =	vunpack.i.l.bf16.f32 v37  }
0x410: {  	v37 =	vadd.f32 v36, v38;
	v30 =	vld [tilespmem:s23+$0x7270];
	v38 =	vadd.f32 v41, v39;
	v39 =	vunpack.i.u.bf16.f32 v40;
	(xrf2) =	vadd.scan.msk.f32 $0xffff, v27  }
0x411: {  	s25 =	sadd.s32 $0x1000, s25;
	v36 =	vmul.bf16 v50, v45;
	v41 =	vunpack.i.l.bf16.f32 v40;
	v40 =	vadd.f32 v42, v44;
	v27 =	vld [tilespmem:s23+$0x8680];
	v16, _, _ =	vpop (xrf2)  }
0x412: {  	v32 =	vmul.bf16 v32, v33;
	v56 =	vld [tilespmem:s23+$0x7280];
	v37 =	vadd.f32 v38, v37;
	v57 =	vadd.f32 v41, v39  }
0x413: {  	v29 =	vmul.bf16 v29, v31;
	v20 =	vadd.f32 v26, v20;
	v34 =	vmul.bf16 v34, v35  }
0x414: {  	v58 =	vunpack.i.u.bf16.f32 v36;
	v25 =	vadd.f32 v25, v40;
	v60 =	vunpack.i.l.bf16.f32 v36  }
0x415: {  	v61 =	vld [tilespmem:s23+$0x86A0];
	v59 =	vunpack.i.u.bf16.f32 v32;
	v37 =	vadd.f32 v57, v37;
	v32 =	vunpack.i.l.bf16.f32 v32  }
0x416: {  	v63 =	vld [tilespmem:s23+$0x72A0];
	v42 =	vadd.f32 v60, v58;
	v46 =	vunpack.i.u.bf16.f32 v29;
	v23 =	vmul.bf16 v23, v30  }
0x417: {  	v62 =	vunpack.i.u.bf16.f32 v34;
	v34 =	vunpack.i.l.bf16.f32 v34;
	v27 =	vmul.bf16 v27, v56  }
0x418: {  	v32 =	vadd.f32 v32, v59;
	v34 =	vadd.f32 v34, v62;
	v44 =	vunpack.i.u.bf16.f32 v23  }
0x419: {  	v23 =	vunpack.i.l.bf16.f32 v23;
	v33 =	vunpack.i.u.bf16.f32 v27;
	v27 =	vunpack.i.l.bf16.f32 v27  }
0x41a: {  	v29 =	vunpack.i.l.bf16.f32 v29;
	v23 =	vadd.f32 v23, v44;
	v27 =	vadd.f32 v27, v33  }
0x41b: {  	v47 =	vadd.f32 v29, v46;
	v45 =	vmul.bf16 v61, v63;
	v43 =	vadd.f32 v34, v32  }
0x41c: {  	v48 =	vunpack.i.u.bf16.f32 v19;
	v24 =	vadd.f32 v24, v37;
	v23 =	vadd.f32 v27, v23  }
0x41d: {  	(xrf2) =	vadd.scan.msk.f32 $0xffff, v22;
	v50 =	vunpack.i.u.bf16.f32 v45;
	v51 =	vunpack.i.l.bf16.f32 v45;
	v30 =	vadd.f32 v42, v43  }
0x41e: {  	v54 =	vunpack.i.l.bf16.f32 v19;
	(xrf2) =	vadd.scan.msk.f32 $0xffff, v21;
	v53 =	vadd.f32 v51, v50;
	v52 =	vadd.f32 v47, v23  }
0x41f: {  	v55 =	vunpack.i.u.bf16.f32 v17;
	v19 =	vadd.f32 v54, v48;
	(xrf2) =	vadd.scan.msk.f32 $0xffff, v25;
	v49 =	vadd.f32 v28, v30  }
0x420: {  	v57 =	vunpack.i.l.bf16.f32 v18;
	v56 =	vunpack.i.u.bf16.f32 v18;
	(xrf2) =	vadd.scan.msk.f32 $0xffff, v24;
	v21 =	vadd.f32 v53, v52  }
0x421: {  	v58 =	vunpack.i.l.bf16.f32 v17;
	v19 =	vadd.f32 v19, v20;
	v18 =	vadd.f32 v57, v56;
	(xrf2) =	vadd.scan.msk.f32 $0xffff, v49  }
0x422: {  	v13 =	vadd.f32 v14, v13;
	v60 =	vunpack.i.u.bf16.f32 v11;
	v59 =	vadd.f32 v58, v55;
	(xrf2) =	vadd.scan.msk.f32 $0xffff, v21  }
0x423: {  	v62 =	vunpack.i.l.bf16.f32 v12;
	v61 =	vunpack.i.u.bf16.f32 v12;
	v18 =	vadd.f32 v18, v19  }
0x424: {  	v63, _, _ =	vpop (xrf2);
	v13 =	vadd.f32 v59, v13;
	v12 =	vadd.f32 v62, v61;
	v23 =	vunpack.i.l.bf16.f32 v11  }
0x425: {  	v9 =	vadd.f32 v10, v9;
	v26 =	vunpack.i.u.bf16.f32 v7;
	v24, _, _ =	vpop (xrf2);
	v25 =	vadd.f32 v23, v60;
	(xrf2) =	vadd.scan.msk.f32 $0xffff, v18  }
0x426: {  	v29 =	vunpack.i.l.bf16.f32 v8;
	v12 =	vadd.f32 v12, v13;
	v28 =	vunpack.i.u.bf16.f32 v8;
	v27, _, _ =	vpop (xrf2)  }
0x427: {  	v31 =	vunpack.i.l.bf16.f32 v7;
	v8 =	vadd.f32 v29, v28;
	v30, _, _ =	vpop (xrf2);
	v9 =	vadd.f32 v25, v9  }
0x428: {  	v5 =	vadd.f32 v6, v5;
	v33 =	vadd.f32 v31, v26;
	v32, _, _ =	vpop (xrf2);
	(xrf2) =	vadd.scan.msk.f32 $0xffff, v12  }
0x429: {  	v36 =	vunpack.i.u.bf16.f32 v4;
	v37 =	vunpack.i.l.bf16.f32 v4;
	v35, _, _ =	vpop (xrf2);
	v8 =	vadd.f32 v8, v9  }
0x42a: {  	v4 =	vadd.f32 v37, v36;
	v5 =	vadd.f32 v33, v5;
	v38, _, _ =	vpop (xrf2)  }
0x42b: {  	v39 =	vunpack.i.l.bf16.f32 v3;
	v0 =	vadd.f32 v2, v0;
	v34 =	vunpack.i.u.bf16.f32 v3;
	(xrf2) =	vadd.scan.msk.f32 $0xffff, v8;
	v40, _, _ =	vpop (xrf2)  }
0x42c: {  	v41 =	vunpack.i.u.bf16.f32 v1;
	v3 =	vadd.f32 v39, v34;
	v4 =	vadd.f32 v4, v5;
	v42, _, _ =	vpop (xrf2)  }
0x42d: {  	v43 =	vunpack.i.l.bf16.f32 v1;
	v6 =	vbroadcast v40, $0xF;
	v5 =	vbroadcast v42, $0xF  }
0x42e: {  	v0 =	vadd.f32 v3, v0;
	v1 =	vadd.f32 v43, v41;
	v44 =	vbroadcast v38, $0xF;
	(xrf2) =	vadd.scan.msk.f32 $0xffff, v4  }
0x42f: {  	v46 =	vbroadcast v35, $0xF;
	v47, _, _ =	vpop (xrf2);
	v45 =	vsel vm0, v6, v5  }
0x430: {  	v0 =	vadd.f32 v1, v0;
	v4 =	vbroadcast v47, $0xF;
	v2 =	vsel vm1, v45, v44  }
0x431: {  	v49 =	vbroadcast v32, $0xF;
	v48 =	vsel vm2, v2, v46  }
0x432: {  	v50 =	vbroadcast v30, $0xF;
	(xrf2) =	vadd.scan.msk.f32 $0xffff, v0;
	v51, _, _ =	vpop (xrf2);
	v1 =	vsel vm3, v48, v4  }
0x433: {  	v53 =	vbroadcast v51, $0xF;
	v52 =	vsel vm4, v1, v49  }
0x434: {  	v54 =	vbroadcast v27, $0xF;
	v0 =	vsel vm5, v52, v50  }
0x435: {  	v55 =	vbroadcast v24, $0xF;
	v56, _, _ =	vpop (xrf2);
	v0 =	vsel vm6, v0, v53  }
0x436: {  	v57 =	vbroadcast v56, $0xF;
	v0 =	vsel vm7, v0, v54  }
0x437: {  	v58 =	vbroadcast v63, $0xF;
	v0 =	vsel vm8, v0, v55  }
0x438: {  	s22 =	sadd.s32 $0x1, s22;
	v59 =	vbroadcast v16, $0xF;
	v60, _, _ =	vpop (xrf2);
	v0 =	vsel vm9, v0, v57  }
0x439: {  	p1 =	sne.s32 s22, $0x3E;
	v61 =	vbroadcast v60, $0xF;
	v0 =	vsel vm10, v0, v58  }
.Ltmp2:
0x43a: {  	v62 =	vbroadcast v15, $0xF;
	v0 =	vsel vm11, v0, v59;
	(pc) =	sbr.rel @p1 .LBB2_2-.Ltmp2, $4  }
0x43b: {  	v0 =	vsel vm12, v0, v61  }
0x43c: {  	v63, _, _ =	vpop (xrf2);
	v0 =	vsel vm13, v0, v62  }
0x43d: {  	s31 =	sadd.s32 $0x10, s24;
	v0 =	vsel vm14, v0, v63  }
0x43e: {  	s21 =	sadd.s32 $0xA0, s21;
	s20 =	sadd.s32 $0xA0, s20;
	[tilespmem:s31+$0x0] =	vst v0  }
0x43f: {  	_ =	swait.ge [sflag:s16], $0x1400  }
0x440: {  	[sflag:s16] =	ssyncset.done $0x0  }
0x441: {  	[sflag:s16] =	ssyncadd.s32 $0xFFFFEC00  }
0x442: {  	_ =	swait.ge [sflag:s16], $0x1400  }
0x443: {  	[sflag:s16] =	ssyncset.done $0x0  }
0x444: {  	s20 =	simm.s32 $0x3F0;
	[sflag:s16] =	ssyncadd.s32 $0xFFFFEC00  }
0x445: {  	v1 =	vld [tilespmem:s20+$0x6220]  }
0x446: {  	v2 =	vld [tilespmem:s20+$0x4E20]  }
0x447: {  	v3 =	vld [tilespmem:s20+$0x6210]  }
0x448: {  	v4 =	vld [tilespmem:s20+$0x4E10]  }
0x449: {  	v0 =	vld [tilespmem:s20+$0x61E0]  }
0x44a: {  	v5 =	vld [tilespmem:s20+$0x4DE0]  }
0x44b: {  	v6 =	vld [tilespmem:s20+$0x61F0]  }
0x44c: {  	v9 =	vld [tilespmem:s20+$0x4DF0]  }
0x44d: {  	v10 =	vld [tilespmem:s20+$0x6200]  }
0x44e: {  	v11 =	vld [tilespmem:s20+$0x4E00]  }
0x44f: {  	v20 =	vld [tilespmem:s20+$0x61A0]  }
0x450: {  	v21 =	vld [tilespmem:s20+$0x4DA0]  }
0x451: {  	v17 =	vld [tilespmem:s20+$0x61D0]  }
0x452: {  	v18 =	vld [tilespmem:s20+$0x4DD0]  }
0x453: {  	v19 =	vld [tilespmem:s20+$0x6160]  }
0x454: {  	v22 =	vld [tilespmem:s20+$0x4D60]  }
0x455: {  	v7 =	vld [tilespmem:s20+$0x6190]  }
0x456: {  	v8 =	vld [tilespmem:s20+$0x4D90]  }
0x457: {  	v13 =	vld [tilespmem:s20+$0x61B0]  }
0x458: {  	v15 =	vld [tilespmem:s20+$0x4DB0]  }
0x459: {  	v23 =	vld [tilespmem:s20+$0x61C0]  }
0x45a: {  	v24 =	vld [tilespmem:s20+$0x4DC0]  }
0x45b: {  	v25 =	vld [tilespmem:s20+$0x6120]  }
0x45c: {  	v26 =	vld [tilespmem:s20+$0x4D20]  }
0x45d: {  	v27 =	vld [tilespmem:s20+$0x6150]  }
0x45e: {  	v28 =	vld [tilespmem:s20+$0x4D50]  }
0x45f: {  	v29 =	vld [tilespmem:s20+$0x6170]  }
0x460: {  	v30 =	vld [tilespmem:s20+$0x4D70]  }
0x461: {  	v31 =	vld [tilespmem:s20+$0x6180]  }
0x462: {  	v32 =	vld [tilespmem:s20+$0x4D80]  }
0x463: {  	v33 =	vld [tilespmem:s20+$0x60E0]  }
0x464: {  	v34 =	vld [tilespmem:s20+$0x4CE0]  }
0x465: {  	v35 =	vld [tilespmem:s20+$0x6110]  }
0x466: {  	v36 =	vld [tilespmem:s20+$0x4D10]  }
0x467: {  	v37 =	vld [tilespmem:s20+$0x6130]  }
0x468: {  	v38 =	vld [tilespmem:s20+$0x4D30]  }
0x469: {  	v39 =	vld [tilespmem:s20+$0x6140]  }
0x46a: {  	v40 =	vld [tilespmem:s20+$0x4D40]  }
0x46b: {  	v41 =	vld [tilespmem:s20+$0x60A0]  }
0x46c: {  	v42 =	vld [tilespmem:s20+$0x4CA0]  }
0x46d: {  	v14 =	vld [tilespmem:s20+$0x60D0]  }
0x46e: {  	v16 =	vld [tilespmem:s20+$0x4CD0]  }
0x46f: {  	v43 =	vld [tilespmem:s20+$0x60F0]  }
0x470: {  	v44 =	vld [tilespmem:s20+$0x4CF0]  }
0x471: {  	v45 =	vld [tilespmem:s20+$0x6100]  }
0x472: {  	v46 =	vld [tilespmem:s20+$0x4D00]  }
0x473: {  	v47 =	vld [tilespmem:s20+$0x6060]  }
0x474: {  	v48 =	vld [tilespmem:s20+$0x4C60]  }
0x475: {  	v49 =	vld [tilespmem:s20+$0x6090]  }
0x476: {  	v50 =	vld [tilespmem:s20+$0x4C90]  }
0x477: {  	v51 =	vld [tilespmem:s20+$0x60B0];
	v0 =	vmul.bf16 v0, v5;
	v6 =	vmul.bf16 v6, v9  }
0x478: {  	v52 =	vld [tilespmem:s20+$0x4CB0];
	v9 =	vmul.bf16 v13, v15;
	v23 =	vmul.bf16 v23, v24  }
0x479: {  	v12 =	vld [tilespmem:s20+$0x60C0];
	v17 =	vmul.bf16 v17, v18;
	v10 =	vmul.bf16 v10, v11  }
0x47a: {  	v53 =	vld [tilespmem:s20+$0x6050];
	v1 =	vmul.bf16 v1, v2;
	v11 =	vmul.bf16 v19, v22  }
0x47b: {  	v54 =	vld [tilespmem:s20+$0x6070];
	v3 =	vmul.bf16 v3, v4;
	v4 =	vmul.bf16 v25, v26  }
0x47c: {  	v55 =	vld [tilespmem:s20+$0x4C80];
	v59 =	vmul.bf16 v39, v40;
	v60 =	vmul.bf16 v43, v44  }
0x47d: {  	v13 =	vld [tilespmem:s20+$0x4CC0];
	v62 =	vmul.bf16 v45, v46;
	v41 =	vmul.bf16 v41, v42  }
0x47e: {  	v15 =	vld [tilespmem:s20+$0x6020];
	v7 =	vmul.bf16 v7, v8;
	v8 =	vmul.bf16 v33, v34  }
0x47f: {  	v18 =	vld [tilespmem:s20+$0x4C20];
	v58 =	vmul.bf16 v47, v48;
	v14 =	vmul.bf16 v14, v16;
	v5 =	vunpack.i.u.bf16.f32 v0  }
0x480: {  	v22 =	vld [tilespmem:s20+$0x6080];
	v0 =	vunpack.i.l.bf16.f32 v0;
	v24 =	vunpack.i.u.bf16.f32 v9;
	v2 =	vunpack.i.u.bf16.f32 v10  }
0x481: {  	v25 =	vld [tilespmem:s20+$0x5FE0];
	v10 =	vunpack.i.l.bf16.f32 v10;
	v39 =	vunpack.i.u.bf16.f32 v59;
	v43 =	vunpack.i.u.bf16.f32 v60  }
0x482: {  	v26 =	vld [tilespmem:s20+$0x4BE0];
	v63 =	vunpack.i.u.bf16.f32 v62;
	v57 =	vunpack.i.u.bf16.f32 v41;
	v33 =	vunpack.i.l.bf16.f32 v58  }
0x483: {  	v19 =	vld [tilespmem:s20+$0x4C10];
	v5 =	vadd.f32 v0, v5;
	v0 =	vunpack.i.u.bf16.f32 v6;
	v6 =	vunpack.i.l.bf16.f32 v6  }
0x484: {  	v40 =	vld [tilespmem:s20+$0x4BA0];
	v2 =	vadd.f32 v10, v2;
	v10 =	vunpack.i.l.bf16.f32 v11;
	v0 =	vadd.f32 v6, v0  }
0x485: {  	v44 =	vld [tilespmem:s20+$0x4BD0];
	v6 =	vunpack.i.l.bf16.f32 v9;
	v9 =	vunpack.i.u.bf16.f32 v23;
	v23 =	vunpack.i.l.bf16.f32 v23  }
0x486: {  	v45 =	vld [tilespmem:s20+$0x4B90];
	v6 =	vadd.f32 v6, v24;
	v9 =	vadd.f32 v23, v9;
	v24 =	vunpack.i.u.bf16.f32 v17  }
0x487: {  	v42 =	vld [tilespmem:s20+$0x5F20];
	v17 =	vunpack.i.l.bf16.f32 v17;
	v22 =	vmul.bf16 v22, v55;
	v12 =	vmul.bf16 v12, v13  }
0x488: {  	v23 =	vld [tilespmem:s20+$0x4C50];
	v25 =	vmul.bf16 v25, v26;
	v6 =	vadd.f32 v9, v6;
	v9 =	vadd.f32 v17, v24  }
0x489: {  	v26 =	vld [tilespmem:s20+$0x5F80];
	v15 =	vmul.bf16 v15, v18;
	v55 =	vunpack.i.u.bf16.f32 v22;
	v22 =	vunpack.i.l.bf16.f32 v22  }
0x48a: {  	v24 =	vld [tilespmem:s20+$0x4C70];
	v6 =	vadd.f32 v9, v6;
	v9 =	vunpack.i.u.bf16.f32 v11;
	v11 =	vmul.bf16 v27, v28  }
0x48b: {  	v17 =	vld [tilespmem:s20+$0x6010];
	v22 =	vadd.f32 v22, v55;
	v28 =	vmul.bf16 v31, v32;
	v31 =	vmul.bf16 v35, v36  }
0x48c: {  	v55 =	vld [tilespmem:s20+$0x4A60];
	v32 =	vunpack.i.l.bf16.f32 v59;
	v35 =	vunpack.i.l.bf16.f32 v60;
	v59 =	vunpack.i.l.bf16.f32 v41  }
0x48d: {  	v36 =	vld [tilespmem:s20+$0x5FD0];
	v60 =	vmul.bf16 v49, v50;
	v10 =	vadd.f32 v10, v9;
	v32 =	vadd.f32 v32, v39  }
0x48e: {  	v35 =	vadd.f32 v35, v43;
	v43 =	vld [tilespmem:s20+$0x5FF0];
	v34 =	vadd.f32 v59, v57;
	v23 =	vmul.bf16 v53, v23  }
0x48f: {  	v39 =	vld [tilespmem:s20+$0x4B60];
	v59 =	vunpack.i.u.bf16.f32 v12;
	v9 =	vadd.f32 v5, v6;
	v5 =	vunpack.i.u.bf16.f32 v4  }
0x490: {  	v4 =	vunpack.i.l.bf16.f32 v4;
	v6 =	vmul.bf16 v29, v30;
	v29 =	vld [tilespmem:s20+$0x6030];
	v56 =	vunpack.i.u.bf16.f32 v31  }
0x491: {  	v31 =	vunpack.i.l.bf16.f32 v31;
	v41 =	vunpack.i.l.bf16.f32 v60;
	v24 =	vmul.bf16 v54, v24;
	v54 =	vld [tilespmem:s20+$0x4BB0]  }
0x492: {  	v27 =	vadd.f32 v4, v5;
	v4 =	vunpack.i.u.bf16.f32 v11;
	v31 =	vadd.f32 v31, v56;
	v56 =	vld [tilespmem:s20+$0x5FC0]  }
0x493: {  	v5 =	vunpack.i.l.bf16.f32 v11;
	v17 =	vmul.bf16 v17, v19;
	v19 =	vld [tilespmem:s20+$0x5F00];
	v11 =	vunpack.i.u.bf16.f32 v6  }
0x494: {  	v6 =	vunpack.i.l.bf16.f32 v6;
	v30 =	vadd.f32 v5, v4;
	v4 =	vmul.bf16 v20, v21;
	v20 =	vld [tilespmem:s20+$0x4C30]  }
0x495: {  	v21 =	vunpack.i.l.bf16.f32 v28;
	v5 =	vadd.f32 v6, v11;
	v6 =	vunpack.i.u.bf16.f32 v28;
	v28 =	vld [tilespmem:s20+$0x6040]  }
0x496: {  	v57 =	vunpack.i.u.bf16.f32 v23;
	v11 =	vmul.bf16 v37, v38;
	v37 =	vld [tilespmem:s20+$0x5FA0];
	v38 =	vunpack.i.l.bf16.f32 v62  }
0x497: {  	v62 =	vunpack.i.u.bf16.f32 v24;
	v24 =	vunpack.i.l.bf16.f32 v24;
	v6 =	vadd.f32 v21, v6;
	v21 =	vld [tilespmem:s20+$0x4C40]  }
0x498: {  	v36 =	vmul.bf16 v36, v44;
	v38 =	vadd.f32 v38, v63;
	v63 =	vmul.bf16 v51, v52;
	v51 =	vld [tilespmem:s20+$0x5F50]  }
0x499: {  	v24 =	vadd.f32 v24, v62;
	v62 =	vld [tilespmem:s20+$0x5F10];
	v61 =	vunpack.i.u.bf16.f32 v11;
	v11 =	vunpack.i.l.bf16.f32 v11  }
0x49a: {  	v52 =	vld [tilespmem:s20+$0x5F40];
	v11 =	vadd.f32 v11, v61;
	v35 =	vadd.f32 v38, v35;
	v61 =	vunpack.i.u.bf16.f32 v58  }
0x49b: {  	v22 =	vadd.f32 v22, v24;
	v24 =	vld [tilespmem:s20+$0x4B20];
	v46 =	vunpack.i.l.bf16.f32 v63;
	v33 =	vadd.f32 v33, v61  }
0x49c: {  	v38 =	vld [tilespmem:s20+$0x6000];
	v20 =	vmul.bf16 v29, v20;
	v11 =	vadd.f32 v32, v11;
	v31 =	vadd.f32 v31, v35  }
0x49d: {  	v29 =	vld [tilespmem:s20+$0x4BC0];
	v16 =	vmul.bf16 v37, v40;
	v21 =	vmul.bf16 v28, v21;
	v28 =	vunpack.i.u.bf16.f32 v63  }
0x49e: {  	v32 =	vld [tilespmem:s20+$0x4BF0];
	v13 =	vunpack.i.u.bf16.f32 v20;
	v20 =	vunpack.i.l.bf16.f32 v20;
	v11 =	vadd.f32 v30, v11  }
0x49f: {  	v35 =	vld [tilespmem:s20+$0x5F60];
	v13 =	vadd.f32 v20, v13;
	v61 =	vunpack.i.u.bf16.f32 v16;
	v16 =	vunpack.i.l.bf16.f32 v16  }
0x4a0: {  	v63 =	vld [tilespmem:s20+$0x4B10];
	v58 =	vunpack.i.u.bf16.f32 v21;
	v21 =	vunpack.i.l.bf16.f32 v21;
	v24 =	vmul.bf16 v42, v24  }
0x4a1: {  	v30 =	vld [tilespmem:s20+$0x4C00];
	v10 =	vadd.f32 v10, v11;
	v11 =	vadd.f32 v27, v31;
	v31 =	vunpack.i.u.bf16.f32 v60  }
0x4a2: {  	v27 =	vld [tilespmem:s20+$0x5F90];
	v20 =	vadd.f32 v21, v58;
	v21 =	vunpack.i.l.bf16.f32 v23;
	v29 =	vmul.bf16 v56, v29  }
0x4a3: {  	v23 =	vld [tilespmem:s20+$0x4B50];
	v31 =	vadd.f32 v41, v31;
	v21 =	vadd.f32 v21, v57;
	v32 =	vmul.bf16 v43, v32  }
0x4a4: {  	v60 =	vld [tilespmem:s20+$0x5F70];
	v35 =	vmul.bf16 v35, v39;
	v20 =	vadd.f32 v20, v13;
	v13 =	vunpack.i.l.bf16.f32 v12  }
0x4a5: {  	v41 =	vld [tilespmem:s20+$0x5FB0];
	v12 =	vadd.f32 v46, v28;
	v28 =	vunpack.i.u.bf16.f32 v25;
	v25 =	vunpack.i.l.bf16.f32 v25  }
0x4a6: {  	v62 =	vmul.bf16 v62, v63;
	v22 =	vadd.f32 v31, v22;
	v31 =	vld [tilespmem:s20+$0x4B70];
	v13 =	vadd.f32 v13, v59  }
0x4a7: {  	v25 =	vadd.f32 v25, v28;
	v28 =	vld [tilespmem:s20+$0x4AE0];
	v43 =	vunpack.i.u.bf16.f32 v32;
	v30 =	vmul.bf16 v38, v30  }
0x4a8: {  	v32 =	vunpack.i.l.bf16.f32 v32;
	v38 =	vld [tilespmem:s20+$0x5F30];
	v21 =	vadd.f32 v21, v20;
	v37 =	vunpack.i.u.bf16.f32 v62  }
0x4a9: {  	v59 =	vld [tilespmem:s20+$0x5EF0];
	v20 =	vadd.f32 v34, v22;
	v18 =	vunpack.i.u.bf16.f32 v30;
	v30 =	vunpack.i.l.bf16.f32 v30  }
0x4aa: {  	v22 =	vld [tilespmem:s20+$0x4B80];
	v27 =	vmul.bf16 v27, v45;
	v23 =	vmul.bf16 v51, v23;
	v21 =	vadd.f32 v33, v21  }
0x4ab: {  	v34 =	vld [tilespmem:s20+$0x5EE0];
	v33 =	vadd.f32 v16, v61;
	v16 =	vunpack.i.u.bf16.f32 v36;
	v36 =	vunpack.i.l.bf16.f32 v36  }
0x4ac: {  	v41 =	vmul.bf16 v41, v54;
	v18 =	vadd.f32 v30, v18;
	v30 =	vld [tilespmem:s20+$0x4B40];
	v36 =	vadd.f32 v36, v16  }
0x4ad: {  	v54 =	vld [tilespmem:s20+$0x5E60];
	v16 =	vadd.f32 v32, v43;
	v58 =	vunpack.i.u.bf16.f32 v27;
	v27 =	vunpack.i.l.bf16.f32 v27  }
0x4ae: {  	v61 =	vld [tilespmem:s20+$0x4B00];
	v31 =	vmul.bf16 v60, v31;
	v53 =	vunpack.i.u.bf16.f32 v41;
	v41 =	vunpack.i.l.bf16.f32 v41  }
0x4af: {  	v32 =	vld [tilespmem:s20+$0x4B30];
	v27 =	vadd.f32 v27, v58;
	v41 =	vadd.f32 v41, v53;
	v22 =	vmul.bf16 v26, v22  }
0x4b0: {  	v60 =	vld [tilespmem:s20+$0x4AF0];
	v26 =	vunpack.i.u.bf16.f32 v29;
	v29 =	vunpack.i.l.bf16.f32 v29;
	v56 =	vunpack.i.u.bf16.f32 v31  }
0x4b1: {  	v31 =	vunpack.i.l.bf16.f32 v31;
	v28 =	vmul.bf16 v34, v28;
	v26 =	vadd.f32 v29, v26  }
0x4b2: {  	v31 =	vadd.f32 v31, v56;
	v30 =	vmul.bf16 v52, v30;
	v52 =	vmul.bf16 v54, v55  }
0x4b3: {  	v48 =	vld [tilespmem:s20+$0x4AD0];
	v19 =	vmul.bf16 v19, v61;
	v57 =	vunpack.i.u.bf16.f32 v22;
	v22 =	vunpack.i.l.bf16.f32 v22  }
0x4b4: {  	v49 =	vld [tilespmem:s20+$0x4AB0];
	v32 =	vmul.bf16 v38, v32;
	v22 =	vadd.f32 v22, v57;
	v26 =	vadd.f32 v26, v41  }
0x4b5: {  	v50 =	vld [tilespmem:s20+$0x5EC0];
	v41 =	vmul.bf16 v59, v60;
	v54 =	vunpack.i.u.bf16.f32 v30;
	v30 =	vunpack.i.l.bf16.f32 v30  }
0x4b6: {  	v63 =	vld [tilespmem:s20+$0x5EB0];
	v55 =	vunpack.i.u.bf16.f32 v52;
	v58 =	vunpack.i.u.bf16.f32 v19;
	v19 =	vunpack.i.l.bf16.f32 v19  }
0x4b7: {  	v43 =	vld [tilespmem:s20+$0x4A90];
	v39 =	vunpack.i.l.bf16.f32 v52;
	v51 =	vunpack.i.u.bf16.f32 v32;
	v19 =	vadd.f32 v19, v58  }
0x4b8: {  	v29 =	vld [tilespmem:s20+$0x5ED0];
	v32 =	vunpack.i.l.bf16.f32 v32;
	v39 =	vadd.f32 v39, v55;
	v30 =	vadd.f32 v30, v54  }
0x4b9: {  	v53 =	vld [tilespmem:s20+$0x4AC0];
	v22 =	vadd.f32 v22, v31;
	v31 =	vunpack.i.u.bf16.f32 v24;
	v26 =	vadd.f32 v36, v26  }
0x4ba: {  	v61 =	vld [tilespmem:s20+$0x5E40];
	v24 =	vunpack.i.l.bf16.f32 v24;
	v36 =	vunpack.i.l.bf16.f32 v62;
	v32 =	vadd.f32 v32, v51  }
0x4bb: {  	v57 =	vld [tilespmem:s20+$0x5E30];
	v56 =	vunpack.i.u.bf16.f32 v41;
	v41 =	vunpack.i.l.bf16.f32 v41;
	v24 =	vadd.f32 v24, v31  }
0x4bc: {  	v59 =	vld [tilespmem:s20+$0x4A30];
	v31 =	vunpack.i.u.bf16.f32 v28;
	v28 =	vunpack.i.l.bf16.f32 v28;
	v60 =	vadd.f32 v41, v56  }
0x4bd: {  	v62 =	vld [tilespmem:s20+$0x4A40];
	v29 =	vmul.bf16 v29, v48;
	v22 =	vadd.f32 v27, v22;
	v25 =	vadd.f32 v25, v26  }
0x4be: {  	v27 =	vld [tilespmem:s20+$0x5E50];
	v28 =	vadd.f32 v28, v31;
	v31 =	vadd.f32 v36, v37  }
0x4bf: {  	v26 =	vld [tilespmem:s20+$0x4A50];
	v36 =	vmul.bf16 v50, v53;
	v19 =	vadd.f32 v19, v60;
	v52 =	vunpack.i.u.bf16.f32 v29  }
0x4c0: {  	v51 =	vld [tilespmem:s20+$0x4A70];
	v29 =	vunpack.i.l.bf16.f32 v29;
	v22 =	vadd.f32 v33, v22;
	v33 =	vmul.bf16 v63, v49  }
0x4c1: {  	(xrf2) =	vadd.scan.msk.f32 $0xffff, v9;
	v37 =	vld [tilespmem:s20+$0x5E90];
	v50 =	vunpack.i.u.bf16.f32 v36;
	v36 =	vunpack.i.l.bf16.f32 v36;
	v29 =	vadd.f32 v29, v52  }
0x4c2: {  	(xrf2) =	vadd.scan.msk.f32 $0xffff, v10;
	v53 =	vld [tilespmem:s20+$0x4A80];
	v36 =	vadd.f32 v36, v50;
	v19 =	vadd.f32 v31, v19;
	v31 =	vmul.bf16 v57, v59  }
0x4c3: {  	(xrf2) =	vadd.scan.msk.f32 $0xffff, v11;
	v49 =	vld [tilespmem:s20+$0x5E70];
	v34 =	vmul.bf16 v61, v62;
	v63 =	vunpack.i.u.bf16.f32 v33;
	v33 =	vunpack.i.l.bf16.f32 v33  }
0x4c4: {  	(xrf2) =	vadd.scan.msk.f32 $0xffff, v20;
	v33 =	vadd.f32 v33, v63;
	v26 =	vmul.bf16 v27, v26;
	v27 =	vld [tilespmem:s20+$0x5E80];
	v19 =	vadd.f32 v24, v19  }
0x4c5: {  	(xrf2) =	vadd.scan.msk.f32 $0xffff, v21;
	v24 =	vunpack.i.u.bf16.f32 v31;
	v31 =	vunpack.i.l.bf16.f32 v31;
	v56 =	vunpack.i.u.bf16.f32 v34  }
0x4c6: {  	(xrf2) =	vadd.scan.msk.f32 $0xffff, v25;
	v34 =	vunpack.i.l.bf16.f32 v34;
	v59 =	vmul.bf16 v37, v43;
	v24 =	vadd.f32 v31, v24  }
0x4c7: {  	v55 =	vld [tilespmem:s20+$0x5EA0];
	(xrf2) =	vadd.scan.msk.f32 $0xffff, v22;
	v31 =	vadd.f32 v34, v56;
	v33 =	vadd.f32 v36, v33;
	v54 =	vunpack.i.u.bf16.f32 v26  }
0x4c8: {  	v57 =	vld [tilespmem:s20+$0x4AA0];
	v26 =	vunpack.i.l.bf16.f32 v26;
	v58 =	vmul.bf16 v49, v51;
	(xrf2) =	vadd.scan.msk.f32 $0xffff, v19;
	v19 =	vadd.f32 v30, v32  }
0x4c9: {  	v26 =	vadd.f32 v26, v54;
	v29 =	vadd.f32 v29, v33;
	v27 =	vmul.bf16 v27, v53  }
0x4ca: {  	v9 =	vadd.f32 v31, v24;
	v24 =	vunpack.i.u.bf16.f32 v58;
	v10 =	vunpack.i.l.bf16.f32 v58  }
0x4cb: {  	v28 =	vadd.f32 v28, v29;
	v29 =	vunpack.i.u.bf16.f32 v27;
	v27 =	vunpack.i.l.bf16.f32 v27  }
0x4cc: {  	v20 =	vunpack.i.u.bf16.f32 v59;
	v10 =	vadd.f32 v10, v24;
	v11 =	vadd.f32 v27, v29  }
0x4cd: {  	v24 =	vmul.bf16 v55, v57;
	v9 =	vadd.f32 v26, v9;
	v26 =	vunpack.i.l.bf16.f32 v59  }
0x4ce: {  	v10 =	vadd.f32 v11, v10;
	v11 =	vadd.f32 v26, v20  }
0x4cf: {  	v21 =	vunpack.i.u.bf16.f32 v24;
	v24 =	vunpack.i.l.bf16.f32 v24;
	v20 =	vunpack.i.u.bf16.f32 v23  }
0x4d0: {  	v10 =	vadd.f32 v11, v10;
	v11 =	vadd.f32 v24, v21;
	v21 =	vunpack.i.l.bf16.f32 v23  }
0x4d1: {  	v22 =	vunpack.i.l.bf16.f32 v35;
	v9 =	vadd.f32 v39, v9;
	v20 =	vadd.f32 v21, v20  }
0x4d2: {  	(xrf2) =	vadd.scan.msk.f32 $0xffff, v28;
	v21 =	vunpack.i.u.bf16.f32 v17;
	v10 =	vadd.f32 v11, v10;
	v11 =	vunpack.i.u.bf16.f32 v35  }
0x4d3: {  	(xrf2) =	vadd.scan.msk.f32 $0xffff, v9;
	v17 =	vunpack.i.l.bf16.f32 v17;
	v9 =	vadd.f32 v20, v19;
	v11 =	vadd.f32 v22, v11  }
0x4d4: {  	v16 =	vadd.f32 v18, v16;
	v18 =	vunpack.i.u.bf16.f32 v14;
	v17 =	vadd.f32 v17, v21  }
0x4d5: {  	v9 =	vadd.f32 v11, v9;
	v11 =	vunpack.i.u.bf16.f32 v15;
	v15 =	vunpack.i.l.bf16.f32 v15  }
0x4d6: {  	v14 =	vunpack.i.l.bf16.f32 v14;
	v16 =	vadd.f32 v17, v16;
	v11 =	vadd.f32 v15, v11  }
0x4d7: {  	v12 =	vadd.f32 v13, v12;
	v13 =	vadd.f32 v14, v18;
	v14 =	vunpack.i.u.bf16.f32 v7;
	v19, _, _ =	vpop (xrf2);
	(xrf2) =	vadd.scan.msk.f32 $0xffff, v10  }
0x4d8: {  	v10, _, _ =	vpop (xrf2);
	(xrf2) =	vadd.scan.msk.f32 $0xffff, v9;
	v11 =	vadd.f32 v11, v16;
	v16 =	vunpack.i.u.bf16.f32 v8;
	v8 =	vunpack.i.l.bf16.f32 v8  }
0x4d9: {  	v7 =	vunpack.i.l.bf16.f32 v7;
	v12 =	vadd.f32 v13, v12;
	v20, _, _ =	vpop (xrf2);
	v8 =	vadd.f32 v8, v16  }
0x4da: {  	v5 =	vadd.f32 v6, v5;
	v6 =	vadd.f32 v7, v14;
	v15, _, _ =	vpop (xrf2)  }
0x4db: {  	v9, _, _ =	vpop (xrf2);
	v8 =	vadd.f32 v8, v12;
	v12 =	vunpack.i.u.bf16.f32 v4;
	v4 =	vunpack.i.l.bf16.f32 v4  }
0x4dc: {  	v5 =	vadd.f32 v6, v5;
	v17, _, _ =	vpop (xrf2);
	v4 =	vadd.f32 v4, v12  }
0x4dd: {  	(xrf2) =	vadd.scan.msk.f32 $0xffff, v11;
	v13, _, _ =	vpop (xrf2)  }
0x4de: {  	v11, _, _ =	vpop (xrf2);
	v4 =	vadd.f32 v4, v5  }
0x4df: {  	v14, _, _ =	vpop (xrf2)  }
0x4e0: {  	v0 =	vadd.f32 v2, v0;
	v7 =	vunpack.i.u.bf16.f32 v3;
	v3 =	vunpack.i.l.bf16.f32 v3;
	(xrf2) =	vadd.scan.msk.f32 $0xffff, v8;
	v6, _, _ =	vpop (xrf2)  }
0x4e1: {  	v2 =	vunpack.i.u.bf16.f32 v1;
	v1 =	vunpack.i.l.bf16.f32 v1;
	v3 =	vadd.f32 v3, v7;
	v5, _, _ =	vpop (xrf2)  }
0x4e2: {  	v1 =	vadd.f32 v1, v2;
	v6 =	vbroadcast v6, $0xF;
	v5 =	vbroadcast v5, $0xF;
	(xrf2) =	vadd.scan.msk.f32 $0xffff, v4;
	v4, _, _ =	vpop (xrf2)  }
0x4e3: {  	v0 =	vadd.f32 v3, v0;
	v7 =	vbroadcast v14, $0xF;
	v4 =	vbroadcast v4, $0xF  }
0x4e4: {  	v3 =	vbroadcast v11, $0xF;
	v2 =	vsel vm0, v6, v5  }
0x4e5: {  	v0 =	vadd.f32 v1, v0;
	v2 =	vsel vm1, v2, v7  }
0x4e6: {  	v1 =	vsel vm2, v2, v3;
	v2 =	vbroadcast v13, $0xF;
	v3 =	vbroadcast v17, $0xF  }
0x4e7: {  	v1 =	vsel vm3, v1, v4;
	v4, _, _ =	vpop (xrf2)  }
0x4e8: {  	(xrf2) =	vadd.scan.msk.f32 $0xffff, v0;
	v0 =	vsel vm4, v1, v2;
	v1 =	vbroadcast v4, $0xF  }
0x4e9: {  	v2 =	vbroadcast v9, $0xF;
	v0 =	vsel vm5, v0, v3  }
0x4ea: {  	v3, _, _ =	vpop (xrf2);
	v0 =	vsel vm6, v0, v1;
	v1 =	vbroadcast v15, $0xF  }
0x4eb: {  	v0 =	vsel vm7, v0, v2;
	v2 =	vbroadcast v3, $0xF  }
0x4ec: {  	v0 =	vsel vm8, v0, v1;
	v1 =	vbroadcast v20, $0xF  }
0x4ed: {  	v3, _, _ =	vpop (xrf2);
	v0 =	vsel vm9, v0, v2  }
0x4ee: {  	v2 =	vbroadcast v10, $0xF;
	v0 =	vsel vm10, v0, v1;
	v1 =	vbroadcast v3, $0xF;
	_ =	sdelay $0x1  }
0x4ef: {  	v0 =	vsel vm11, v0, v2;
	v2 =	vbroadcast v19, $0xF  }
0x4f0: {  	v0 =	vsel vm12, v0, v1  }
0x4f1: {  	v0 =	vsel vm13, v0, v2;
	v1, _, _ =	vpop (xrf2)  }
0x4f2: {  	s20 =	simm.s32 $0xC4E0;
	v0 =	vsel vm14, v0, v1  }
0x4f3: {  	s21 =	simm.s32 $0x7F0;
	[tilespmem:s20+$0x0] =	vst v0  }
0x4f4: {  	v1 =	vld [tilespmem:s21+$0x6220]  }
0x4f5: {  	v2 =	vld [tilespmem:s21+$0x4E20]  }
0x4f6: {  	v3 =	vld [tilespmem:s21+$0x6210]  }
0x4f7: {  	v4 =	vld [tilespmem:s21+$0x4E10]  }
0x4f8: {  	v0 =	vld [tilespmem:s21+$0x61E0]  }
0x4f9: {  	v5 =	vld [tilespmem:s21+$0x4DE0]  }
0x4fa: {  	v6 =	vld [tilespmem:s21+$0x61F0]  }
0x4fb: {  	v9 =	vld [tilespmem:s21+$0x4DF0]  }
0x4fc: {  	v15 =	vld [tilespmem:s21+$0x6200]  }
0x4fd: {  	v16 =	vld [tilespmem:s21+$0x4E00]  }
0x4fe: {  	v18 =	vld [tilespmem:s21+$0x61A0]  }
0x4ff: {  	v19 =	vld [tilespmem:s21+$0x4DA0]  }
0x500: {  	v14 =	vld [tilespmem:s21+$0x61D0]  }
0x501: {  	v17 =	vld [tilespmem:s21+$0x4DD0]  }
0x502: {  	v20 =	vld [tilespmem:s21+$0x6160]  }
0x503: {  	v21 =	vld [tilespmem:s21+$0x4D60]  }
0x504: {  	v7 =	vld [tilespmem:s21+$0x6190]  }
0x505: {  	v8 =	vld [tilespmem:s21+$0x4D90]  }
0x506: {  	v10 =	vld [tilespmem:s21+$0x61B0]  }
0x507: {  	v12 =	vld [tilespmem:s21+$0x4DB0]  }
0x508: {  	v22 =	vld [tilespmem:s21+$0x61C0]  }
0x509: {  	v23 =	vld [tilespmem:s21+$0x4DC0]  }
0x50a: {  	v24 =	vld [tilespmem:s21+$0x6120]  }
0x50b: {  	v25 =	vld [tilespmem:s21+$0x4D20]  }
0x50c: {  	v26 =	vld [tilespmem:s21+$0x6150]  }
0x50d: {  	v27 =	vld [tilespmem:s21+$0x4D50]  }
0x50e: {  	v28 =	vld [tilespmem:s21+$0x6170]  }
0x50f: {  	v29 =	vld [tilespmem:s21+$0x4D70]  }
0x510: {  	v30 =	vld [tilespmem:s21+$0x6180]  }
0x511: {  	v31 =	vld [tilespmem:s21+$0x4D80]  }
0x512: {  	v32 =	vld [tilespmem:s21+$0x60E0]  }
0x513: {  	v33 =	vld [tilespmem:s21+$0x4CE0]  }
0x514: {  	v34 =	vld [tilespmem:s21+$0x6110]  }
0x515: {  	v35 =	vld [tilespmem:s21+$0x4D10]  }
0x516: {  	v36 =	vld [tilespmem:s21+$0x6130]  }
0x517: {  	v37 =	vld [tilespmem:s21+$0x4D30]  }
0x518: {  	v38 =	vld [tilespmem:s21+$0x6140]  }
0x519: {  	v39 =	vld [tilespmem:s21+$0x4D40]  }
0x51a: {  	v40 =	vld [tilespmem:s21+$0x60A0]  }
0x51b: {  	v41 =	vld [tilespmem:s21+$0x4CA0]  }
0x51c: {  	v11 =	vld [tilespmem:s21+$0x60D0]  }
0x51d: {  	v13 =	vld [tilespmem:s21+$0x4CD0]  }
0x51e: {  	v60 =	vld [tilespmem:s21+$0x60F0]  }
0x51f: {  	v61 =	vld [tilespmem:s21+$0x4CF0]  }
0x520: {  	v62 =	vld [tilespmem:s21+$0x6100]  }
0x521: {  	v63 =	vld [tilespmem:s21+$0x4D00]  }
0x522: {  	v46 =	vld [tilespmem:s21+$0x6060]  }
0x523: {  	v57 =	vld [tilespmem:s21+$0x4C60]  }
0x524: {  	v48 =	vld [tilespmem:s21+$0x6090];
	v0 =	vmul.bf16 v0, v5  }
0x525: {  	v49 =	vld [tilespmem:s21+$0x4C90];
	v6 =	vmul.bf16 v6, v9;
	v58 =	vmul.bf16 v10, v12  }
0x526: {  	v50 =	vld [tilespmem:s21+$0x60B0];
	v22 =	vmul.bf16 v22, v23;
	v17 =	vmul.bf16 v14, v17  }
0x527: {  	v51 =	vld [tilespmem:s21+$0x4CB0];
	v15 =	vmul.bf16 v15, v16;
	v1 =	vmul.bf16 v1, v2  }
0x528: {  	v53 =	vld [tilespmem:s21+$0x6050];
	v3 =	vmul.bf16 v3, v4;
	v4 =	vmul.bf16 v24, v25  }
0x529: {  	v52 =	vld [tilespmem:s21+$0x4C50];
	v60 =	vmul.bf16 v60, v61;
	v62 =	vmul.bf16 v62, v63  }
0x52a: {  	v54 =	vld [tilespmem:s21+$0x6070];
	v40 =	vmul.bf16 v40, v41;
	v7 =	vmul.bf16 v7, v8  }
0x52b: {  	v55 =	vld [tilespmem:s21+$0x4C80];
	v8 =	vmul.bf16 v32, v33;
	v57 =	vmul.bf16 v46, v57  }
0x52c: {  	v9 =	vld [tilespmem:s21+$0x60C0];
	v11 =	vmul.bf16 v11, v13;
	v5 =	vunpack.i.u.bf16.f32 v0;
	v0 =	vunpack.i.l.bf16.f32 v0  }
0x52d: {  	v10 =	vld [tilespmem:s21+$0x4CC0];
	v23 =	vunpack.i.u.bf16.f32 v58;
	v59 =	vunpack.i.u.bf16.f32 v22;
	v22 =	vunpack.i.l.bf16.f32 v22  }
0x52e: {  	v12 =	vld [tilespmem:s21+$0x6020];
	v2 =	vunpack.i.u.bf16.f32 v15;
	v15 =	vunpack.i.l.bf16.f32 v15;
	v42 =	vunpack.i.u.bf16.f32 v60  }
0x52f: {  	v24 =	vld [tilespmem:s21+$0x5FE0];
	v63 =	vunpack.i.u.bf16.f32 v62;
	v56 =	vunpack.i.u.bf16.f32 v40;
	v32 =	vunpack.i.l.bf16.f32 v57  }
0x530: {  	v25 =	vld [tilespmem:s21+$0x4BE0];
	v5 =	vadd.f32 v0, v5;
	v0 =	vunpack.i.u.bf16.f32 v6;
	v6 =	vunpack.i.l.bf16.f32 v6  }
0x531: {  	v14 =	vld [tilespmem:s21+$0x4C20];
	v22 =	vadd.f32 v22, v59;
	v0 =	vadd.f32 v6, v0;
	v6 =	vunpack.i.l.bf16.f32 v58  }
0x532: {  	v43 =	vld [tilespmem:s21+$0x4BD0];
	v2 =	vadd.f32 v15, v2;
	v59 =	vmul.bf16 v48, v49;
	v6 =	vadd.f32 v6, v23  }
0x533: {  	v44 =	vld [tilespmem:s21+$0x4B90];
	v58 =	vunpack.i.l.bf16.f32 v40;
	v23 =	vunpack.i.u.bf16.f32 v17;
	v17 =	vunpack.i.l.bf16.f32 v17  }
0x534: {  	v41 =	vld [tilespmem:s21+$0x4B50];
	v16 =	vadd.f32 v17, v23;
	v17 =	vmul.bf16 v20, v21;
	v6 =	vadd.f32 v22, v6  }
0x535: {  	v48 =	vld [tilespmem:s21+$0x4AD0];
	v33 =	vadd.f32 v58, v56;
	v9 =	vmul.bf16 v9, v10;
	v24 =	vmul.bf16 v24, v25  }
0x536: {  	v49 =	vld [tilespmem:s21+$0x4A50];
	v12 =	vmul.bf16 v12, v14;
	v15 =	vunpack.i.u.bf16.f32 v17;
	v6 =	vadd.f32 v16, v6  }
0x537: {  	v25 =	vld [tilespmem:s21+$0x5F80];
	v16 =	vunpack.i.l.bf16.f32 v17;
	v17 =	vmul.bf16 v26, v27;
	v27 =	vmul.bf16 v30, v31  }
0x538: {  	v40 =	vunpack.i.l.bf16.f32 v59;
	v21 =	vld [tilespmem:s21+$0x6080];
	v30 =	vmul.bf16 v34, v35;
	v31 =	vmul.bf16 v38, v39  }
0x539: {  	v22 =	vld [tilespmem:s21+$0x4C70];
	v34 =	vunpack.i.l.bf16.f32 v60;
	v60 =	vunpack.i.u.bf16.f32 v57;
	v20 =	vadd.f32 v16, v15  }
0x53a: {  	v39 =	vld [tilespmem:s21+$0x4BA0];
	v34 =	vadd.f32 v34, v42;
	v32 =	vadd.f32 v32, v60;
	v60 =	vunpack.i.u.bf16.f32 v9  }
0x53b: {  	v35 =	vld [tilespmem:s21+$0x5FD0];
	v15 =	vadd.f32 v5, v6;
	v5 =	vunpack.i.u.bf16.f32 v4;
	v4 =	vunpack.i.l.bf16.f32 v4  }
0x53c: {  	v57 =	vld [tilespmem:s21+$0x5FC0];
	v6 =	vmul.bf16 v28, v29;
	v38 =	vunpack.i.u.bf16.f32 v31;
	v31 =	vunpack.i.l.bf16.f32 v31  }
0x53d: {  	v16 =	vld [tilespmem:s21+$0x6010];
	v45 =	vunpack.i.u.bf16.f32 v30;
	v30 =	vunpack.i.l.bf16.f32 v30;
	v21 =	vmul.bf16 v21, v55  }
0x53e: {  	v42 =	vld [tilespmem:s21+$0x5FF0];
	v23 =	vadd.f32 v4, v5;
	v4 =	vunpack.i.u.bf16.f32 v17;
	v5 =	vunpack.i.l.bf16.f32 v17  }
0x53f: {  	v28 =	vld [tilespmem:s21+$0x6030];
	v31 =	vadd.f32 v31, v38;
	v30 =	vadd.f32 v30, v45;
	v22 =	vmul.bf16 v54, v22  }
0x540: {  	v55 =	vld [tilespmem:s21+$0x4BB0];
	v54 =	vmul.bf16 v50, v51;
	v26 =	vunpack.i.u.bf16.f32 v6;
	v6 =	vunpack.i.l.bf16.f32 v6  }
0x541: {  	v17 =	vld [tilespmem:s21+$0x4C10];
	v29 =	vadd.f32 v5, v4;
	v4 =	vmul.bf16 v18, v19;
	v19 =	vmul.bf16 v36, v37  }
0x542: {  	v45 =	vld [tilespmem:s21+$0x5F20];
	v37 =	vunpack.i.l.bf16.f32 v62;
	v56 =	vunpack.i.u.bf16.f32 v21;
	v21 =	vunpack.i.l.bf16.f32 v21  }
0x543: {  	v18 =	vld [tilespmem:s21+$0x4C30];
	v5 =	vadd.f32 v6, v26;
	v6 =	vunpack.i.u.bf16.f32 v27;
	v26 =	vunpack.i.l.bf16.f32 v27  }
0x544: {  	v36 =	vld [tilespmem:s21+$0x5FA0];
	v37 =	vadd.f32 v37, v63;
	v63 =	vmul.bf16 v53, v52;
	v53 =	vunpack.i.u.bf16.f32 v22  }
0x545: {  	v27 =	vld [tilespmem:s21+$0x6040];
	v22 =	vunpack.i.l.bf16.f32 v22;
	v21 =	vadd.f32 v21, v56;
	v6 =	vadd.f32 v26, v6  }
0x546: {  	v26 =	vld [tilespmem:s21+$0x4C40];
	v61 =	vunpack.i.u.bf16.f32 v19;
	v19 =	vunpack.i.l.bf16.f32 v19;
	v22 =	vadd.f32 v22, v53  }
0x547: {  	v46 =	vunpack.i.l.bf16.f32 v54;
	v19 =	vadd.f32 v19, v61;
	v34 =	vadd.f32 v37, v34;
	v37 =	vld [tilespmem:s21+$0x6000]  }
0x548: {  	v35 =	vmul.bf16 v35, v43;
	v61 =	vunpack.i.u.bf16.f32 v59;
	v21 =	vadd.f32 v21, v22;
	v22 =	vld [tilespmem:s21+$0x4B20]  }
0x549: {  	v58 =	vunpack.i.u.bf16.f32 v63;
	v62 =	vadd.f32 v40, v61;
	v61 =	vld [tilespmem:s21+$0x5F70];
	v19 =	vadd.f32 v31, v19  }
0x54a: {  	v17 =	vmul.bf16 v16, v17;
	v31 =	vld [tilespmem:s21+$0x4BF0];
	v30 =	vadd.f32 v30, v34;
	v18 =	vmul.bf16 v28, v18  }
0x54b: {  	v28 =	vld [tilespmem:s21+$0x4BC0];
	v13 =	vmul.bf16 v36, v39;
	v21 =	vadd.f32 v62, v21;
	v19 =	vadd.f32 v29, v19  }
0x54c: {  	v62 =	vld [tilespmem:s21+$0x4B70];
	v26 =	vmul.bf16 v27, v26;
	v10 =	vunpack.i.u.bf16.f32 v18;
	v18 =	vunpack.i.l.bf16.f32 v18  }
0x54d: {  	v29 =	vld [tilespmem:s21+$0x4C00];
	v23 =	vadd.f32 v23, v30;
	v27 =	vunpack.i.u.bf16.f32 v54;
	v10 =	vadd.f32 v18, v10  }
0x54e: {  	v30 =	vld [tilespmem:s21+$0x5F90];
	v20 =	vadd.f32 v20, v19;
	v59 =	vunpack.i.u.bf16.f32 v26;
	v26 =	vunpack.i.l.bf16.f32 v26  }
0x54f: {  	v51 =	vld [tilespmem:s21+$0x5F50];
	v22 =	vmul.bf16 v45, v22;
	v18 =	vadd.f32 v26, v59;
	v26 =	vunpack.i.l.bf16.f32 v63  }
0x550: {  	v52 =	vld [tilespmem:s21+$0x5F30];
	v31 =	vmul.bf16 v42, v31;
	v28 =	vmul.bf16 v57, v28;
	v26 =	vadd.f32 v26, v58  }
0x551: {  	v40 =	vld [tilespmem:s21+$0x5FB0];
	v38 =	vmul.bf16 v61, v62;
	v18 =	vadd.f32 v18, v10;
	v10 =	vunpack.i.l.bf16.f32 v9  }
0x552: {  	v16 =	vld [tilespmem:s21+$0x5F00];
	v9 =	vadd.f32 v46, v27;
	v27 =	vadd.f32 v33, v21;
	v42 =	vunpack.i.u.bf16.f32 v31  }
0x553: {  	v34 =	vld [tilespmem:s21+$0x5F60];
	v31 =	vunpack.i.l.bf16.f32 v31;
	v29 =	vmul.bf16 v37, v29;
	v30 =	vmul.bf16 v30, v44  }
0x554: {  	v21 =	vld [tilespmem:s21+$0x4B80];
	v10 =	vadd.f32 v10, v60;
	v58 =	vunpack.i.u.bf16.f32 v38;
	v18 =	vadd.f32 v26, v18  }
0x555: {  	v19 =	vld [tilespmem:s21+$0x4B60];
	v26 =	vunpack.i.u.bf16.f32 v24;
	v24 =	vunpack.i.l.bf16.f32 v24;
	v14 =	vunpack.i.u.bf16.f32 v29  }
0x556: {  	v63 =	vld [tilespmem:s21+$0x5EE0];
	v29 =	vunpack.i.l.bf16.f32 v29;
	v60 =	vunpack.i.u.bf16.f32 v30;
	v30 =	vunpack.i.l.bf16.f32 v30  }
0x557: {  	v61 =	vld [tilespmem:s21+$0x5EF0];
	v36 =	vadd.f32 v32, v18;
	v18 =	vunpack.i.u.bf16.f32 v13;
	v13 =	vunpack.i.l.bf16.f32 v13  }
0x558: {  	v62 =	vld [tilespmem:s21+$0x4AF0];
	v24 =	vadd.f32 v24, v26;
	v39 =	vadd.f32 v13, v18;
	v13 =	vunpack.i.u.bf16.f32 v35  }
0x559: {  	v26 =	vld [tilespmem:s21+$0x4AE0];
	v18 =	vunpack.i.l.bf16.f32 v35;
	v21 =	vmul.bf16 v25, v21;
	v25 =	vunpack.i.u.bf16.f32 v28  }
0x55a: {  	v32 =	vld [tilespmem:s21+$0x5F10];
	v28 =	vunpack.i.l.bf16.f32 v28;
	v53 =	vadd.f32 v18, v13;
	v13 =	vadd.f32 v31, v42  }
0x55b: {  	v31 =	vld [tilespmem:s21+$0x4B30];
	v18 =	vmul.bf16 v40, v55;
	v25 =	vadd.f32 v28, v25;
	v28 =	vunpack.i.l.bf16.f32 v38  }
0x55c: {  	v42 =	vld [tilespmem:s21+$0x5ED0];
	v59 =	vunpack.i.u.bf16.f32 v21;
	v21 =	vunpack.i.l.bf16.f32 v21;
	v28 =	vadd.f32 v28, v58  }
0x55d: {  	v35 =	vld [tilespmem:s21+$0x4B10];
	v55 =	vunpack.i.u.bf16.f32 v18;
	v18 =	vunpack.i.l.bf16.f32 v18;
	v21 =	vadd.f32 v21, v59  }
0x55e: {  	v14 =	vadd.f32 v29, v14;
	v26 =	vmul.bf16 v63, v26;
	v63 =	vld [tilespmem:s21+$0x4B00];
	v18 =	vadd.f32 v18, v55  }
0x55f: {  	(xrf2) =	vadd.scan.msk.f32 $0xffff, v15;
	v15 =	vld [tilespmem:s21+$0x4AB0];
	v21 =	vadd.f32 v21, v28;
	v28 =	vadd.f32 v30, v60  }
0x560: {  	v56 =	vld [tilespmem:s21+$0x5E60];
	v30 =	vunpack.i.u.bf16.f32 v22;
	v25 =	vadd.f32 v25, v18;
	v18 =	vmul.bf16 v34, v19  }
0x561: {  	v43 =	vld [tilespmem:s21+$0x5E50];
	v22 =	vunpack.i.l.bf16.f32 v22;
	v31 =	vmul.bf16 v52, v31;
	v60 =	vmul.bf16 v42, v48  }
0x562: {  	v54 =	vld [tilespmem:s21+$0x5F40];
	v21 =	vadd.f32 v28, v21;
	v28 =	vmul.bf16 v32, v35;
	v19 =	vadd.f32 v53, v25  }
0x563: {  	v29 =	vld [tilespmem:s21+$0x4B40];
	v25 =	vadd.f32 v22, v30;
	v53 =	vmul.bf16 v61, v62;
	v16 =	vmul.bf16 v16, v63  }
0x564: {  	v57 =	vld [tilespmem:s21+$0x4A60];
	v21 =	vadd.f32 v39, v21;
	v30 =	vunpack.i.u.bf16.f32 v28;
	v28 =	vunpack.i.l.bf16.f32 v28  }
0x565: {  	v52 =	vld [tilespmem:s21+$0x4AC0];
	v22 =	vadd.f32 v24, v19;
	v19 =	vunpack.i.u.bf16.f32 v26;
	v24 =	vunpack.i.l.bf16.f32 v26  }
0x566: {  	(xrf2) =	vadd.scan.msk.f32 $0xffff, v20;
	v26 =	vld [tilespmem:s21+$0x5EB0];
	v50 =	vadd.f32 v28, v30;
	v28 =	vunpack.i.u.bf16.f32 v31;
	v31 =	vunpack.i.l.bf16.f32 v31  }
0x567: {  	v30 =	vld [tilespmem:s21+$0x5EC0];
	v37 =	vunpack.i.l.bf16.f32 v53;
	v58 =	vunpack.i.u.bf16.f32 v16;
	v16 =	vunpack.i.l.bf16.f32 v16  }
0x568: {  	v33 =	vld [tilespmem:s21+$0x4A30];
	v24 =	vadd.f32 v24, v19;
	v19 =	vmul.bf16 v51, v41;
	v41 =	vmul.bf16 v54, v29  }
0x569: {  	(xrf2) =	vadd.scan.msk.f32 $0xffff, v23;
	v23 =	vld [tilespmem:s21+$0x5E70];
	v51 =	vmul.bf16 v56, v57;
	v20 =	vadd.f32 v31, v28;
	v57 =	vunpack.i.u.bf16.f32 v53  }
0x56a: {  	(xrf2) =	vadd.scan.msk.f32 $0xffff, v27;
	v27 =	vld [tilespmem:s21+$0x5E80];
	v39 =	vunpack.i.u.bf16.f32 v60;
	v16 =	vadd.f32 v16, v58;
	v37 =	vadd.f32 v37, v57  }
0x56b: {  	v34 =	vld [tilespmem:s21+$0x5E40];
	v54 =	vunpack.i.u.bf16.f32 v41;
	v28 =	vunpack.i.u.bf16.f32 v51;
	v15 =	vmul.bf16 v26, v15  }
0x56c: {  	v32 =	vld [tilespmem:s21+$0x5E30];
	v56 =	vunpack.i.l.bf16.f32 v51;
	v16 =	vadd.f32 v16, v37;
	v30 =	vmul.bf16 v30, v52  }
0x56d: {  	v35 =	vld [tilespmem:s21+$0x4A40];
	v55 =	vunpack.i.l.bf16.f32 v41;
	v28 =	vadd.f32 v56, v28;
	v59 =	vunpack.i.u.bf16.f32 v15  }
0x56e: {  	v29 =	vld [tilespmem:s21+$0x5E90];
	v61 =	vunpack.i.l.bf16.f32 v15;
	v62 =	vunpack.i.u.bf16.f32 v30;
	v63 =	vunpack.i.l.bf16.f32 v30  }
0x56f: {  	v31 =	vld [tilespmem:s21+$0x4A90];
	v41 =	vunpack.i.l.bf16.f32 v60;
	v37 =	vadd.f32 v61, v59;
	v38 =	vadd.f32 v63, v62;
	v15, _, _ =	vpop (xrf2);
	(xrf2) =	vadd.scan.msk.f32 $0xffff, v36  }
0x570: {  	s22 =	simm.s32 $0x2FC0;
	v26 =	vadd.f32 v55, v54;
	v40 =	vadd.f32 v50, v16;
	v30 =	vld [tilespmem:s21+$0x4A70];
	v36 =	vmul.bf16 v43, v49;
	v16, _, _ =	vpop (xrf2)  }
.LBB2_8:
0x571: {  	p1 =	sne.s32 s22, $0x4FC0;
	v32 =	vmul.bf16 v32, v33;
	v33 =	vld [tilespmem:s21+$0x4A80];
	v37 =	vadd.f32 v38, v37;
	v38 =	vadd.f32 v41, v39  }
0x572: {  	v34 =	vmul.bf16 v34, v35;
	v35 =	vunpack.i.u.bf16.f32 v36;
	v25 =	vadd.f32 v25, v40;
	(xrf2) =	vadd.scan.msk.f32 $0xffff, v22  }
0x573: {  	v36 =	vunpack.i.l.bf16.f32 v36;
	v39 =	vunpack.i.u.bf16.f32 v32;
	v40 =	vld [tilespmem:s21+$0x5EA0];
	v37 =	vadd.f32 v38, v37;
	v22, _, _ =	vpop (xrf2)  }
0x574: {  	v32 =	vunpack.i.l.bf16.f32 v32;
	v38 =	vunpack.i.u.bf16.f32 v34;
	v34 =	vunpack.i.l.bf16.f32 v34;
	v41 =	vld [tilespmem:s21+$0x4AA0]  }
0x575: {  	v32 =	vadd.f32 v32, v39;
	v23 =	vmul.bf16 v23, v30;
	v34 =	vadd.f32 v34, v38;
	(xrf2) =	vadd.scan.msk.f32 $0xffff, v21  }
0x576: {  	v29 =	vmul.bf16 v29, v31;
	v30 =	vadd.f32 v36, v35;
	v27 =	vmul.bf16 v27, v33;
	v21, _, _ =	vpop (xrf2)  }
0x577: {  	v24 =	vadd.f32 v24, v37;
	v31 =	vadd.f32 v34, v32;
	v34 =	vunpack.i.u.bf16.f32 v23  }
0x578: {  	v23 =	vunpack.i.l.bf16.f32 v23;
	v33 =	vunpack.i.u.bf16.f32 v27;
	v27 =	vunpack.i.l.bf16.f32 v27;
	(xrf2) =	vadd.scan.msk.f32 $0xffff, v25  }
0x579: {  	v23 =	vadd.f32 v23, v34;
	v25 =	vadd.f32 v27, v33;
	v27 =	vmul.bf16 v40, v41;
	v32, _, _ =	vpop (xrf2)  }
0x57a: {  	v33 =	vadd.f32 v30, v31;
	v31 =	vunpack.i.u.bf16.f32 v29;
	v29 =	vunpack.i.l.bf16.f32 v29  }
0x57b: {  	v23 =	vadd.f32 v25, v23;
	v25 =	vadd.f32 v29, v31;
	v29 =	vunpack.i.u.bf16.f32 v19;
	(xrf2) =	vadd.scan.msk.f32 $0xffff, v24  }
0x57c: {  	v24 =	vadd.f32 v28, v33;
	v28 =	vunpack.i.u.bf16.f32 v27;
	v27 =	vunpack.i.l.bf16.f32 v27;
	v30, _, _ =	vpop (xrf2)  }
0x57d: {  	v19 =	vunpack.i.l.bf16.f32 v19;
	v27 =	vadd.f32 v27, v28;
	v23 =	vadd.f32 v25, v23  }
0x57e: {  	v20 =	vadd.f32 v26, v20;
	v26 =	vunpack.i.u.bf16.f32 v17;
	v19 =	vadd.f32 v19, v29;
	(xrf2) =	vadd.scan.msk.f32 $0xffff, v24  }
0x57f: {  	v24 =	vunpack.i.u.bf16.f32 v18;
	v18 =	vunpack.i.l.bf16.f32 v18;
	v23 =	vadd.f32 v27, v23;
	v25, _, _ =	vpop (xrf2)  }
0x580: {  	v17 =	vunpack.i.l.bf16.f32 v17;
	v19 =	vadd.f32 v19, v20;
	v18 =	vadd.f32 v18, v24  }
0x581: {  	v13 =	vadd.f32 v14, v13;
	v14 =	vadd.f32 v17, v26;
	v17 =	vunpack.i.u.bf16.f32 v11;
	(xrf2) =	vadd.scan.msk.f32 $0xffff, v23  }
0x582: {  	v18 =	vadd.f32 v18, v19;
	v19 =	vunpack.i.u.bf16.f32 v12;
	v12 =	vunpack.i.l.bf16.f32 v12;
	v20, _, _ =	vpop (xrf2)  }
0x583: {  	v11 =	vunpack.i.l.bf16.f32 v11;
	v13 =	vadd.f32 v14, v13;
	v12 =	vadd.f32 v12, v19  }
0x584: {  	v9 =	vadd.f32 v10, v9;
	v10 =	vadd.f32 v11, v17;
	v11 =	vunpack.i.u.bf16.f32 v7;
	(xrf2) =	vadd.scan.msk.f32 $0xffff, v18  }
0x585: {  	v12 =	vadd.f32 v12, v13;
	v13 =	vunpack.i.u.bf16.f32 v8;
	v8 =	vunpack.i.l.bf16.f32 v8;
	v14, _, _ =	vpop (xrf2)  }
0x586: {  	v7 =	vunpack.i.l.bf16.f32 v7;
	v9 =	vadd.f32 v10, v9;
	v8 =	vadd.f32 v8, v13  }
0x587: {  	v5 =	vadd.f32 v6, v5;
	v6 =	vadd.f32 v7, v11;
	v7 =	vunpack.i.u.bf16.f32 v3;
	(xrf2) =	vadd.scan.msk.f32 $0xffff, v12  }
0x588: {  	v8 =	vadd.f32 v8, v9;
	v9 =	vunpack.i.u.bf16.f32 v4;
	v4 =	vunpack.i.l.bf16.f32 v4;
	v10, _, _ =	vpop (xrf2)  }
0x589: {  	v3 =	vunpack.i.l.bf16.f32 v3;
	v6 =	vadd.f32 v6, v5;
	v4 =	vadd.f32 v4, v9  }
0x58a: {  	v3 =	vadd.f32 v3, v7;
	(xrf2) =	vadd.scan.msk.f32 $0xffff, v8  }
0x58b: {  	v0 =	vadd.f32 v2, v0;
	v2 =	vunpack.i.u.bf16.f32 v1;
	v8 =	vadd.f32 v4, v6;
	v5, _, _ =	vpop (xrf2)  }
0x58c: {  	v1 =	vunpack.i.l.bf16.f32 v1;
	v6 =	vbroadcast v10, $0xF;
	v5 =	vbroadcast v5, $0xF  }
0x58d: {  	v1 =	vadd.f32 v1, v2;
	v0 =	vadd.f32 v3, v0;
	v7 =	vbroadcast v14, $0xF;
	(xrf2) =	vadd.scan.msk.f32 $0xffff, v8  }
0x58e: {  	v3 =	vbroadcast v20, $0xF;
	v2 =	vsel vm0, v6, v5;
	v4, _, _ =	vpop (xrf2)  }
0x58f: {  	v0 =	vadd.f32 v1, v0;
	v2 =	vsel vm1, v2, v7;
	v5 =	vbroadcast v4, $0xF  }
0x590: {  	v1 =	vsel vm2, v2, v3;
	v2 =	vbroadcast v25, $0xF  }
0x591: {  	v1 =	vsel vm3, v1, v5;
	v5 =	vbroadcast v30, $0xF;
	v4, _, _ =	vpop (xrf2);
	(xrf2) =	vadd.scan.msk.f32 $0xffff, v0  }
0x592: {  	v0 =	vsel vm4, v1, v2;
	v1 =	vbroadcast v4, $0xF  }
0x593: {  	v2 =	vbroadcast v32, $0xF;
	v0 =	vsel vm5, v0, v5  }
0x594: {  	v0 =	vsel vm6, v0, v1;
	v1 =	vbroadcast v21, $0xF;
	v3, _, _ =	vpop (xrf2)  }
0x595: {  	v0 =	vsel vm7, v0, v2;
	v2 =	vbroadcast v3, $0xF  }
0x596: {  	v0 =	vsel vm8, v0, v1;
	v1 =	vbroadcast v22, $0xF  }
0x597: {  	v0 =	vsel vm9, v0, v2;
	v2 =	vbroadcast v16, $0xF;
	v3, _, _ =	vpop (xrf2)  }
0x598: {  	v0 =	vsel vm10, v0, v1;
	v3 =	vbroadcast v3, $0xF  }
0x599: {  	v0 =	vsel vm11, v0, v2;
	v2 =	vbroadcast v15, $0xF  }
0x59a: {  	v0 =	vsel vm12, v0, v3  }
0x59b: {  	v0 =	vsel vm13, v0, v2;
	v1, _, _ =	vpop (xrf2)  }
0x59c: {  	s20 =	sadd.s32 $0x10, s20;
	v0 =	vsel vm14, v0, v1  }
0x59d: {  	s21 =	sshra.s32 s22, $0x2;
	[tilespmem:s20+$0x0] =	vst v0  }
0x59e: {  	v1 =	vld [tilespmem:s21+$0x6220]  }
0x59f: {  	v2 =	vld [tilespmem:s21+$0x4E20]  }
0x5a0: {  	v3 =	vld [tilespmem:s21+$0x6210]  }
0x5a1: {  	v5 =	vld [tilespmem:s21+$0x4E10]  }
0x5a2: {  	v0 =	vld [tilespmem:s21+$0x61E0]  }
0x5a3: {  	v10 =	vld [tilespmem:s21+$0x4DE0]  }
0x5a4: {  	v14 =	vld [tilespmem:s21+$0x61F0]  }
0x5a5: {  	v15 =	vld [tilespmem:s21+$0x4DF0]  }
0x5a6: {  	v16 =	vld [tilespmem:s21+$0x6200]  }
0x5a7: {  	v18 =	vld [tilespmem:s21+$0x4E00]  }
0x5a8: {  	v4 =	vld [tilespmem:s21+$0x61A0]  }
0x5a9: {  	v6 =	vld [tilespmem:s21+$0x4DA0]  }
0x5aa: {  	v17 =	vld [tilespmem:s21+$0x61D0]  }
0x5ab: {  	v26 =	vld [tilespmem:s21+$0x4DD0]  }
0x5ac: {  	v27 =	vld [tilespmem:s21+$0x6160]  }
0x5ad: {  	v31 =	vld [tilespmem:s21+$0x4D60]  }
0x5ae: {  	v7 =	vld [tilespmem:s21+$0x6190]  }
0x5af: {  	v8 =	vld [tilespmem:s21+$0x4D90]  }
0x5b0: {  	v19 =	vld [tilespmem:s21+$0x61B0]  }
0x5b1: {  	v30 =	vld [tilespmem:s21+$0x4DB0]  }
0x5b2: {  	v32 =	vld [tilespmem:s21+$0x61C0]  }
0x5b3: {  	v33 =	vld [tilespmem:s21+$0x4DC0]  }
0x5b4: {  	v34 =	vld [tilespmem:s21+$0x6120]  }
0x5b5: {  	v35 =	vld [tilespmem:s21+$0x4D20]  }
0x5b6: {  	v36 =	vld [tilespmem:s21+$0x6150]  }
0x5b7: {  	v37 =	vld [tilespmem:s21+$0x4D50]  }
0x5b8: {  	v38 =	vld [tilespmem:s21+$0x6170]  }
0x5b9: {  	v39 =	vld [tilespmem:s21+$0x4D70]  }
0x5ba: {  	v40 =	vld [tilespmem:s21+$0x6180]  }
0x5bb: {  	v41 =	vld [tilespmem:s21+$0x4D80]  }
0x5bc: {  	v9 =	vld [tilespmem:s21+$0x60E0]  }
0x5bd: {  	v13 =	vld [tilespmem:s21+$0x4CE0]  }
0x5be: {  	v42 =	vld [tilespmem:s21+$0x6110]  }
0x5bf: {  	v43 =	vld [tilespmem:s21+$0x4D10]  }
0x5c0: {  	v44 =	vld [tilespmem:s21+$0x6130]  }
0x5c1: {  	v45 =	vld [tilespmem:s21+$0x4D30]  }
0x5c2: {  	v46 =	vld [tilespmem:s21+$0x6140]  }
0x5c3: {  	v47 =	vld [tilespmem:s21+$0x4D40]  }
0x5c4: {  	v23 =	vld [tilespmem:s21+$0x60A0]  }
0x5c5: {  	v28 =	vld [tilespmem:s21+$0x4CA0]  }
0x5c6: {  	v11 =	vld [tilespmem:s21+$0x60D0]  }
0x5c7: {  	v12 =	vld [tilespmem:s21+$0x4CD0]  }
0x5c8: {  	v48 =	vld [tilespmem:s21+$0x60F0]  }
0x5c9: {  	v49 =	vld [tilespmem:s21+$0x4CF0]  }
0x5ca: {  	v50 =	vld [tilespmem:s21+$0x6100]  }
0x5cb: {  	v51 =	vld [tilespmem:s21+$0x4D00]  }
0x5cc: {  	v24 =	vld [tilespmem:s21+$0x6060]  }
0x5cd: {  	v29 =	vld [tilespmem:s21+$0x4C60]  }
0x5ce: {  	v20 =	vld [tilespmem:s21+$0x6090]  }
0x5cf: {  	v0 =	vmul.bf16 v0, v10;
	v25 =	vld [tilespmem:s21+$0x4C90]  }
0x5d0: {  	v21 =	vld [tilespmem:s21+$0x60B0]  }
0x5d1: {  	v52 =	vunpack.i.u.bf16.f32 v0;
	v0 =	vunpack.i.l.bf16.f32 v0;
	v14 =	vmul.bf16 v14, v15;
	v22 =	vld [tilespmem:s21+$0x4CB0]  }
0x5d2: {  	v52 =	vadd.f32 v0, v52;
	v15 =	vmul.bf16 v19, v30;
	v10 =	vld [tilespmem:s21+$0x60C0]  }
0x5d3: {  	v0 =	vunpack.i.u.bf16.f32 v14;
	v30 =	vmul.bf16 v32, v33;
	v32 =	vunpack.i.l.bf16.f32 v14;
	v19 =	vld [tilespmem:s21+$0x4CC0]  }
0x5d4: {  	v26 =	vmul.bf16 v17, v26;
	v33 =	vunpack.i.u.bf16.f32 v15;
	v0 =	vadd.f32 v32, v0;
	v14 =	vld [tilespmem:s21+$0x6020]  }
0x5d5: {  	v15 =	vunpack.i.l.bf16.f32 v15;
	v32 =	vunpack.i.u.bf16.f32 v30;
	v53 =	vunpack.i.l.bf16.f32 v30;
	v17 =	vld [tilespmem:s21+$0x4C20]  }
0x5d6: {  	v15 =	vadd.f32 v15, v33;
	v32 =	vadd.f32 v53, v32;
	v30 =	vld [tilespmem:s21+$0x6050]  }
0x5d7: {  	v16 =	vmul.bf16 v16, v18;
	v53 =	vunpack.i.u.bf16.f32 v26;
	v26 =	vunpack.i.l.bf16.f32 v26;
	v33 =	vld [tilespmem:s21+$0x4C50]  }
0x5d8: {  	v1 =	vmul.bf16 v1, v2;
	v18 =	vadd.f32 v26, v53;
	v15 =	vadd.f32 v32, v15;
	v54 =	vld [tilespmem:s21+$0x6070]  }
0x5d9: {  	v2 =	vunpack.i.u.bf16.f32 v16;
	v16 =	vunpack.i.l.bf16.f32 v16;
	v26 =	vmul.bf16 v27, v31;
	v32 =	vld [tilespmem:s21+$0x4C70]  }
0x5da: {  	v3 =	vmul.bf16 v3, v5;
	v2 =	vadd.f32 v16, v2;
	v15 =	vadd.f32 v18, v15;
	v31 =	vld [tilespmem:s21+$0x6080]  }
0x5db: {  	v5 =	vmul.bf16 v34, v35;
	v16 =	vunpack.i.u.bf16.f32 v26;
	v18 =	vunpack.i.l.bf16.f32 v26;
	v53 =	vld [tilespmem:s21+$0x4C80]  }
0x5dc: {  	v34 =	vmul.bf16 v36, v37;
	v35 =	vadd.f32 v18, v16;
	v15 =	vadd.f32 v52, v15;
	v26 =	vld [tilespmem:s21+$0x5FE0]  }
0x5dd: {  	v36 =	vmul.bf16 v38, v39;
	v18 =	vunpack.i.u.bf16.f32 v5;
	v5 =	vunpack.i.l.bf16.f32 v5;
	v27 =	vld [tilespmem:s21+$0x4BE0]  }
0x5de: {  	v37 =	vadd.f32 v5, v18;
	v5 =	vunpack.i.u.bf16.f32 v34;
	v34 =	vunpack.i.l.bf16.f32 v34;
	v16 =	vld [tilespmem:s21+$0x6010]  }
0x5df: {  	v38 =	vunpack.i.u.bf16.f32 v36;
	v36 =	vunpack.i.l.bf16.f32 v36;
	v39 =	vmul.bf16 v40, v41;
	v18 =	vld [tilespmem:s21+$0x4C10]  }
0x5e0: {  	v4 =	vmul.bf16 v4, v6;
	v34 =	vadd.f32 v34, v5;
	v5 =	vadd.f32 v36, v38;
	v40 =	vld [tilespmem:s21+$0x6030]  }
0x5e1: {  	v6 =	vunpack.i.u.bf16.f32 v39;
	v39 =	vunpack.i.l.bf16.f32 v39;
	v38 =	vmul.bf16 v44, v45;
	v36 =	vld [tilespmem:s21+$0x4C30]  }
0x5e2: {  	v6 =	vadd.f32 v39, v6;
	v42 =	vmul.bf16 v42, v43;
	v43 =	vmul.bf16 v46, v47;
	v41 =	vld [tilespmem:s21+$0x6040]  }
0x5e3: {  	v45 =	vunpack.i.u.bf16.f32 v38;
	v38 =	vunpack.i.l.bf16.f32 v38;
	v44 =	vmul.bf16 v48, v49;
	v39 =	vld [tilespmem:s21+$0x4C40]  }
0x5e4: {  	v48 =	vunpack.i.u.bf16.f32 v43;
	v43 =	vunpack.i.l.bf16.f32 v43;
	v47 =	vmul.bf16 v50, v51;
	v46 =	vld [tilespmem:s21+$0x5FA0]  }
0x5e5: {  	v38 =	vadd.f32 v38, v45;
	v43 =	vadd.f32 v43, v48;
	v50 =	vunpack.i.u.bf16.f32 v44;
	v49 =	vld [tilespmem:s21+$0x4BA0]  }
0x5e6: {  	v44 =	vunpack.i.l.bf16.f32 v44;
	v48 =	vunpack.i.u.bf16.f32 v47;
	v47 =	vunpack.i.l.bf16.f32 v47;
	v45 =	vld [tilespmem:s21+$0x5FD0]  }
0x5e7: {  	v44 =	vadd.f32 v44, v50;
	v47 =	vadd.f32 v47, v48;
	v48 =	vunpack.i.u.bf16.f32 v42;
	v51 =	vld [tilespmem:s21+$0x4BD0]  }
0x5e8: {  	v23 =	vmul.bf16 v23, v28;
	v28 =	vunpack.i.l.bf16.f32 v42;
	v38 =	vadd.f32 v43, v38;
	v50 =	vld [tilespmem:s21+$0x5FF0]  }
0x5e9: {  	v7 =	vmul.bf16 v7, v8;
	v28 =	vadd.f32 v28, v48;
	v43 =	vadd.f32 v47, v44;
	v42 =	vld [tilespmem:s21+$0x4BF0]  }
0x5ea: {  	v8 =	vmul.bf16 v9, v13;
	v9 =	vadd.f32 v34, v38;
	v47 =	vunpack.i.u.bf16.f32 v23;
	v44 =	vld [tilespmem:s21+$0x6000]  }
0x5eb: {  	v29 =	vmul.bf16 v24, v29;
	v23 =	vunpack.i.l.bf16.f32 v23;
	v28 =	vadd.f32 v28, v43;
	v13 =	vld [tilespmem:s21+$0x4C00]  }
0x5ec: {  	v34 =	vmul.bf16 v20, v25;
	v20 =	vadd.f32 v35, v9;
	v38 =	vadd.f32 v23, v47;
	v24 =	vld [tilespmem:s21+$0x5F60]  }
0x5ed: {  	v9 =	vunpack.i.u.bf16.f32 v29;
	v29 =	vunpack.i.l.bf16.f32 v29;
	v23 =	vadd.f32 v37, v28;
	v25 =	vld [tilespmem:s21+$0x4B60]  }
0x5ee: {  	v35 =	vunpack.i.u.bf16.f32 v34;
	v34 =	vunpack.i.l.bf16.f32 v34;
	v32 =	vmul.bf16 v54, v32;
	v28 =	vld [tilespmem:s21+$0x5F90]  }
0x5ef: {  	v29 =	vadd.f32 v29, v9;
	v9 =	vmul.bf16 v31, v53;
	v31 =	vadd.f32 v34, v35;
	v37 =	vld [tilespmem:s21+$0x4B90]  }
0x5f0: {  	v21 =	vmul.bf16 v21, v22;
	v30 =	vmul.bf16 v30, v33;
	v33 =	vunpack.i.u.bf16.f32 v32;
	v34 =	vld [tilespmem:s21+$0x5FB0]  }
0x5f1: {  	v32 =	vunpack.i.l.bf16.f32 v32;
	v35 =	vunpack.i.u.bf16.f32 v9;
	v9 =	vunpack.i.l.bf16.f32 v9;
	v22 =	vld [tilespmem:s21+$0x4BB0]  }
0x5f2: {  	v32 =	vadd.f32 v32, v33;
	v9 =	vadd.f32 v9, v35;
	v36 =	vmul.bf16 v40, v36;
	v43 =	vld [tilespmem:s21+$0x5FC0]  }
0x5f3: {  	v10 =	vmul.bf16 v10, v19;
	v35 =	vmul.bf16 v41, v39;
	v39 =	vunpack.i.u.bf16.f32 v21;
	v33 =	vld [tilespmem:s21+$0x4BC0]  }
0x5f4: {  	v47 =	vunpack.i.u.bf16.f32 v30;
	v9 =	vadd.f32 v9, v32;
	v41 =	vunpack.i.u.bf16.f32 v36;
	v40 =	vld [tilespmem:s21+$0x5F20]  }
0x5f5: {  	v36 =	vunpack.i.l.bf16.f32 v36;
	v48 =	vunpack.i.u.bf16.f32 v35;
	v35 =	vunpack.i.l.bf16.f32 v35;
	v32 =	vld [tilespmem:s21+$0x4B20]  }
0x5f6: {  	v30 =	vunpack.i.l.bf16.f32 v30;
	v36 =	vadd.f32 v36, v41;
	v35 =	vadd.f32 v35, v48;
	v19 =	vld [tilespmem:s21+$0x5F50]  }
0x5f7: {  	v30 =	vadd.f32 v30, v47;
	v47 =	vunpack.i.u.bf16.f32 v10;
	v21 =	vunpack.i.l.bf16.f32 v21;
	v41 =	vld [tilespmem:s21+$0x4B50]  }
0x5f8: {  	v10 =	vunpack.i.l.bf16.f32 v10;
	v31 =	vadd.f32 v31, v9;
	v35 =	vadd.f32 v35, v36;
	v48 =	vld [tilespmem:s21+$0x5F70]  }
0x5f9: {  	v10 =	vadd.f32 v10, v47;
	v26 =	vmul.bf16 v26, v27;
	v9 =	vadd.f32 v21, v39;
	v36 =	vld [tilespmem:s21+$0x4B70]  }
0x5fa: {  	v11 =	vmul.bf16 v11, v12;
	v27 =	vadd.f32 v30, v35;
	v30 =	vadd.f32 v38, v31;
	v21 =	vld [tilespmem:s21+$0x5F80]  }
0x5fb: {  	v12 =	vmul.bf16 v46, v49;
	v35 =	vunpack.i.u.bf16.f32 v26;
	v26 =	vunpack.i.l.bf16.f32 v26;
	v31 =	vld [tilespmem:s21+$0x4B80]  }
0x5fc: {  	v39 =	vmul.bf16 v45, v51;
	v26 =	vadd.f32 v26, v35;
	v27 =	vadd.f32 v29, v27;
	v38 =	vld [tilespmem:s21+$0x5EE0]  }
0x5fd: {  	v42 =	vmul.bf16 v50, v42;
	v35 =	vunpack.i.u.bf16.f32 v12;
	v12 =	vunpack.i.l.bf16.f32 v12;
	v29 =	vld [tilespmem:s21+$0x4AE0]  }
0x5fe: {  	v35 =	vadd.f32 v12, v35;
	v12 =	vunpack.i.u.bf16.f32 v39;
	v39 =	vunpack.i.l.bf16.f32 v39;
	v45 =	vld [tilespmem:s21+$0x5F10]  }
0x5ff: {  	v47 =	vunpack.i.u.bf16.f32 v42;
	v42 =	vunpack.i.l.bf16.f32 v42;
	v44 =	vmul.bf16 v44, v13;
	v46 =	vld [tilespmem:s21+$0x4B10]  }
0x600: {  	v13 =	vadd.f32 v42, v47;
	v39 =	vadd.f32 v39, v12;
	v12 =	vmul.bf16 v14, v17;
	v49 =	vld [tilespmem:s21+$0x5F30]  }
0x601: {  	v14 =	vunpack.i.u.bf16.f32 v44;
	v17 =	vmul.bf16 v34, v22;
	v22 =	vunpack.i.l.bf16.f32 v44;
	v42 =	vld [tilespmem:s21+$0x4B30]  }
0x602: {  	v28 =	vmul.bf16 v28, v37;
	v14 =	vadd.f32 v22, v14;
	v33 =	vmul.bf16 v43, v33;
	v34 =	vld [tilespmem:s21+$0x5F40]  }
0x603: {  	v22 =	vmul.bf16 v48, v36;
	v36 =	vunpack.i.u.bf16.f32 v17;
	v17 =	vunpack.i.l.bf16.f32 v17;
	v37 =	vld [tilespmem:s21+$0x4B40]  }
0x604: {  	v21 =	vmul.bf16 v21, v31;
	v31 =	vunpack.i.u.bf16.f32 v33;
	v33 =	vunpack.i.l.bf16.f32 v33;
	v43 =	vld [tilespmem:s21+$0x5E60]  }
0x605: {  	v17 =	vadd.f32 v17, v36;
	v47 =	vunpack.i.u.bf16.f32 v22;
	v31 =	vadd.f32 v33, v31;
	v44 =	vld [tilespmem:s21+$0x4A60]  }
0x606: {  	v22 =	vunpack.i.l.bf16.f32 v22;
	v33 =	vunpack.i.u.bf16.f32 v21;
	v21 =	vunpack.i.l.bf16.f32 v21;
	v36 =	vld [tilespmem:s21+$0x5ED0]  }
0x607: {  	v22 =	vadd.f32 v22, v47;
	v21 =	vadd.f32 v21, v33;
	v33 =	vunpack.i.u.bf16.f32 v28;
	v48 =	vld [tilespmem:s21+$0x4AD0]  }
0x608: {  	v32 =	vmul.bf16 v40, v32;
	v28 =	vunpack.i.l.bf16.f32 v28;
	v31 =	vadd.f32 v31, v17;
	v47 =	vld [tilespmem:s21+$0x5EF0]  }
0x609: {  	v17 =	vmul.bf16 v16, v18;
	v21 =	vadd.f32 v21, v22;
	v22 =	vadd.f32 v28, v33;
	v40 =	vld [tilespmem:s21+$0x4AF0]  }
0x60a: {  	v18 =	vmul.bf16 v24, v25;
	v28 =	vunpack.i.u.bf16.f32 v32;
	v24 =	vadd.f32 v39, v31;
	v16 =	vld [tilespmem:s21+$0x5F00]  }
0x60b: {  	v29 =	vmul.bf16 v38, v29;
	v25 =	vunpack.i.l.bf16.f32 v32;
	v21 =	vadd.f32 v22, v21;
	v31 =	vld [tilespmem:s21+$0x4B00]  }
0x60c: {  	v32 =	vmul.bf16 v45, v46;
	v25 =	vadd.f32 v25, v28;
	v22 =	vadd.f32 v26, v24;
	v50 =	vld [tilespmem:s21+$0x5E50]  }
0x60d: {  	v24 =	vunpack.i.u.bf16.f32 v29;
	v26 =	vunpack.i.l.bf16.f32 v29;
	v21 =	vadd.f32 v35, v21;
	v45 =	vld [tilespmem:s21+$0x4A50];
	(xrf2) =	vadd.scan.msk.f32 $0xffff, v15  }
0x60e: {  	v28 =	vunpack.i.u.bf16.f32 v32;
	v29 =	vunpack.i.l.bf16.f32 v32;
	v32 =	vmul.bf16 v49, v42;
	v15 =	vld [tilespmem:s21+$0x5EB0]  }
0x60f: {  	v19 =	vmul.bf16 v19, v41;
	v24 =	vadd.f32 v26, v24;
	v42 =	vadd.f32 v29, v28;
	v35 =	vld [tilespmem:s21+$0x4AB0]  }
0x610: {  	v28 =	vunpack.i.u.bf16.f32 v32;
	v29 =	vunpack.i.l.bf16.f32 v32;
	v32 =	vmul.bf16 v34, v37;
	v26 =	vld [tilespmem:s21+$0x5EC0];
	(xrf2) =	vadd.scan.msk.f32 $0xffff, v20  }
0x611: {  	v33 =	vmul.bf16 v43, v44;
	v34 =	vmul.bf16 v47, v40;
	v20 =	vadd.f32 v29, v28;
	v37 =	vld [tilespmem:s21+$0x4AC0]  }
0x612: {  	v38 =	vunpack.i.u.bf16.f32 v32;
	v39 =	vunpack.i.l.bf16.f32 v32;
	v16 =	vmul.bf16 v16, v31;
	v29 =	vld [tilespmem:s21+$0x5E90]  }
0x613: {  	v40 =	vunpack.i.l.bf16.f32 v33;
	v28 =	vunpack.i.u.bf16.f32 v33;
	v41 =	vunpack.i.u.bf16.f32 v34;
	v31 =	vld [tilespmem:s21+$0x4A90];
	(xrf2) =	vadd.scan.msk.f32 $0xffff, v23  }
0x614: {  	v23 =	vunpack.i.l.bf16.f32 v34;
	v34 =	vunpack.i.u.bf16.f32 v16;
	v16 =	vunpack.i.l.bf16.f32 v16;
	v32 =	vld [tilespmem:s21+$0x5E30]  }
0x615: {  	v43 =	vmul.bf16 v15, v35;
	v23 =	vadd.f32 v23, v41;
	v16 =	vadd.f32 v16, v34;
	v33 =	vld [tilespmem:s21+$0x4A30]  }
.Ltmp3:
0x616: {  	v28 =	vadd.f32 v40, v28;
	v34 =	vld [tilespmem:s21+$0x5E40];
	v37 =	vmul.bf16 v26, v37;
	v26 =	vadd.f32 v39, v38;
	(xrf2) =	vadd.scan.msk.f32 $0xffff, v30;
	(pc) =	sbr.rel @p1 .LBB2_8-.Ltmp3, $4  }
0x617: {  	v40 =	vmul.bf16 v36, v48;
	v38 =	vunpack.i.u.bf16.f32 v43;
	v44 =	vadd.f32 v16, v23;
	v35 =	vld [tilespmem:s21+$0x4A40];
	v15, _, _ =	vpop (xrf2)  }
0x618: {  	v36 =	vunpack.i.l.bf16.f32 v43;
	v23 =	vld [tilespmem:s21+$0x5E70];
	v39 =	vunpack.i.u.bf16.f32 v37;
	v41 =	vunpack.i.l.bf16.f32 v37  }
0x619: {  	v37 =	vadd.f32 v36, v38;
	v30 =	vld [tilespmem:s21+$0x4A70];
	v38 =	vadd.f32 v41, v39;
	v39 =	vunpack.i.u.bf16.f32 v40;
	(xrf2) =	vadd.scan.msk.f32 $0xffff, v27  }
0x61a: {  	s22 =	sadd.s32 $0x1000, s22;
	v36 =	vmul.bf16 v50, v45;
	v41 =	vunpack.i.l.bf16.f32 v40;
	v40 =	vadd.f32 v42, v44;
	v27 =	vld [tilespmem:s21+$0x5E80];
	v16, _, _ =	vpop (xrf2)  }
0x61b: {  	v32 =	vmul.bf16 v32, v33;
	v56 =	vld [tilespmem:s21+$0x4A80];
	v37 =	vadd.f32 v38, v37;
	v57 =	vadd.f32 v41, v39  }
0x61c: {  	v29 =	vmul.bf16 v29, v31;
	v20 =	vadd.f32 v26, v20;
	v34 =	vmul.bf16 v34, v35  }
0x61d: {  	v58 =	vunpack.i.u.bf16.f32 v36;
	v25 =	vadd.f32 v25, v40;
	v60 =	vunpack.i.l.bf16.f32 v36  }
0x61e: {  	v61 =	vld [tilespmem:s21+$0x5EA0];
	v59 =	vunpack.i.u.bf16.f32 v32;
	v37 =	vadd.f32 v57, v37;
	v32 =	vunpack.i.l.bf16.f32 v32  }
0x61f: {  	v63 =	vld [tilespmem:s21+$0x4AA0];
	v42 =	vadd.f32 v60, v58;
	v46 =	vunpack.i.u.bf16.f32 v29;
	v23 =	vmul.bf16 v23, v30  }
0x620: {  	v62 =	vunpack.i.u.bf16.f32 v34;
	v34 =	vunpack.i.l.bf16.f32 v34;
	v27 =	vmul.bf16 v27, v56  }
0x621: {  	v32 =	vadd.f32 v32, v59;
	v34 =	vadd.f32 v34, v62;
	v44 =	vunpack.i.u.bf16.f32 v23  }
0x622: {  	v23 =	vunpack.i.l.bf16.f32 v23;
	v33 =	vunpack.i.u.bf16.f32 v27;
	v27 =	vunpack.i.l.bf16.f32 v27  }
0x623: {  	v29 =	vunpack.i.l.bf16.f32 v29;
	v23 =	vadd.f32 v23, v44;
	v27 =	vadd.f32 v27, v33  }
0x624: {  	v47 =	vadd.f32 v29, v46;
	v45 =	vmul.bf16 v61, v63;
	v43 =	vadd.f32 v34, v32  }
0x625: {  	v48 =	vunpack.i.u.bf16.f32 v19;
	v24 =	vadd.f32 v24, v37;
	v23 =	vadd.f32 v27, v23  }
0x626: {  	(xrf2) =	vadd.scan.msk.f32 $0xffff, v22;
	v50 =	vunpack.i.u.bf16.f32 v45;
	v51 =	vunpack.i.l.bf16.f32 v45;
	v30 =	vadd.f32 v42, v43  }
0x627: {  	v54 =	vunpack.i.l.bf16.f32 v19;
	(xrf2) =	vadd.scan.msk.f32 $0xffff, v21;
	v53 =	vadd.f32 v51, v50;
	v52 =	vadd.f32 v47, v23  }
0x628: {  	v55 =	vunpack.i.u.bf16.f32 v17;
	v19 =	vadd.f32 v54, v48;
	(xrf2) =	vadd.scan.msk.f32 $0xffff, v25;
	v49 =	vadd.f32 v28, v30  }
0x629: {  	v57 =	vunpack.i.l.bf16.f32 v18;
	v56 =	vunpack.i.u.bf16.f32 v18;
	(xrf2) =	vadd.scan.msk.f32 $0xffff, v24;
	v21 =	vadd.f32 v53, v52  }
0x62a: {  	v58 =	vunpack.i.l.bf16.f32 v17;
	v19 =	vadd.f32 v19, v20;
	v18 =	vadd.f32 v57, v56;
	(xrf2) =	vadd.scan.msk.f32 $0xffff, v49  }
0x62b: {  	v13 =	vadd.f32 v14, v13;
	v60 =	vunpack.i.u.bf16.f32 v11;
	v59 =	vadd.f32 v58, v55;
	(xrf2) =	vadd.scan.msk.f32 $0xffff, v21  }
0x62c: {  	v62 =	vunpack.i.l.bf16.f32 v12;
	v61 =	vunpack.i.u.bf16.f32 v12;
	v18 =	vadd.f32 v18, v19  }
0x62d: {  	v63, _, _ =	vpop (xrf2);
	v13 =	vadd.f32 v59, v13;
	v12 =	vadd.f32 v62, v61;
	v23 =	vunpack.i.l.bf16.f32 v11  }
0x62e: {  	v9 =	vadd.f32 v10, v9;
	v26 =	vunpack.i.u.bf16.f32 v7;
	v24, _, _ =	vpop (xrf2);
	v25 =	vadd.f32 v23, v60;
	(xrf2) =	vadd.scan.msk.f32 $0xffff, v18  }
0x62f: {  	v29 =	vunpack.i.l.bf16.f32 v8;
	v12 =	vadd.f32 v12, v13;
	v28 =	vunpack.i.u.bf16.f32 v8;
	v27, _, _ =	vpop (xrf2)  }
0x630: {  	v31 =	vunpack.i.l.bf16.f32 v7;
	v8 =	vadd.f32 v29, v28;
	v30, _, _ =	vpop (xrf2);
	v9 =	vadd.f32 v25, v9  }
0x631: {  	v5 =	vadd.f32 v6, v5;
	v33 =	vadd.f32 v31, v26;
	v32, _, _ =	vpop (xrf2);
	(xrf2) =	vadd.scan.msk.f32 $0xffff, v12  }
0x632: {  	v36 =	vunpack.i.u.bf16.f32 v4;
	v37 =	vunpack.i.l.bf16.f32 v4;
	v35, _, _ =	vpop (xrf2);
	v8 =	vadd.f32 v8, v9  }
0x633: {  	v4 =	vadd.f32 v37, v36;
	v5 =	vadd.f32 v33, v5;
	v38, _, _ =	vpop (xrf2)  }
0x634: {  	v39 =	vunpack.i.l.bf16.f32 v3;
	v0 =	vadd.f32 v2, v0;
	v34 =	vunpack.i.u.bf16.f32 v3;
	(xrf2) =	vadd.scan.msk.f32 $0xffff, v8;
	v40, _, _ =	vpop (xrf2)  }
0x635: {  	v41 =	vunpack.i.u.bf16.f32 v1;
	v3 =	vadd.f32 v39, v34;
	v4 =	vadd.f32 v4, v5;
	v42, _, _ =	vpop (xrf2)  }
0x636: {  	v43 =	vunpack.i.l.bf16.f32 v1;
	v6 =	vbroadcast v40, $0xF;
	v5 =	vbroadcast v42, $0xF  }
0x637: {  	v0 =	vadd.f32 v3, v0;
	v1 =	vadd.f32 v43, v41;
	v44 =	vbroadcast v38, $0xF;
	(xrf2) =	vadd.scan.msk.f32 $0xffff, v4  }
0x638: {  	v46 =	vbroadcast v35, $0xF;
	v47, _, _ =	vpop (xrf2);
	v45 =	vsel vm0, v6, v5  }
0x639: {  	v0 =	vadd.f32 v1, v0;
	v4 =	vbroadcast v47, $0xF;
	v2 =	vsel vm1, v45, v44  }
0x63a: {  	v49 =	vbroadcast v32, $0xF;
	v48 =	vsel vm2, v2, v46  }
0x63b: {  	v50 =	vbroadcast v30, $0xF;
	(xrf2) =	vadd.scan.msk.f32 $0xffff, v0;
	v51, _, _ =	vpop (xrf2);
	v1 =	vsel vm3, v48, v4  }
0x63c: {  	v53 =	vbroadcast v51, $0xF;
	v52 =	vsel vm4, v1, v49  }
0x63d: {  	v54 =	vbroadcast v27, $0xF;
	v0 =	vsel vm5, v52, v50  }
0x63e: {  	v55 =	vbroadcast v24, $0xF;
	v56, _, _ =	vpop (xrf2);
	v0 =	vsel vm6, v0, v53  }
0x63f: {  	v57 =	vbroadcast v56, $0xF;
	v0 =	vsel vm7, v0, v54  }
0x640: {  	v58 =	vbroadcast v63, $0xF;
	v0 =	vsel vm8, v0, v55  }
0x641: {  	v59 =	vbroadcast v16, $0xF;
	v60, _, _ =	vpop (xrf2);
	v0 =	vsel vm9, v0, v57  }
0x642: {  	v61 =	vbroadcast v60, $0xF;
	v0 =	vsel vm10, v0, v58  }
0x643: {  	v62 =	vbroadcast v15, $0xF;
	v0 =	vsel vm11, v0, v59  }
0x644: {  	v0 =	vsel vm12, v0, v61  }
0x645: {  	s19 =	sadd.s32 $0x1, s19;
	v63, _, _ =	vpop (xrf2);
	v0 =	vsel vm13, v0, v62  }
0x646: {  	s20 =	sadd.s32 $0x10, s20;
	p1 =	sne.s32 s19, s7;
	v0 =	vsel vm14, v0, v63  }
.Ltmp4:
0x647: {  	[tilespmem:s20+$0x0] =	vst v0;
	(pc) =	sbr.rel @p1 .LBB2_1-.Ltmp4, $4  }
0x648: {  	[hbm4b:s6+s2] =	stream.linear.scatter [tilespmem:s18], [sflag:$0x3], $0x2710, $0x38;
	[tilespmem:$0x16170] =	vst v63  }
0x649: {  	_ =	swait.ge [sflag:s9], $0x2710  }
0x64a: {  	[sflag:s9] =	ssyncset.done $0x0  }
0x64b: {  	[sflag:s9] =	ssyncadd.s32 $0xFFFFD8F0  }
0x64c: {  	_ =	sfence.sel $0x180000  }
0x64d: {  	[bflag:$0x0] =	sbarrier.arrive $0xFFFF  }
0x64e: {  	_ =	strace $0x90000047  }
0x64f: {  	s0 =	sadd.s32 @!p0 $0x100000, s0;
	[bflag:$0x2] =	sbarrier.arrive $0xFFFF  }
0x650: {  	[sflag:s0] =	ssyncadd.tile.s32 @!p0 $0x1;
	_ =	shalt  }
.Lfunc_end2:
_tile_overlayer_lowered:
.L_overlay_start_2:
0x651: {  	(tag) =	ssettag $0x2  }
0x652: {  	s0 =	rddreg [dreg:$0x0];
	s2 =	stileid.u32  }
0x653: {  	s1 =	rddreg [dreg:$0x1];
	p0 =	sne.s32 s2, $0x0  }
0x654: {  	s3 =	rddreg [dreg:$0x2];
	[bflag:$0x3] =	sbarrier.arrive $0xFFFF;
	s2 =	simm.s32 @!p0 $0x1C03  }
0x655: {  	[timem:s3], [sflag:s2] =	dma.local @!p0 [hbm:s0], s1  }
0x656: {  	s0 =	simm.s32 @!p0 $0x3  }
0x657: {  	_ =	swait.ge @!p0 [sflag:s0], s1  }
0x658: {  	s1 =	ssub.s32 @!p0 $0x0, s1;
	[sflag:s0] =	ssyncset.done @!p0 $0x0  }
0x659: {  	[sflag:s0] =	ssyncadd.s32 @!p0 s1  }
0x65a: {  	[bflag:$0x3] =	sbarrier.arrive $0xFFFF  }
0x65b: {  	_ =	shalt  }

</sc_bundles>
